<compile_context>
chip_gen: v7x
topology: tpu7x:2x2x1
jax: 0.10.2.dev20260603
libtpu: 0.0.44.dev20260713+nightly
codegen_flags: <defaults>
</compile_context>

<pallas_src>
import functools
import math

import jax
import jax.numpy as jnp
from jax import lax
from jax.experimental import pallas as pl
from jax.experimental.pallas import tpu as pltpu
from jax.experimental.pallas import tpu_sc as plsc

N = 10000
C = 128
E = 320000
S = 64
H = 16
DH = C // H

NC = 2
NS = 16
NW = NC * NS
CH = 128
CHUNKS = 2560
EPAD = CHUNKS * CH
CPT = CHUNKS // NW
NP = CPT // 2
RBASE = 624
RPS = 640


def _sc_segment_sum(xf, row1, col1, val1):
    mesh = plsc.VectorSubcoreMesh(core_axis_name="c", subcore_axis_name="s")

    @functools.partial(
        pl.kernel,
        out_type=jax.ShapeDtypeStruct((NC, N, C), jnp.float32),
        mesh=mesh,
        scratch_types=[
            pltpu.VMEM((CH,), jnp.int32),
            pltpu.VMEM((CH,), jnp.int32),
            pltpu.VMEM((CH,), jnp.float32),
            pltpu.VMEM((CH,), jnp.int32),
            pltpu.VMEM((CH,), jnp.int32),
            pltpu.VMEM((CH,), jnp.float32),
            pltpu.VMEM((CH,), jnp.int32),
            pltpu.VMEM((CH, C), jnp.float32),
            pltpu.VMEM((CH, C), jnp.float32),
            pltpu.VMEM_SHARED((N, C), jnp.float32),
            pltpu.SemaphoreType.DMA,
            pltpu.SemaphoreType.DMA,
            pltpu.SemaphoreType.DMA,
            pltpu.SemaphoreType.DMA,
            pltpu.SemaphoreType.DMA,
            pltpu.SemaphoreType.DMA,
        ],
    )
    def seg_sum(x_hbm, row_hbm, col_hbm, val_hbm, out_hbm,
                colc0, rowc0, valc0, colc1, rowc1, valc1, srow1,
                rows0, rows1, acc,
                isem0, isem1, gsem0, gsem1, ssem0, ssem1):
        cid = lax.axis_index("c")
        sid = lax.axis_index("s")
        wid = cid * NS + sid
        ebase = wid * CPT * CH

        def zrow(r, carry):
            for q in range(8):
                rows0[r, pl.ds(q * 16, 16)] = jnp.zeros((16,), jnp.float32)
            return carry
        lax.fori_loop(0, CH, zrow, 0)
        base_r = sid * RBASE
        for k in range(RPS // CH):
            pltpu.sync_copy(rows0, acc.at[pl.ds(base_r + k * CH, CH)])
        plsc.subcore_barrier()

        _dnums = lax.GatherDimensionNumbers(
            offset_dims=(), collapsed_slice_dims=(0,), start_index_map=(0,))

        def _splat(vec, j):
            return lax.gather(vec, jnp.full((16, 1), j, jnp.int32), _dnums,
                              (1,), mode=lax.GatherScatterMode.PROMISE_IN_BOUNDS)

        def scale_rows(buf, valc):
            @plsc.parallel_loop(0, CH // 16, 1, unroll=2)
            def _(g):
                vv = valc[pl.ds(g * 16, 16)]
                for j in range(16):
                    r = g * 16 + j
                    vs = _splat(vv, j)
                    for q in range(8):
                        buf[r, pl.ds(q * 16, 16)] = buf[r, pl.ds(q * 16, 16)] * vs

        def fetch_idx(c, colc, rowc, valc, sem):
            off = ebase + c * CH
            pltpu.async_copy(col_hbm.at[pl.ds(off, CH)], colc, sem)
            pltpu.async_copy(row_hbm.at[pl.ds(off, CH)], rowc, sem)
            pltpu.async_copy(val_hbm.at[pl.ds(off, CH)], valc, sem)

        def wait_idx(colc, rowc, valc, sem):
            pltpu.make_async_copy(col_hbm.at[pl.ds(0, CH)], colc, sem).wait()
            pltpu.make_async_copy(row_hbm.at[pl.ds(0, CH)], rowc, sem).wait()
            pltpu.make_async_copy(val_hbm.at[pl.ds(0, CH)], valc, sem).wait()

        def wait_gather(buf, sem):
            pltpu.make_async_copy(x_hbm.at[pl.ds(0, CH)], buf, sem).wait()

        fetch_idx(0, colc0, rowc0, valc0, isem0)
        fetch_idx(1, colc1, rowc1, valc1, isem1)
        wait_idx(colc0, rowc0, valc0, isem0)
        pltpu.async_copy(x_hbm.at[colc0], rows0, gsem0)

        def wait_scatter1():
            pltpu.make_async_copy(rows1, acc.at[pl.ds(0, CH)], ssem1).wait()

        def pair(i2, carry):
            c0 = 2 * i2

            wait_idx(colc1, rowc1, valc1, isem1)

            @pl.when(i2 > 0)
            def _():
                wait_scatter1()
            pltpu.async_copy(x_hbm.at[colc1], rows1, gsem1)

            wait_gather(rows0, gsem0)
            scale_rows(rows0, valc0)
            s0 = pltpu.async_copy(rows0, acc.at[rowc0], ssem0, add=True)

            wait_gather(rows1, gsem1)
            scale_rows(rows1, valc1)
            for t in range(CH // 16):
                srow1[pl.ds(t * 16, 16)] = rowc1[pl.ds(t * 16, 16)]
            pltpu.async_copy(rows1, acc.at[srow1], ssem1, add=True)
            s0.wait()

            @pl.when(i2 < NP - 1)
            def _():
                fetch_idx(c0 + 2, colc0, rowc0, valc0, isem0)
                wait_idx(colc0, rowc0, valc0, isem0)
                pltpu.async_copy(x_hbm.at[colc0], rows0, gsem0)
                fetch_idx(c0 + 3, colc1, rowc1, valc1, isem1)
            return carry
        lax.fori_loop(0, NP, pair, 0)
        wait_scatter1()

        plsc.subcore_barrier()
        pltpu.sync_copy(acc.at[pl.ds(base_r, RPS)],
                        out_hbm.at[cid, pl.ds(base_r, RPS)])

    return seg_sum(xf, row1, col1, val1)


BL = 1000
_SQRT_HALF = 1.0 / math.sqrt(2.0)


def _passA_body(x_ref, g0_ref, g1_ref, was_ref, bas_ref, wag_ref,
                lng_ref, lnb_ref, wsp_ref, bsp_ref,
                w_ref, sacc_ref, wsum_ref):
    i = pl.program_id(0)
    xb = x_ref[...]
    xg = g0_ref[...] + g1_ref[...]
    a = (lax.dot_general(xb, was_ref[...], (((1,), (1,)), ((), ())),
                         preferred_element_type=jnp.float32)
         + lax.dot_general(xg, wag_ref[...], (((1,), (1,)), ((), ())),
                           preferred_element_type=jnp.float32)
         + bas_ref[...])
    mu = jnp.mean(a, axis=1, keepdims=True)
    d = a - mu
    var = jnp.mean(d * d, axis=1, keepdims=True)
    an = d * lax.rsqrt(var + 1e-5) * lng_ref[...] + lnb_ref[...]
    ge = 0.5 * an * (1.0 + lax.erf(an * _SQRT_HALF))
    logits = lax.dot_general(ge, wsp_ref[...], (((1,), (1,)), ((), ())),
                             preferred_element_type=jnp.float32) + bsp_ref[...]
    m = jnp.max(logits, axis=1, keepdims=True)
    e = jnp.exp(logits - m)
    w = e / jnp.sum(e, axis=1, keepdims=True)
    w_ref[...] = w

    @pl.when(i == 0)
    def _():
        sacc_ref[...] = jnp.zeros_like(sacc_ref)
        wsum_ref[...] = jnp.zeros_like(wsum_ref)

    sacc_ref[...] += lax.dot_general(w, xb, (((0,), (0,)), ((), ())),
                                     preferred_element_type=jnp.float32)
    wsum_ref[...] += jnp.sum(w, axis=0, keepdims=True)


def _passA(xf, xg0, xg1, W_as, b_as, W_ag, ln_g, ln_b, W_sp, b_sp,
           interpret=False):
    grid = (N // BL,)
    row_spec = pl.BlockSpec((BL, C), lambda i: (i, 0))
    full = lambda shape: pl.BlockSpec(shape, lambda i: (0, 0))
    return pl.pallas_call(
        _passA_body,
        grid=grid,
        in_specs=[row_spec, row_spec, row_spec,
                  full((C, C)), full((1, C)), full((C, C)),
                  full((1, C)), full((1, C)), full((S, C)), full((1, S))],
        out_specs=[pl.BlockSpec((BL, S), lambda i: (i, 0)),
                   full((S, C)), full((1, S))],
        out_shape=[jax.ShapeDtypeStruct((N, S), jnp.float32),
                   jax.ShapeDtypeStruct((S, C), jnp.float32),
                   jax.ShapeDtypeStruct((1, S), jnp.float32)],
        interpret=interpret,
    )(xf, xg0, xg1, W_as, b_as, W_ag, ln_g, ln_b, W_sp, b_sp)


def _passB_body(sacc_ref, wsum_ref, wq_ref, wk_ref, wv_ref,
                bq_ref, bk_ref, bv_ref, wo_ref, bo_ref, out_ref):
    ws = jnp.maximum(wsum_ref[...], 1e-8)
    s = sacc_ref[...] * (1.0 / ws)
    dims = (((1,), (1,)), ((), ()))
    q = lax.dot_general(s, wq_ref[...], dims,
                        preferred_element_type=jnp.float32) + bq_ref[...]
    k = lax.dot_general(s, wk_ref[...], dims,
                        preferred_element_type=jnp.float32) + bk_ref[...]
    v = lax.dot_general(s, wv_ref[...], dims,
                        preferred_element_type=jnp.float32) + bv_ref[...]
    colh = lax.broadcasted_iota(jnp.int32, (1, C), 1) // DH
    o = jnp.zeros((S, C), jnp.float32)
    scale = 1.0 / math.sqrt(DH)
    for h in range(H):
        mh = (colh == h).astype(jnp.float32)
        qh = q * mh
        sc = lax.dot_general(qh, k, dims,
                             preferred_element_type=jnp.float32) * scale
        m = jnp.max(sc, axis=1, keepdims=True)
        eh = jnp.exp(sc - m)
        at = eh / jnp.sum(eh, axis=1, keepdims=True)
        o = o + lax.dot_general(at, v * mh, (((1,), (0,)), ((), ())),
                                preferred_element_type=jnp.float32)
    out_ref[...] = lax.dot_general(o, wo_ref[...], dims,
                                   preferred_element_type=jnp.float32) + bo_ref[...]


def _passB(sacc, wsumT, Wq, Wk, Wv, bq, bk, bv, Wo, bo, interpret=False):
    return pl.pallas_call(
        _passB_body,
        out_shape=jax.ShapeDtypeStruct((S, C), jnp.float32),
        interpret=interpret,
    )(sacc, wsumT, Wq, Wk, Wv, bq, bk, bv, Wo, bo)


def _passC_body(w_ref, so_ref, out_ref):
    out_ref[...] = lax.dot_general(w_ref[...], so_ref[...],
                                   (((1,), (0,)), ((), ())),
                                   preferred_element_type=jnp.float32)


def _passC(weights, so, interpret=False):
    return pl.pallas_call(
        _passC_body,
        grid=(N // BL,),
        in_specs=[pl.BlockSpec((BL, S), lambda i: (i, 0)),
                  pl.BlockSpec((S, C), lambda i: (0, 0))],
        out_specs=pl.BlockSpec((BL, C), lambda i: (i, 0)),
        out_shape=jax.ShapeDtypeStruct((N, C), jnp.float32),
        interpret=interpret,
    )(weights, so)


def kernel(x, adj_indices, adj_values, W_as, b_as, W_ag, ln_g, ln_b,
           W_sp, b_sp, in_proj_w, in_proj_b, out_w, out_b):
    xf = x.reshape(N, C)
    pad = EPAD - E
    spread = (jnp.arange(pad, dtype=jnp.int32) * 37) % N
    row1 = jnp.concatenate([adj_indices[0].astype(jnp.int32), spread])
    col1 = jnp.concatenate([adj_indices[1].astype(jnp.int32), spread])
    val1 = jnp.concatenate([adj_values.astype(jnp.float32),
                            jnp.zeros((pad,), jnp.float32)])
    parts = _sc_segment_sum(xf, row1, col1, val1)

    weights, sacc, wsum = _passA(
        xf, parts[0], parts[1], W_as, b_as.reshape(1, C), W_ag,
        ln_g.reshape(1, C), ln_b.reshape(1, C), W_sp, b_sp.reshape(1, S))

    Wq, Wk, Wv = in_proj_w[:C], in_proj_w[C:2 * C], in_proj_w[2 * C:]
    bq = in_proj_b[:C].reshape(1, C)
    bk = in_proj_b[C:2 * C].reshape(1, C)
    bv = in_proj_b[2 * C:].reshape(1, C)

    so = _passB(sacc, wsum.reshape(S, 1), Wq, Wk, Wv, bq, bk, bv,
                out_w, out_b.reshape(1, C))
    out = _passC(weights, so)
    return out.reshape(1, N, C)

# --- scband reference (transcript-rebuilt; emitter-appended) ---
"""Pipeline reference for scband-graph-assign-attention-17875653886461 (READ-ONLY COPY).

The authoritative reference and input builder live on the scoring server;
editing this copy changes nothing except your own understanding.
"""

import jax, jax.numpy as jnp
import numpy as np
import math

B, N, C, E, S, H = 1, 10000, 128, 320000, 64, 16

def setup_inputs(seed: int = 0) -> dict:
    key = jax.random.key(seed)
    ks = jax.random.split(key, 10)
    s = 1.0 / math.sqrt(C)
    return {
        "x": jax.random.normal(ks[0], (B, N, C), jnp.float32),
        "adj_indices": jax.random.randint(ks[1], (2, E), 0, N),
        "adj_values": jax.random.uniform(ks[2], (E,), jnp.float32),
        "W_as": jax.random.normal(ks[3], (C, C), jnp.float32) * s,
        "b_as": jnp.zeros((C,), jnp.float32),
        "W_ag": jax.random.normal(ks[4], (C, C), jnp.float32) * s,
        "ln_g": jnp.ones((C,), jnp.float32),
        "ln_b": jnp.zeros((C,), jnp.float32),
        "W_sp": jax.random.normal(ks[5], (S, C), jnp.float32) * s,
        "b_sp": jnp.zeros((S,), jnp.float32),
        "in_proj_w": jax.random.normal(ks[6], (3 * C, C), jnp.float32) * s,
        "in_proj_b": jnp.zeros((3 * C,), jnp.float32),
        "out_w": jax.random.normal(ks[7], (C, C), jnp.float32) * s,
        "out_b": jnp.zeros((C,), jnp.float32),
    }

def _layernorm(a, g, b, eps=1e-5):
    mu = a.mean(axis=-1, keepdims=True)
    var = ((a - mu) ** 2).mean(axis=-1, keepdims=True)
    return (a - mu) / jnp.sqrt(var + eps) * g + b

def reference(x, adj_indices, adj_values, W_as, b_as, W_ag, ln_g, ln_b, W_sp, b_sp, in_proj_w, in_proj_b, out_w, out_b):
    row, col = adj_indices[0], adj_indices[1]
    # sparse_graph_aggregate: gather neighbor feats, scale by edge values, scatter-add to rows
    msgs = x[:, col, :] * adj_values[None, :, None]  # (B, E, C)
    x_graph = jax.vmap(lambda m: jax.ops.segment_sum(m, row, num_segments=N))(msgs)  # (B, N, C)
    a = x @ W_as.T + b_as + x_graph @ W_ag.T
    assign = jax.nn.gelu(_layernorm(a, ln_g, ln_b), approximate=False)
    weights = jax.nn.softmax(assign @ W_sp.T + b_sp, axis=-1)  # (B, N, S)
    weight_sum = jnp.maximum(weights.sum(axis=1, keepdims=True).transpose(0, 2, 1), 1e-8)  # (B, S, 1)
    slices = jnp.einsum("bns,bnc->bsc", weights, x) / weight_sum  # (B, S, C)
    # MultiheadAttention (batch_first, self-attention)
    qkv = slices @ in_proj_w.T + in_proj_b
    q, k, v = jnp.split(qkv, 3, axis=-1)
    dh = C // H
    def heads(t):
        return t.reshape(t.shape[0], t.shape[1], H, dh).transpose(0, 2, 1, 3)
    q, k, v = heads(q), heads(k), heads(v)
    scores = (q @ k.transpose(0, 1, 3, 2)) / math.sqrt(dh)
    attn = jax.nn.softmax(scores, axis=-1)
    o = (attn @ v).transpose(0, 2, 1, 3).reshape(slices.shape)
    slices_out = o @ out_w.T + out_b
    return jnp.einsum("bns,bsc->bnc", weights, slices_out)

if __name__ == "__main__":
    import jax
    _d = setup_inputs()
    print(jax.jit(kernel)(*tuple(_d.values())))

</pallas_src>

<mosaic_0001>
#map = affine_map<(d0, d1) -> (0, 0)>
#map1 = affine_map<(d0, d1) -> (0)>
#map2 = affine_map<(d0, d1) -> (0, 0, 0)>
module attributes {stable_mosaic.version = 14 : i64} {
  func.func @seg_sum(%arg0: i32, %arg1: i32, %arg2: memref<10000x128xf32, #tpu.memory_space<hbm>>, %arg3: memref<327680xi32, #tpu.memory_space<hbm>>, %arg4: memref<327680xi32, #tpu.memory_space<hbm>>, %arg5: memref<327680xf32, #tpu.memory_space<hbm>>, %arg6: memref<2x10000x128xf32, #tpu.memory_space<hbm>>, %arg7: memref<128xi32, #tpu.memory_space<vmem>>, %arg8: memref<128xi32, #tpu.memory_space<vmem>>, %arg9: memref<128xf32, #tpu.memory_space<vmem>>, %arg10: memref<128xi32, #tpu.memory_space<vmem>>, %arg11: memref<128xi32, #tpu.memory_space<vmem>>, %arg12: memref<128xf32, #tpu.memory_space<vmem>>, %arg13: memref<128xi32, #tpu.memory_space<vmem>>, %arg14: memref<128x128xf32, #tpu.memory_space<vmem>>, %arg15: memref<128x128xf32, #tpu.memory_space<vmem>>, %arg16: memref<10000x128xf32, #tpu.memory_space<vmem_shared>>, %arg17: memref<!tpu.dma_semaphore, #tpu.memory_space<semaphore_mem>>, %arg18: memref<!tpu.dma_semaphore, #tpu.memory_space<semaphore_mem>>, %arg19: memref<!tpu.dma_semaphore, #tpu.memory_space<semaphore_mem>>, %arg20: memref<!tpu.dma_semaphore, #tpu.memory_space<semaphore_mem>>, %arg21: memref<!tpu.dma_semaphore, #tpu.memory_space<semaphore_mem>>, %arg22: memref<!tpu.dma_semaphore, #tpu.memory_space<semaphore_mem>>) attributes {dimension_semantics = [#tpu.dimension_semantics<core_parallel>, #tpu.dimension_semantics<subcore_parallel>], iteration_bounds = array<i64: 2, 16>, scalar_prefetch = 0 : i64, scratch_operands = 16 : i64, tpu.core_type = #tpu.core_type<sc_vector_subcore>, window_params = [{transform_indices = #map}, {transform_indices = #map1}, {transform_indices = #map1}, {transform_indices = #map1}, {transform_indices = #map2}]} {
    %mul3A = arith.constant 16 : i32
    %mul3A_0 = arith.muli %arg0, %mul3A : i32
    %add3A = arith.addi %mul3A_0, %arg1 : i32
    %mul3A_1 = arith.constant 80 : i32
    %mul3A_2 = arith.muli %add3A, %mul3A_1 : i32
    %mul3A_3 = arith.constant 128 : i32
    %mul3A_4 = arith.muli %mul3A_2, %mul3A_3 : i32
    %scan3A = arith.constant 0 : i32
    %scan3A_5 = arith.constant 0 : i32
    %scan3A_6 = arith.constant 128 : i32
    %scan3A_7 = arith.addi %scan3A_5, %scan3A_6 : i32
    %scan3A_8 = arith.constant 1 : i32
    scf.for %scan3A_64 = %scan3A_5 to %scan3A_7 step %scan3A_8  : i32 {
      %broadcast_in_dim3A = arith.constant 0.000000e+00 : f32
      %broadcast_in_dim3A_65 = vector.broadcast %broadcast_in_dim3A : f32 to vector<16xf32>
      %swap3A = arith.index_cast %scan3A_64 : i32 to index
      %swap3A_66 = arith.constant 0 : index
      %swap3A_67 = tpu.vector_load %arg14[%swap3A, %swap3A_66] {strides = array<i32>} : memref<128x128xf32, #tpu.memory_space<vmem>>, vector<1x16xf32>,
      %swap3A_68 = vector.shape_cast %swap3A_67 : vector<1x16xf32> to vector<16xf32>
      %swap3A_69 = vector.shape_cast %broadcast_in_dim3A_65 : vector<16xf32> to vector<1x16xf32>
      tpu.vector_store %arg14[%swap3A, %swap3A_66], %swap3A_69 {strides = array<i32>} : memref<128x128xf32, #tpu.memory_space<vmem>>, vector<1x16xf32>,
      %broadcast_in_dim3A_70 = arith.constant 0.000000e+00 : f32
      %broadcast_in_dim3A_71 = vector.broadcast %broadcast_in_dim3A_70 : f32 to vector<16xf32>
      %swap3A_72 = arith.index_cast %scan3A_64 : i32 to index
      %swap3A_73 = arith.constant 16 : index
      %swap3A_74 = tpu.vector_load %arg14[%swap3A_72, %swap3A_73] {strides = array<i32>} : memref<128x128xf32, #tpu.memory_space<vmem>>, vector<1x16xf32>,
      %swap3A_75 = vector.shape_cast %swap3A_74 : vector<1x16xf32> to vector<16xf32>
      %swap3A_76 = vector.shape_cast %broadcast_in_dim3A_71 : vector<16xf32> to vector<1x16xf32>
      tpu.vector_store %arg14[%swap3A_72, %swap3A_73], %swap3A_76 {strides = array<i32>} : memref<128x128xf32, #tpu.memory_space<vmem>>, vector<1x16xf32>,
      %broadcast_in_dim3A_77 = arith.constant 0.000000e+00 : f32
      %broadcast_in_dim3A_78 = vector.broadcast %broadcast_in_dim3A_77 : f32 to vector<16xf32>
      %swap3A_79 = arith.index_cast %scan3A_64 : i32 to index
      %swap3A_80 = arith.constant 32 : index
      %swap3A_81 = tpu.vector_load %arg14[%swap3A_79, %swap3A_80] {strides = array<i32>} : memref<128x128xf32, #tpu.memory_space<vmem>>, vector<1x16xf32>,
      %swap3A_82 = vector.shape_cast %swap3A_81 : vector<1x16xf32> to vector<16xf32>
      %swap3A_83 = vector.shape_cast %broadcast_in_dim3A_78 : vector<16xf32> to vector<1x16xf32>
      tpu.vector_store %arg14[%swap3A_79, %swap3A_80], %swap3A_83 {strides = array<i32>} : memref<128x128xf32, #tpu.memory_space<vmem>>, vector<1x16xf32>,
      %broadcast_in_dim3A_84 = arith.constant 0.000000e+00 : f32
      %broadcast_in_dim3A_85 = vector.broadcast %broadcast_in_dim3A_84 : f32 to vector<16xf32>
      %swap3A_86 = arith.index_cast %scan3A_64 : i32 to index
      %swap3A_87 = arith.constant 48 : index
      %swap3A_88 = tpu.vector_load %arg14[%swap3A_86, %swap3A_87] {strides = array<i32>} : memref<128x128xf32, #tpu.memory_space<vmem>>, vector<1x16xf32>,
      %swap3A_89 = vector.shape_cast %swap3A_88 : vector<1x16xf32> to vector<16xf32>
      %swap3A_90 = vector.shape_cast %broadcast_in_dim3A_85 : vector<16xf32> to vector<1x16xf32>
      tpu.vector_store %arg14[%swap3A_86, %swap3A_87], %swap3A_90 {strides = array<i32>} : memref<128x128xf32, #tpu.memory_space<vmem>>, vector<1x16xf32>,
      %broadcast_in_dim3A_91 = arith.constant 0.000000e+00 : f32
      %broadcast_in_dim3A_92 = vector.broadcast %broadcast_in_dim3A_91 : f32 to vector<16xf32>
      %swap3A_93 = arith.index_cast %scan3A_64 : i32 to index
      %swap3A_94 = arith.constant 64 : index
      %swap3A_95 = tpu.vector_load %arg14[%swap3A_93, %swap3A_94] {strides = array<i32>} : memref<128x128xf32, #tpu.memory_space<vmem>>, vector<1x16xf32>,
      %swap3A_96 = vector.shape_cast %swap3A_95 : vector<1x16xf32> to vector<16xf32>
      %swap3A_97 = vector.shape_cast %broadcast_in_dim3A_92 : vector<16xf32> to vector<1x16xf32>
      tpu.vector_store %arg14[%swap3A_93, %swap3A_94], %swap3A_97 {strides = array<i32>} : memref<128x128xf32, #tpu.memory_space<vmem>>, vector<1x16xf32>,
      %broadcast_in_dim3A_98 = arith.constant 0.000000e+00 : f32
      %broadcast_in_dim3A_99 = vector.broadcast %broadcast_in_dim3A_98 : f32 to vector<16xf32>
      %swap3A_100 = arith.index_cast %scan3A_64 : i32 to index
      %swap3A_101 = arith.constant 80 : index
      %swap3A_102 = tpu.vector_load %arg14[%swap3A_100, %swap3A_101] {strides = array<i32>} : memref<128x128xf32, #tpu.memory_space<vmem>>, vector<1x16xf32>,
      %swap3A_103 = vector.shape_cast %swap3A_102 : vector<1x16xf32> to vector<16xf32>
      %swap3A_104 = vector.shape_cast %broadcast_in_dim3A_99 : vector<16xf32> to vector<1x16xf32>
      tpu.vector_store %arg14[%swap3A_100, %swap3A_101], %swap3A_104 {strides = array<i32>} : memref<128x128xf32, #tpu.memory_space<vmem>>, vector<1x16xf32>,
      %broadcast_in_dim3A_105 = arith.constant 0.000000e+00 : f32
      %broadcast_in_dim3A_106 = vector.broadcast %broadcast_in_dim3A_105 : f32 to vector<16xf32>
      %swap3A_107 = arith.index_cast %scan3A_64 : i32 to index
      %swap3A_108 = arith.constant 96 : index
      %swap3A_109 = tpu.vector_load %arg14[%swap3A_107, %swap3A_108] {strides = array<i32>} : memref<128x128xf32, #tpu.memory_space<vmem>>, vector<1x16xf32>,
      %swap3A_110 = vector.shape_cast %swap3A_109 : vector<1x16xf32> to vector<16xf32>
      %swap3A_111 = vector.shape_cast %broadcast_in_dim3A_106 : vector<16xf32> to vector<1x16xf32>
      tpu.vector_store %arg14[%swap3A_107, %swap3A_108], %swap3A_111 {strides = array<i32>} : memref<128x128xf32, #tpu.memory_space<vmem>>, vector<1x16xf32>,
      %broadcast_in_dim3A_112 = arith.constant 0.000000e+00 : f32
      %broadcast_in_dim3A_113 = vector.broadcast %broadcast_in_dim3A_112 : f32 to vector<16xf32>
      %swap3A_114 = arith.index_cast %scan3A_64 : i32 to index
      %swap3A_115 = arith.constant 112 : index
      %swap3A_116 = tpu.vector_load %arg14[%swap3A_114, %swap3A_115] {strides = array<i32>} : memref<128x128xf32, #tpu.memory_space<vmem>>, vector<1x16xf32>,
      %swap3A_117 = vector.shape_cast %swap3A_116 : vector<1x16xf32> to vector<16xf32>
      %swap3A_118 = vector.shape_cast %broadcast_in_dim3A_113 : vector<16xf32> to vector<1x16xf32>
      tpu.vector_store %arg14[%swap3A_114, %swap3A_115], %swap3A_118 {strides = array<i32>} : memref<128x128xf32, #tpu.memory_space<vmem>>, vector<1x16xf32>,
    }
    %scan3A_9 = arith.constant 128 : i32
    %mul3A_10 = arith.constant 624 : i32
    %mul3A_11 = arith.muli %arg1, %mul3A_10 : i32
    %add3A_12 = arith.constant 0 : i32
    %add3A_13 = arith.addi %mul3A_11, %add3A_12 : i32
    "tpu.region"() ({
      %run_scoped3A = tpu.sem_alloc : memref<!tpu.dma_semaphore, #tpu.memory_space<semaphore_mem>>
      %dma_start3A_64 = arith.constant 0 : i32
      %dma_start3A_65 = tpu.memref_slice %arg16[%add3A_13, %dma_start3A_64] : memref<10000x128xf32, #tpu.memory_space<vmem_shared>> -> memref<128x128xf32, #tpu.memory_space<vmem_shared>>
      %dma_start3A_66 = arith.constant 0 : i32
      %dma_start3A_67 = tpu.memref_slice %arg16[%add3A_13, %dma_start3A_66] : memref<10000x128xf32, #tpu.memory_space<vmem_shared>> -> memref<128x128xf32, #tpu.memory_space<vmem_shared>>
      tpu.enqueue_dma source(%arg14 : memref<128x128xf32, #tpu.memory_space<vmem>>) target(%dma_start3A_67 : memref<128x128xf32, #tpu.memory_space<vmem_shared>>) target_semaphore(%run_scoped3A : memref<!tpu.dma_semaphore, #tpu.memory_space<semaphore_mem>>)
      %dma_wait3A_68 = arith.constant 0 : i32
      %dma_wait3A_69 = tpu.memref_slice %arg16[%add3A_13, %dma_wait3A_68] : memref<10000x128xf32, #tpu.memory_space<vmem_shared>> -> memref<128x128xf32, #tpu.memory_space<vmem_shared>>
      %dma_wait3A_70 = arith.constant 0 : i32
      %dma_wait3A_71 = tpu.memref_slice %arg16[%add3A_13, %dma_wait3A_70] : memref<10000x128xf32, #tpu.memory_space<vmem_shared>> -> memref<128x128xf32, #tpu.memory_space<vmem_shared>>
      tpu.wait_dma2 semaphore(%run_scoped3A : memref<!tpu.dma_semaphore, #tpu.memory_space<semaphore_mem>>) src(%arg14 : memref<128x128xf32, #tpu.memory_space<vmem>>) dst(%dma_wait3A_71 : memref<128x128xf32, #tpu.memory_space<vmem_shared>>)
      tpu.yield
    }) : () -> ()
    %add3A_14 = arith.constant 128 : i32
    %add3A_15 = arith.addi %mul3A_11, %add3A_14 : i32
    "tpu.region"() ({
      %run_scoped3A = tpu.sem_alloc : memref<!tpu.dma_semaphore, #tpu.memory_space<semaphore_mem>>
      %dma_start3A_64 = arith.constant 0 : i32
      %dma_start3A_65 = tpu.memref_slice %arg16[%add3A_15, %dma_start3A_64] : memref<10000x128xf32, #tpu.memory_space<vmem_shared>> -> memref<128x128xf32, #tpu.memory_space<vmem_shared>>
      %dma_start3A_66 = arith.constant 0 : i32
      %dma_start3A_67 = tpu.memref_slice %arg16[%add3A_15, %dma_start3A_66] : memref<10000x128xf32, #tpu.memory_space<vmem_shared>> -> memref<128x128xf32, #tpu.memory_space<vmem_shared>>
      tpu.enqueue_dma source(%arg14 : memref<128x128xf32, #tpu.memory_space<vmem>>) target(%dma_start3A_67 : memref<128x128xf32, #tpu.memory_space<vmem_shared>>) target_semaphore(%run_scoped3A : memref<!tpu.dma_semaphore, #tpu.memory_space<semaphore_mem>>)
      %dma_wait3A_68 = arith.constant 0 : i32
      %dma_wait3A_69 = tpu.memref_slice %arg16[%add3A_15, %dma_wait3A_68] : memref<10000x128xf32, #tpu.memory_space<vmem_shared>> -> memref<128x128xf32, #tpu.memory_space<vmem_shared>>
      %dma_wait3A_70 = arith.constant 0 : i32
      %dma_wait3A_71 = tpu.memref_slice %arg16[%add3A_15, %dma_wait3A_70] : memref<10000x128xf32, #tpu.memory_space<vmem_shared>> -> memref<128x128xf32, #tpu.memory_space<vmem_shared>>
      tpu.wait_dma2 semaphore(%run_scoped3A : memref<!tpu.dma_semaphore, #tpu.memory_space<semaphore_mem>>) src(%arg14 : memref<128x128xf32, #tpu.memory_space<vmem>>) dst(%dma_wait3A_71 : memref<128x128xf32, #tpu.memory_space<vmem_shared>>)
      tpu.yield
    }) : () -> ()
    %add3A_16 = arith.constant 256 : i32
    %add3A_17 = arith.addi %mul3A_11, %add3A_16 : i32
    "tpu.region"() ({
      %run_scoped3A = tpu.sem_alloc : memref<!tpu.dma_semaphore, #tpu.memory_space<semaphore_mem>>
      %dma_start3A_64 = arith.constant 0 : i32
      %dma_start3A_65 = tpu.memref_slice %arg16[%add3A_17, %dma_start3A_64] : memref<10000x128xf32, #tpu.memory_space<vmem_shared>> -> memref<128x128xf32, #tpu.memory_space<vmem_shared>>
      %dma_start3A_66 = arith.constant 0 : i32
      %dma_start3A_67 = tpu.memref_slice %arg16[%add3A_17, %dma_start3A_66] : memref<10000x128xf32, #tpu.memory_space<vmem_shared>> -> memref<128x128xf32, #tpu.memory_space<vmem_shared>>
      tpu.enqueue_dma source(%arg14 : memref<128x128xf32, #tpu.memory_space<vmem>>) target(%dma_start3A_67 : memref<128x128xf32, #tpu.memory_space<vmem_shared>>) target_semaphore(%run_scoped3A : memref<!tpu.dma_semaphore, #tpu.memory_space<semaphore_mem>>)
      %dma_wait3A_68 = arith.constant 0 : i32
      %dma_wait3A_69 = tpu.memref_slice %arg16[%add3A_17, %dma_wait3A_68] : memref<10000x128xf32, #tpu.memory_space<vmem_shared>> -> memref<128x128xf32, #tpu.memory_space<vmem_shared>>
      %dma_wait3A_70 = arith.constant 0 : i32
      %dma_wait3A_71 = tpu.memref_slice %arg16[%add3A_17, %dma_wait3A_70] : memref<10000x128xf32, #tpu.memory_space<vmem_shared>> -> memref<128x128xf32, #tpu.memory_space<vmem_shared>>
      tpu.wait_dma2 semaphore(%run_scoped3A : memref<!tpu.dma_semaphore, #tpu.memory_space<semaphore_mem>>) src(%arg14 : memref<128x128xf32, #tpu.memory_space<vmem>>) dst(%dma_wait3A_71 : memref<128x128xf32, #tpu.memory_space<vmem_shared>>)
      tpu.yield
    }) : () -> ()
    %add3A_18 = arith.constant 384 : i32
    %add3A_19 = arith.addi %mul3A_11, %add3A_18 : i32
    "tpu.region"() ({
      %run_scoped3A = tpu.sem_alloc : memref<!tpu.dma_semaphore, #tpu.memory_space<semaphore_mem>>
      %dma_start3A_64 = arith.constant 0 : i32
      %dma_start3A_65 = tpu.memref_slice %arg16[%add3A_19, %dma_start3A_64] : memref<10000x128xf32, #tpu.memory_space<vmem_shared>> -> memref<128x128xf32, #tpu.memory_space<vmem_shared>>
      %dma_start3A_66 = arith.constant 0 : i32
      %dma_start3A_67 = tpu.memref_slice %arg16[%add3A_19, %dma_start3A_66] : memref<10000x128xf32, #tpu.memory_space<vmem_shared>> -> memref<128x128xf32, #tpu.memory_space<vmem_shared>>
      tpu.enqueue_dma source(%arg14 : memref<128x128xf32, #tpu.memory_space<vmem>>) target(%dma_start3A_67 : memref<128x128xf32, #tpu.memory_space<vmem_shared>>) target_semaphore(%run_scoped3A : memref<!tpu.dma_semaphore, #tpu.memory_space<semaphore_mem>>)
      %dma_wait3A_68 = arith.constant 0 : i32
      %dma_wait3A_69 = tpu.memref_slice %arg16[%add3A_19, %dma_wait3A_68] : memref<10000x128xf32, #tpu.memory_space<vmem_shared>> -> memref<128x128xf32, #tpu.memory_space<vmem_shared>>
      %dma_wait3A_70 = arith.constant 0 : i32
      %dma_wait3A_71 = tpu.memref_slice %arg16[%add3A_19, %dma_wait3A_70] : memref<10000x128xf32, #tpu.memory_space<vmem_shared>> -> memref<128x128xf32, #tpu.memory_space<vmem_shared>>
      tpu.wait_dma2 semaphore(%run_scoped3A : memref<!tpu.dma_semaphore, #tpu.memory_space<semaphore_mem>>) src(%arg14 : memref<128x128xf32, #tpu.memory_space<vmem>>) dst(%dma_wait3A_71 : memref<128x128xf32, #tpu.memory_space<vmem_shared>>)
      tpu.yield
    }) : () -> ()
    %add3A_20 = arith.constant 512 : i32
    %add3A_21 = arith.addi %mul3A_11, %add3A_20 : i32
    "tpu.region"() ({
      %run_scoped3A = tpu.sem_alloc : memref<!tpu.dma_semaphore, #tpu.memory_space<semaphore_mem>>
      %dma_start3A_64 = arith.constant 0 : i32
      %dma_start3A_65 = tpu.memref_slice %arg16[%add3A_21, %dma_start3A_64] : memref<10000x128xf32, #tpu.memory_space<vmem_shared>> -> memref<128x128xf32, #tpu.memory_space<vmem_shared>>
      %dma_start3A_66 = arith.constant 0 : i32
      %dma_start3A_67 = tpu.memref_slice %arg16[%add3A_21, %dma_start3A_66] : memref<10000x128xf32, #tpu.memory_space<vmem_shared>> -> memref<128x128xf32, #tpu.memory_space<vmem_shared>>
      tpu.enqueue_dma source(%arg14 : memref<128x128xf32, #tpu.memory_space<vmem>>) target(%dma_start3A_67 : memref<128x128xf32, #tpu.memory_space<vmem_shared>>) target_semaphore(%run_scoped3A : memref<!tpu.dma_semaphore, #tpu.memory_space<semaphore_mem>>)
      %dma_wait3A_68 = arith.constant 0 : i32
      %dma_wait3A_69 = tpu.memref_slice %arg16[%add3A_21, %dma_wait3A_68] : memref<10000x128xf32, #tpu.memory_space<vmem_shared>> -> memref<128x128xf32, #tpu.memory_space<vmem_shared>>
      %dma_wait3A_70 = arith.constant 0 : i32
      %dma_wait3A_71 = tpu.memref_slice %arg16[%add3A_21, %dma_wait3A_70] : memref<10000x128xf32, #tpu.memory_space<vmem_shared>> -> memref<128x128xf32, #tpu.memory_space<vmem_shared>>
      tpu.wait_dma2 semaphore(%run_scoped3A : memref<!tpu.dma_semaphore, #tpu.memory_space<semaphore_mem>>) src(%arg14 : memref<128x128xf32, #tpu.memory_space<vmem>>) dst(%dma_wait3A_71 : memref<128x128xf32, #tpu.memory_space<vmem_shared>>)
      tpu.yield
    }) : () -> ()
    %barrier3A = arith.constant 0 : index
    tpu.barrier barrier_id(%barrier3A)
    %add3A_22 = arith.constant 0 : i32
    %add3A_23 = arith.addi %mul3A_4, %add3A_22 : i32
    %dma_start3A = tpu.memref_slice %arg4[%add3A_23] : memref<327680xi32, #tpu.memory_space<hbm>> -> memref<128xi32, #tpu.memory_space<hbm>>
    %dma_start3A_24 = tpu.memref_slice %arg4[%add3A_23] : memref<327680xi32, #tpu.memory_space<hbm>> -> memref<128xi32, #tpu.memory_space<hbm>>
    tpu.enqueue_dma source(%dma_start3A_24 : memref<128xi32, #tpu.memory_space<hbm>>) target(%arg7 : memref<128xi32, #tpu.memory_space<vmem>>) target_semaphore(%arg17 : memref<!tpu.dma_semaphore, #tpu.memory_space<semaphore_mem>>)
    %dma_start3A_25 = tpu.memref_slice %arg3[%add3A_23] : memref<327680xi32, #tpu.memory_space<hbm>> -> memref<128xi32, #tpu.memory_space<hbm>>
    %dma_start3A_26 = tpu.memref_slice %arg3[%add3A_23] : memref<327680xi32, #tpu.memory_space<hbm>> -> memref<128xi32, #tpu.memory_space<hbm>>
    tpu.enqueue_dma source(%dma_start3A_26 : memref<128xi32, #tpu.memory_space<hbm>>) target(%arg8 : memref<128xi32, #tpu.memory_space<vmem>>) target_semaphore(%arg17 : memref<!tpu.dma_semaphore, #tpu.memory_space<semaphore_mem>>)
    %dma_start3A_27 = tpu.memref_slice %arg5[%add3A_23] : memref<327680xf32, #tpu.memory_space<hbm>> -> memref<128xf32, #tpu.memory_space<hbm>>
    %dma_start3A_28 = tpu.memref_slice %arg5[%add3A_23] : memref<327680xf32, #tpu.memory_space<hbm>> -> memref<128xf32, #tpu.memory_space<hbm>>
    tpu.enqueue_dma source(%dma_start3A_28 : memref<128xf32, #tpu.memory_space<hbm>>) target(%arg9 : memref<128xf32, #tpu.memory_space<vmem>>) target_semaphore(%arg17 : memref<!tpu.dma_semaphore, #tpu.memory_space<semaphore_mem>>)
    %add3A_29 = arith.constant 128 : i32
    %add3A_30 = arith.addi %mul3A_4, %add3A_29 : i32
    %dma_start3A_31 = tpu.memref_slice %arg4[%add3A_30] : memref<327680xi32, #tpu.memory_space<hbm>> -> memref<128xi32, #tpu.memory_space<hbm>>
    %dma_start3A_32 = tpu.memref_slice %arg4[%add3A_30] : memref<327680xi32, #tpu.memory_space<hbm>> -> memref<128xi32, #tpu.memory_space<hbm>>
    tpu.enqueue_dma source(%dma_start3A_32 : memref<128xi32, #tpu.memory_space<hbm>>) target(%arg10 : memref<128xi32, #tpu.memory_space<vmem>>) target_semaphore(%arg18 : memref<!tpu.dma_semaphore, #tpu.memory_space<semaphore_mem>>)
    %dma_start3A_33 = tpu.memref_slice %arg3[%add3A_30] : memref<327680xi32, #tpu.memory_space<hbm>> -> memref<128xi32, #tpu.memory_space<hbm>>
    %dma_start3A_34 = tpu.memref_slice %arg3[%add3A_30] : memref<327680xi32, #tpu.memory_space<hbm>> -> memref<128xi32, #tpu.memory_space<hbm>>
    tpu.enqueue_dma source(%dma_start3A_34 : memref<128xi32, #tpu.memory_space<hbm>>) target(%arg11 : memref<128xi32, #tpu.memory_space<vmem>>) target_semaphore(%arg18 : memref<!tpu.dma_semaphore, #tpu.memory_space<semaphore_mem>>)
    %dma_start3A_35 = tpu.memref_slice %arg5[%add3A_30] : memref<327680xf32, #tpu.memory_space<hbm>> -> memref<128xf32, #tpu.memory_space<hbm>>
    %dma_start3A_36 = tpu.memref_slice %arg5[%add3A_30] : memref<327680xf32, #tpu.memory_space<hbm>> -> memref<128xf32, #tpu.memory_space<hbm>>
    tpu.enqueue_dma source(%dma_start3A_36 : memref<128xf32, #tpu.memory_space<hbm>>) target(%arg12 : memref<128xf32, #tpu.memory_space<vmem>>) target_semaphore(%arg18 : memref<!tpu.dma_semaphore, #tpu.memory_space<semaphore_mem>>)
    %dma_wait3A = arith.constant 0 : i32
    %dma_wait3A_37 = tpu.memref_slice %arg4[%dma_wait3A] : memref<327680xi32, #tpu.memory_space<hbm>> -> memref<128xi32, #tpu.memory_space<hbm>>
    %dma_wait3A_38 = arith.constant 0 : i32
    %dma_wait3A_39 = tpu.memref_slice %arg4[%dma_wait3A_38] : memref<327680xi32, #tpu.memory_space<hbm>> -> memref<128xi32, #tpu.memory_space<hbm>>
    tpu.wait_dma2 semaphore(%arg17 : memref<!tpu.dma_semaphore, #tpu.memory_space<semaphore_mem>>) src(%dma_wait3A_39 : memref<128xi32, #tpu.memory_space<hbm>>) dst(%arg7 : memref<128xi32, #tpu.memory_space<vmem>>)
    %dma_wait3A_40 = arith.constant 0 : i32
    %dma_wait3A_41 = tpu.memref_slice %arg3[%dma_wait3A_40] : memref<327680xi32, #tpu.memory_space<hbm>> -> memref<128xi32, #tpu.memory_space<hbm>>
    %dma_wait3A_42 = arith.constant 0 : i32
    %dma_wait3A_43 = tpu.memref_slice %arg3[%dma_wait3A_42] : memref<327680xi32, #tpu.memory_space<hbm>> -> memref<128xi32, #tpu.memory_space<hbm>>
    tpu.wait_dma2 semaphore(%arg17 : memref<!tpu.dma_semaphore, #tpu.memory_space<semaphore_mem>>) src(%dma_wait3A_43 : memref<128xi32, #tpu.memory_space<hbm>>) dst(%arg8 : memref<128xi32, #tpu.memory_space<vmem>>)
    %dma_wait3A_44 = arith.constant 0 : i32
    %dma_wait3A_45 = tpu.memref_slice %arg5[%dma_wait3A_44] : memref<327680xf32, #tpu.memory_space<hbm>> -> memref<128xf32, #tpu.memory_space<hbm>>
    %dma_wait3A_46 = arith.constant 0 : i32
    %dma_wait3A_47 = tpu.memref_slice %arg5[%dma_wait3A_46] : memref<327680xf32, #tpu.memory_space<hbm>> -> memref<128xf32, #tpu.memory_space<hbm>>
    tpu.wait_dma2 semaphore(%arg17 : memref<!tpu.dma_semaphore, #tpu.memory_space<semaphore_mem>>) src(%dma_wait3A_47 : memref<128xf32, #tpu.memory_space<hbm>>) dst(%arg9 : memref<128xf32, #tpu.memory_space<vmem>>)
    %dma_start3A_48 = arith.constant 0 : i32
    %dma_start3A_49 = arith.constant 0 : i32
    %dma_start3A_50 = tpu.memref_slice %arg2[%dma_start3A_48, %dma_start3A_49] : memref<10000x128xf32, #tpu.memory_space<hbm>> -> memref<10000x128xf32, #tpu.memory_space<hbm>>
    tpu.enqueue_indirect_dma source(%dma_start3A_50 : memref<10000x128xf32, #tpu.memory_space<hbm>>) target(%arg14 : memref<128x128xf32, #tpu.memory_space<vmem>>) offsets(%arg7 : memref<128xi32, #tpu.memory_space<vmem>>) semaphore(%arg19 : memref<!tpu.dma_semaphore, #tpu.memory_space<semaphore_mem>>)
    %scan3A_51 = arith.constant 0 : i32
    %scan3A_52 = arith.constant 0 : i32
    %scan3A_53 = arith.constant 40 : i32
    %scan3A_54 = arith.addi %scan3A_52, %scan3A_53 : i32
    %scan3A_55 = arith.constant 1 : i32
    scf.for %scan3A_64 = %scan3A_52 to %scan3A_54 step %scan3A_55  : i32 {
      %mul3A_65 = arith.constant 2 : i32
      %mul3A_66 = arith.muli %mul3A_65, %scan3A_64 : i32
      %dma_wait3A_67 = arith.constant 0 : i32
      %dma_wait3A_68 = tpu.memref_slice %arg4[%dma_wait3A_67] : memref<327680xi32, #tpu.memory_space<hbm>> -> memref<128xi32, #tpu.memory_space<hbm>>
      %dma_wait3A_69 = arith.constant 0 : i32
      %dma_wait3A_70 = tpu.memref_slice %arg4[%dma_wait3A_69] : memref<327680xi32, #tpu.memory_space<hbm>> -> memref<128xi32, #tpu.memory_space<hbm>>
      tpu.wait_dma2 semaphore(%arg18 : memref<!tpu.dma_semaphore, #tpu.memory_space<semaphore_mem>>) src(%dma_wait3A_70 : memref<128xi32, #tpu.memory_space<hbm>>) dst(%arg10 : memref<128xi32, #tpu.memory_space<vmem>>)
      %dma_wait3A_71 = arith.constant 0 : i32
      %dma_wait3A_72 = tpu.memref_slice %arg3[%dma_wait3A_71] : memref<327680xi32, #tpu.memory_space<hbm>> -> memref<128xi32, #tpu.memory_space<hbm>>
      %dma_wait3A_73 = arith.constant 0 : i32
      %dma_wait3A_74 = tpu.memref_slice %arg3[%dma_wait3A_73] : memref<327680xi32, #tpu.memory_space<hbm>> -> memref<128xi32, #tpu.memory_space<hbm>>
      tpu.wait_dma2 semaphore(%arg18 : memref<!tpu.dma_semaphore, #tpu.memory_space<semaphore_mem>>) src(%dma_wait3A_74 : memref<128xi32, #tpu.memory_space<hbm>>) dst(%arg11 : memref<128xi32, #tpu.memory_space<vmem>>)
      %dma_wait3A_75 = arith.constant 0 : i32
      %dma_wait3A_76 = tpu.memref_slice %arg5[%dma_wait3A_75] : memref<327680xf32, #tpu.memory_space<hbm>> -> memref<128xf32, #tpu.memory_space<hbm>>
      %dma_wait3A_77 = arith.constant 0 : i32
      %dma_wait3A_78 = tpu.memref_slice %arg5[%dma_wait3A_77] : memref<327680xf32, #tpu.memory_space<hbm>> -> memref<128xf32, #tpu.memory_space<hbm>>
      tpu.wait_dma2 semaphore(%arg18 : memref<!tpu.dma_semaphore, #tpu.memory_space<semaphore_mem>>) src(%dma_wait3A_78 : memref<128xf32, #tpu.memory_space<hbm>>) dst(%arg12 : memref<128xf32, #tpu.memory_space<vmem>>)
      %gt3A = arith.constant 0 : i32
      %gt3A_79 = arith.cmpi sgt, %scan3A_64, %gt3A : i32
      %convert_element_type3A = arith.extui %gt3A_79 : i1 to i32
      %cond3A = arith.constant 0 : i32
      %cond3A_80 = arith.cmpi ne, %convert_element_type3A, %cond3A : i32
      scf.if %cond3A_80 {
        %dma_wait3A_168 = arith.constant 0 : i32
        %dma_wait3A_169 = arith.constant 0 : i32
        %dma_wait3A_170 = tpu.memref_slice %arg16[%dma_wait3A_168, %dma_wait3A_169] : memref<10000x128xf32, #tpu.memory_space<vmem_shared>> -> memref<128x128xf32, #tpu.memory_space<vmem_shared>>
        %dma_wait3A_171 = arith.constant 0 : i32
        %dma_wait3A_172 = arith.constant 0 : i32
        %dma_wait3A_173 = tpu.memref_slice %arg16[%dma_wait3A_171, %dma_wait3A_172] : memref<10000x128xf32, #tpu.memory_space<vmem_shared>> -> memref<128x128xf32, #tpu.memory_space<vmem_shared>>
        tpu.wait_dma2 semaphore(%arg22 : memref<!tpu.dma_semaphore, #tpu.memory_space<semaphore_mem>>) src(%arg15 : memref<128x128xf32, #tpu.memory_space<vmem>>) dst(%dma_wait3A_173 : memref<128x128xf32, #tpu.memory_space<vmem_shared>>)
      } else {
      }
      %dma_start3A_81 = arith.constant 0 : i32
      %dma_start3A_82 = arith.constant 0 : i32
      %dma_start3A_83 = tpu.memref_slice %arg2[%dma_start3A_81, %dma_start3A_82] : memref<10000x128xf32, #tpu.memory_space<hbm>> -> memref<10000x128xf32, #tpu.memory_space<hbm>>
      tpu.enqueue_indirect_dma source(%dma_start3A_83 : memref<10000x128xf32, #tpu.memory_space<hbm>>) target(%arg15 : memref<128x128xf32, #tpu.memory_space<vmem>>) offsets(%arg10 : memref<128xi32, #tpu.memory_space<vmem>>) semaphore(%arg20 : memref<!tpu.dma_semaphore, #tpu.memory_space<semaphore_mem>>)
      %dma_wait3A_84 = arith.constant 0 : i32
      %dma_wait3A_85 = arith.constant 0 : i32
      %dma_wait3A_86 = tpu.memref_slice %arg2[%dma_wait3A_84, %dma_wait3A_85] : memref<10000x128xf32, #tpu.memory_space<hbm>> -> memref<128x128xf32, #tpu.memory_space<hbm>>
      %dma_wait3A_87 = arith.constant 0 : i32
      %dma_wait3A_88 = arith.constant 0 : i32
      %dma_wait3A_89 = tpu.memref_slice %arg2[%dma_wait3A_87, %dma_wait3A_88] : memref<10000x128xf32, #tpu.memory_space<hbm>> -> memref<128x128xf32, #tpu.memory_space<hbm>>
      tpu.wait_dma2 semaphore(%arg19 : memref<!tpu.dma_semaphore, #tpu.memory_space<semaphore_mem>>) src(%dma_wait3A_89 : memref<128x128xf32, #tpu.memory_space<hbm>>) dst(%arg14 : memref<128x128xf32, #tpu.memory_space<vmem>>)
      %parallel_loop3A = arith.constant 0 : i32
      %parallel_loop3A_90 = arith.constant 8 : i32
      %parallel_loop3A_91 = arith.constant 1 : i32
      scf.for %parallel_loop3A_168 = %parallel_loop3A to %parallel_loop3A_90 step %parallel_loop3A_91  : i32 {
        %parallel_loop3A_169 = arith.constant 16 : i32
        %parallel_loop3A_170 = arith.muli %parallel_loop3A_168, %parallel_loop3A_169 : i32
        %parallel_loop3A_171 = arith.index_cast %parallel_loop3A_170 : i32 to index
        %parallel_loop3A_172 = tpu.vector_load %arg9[%parallel_loop3A_171] {strides = array<i32>} : memref<128xf32, #tpu.memory_space<vmem>>, vector<16xf32>,
        %parallel_loop3A_173 = vector.shape_cast %parallel_loop3A_172 : vector<16xf32> to vector<16xf32>
        %parallel_loop3A_174 = arith.constant 16 : i32
        %parallel_loop3A_175 = arith.muli %parallel_loop3A_168, %parallel_loop3A_174 : i32
        %parallel_loop3A_176 = arith.constant 0 : i32
        %parallel_loop3A_177 = arith.addi %parallel_loop3A_175, %parallel_loop3A_176 : i32
        %parallel_loop3A_178 = arith.constant 0 : i32
        %parallel_loop3A_179 = vector.broadcast %parallel_loop3A_178 : i32 to vector<16x1xi32>
        %parallel_loop3A_180 = vector.shape_cast %parallel_loop3A_179 : vector<16x1xi32> to vector<16xi32>
        %parallel_loop3A_181 = tpu.dynamic_gather %parallel_loop3A_173[%parallel_loop3A_180] in [0] : vector<16xf32>, vector<16xi32> -> vector<16xf32>
        %parallel_loop3A_182 = arith.index_cast %parallel_loop3A_177 : i32 to index
        %parallel_loop3A_183 = arith.constant 0 : index
        %parallel_loop3A_184 = tpu.vector_load %arg14[%parallel_loop3A_182, %parallel_loop3A_183] {strides = array<i32>} : memref<128x128xf32, #tpu.memory_space<vmem>>, vector<1x16xf32>,
        %parallel_loop3A_185 = vector.shape_cast %parallel_loop3A_184 : vector<1x16xf32> to vector<16xf32>
        %parallel_loop3A_186 = arith.mulf %parallel_loop3A_185, %parallel_loop3A_181 : vector<16xf32>
        %parallel_loop3A_187 = arith.index_cast %parallel_loop3A_177 : i32 to index
        %parallel_loop3A_188 = arith.constant 0 : index
        %parallel_loop3A_189 = tpu.vector_load %arg14[%parallel_loop3A_187, %parallel_loop3A_188] {strides = array<i32>} : memref<128x128xf32, #tpu.memory_space<vmem>>, vector<1x16xf32>,
        %parallel_loop3A_190 = vector.shape_cast %parallel_loop3A_189 : vector<1x16xf32> to vector<16xf32>
        %parallel_loop3A_191 = vector.shape_cast %parallel_loop3A_186 : vector<16xf32> to vector<1x16xf32>
        tpu.vector_store %arg14[%parallel_loop3A_187, %parallel_loop3A_188], %parallel_loop3A_191 {strides = array<i32>} : memref<128x128xf32, #tpu.memory_space<vmem>>, vector<1x16xf32>,
        %parallel_loop3A_192 = arith.index_cast %parallel_loop3A_177 : i32 to index
        %parallel_loop3A_193 = arith.constant 16 : index
        %parallel_loop3A_194 = tpu.vector_load %arg14[%parallel_loop3A_192, %parallel_loop3A_193] {strides = array<i32>} : memref<128x128xf32, #tpu.memory_space<vmem>>, vector<1x16xf32>,
        %parallel_loop3A_195 = vector.shape_cast %parallel_loop3A_194 : vector<1x16xf32> to vector<16xf32>
        %parallel_loop3A_196 = arith.mulf %parallel_loop3A_195, %parallel_loop3A_181 : vector<16xf32>
        %parallel_loop3A_197 = arith.index_cast %parallel_loop3A_177 : i32 to index
        %parallel_loop3A_198 = arith.constant 16 : index
        %parallel_loop3A_199 = tpu.vector_load %arg14[%parallel_loop3A_197, %parallel_loop3A_198] {strides = array<i32>} : memref<128x128xf32, #tpu.memory_space<vmem>>, vector<1x16xf32>,
        %parallel_loop3A_200 = vector.shape_cast %parallel_loop3A_199 : vector<1x16xf32> to vector<16xf32>
        %parallel_loop3A_201 = vector.shape_cast %parallel_loop3A_196 : vector<16xf32> to vector<1x16xf32>
        tpu.vector_store %arg14[%parallel_loop3A_197, %parallel_loop3A_198], %parallel_loop3A_201 {strides = array<i32>} : memref<128x128xf32, #tpu.memory_space<vmem>>, vector<1x16xf32>,
        %parallel_loop3A_202 = arith.index_cast %parallel_loop3A_177 : i32 to index
        %parallel_loop3A_203 = arith.constant 32 : index
        %parallel_loop3A_204 = tpu.vector_load %arg14[%parallel_loop3A_202, %parallel_loop3A_203] {strides = array<i32>} : memref<128x128xf32, #tpu.memory_space<vmem>>, vector<1x16xf32>,
        %parallel_loop3A_205 = vector.shape_cast %parallel_loop3A_204 : vector<1x16xf32> to vector<16xf32>
        %parallel_loop3A_206 = arith.mulf %parallel_loop3A_205, %parallel_loop3A_181 : vector<16xf32>
        %parallel_loop3A_207 = arith.index_cast %parallel_loop3A_177 : i32 to index
        %parallel_loop3A_208 = arith.constant 32 : index
        %parallel_loop3A_209 = tpu.vector_load %arg14[%parallel_loop3A_207, %parallel_loop3A_208] {strides = array<i32>} : memref<128x128xf32, #tpu.memory_space<vmem>>, vector<1x16xf32>,
        %parallel_loop3A_210 = vector.shape_cast %parallel_loop3A_209 : vector<1x16xf32> to vector<16xf32>
        %parallel_loop3A_211 = vector.shape_cast %parallel_loop3A_206 : vector<16xf32> to vector<1x16xf32>
        tpu.vector_store %arg14[%parallel_loop3A_207, %parallel_loop3A_208], %parallel_loop3A_211 {strides = array<i32>} : memref<128x128xf32, #tpu.memory_space<vmem>>, vector<1x16xf32>,
        %parallel_loop3A_212 = arith.index_cast %parallel_loop3A_177 : i32 to index
        %parallel_loop3A_213 = arith.constant 48 : index
        %parallel_loop3A_214 = tpu.vector_load %arg14[%parallel_loop3A_212, %parallel_loop3A_213] {strides = array<i32>} : memref<128x128xf32, #tpu.memory_space<vmem>>, vector<1x16xf32>,
        %parallel_loop3A_215 = vector.shape_cast %parallel_loop3A_214 : vector<1x16xf32> to vector<16xf32>
        %parallel_loop3A_216 = arith.mulf %parallel_loop3A_215, %parallel_loop3A_181 : vector<16xf32>
        %parallel_loop3A_217 = arith.index_cast %parallel_loop3A_177 : i32 to index
        %parallel_loop3A_218 = arith.constant 48 : index
        %parallel_loop3A_219 = tpu.vector_load %arg14[%parallel_loop3A_217, %parallel_loop3A_218] {strides = array<i32>} : memref<128x128xf32, #tpu.memory_space<vmem>>, vector<1x16xf32>,
        %parallel_loop3A_220 = vector.shape_cast %parallel_loop3A_219 : vector<1x16xf32> to vector<16xf32>
        %parallel_loop3A_221 = vector.shape_cast %parallel_loop3A_216 : vector<16xf32> to vector<1x16xf32>
        tpu.vector_store %arg14[%parallel_loop3A_217, %parallel_loop3A_218], %parallel_loop3A_221 {strides = array<i32>} : memref<128x128xf32, #tpu.memory_space<vmem>>, vector<1x16xf32>,
        %parallel_loop3A_222 = arith.index_cast %parallel_loop3A_177 : i32 to index
        %parallel_loop3A_223 = arith.constant 64 : index
        %parallel_loop3A_224 = tpu.vector_load %arg14[%parallel_loop3A_222, %parallel_loop3A_223] {strides = array<i32>} : memref<128x128xf32, #tpu.memory_space<vmem>>, vector<1x16xf32>,
        %parallel_loop3A_225 = vector.shape_cast %parallel_loop3A_224 : vector<1x16xf32> to vector<16xf32>
        %parallel_loop3A_226 = arith.mulf %parallel_loop3A_225, %parallel_loop3A_181 : vector<16xf32>
        %parallel_loop3A_227 = arith.index_cast %parallel_loop3A_177 : i32 to index
        %parallel_loop3A_228 = arith.constant 64 : index
        %parallel_loop3A_229 = tpu.vector_load %arg14[%parallel_loop3A_227, %parallel_loop3A_228] {strides = array<i32>} : memref<128x128xf32, #tpu.memory_space<vmem>>, vector<1x16xf32>,
        %parallel_loop3A_230 = vector.shape_cast %parallel_loop3A_229 : vector<1x16xf32> to vector<16xf32>
        %parallel_loop3A_231 = vector.shape_cast %parallel_loop3A_226 : vector<16xf32> to vector<1x16xf32>
        tpu.vector_store %arg14[%parallel_loop3A_227, %parallel_loop3A_228], %parallel_loop3A_231 {strides = array<i32>} : memref<128x128xf32, #tpu.memory_space<vmem>>, vector<1x16xf32>,
        %parallel_loop3A_232 = arith.index_cast %parallel_loop3A_177 : i32 to index
        %parallel_loop3A_233 = arith.constant 80 : index
        %parallel_loop3A_234 = tpu.vector_load %arg14[%parallel_loop3A_232, %parallel_loop3A_233] {strides = array<i32>} : memref<128x128xf32, #tpu.memory_space<vmem>>, vector<1x16xf32>,
        %parallel_loop3A_235 = vector.shape_cast %parallel_loop3A_234 : vector<1x16xf32> to vector<16xf32>
        %parallel_loop3A_236 = arith.mulf %parallel_loop3A_235, %parallel_loop3A_181 : vector<16xf32>
        %parallel_loop3A_237 = arith.index_cast %parallel_loop3A_177 : i32 to index
        %parallel_loop3A_238 = arith.constant 80 : index
        %parallel_loop3A_239 = tpu.vector_load %arg14[%parallel_loop3A_237, %parallel_loop3A_238] {strides = array<i32>} : memref<128x128xf32, #tpu.memory_space<vmem>>, vector<1x16xf32>,
        %parallel_loop3A_240 = vector.shape_cast %parallel_loop3A_239 : vector<1x16xf32> to vector<16xf32>
        %parallel_loop3A_241 = vector.shape_cast %parallel_loop3A_236 : vector<16xf32> to vector<1x16xf32>
        tpu.vector_store %arg14[%parallel_loop3A_237, %parallel_loop3A_238], %parallel_loop3A_241 {strides = array<i32>} : memref<128x128xf32, #tpu.memory_space<vmem>>, vector<1x16xf32>,
        %parallel_loop3A_242 = arith.index_cast %parallel_loop3A_177 : i32 to index
        %parallel_loop3A_243 = arith.constant 96 : index
        %parallel_loop3A_244 = tpu.vector_load %arg14[%parallel_loop3A_242, %parallel_loop3A_243] {strides = array<i32>} : memref<128x128xf32, #tpu.memory_space<vmem>>, vector<1x16xf32>,
        %parallel_loop3A_245 = vector.shape_cast %parallel_loop3A_244 : vector<1x16xf32> to vector<16xf32>
        %parallel_loop3A_246 = arith.mulf %parallel_loop3A_245, %parallel_loop3A_181 : vector<16xf32>
        %parallel_loop3A_247 = arith.index_cast %parallel_loop3A_177 : i32 to index
        %parallel_loop3A_248 = arith.constant 96 : index
        %parallel_loop3A_249 = tpu.vector_load %arg14[%parallel_loop3A_247, %parallel_loop3A_248] {strides = array<i32>} : memref<128x128xf32, #tpu.memory_space<vmem>>, vector<1x16xf32>,
        %parallel_loop3A_250 = vector.shape_cast %parallel_loop3A_249 : vector<1x16xf32> to vector<16xf32>
        %parallel_loop3A_251 = vector.shape_cast %parallel_loop3A_246 : vector<16xf32> to vector<1x16xf32>
        tpu.vector_store %arg14[%parallel_loop3A_247, %parallel_loop3A_248], %parallel_loop3A_251 {strides = array<i32>} : memref<128x128xf32, #tpu.memory_space<vmem>>, vector<1x16xf32>,
        %parallel_loop3A_252 = arith.index_cast %parallel_loop3A_177 : i32 to index
        %parallel_loop3A_253 = arith.constant 112 : index
        %parallel_loop3A_254 = tpu.vector_load %arg14[%parallel_loop3A_252, %parallel_loop3A_253] {strides = array<i32>} : memref<128x128xf32, #tpu.memory_space<vmem>>, vector<1x16xf32>,
        %parallel_loop3A_255 = vector.shape_cast %parallel_loop3A_254 : vector<1x16xf32> to vector<16xf32>
        %parallel_loop3A_256 = arith.mulf %parallel_loop3A_255, %parallel_loop3A_181 : vector<16xf32>
        %parallel_loop3A_257 = arith.index_cast %parallel_loop3A_177 : i32 to index
        %parallel_loop3A_258 = arith.constant 112 : index
        %parallel_loop3A_259 = tpu.vector_load %arg14[%parallel_loop3A_257, %parallel_loop3A_258] {strides = array<i32>} : memref<128x128xf32, #tpu.memory_space<vmem>>, vector<1x16xf32>,
        %parallel_loop3A_260 = vector.shape_cast %parallel_loop3A_259 : vector<1x16xf32> to vector<16xf32>
        %parallel_loop3A_261 = vector.shape_cast %parallel_loop3A_256 : vector<16xf32> to vector<1x16xf32>
        tpu.vector_store %arg14[%parallel_loop3A_257, %parallel_loop3A_258], %parallel_loop3A_261 {strides = array<i32>} : memref<128x128xf32, #tpu.memory_space<vmem>>, vector<1x16xf32>,
        %parallel_loop3A_262 = arith.constant 16 : i32
        %parallel_loop3A_263 = arith.muli %parallel_loop3A_168, %parallel_loop3A_262 : i32
        %parallel_loop3A_264 = arith.constant 1 : i32
        %parallel_loop3A_265 = arith.addi %parallel_loop3A_263, %parallel_loop3A_264 : i32
        %parallel_loop3A_266 = arith.constant 1 : i32
        %parallel_loop3A_267 = vector.broadcast %parallel_loop3A_266 : i32 to vector<16x1xi32>
        %parallel_loop3A_268 = vector.shape_cast %parallel_loop3A_267 : vector<16x1xi32> to vector<16xi32>
        %parallel_loop3A_269 = tpu.dynamic_gather %parallel_loop3A_173[%parallel_loop3A_268] in [0] : vector<16xf32>, vector<16xi32> -> vector<16xf32>
        %parallel_loop3A_270 = arith.index_cast %parallel_loop3A_265 : i32 to index
        %parallel_loop3A_271 = arith.constant 0 : index
        %parallel_loop3A_272 = tpu.vector_load %arg14[%parallel_loop3A_270, %parallel_loop3A_271] {strides = array<i32>} : memref<128x128xf32, #tpu.memory_space<vmem>>, vector<1x16xf32>,
        %parallel_loop3A_273 = vector.shape_cast %parallel_loop3A_272 : vector<1x16xf32> to vector<16xf32>
        %parallel_loop3A_274 = arith.mulf %parallel_loop3A_273, %parallel_loop3A_269 : vector<16xf32>
        %parallel_loop3A_275 = arith.index_cast %parallel_loop3A_265 : i32 to index
        %parallel_loop3A_276 = arith.constant 0 : index
        %parallel_loop3A_277 = tpu.vector_load %arg14[%parallel_loop3A_275, %parallel_loop3A_276] {strides = array<i32>} : memref<128x128xf32, #tpu.memory_space<vmem>>, vector<1x16xf32>,
        %parallel_loop3A_278 = vector.shape_cast %parallel_loop3A_277 : vector<1x16xf32> to vector<16xf32>
        %parallel_loop3A_279 = vector.shape_cast %parallel_loop3A_274 : vector<16xf32> to vector<1x16xf32>
        tpu.vector_store %arg14[%parallel_loop3A_275, %parallel_loop3A_276], %parallel_loop3A_279 {strides = array<i32>} : memref<128x128xf32, #tpu.memory_space<vmem>>, vector<1x16xf32>,
        %parallel_loop3A_280 = arith.index_cast %parallel_loop3A_265 : i32 to index
        %parallel_loop3A_281 = arith.constant 16 : index
        %parallel_loop3A_282 = tpu.vector_load %arg14[%parallel_loop3A_280, %parallel_loop3A_281] {strides = array<i32>} : memref<128x128xf32, #tpu.memory_space<vmem>>, vector<1x16xf32>,
        %parallel_loop3A_283 = vector.shape_cast %parallel_loop3A_282 : vector<1x16xf32> to vector<16xf32>
        %parallel_loop3A_284 = arith.mulf %parallel_loop3A_283, %parallel_loop3A_269 : vector<16xf32>
        %parallel_loop3A_285 = arith.index_cast %parallel_loop3A_265 : i32 to index
        %parallel_loop3A_286 = arith.constant 16 : index
        %parallel_loop3A_287 = tpu.vector_load %arg14[%parallel_loop3A_285, %parallel_loop3A_286] {strides = array<i32>} : memref<128x128xf32, #tpu.memory_space<vmem>>, vector<1x16xf32>,
        %parallel_loop3A_288 = vector.shape_cast %parallel_loop3A_287 : vector<1x16xf32> to vector<16xf32>
        %parallel_loop3A_289 = vector.shape_cast %parallel_loop3A_284 : vector<16xf32> to vector<1x16xf32>
        tpu.vector_store %arg14[%parallel_loop3A_285, %parallel_loop3A_286], %parallel_loop3A_289 {strides = array<i32>} : memref<128x128xf32, #tpu.memory_space<vmem>>, vector<1x16xf32>,
        %parallel_loop3A_290 = arith.index_cast %parallel_loop3A_265 : i32 to index
        %parallel_loop3A_291 = arith.constant 32 : index
        %parallel_loop3A_292 = tpu.vector_load %arg14[%parallel_loop3A_290, %parallel_loop3A_291] {strides = array<i32>} : memref<128x128xf32, #tpu.memory_space<vmem>>, vector<1x16xf32>,
        %parallel_loop3A_293 = vector.shape_cast %parallel_loop3A_292 : vector<1x16xf32> to vector<16xf32>
        %parallel_loop3A_294 = arith.mulf %parallel_loop3A_293, %parallel_loop3A_269 : vector<16xf32>
        %parallel_loop3A_295 = arith.index_cast %parallel_loop3A_265 : i32 to index
        %parallel_loop3A_296 = arith.constant 32 : index
        %parallel_loop3A_297 = tpu.vector_load %arg14[%parallel_loop3A_295, %parallel_loop3A_296] {strides = array<i32>} : memref<128x128xf32, #tpu.memory_space<vmem>>, vector<1x16xf32>,
        %parallel_loop3A_298 = vector.shape_cast %parallel_loop3A_297 : vector<1x16xf32> to vector<16xf32>
        %parallel_loop3A_299 = vector.shape_cast %parallel_loop3A_294 : vector<16xf32> to vector<1x16xf32>
        tpu.vector_store %arg14[%parallel_loop3A_295, %parallel_loop3A_296], %parallel_loop3A_299 {strides = array<i32>} : memref<128x128xf32, #tpu.memory_space<vmem>>, vector<1x16xf32>,
        %parallel_loop3A_300 = arith.index_cast %parallel_loop3A_265 : i32 to index
        %parallel_loop3A_301 = arith.constant 48 : index
        %parallel_loop3A_302 = tpu.vector_load %arg14[%parallel_loop3A_300, %parallel_loop3A_301] {strides = array<i32>} : memref<128x128xf32, #tpu.memory_space<vmem>>, vector<1x16xf32>,
        %parallel_loop3A_303 = vector.shape_cast %parallel_loop3A_302 : vector<1x16xf32> to vector<16xf32>
        %parallel_loop3A_304 = arith.mulf %parallel_loop3A_303, %parallel_loop3A_269 : vector<16xf32>
        %parallel_loop3A_305 = arith.index_cast %parallel_loop3A_265 : i32 to index
        %parallel_loop3A_306 = arith.constant 48 : index
        %parallel_loop3A_307 = tpu.vector_load %arg14[%parallel_loop3A_305, %parallel_loop3A_306] {strides = array<i32>} : memref<128x128xf32, #tpu.memory_space<vmem>>, vector<1x16xf32>,
        %parallel_loop3A_308 = vector.shape_cast %parallel_loop3A_307 : vector<1x16xf32> to vector<16xf32>
        %parallel_loop3A_309 = vector.shape_cast %parallel_loop3A_304 : vector<16xf32> to vector<1x16xf32>
        tpu.vector_store %arg14[%parallel_loop3A_305, %parallel_loop3A_306], %parallel_loop3A_309 {strides = array<i32>} : memref<128x128xf32, #tpu.memory_space<vmem>>, vector<1x16xf32>,
        %parallel_loop3A_310 = arith.index_cast %parallel_loop3A_265 : i32 to index
        %parallel_loop3A_311 = arith.constant 64 : index
        %parallel_loop3A_312 = tpu.vector_load %arg14[%parallel_loop3A_310, %parallel_loop3A_311] {strides = array<i32>} : memref<128x128xf32, #tpu.memory_space<vmem>>, vector<1x16xf32>,
        %parallel_loop3A_313 = vector.shape_cast %parallel_loop3A_312 : vector<1x16xf32> to vector<16xf32>
        %parallel_loop3A_314 = arith.mulf %parallel_loop3A_313, %parallel_loop3A_269 : vector<16xf32>
        %parallel_loop3A_315 = arith.index_cast %parallel_loop3A_265 : i32 to index
        %parallel_loop3A_316 = arith.constant 64 : index
        %parallel_loop3A_317 = tpu.vector_load %arg14[%parallel_loop3A_315, %parallel_loop3A_316] {strides = array<i32>} : memref<128x128xf32, #tpu.memory_space<vmem>>, vector<1x16xf32>,
        %parallel_loop3A_318 = vector.shape_cast %parallel_loop3A_317 : vector<1x16xf32> to vector<16xf32>
        %parallel_loop3A_319 = vector.shape_cast %parallel_loop3A_314 : vector<16xf32> to vector<1x16xf32>
        tpu.vector_store %arg14[%parallel_loop3A_315, %parallel_loop3A_316], %parallel_loop3A_319 {strides = array<i32>} : memref<128x128xf32, #tpu.memory_space<vmem>>, vector<1x16xf32>,
        %parallel_loop3A_320 = arith.index_cast %parallel_loop3A_265 : i32 to index
        %parallel_loop3A_321 = arith.constant 80 : index
        %parallel_loop3A_322 = tpu.vector_load %arg14[%parallel_loop3A_320, %parallel_loop3A_321] {strides = array<i32>} : memref<128x128xf32, #tpu.memory_space<vmem>>, vector<1x16xf32>,
        %parallel_loop3A_323 = vector.shape_cast %parallel_loop3A_322 : vector<1x16xf32> to vector<16xf32>
        %parallel_loop3A_324 = arith.mulf %parallel_loop3A_323, %parallel_loop3A_269 : vector<16xf32>
        %parallel_loop3A_325 = arith.index_cast %parallel_loop3A_265 : i32 to index
        %parallel_loop3A_326 = arith.constant 80 : index
        %parallel_loop3A_327 = tpu.vector_load %arg14[%parallel_loop3A_325, %parallel_loop3A_326] {strides = array<i32>} : memref<128x128xf32, #tpu.memory_space<vmem>>, vector<1x16xf32>,
        %parallel_loop3A_328 = vector.shape_cast %parallel_loop3A_327 : vector<1x16xf32> to vector<16xf32>
        %parallel_loop3A_329 = vector.shape_cast %parallel_loop3A_324 : vector<16xf32> to vector<1x16xf32>
        tpu.vector_store %arg14[%parallel_loop3A_325, %parallel_loop3A_326], %parallel_loop3A_329 {strides = array<i32>} : memref<128x128xf32, #tpu.memory_space<vmem>>, vector<1x16xf32>,
        %parallel_loop3A_330 = arith.index_cast %parallel_loop3A_265 : i32 to index
        %parallel_loop3A_331 = arith.constant 96 : index
        %parallel_loop3A_332 = tpu.vector_load %arg14[%parallel_loop3A_330, %parallel_loop3A_331] {strides = array<i32>} : memref<128x128xf32, #tpu.memory_space<vmem>>, vector<1x16xf32>,
        %parallel_loop3A_333 = vector.shape_cast %parallel_loop3A_332 : vector<1x16xf32> to vector<16xf32>
        %parallel_loop3A_334 = arith.mulf %parallel_loop3A_333, %parallel_loop3A_269 : vector<16xf32>
        %parallel_loop3A_335 = arith.index_cast %parallel_loop3A_265 : i32 to index
        %parallel_loop3A_336 = arith.constant 96 : index
        %parallel_loop3A_337 = tpu.vector_load %arg14[%parallel_loop3A_335, %parallel_loop3A_336] {strides = array<i32>} : memref<128x128xf32, #tpu.memory_space<vmem>>, vector<1x16xf32>,
        %parallel_loop3A_338 = vector.shape_cast %parallel_loop3A_337 : vector<1x16xf32> to vector<16xf32>
        %parallel_loop3A_339 = vector.shape_cast %parallel_loop3A_334 : vector<16xf32> to vector<1x16xf32>
        tpu.vector_store %arg14[%parallel_loop3A_335, %parallel_loop3A_336], %parallel_loop3A_339 {strides = array<i32>} : memref<128x128xf32, #tpu.memory_space<vmem>>, vector<1x16xf32>,
        %parallel_loop3A_340 = arith.index_cast %parallel_loop3A_265 : i32 to index
        %parallel_loop3A_341 = arith.constant 112 : index
        %parallel_loop3A_342 = tpu.vector_load %arg14[%parallel_loop3A_340, %parallel_loop3A_341] {strides = array<i32>} : memref<128x128xf32, #tpu.memory_space<vmem>>, vector<1x16xf32>,
        %parallel_loop3A_343 = vector.shape_cast %parallel_loop3A_342 : vector<1x16xf32> to vector<16xf32>
        %parallel_loop3A_344 = arith.mulf %parallel_loop3A_343, %parallel_loop3A_269 : vector<16xf32>
        %parallel_loop3A_345 = arith.index_cast %parallel_loop3A_265 : i32 to index
        %parallel_loop3A_346 = arith.constant 112 : index
        %parallel_loop3A_347 = tpu.vector_load %arg14[%parallel_loop3A_345, %parallel_loop3A_346] {strides = array<i32>} : memref<128x128xf32, #tpu.memory_space<vmem>>, vector<1x16xf32>,
        %parallel_loop3A_348 = vector.shape_cast %parallel_loop3A_347 : vector<1x16xf32> to vector<16xf32>
        %parallel_loop3A_349 = vector.shape_cast %parallel_loop3A_344 : vector<16xf32> to vector<1x16xf32>
        tpu.vector_store %arg14[%parallel_loop3A_345, %parallel_loop3A_346], %parallel_loop3A_349 {strides = array<i32>} : memref<128x128xf32, #tpu.memory_space<vmem>>, vector<1x16xf32>,
        %parallel_loop3A_350 = arith.constant 16 : i32
        %parallel_loop3A_351 = arith.muli %parallel_loop3A_168, %parallel_loop3A_350 : i32
        %parallel_loop3A_352 = arith.constant 2 : i32
        %parallel_loop3A_353 = arith.addi %parallel_loop3A_351, %parallel_loop3A_352 : i32
        %parallel_loop3A_354 = arith.constant 2 : i32
        %parallel_loop3A_355 = vector.broadcast %parallel_loop3A_354 : i32 to vector<16x1xi32>
        %parallel_loop3A_356 = vector.shape_cast %parallel_loop3A_355 : vector<16x1xi32> to vector<16xi32>
        %parallel_loop3A_357 = tpu.dynamic_gather %parallel_loop3A_173[%parallel_loop3A_356] in [0] : vector<16xf32>, vector<16xi32> -> vector<16xf32>
        %parallel_loop3A_358 = arith.index_cast %parallel_loop3A_353 : i32 to index
        %parallel_loop3A_359 = arith.constant 0 : index
        %parallel_loop3A_360 = tpu.vector_load %arg14[%parallel_loop3A_358, %parallel_loop3A_359] {strides = array<i32>} : memref<128x128xf32, #tpu.memory_space<vmem>>, vector<1x16xf32>,
        %parallel_loop3A_361 = vector.shape_cast %parallel_loop3A_360 : vector<1x16xf32> to vector<16xf32>
        %parallel_loop3A_362 = arith.mulf %parallel_loop3A_361, %parallel_loop3A_357 : vector<16xf32>
        %parallel_loop3A_363 = arith.index_cast %parallel_loop3A_353 : i32 to index
        %parallel_loop3A_364 = arith.constant 0 : index
        %parallel_loop3A_365 = tpu.vector_load %arg14[%parallel_loop3A_363, %parallel_loop3A_364] {strides = array<i32>} : memref<128x128xf32, #tpu.memory_space<vmem>>, vector<1x16xf32>,
        %parallel_loop3A_366 = vector.shape_cast %parallel_loop3A_365 : vector<1x16xf32> to vector<16xf32>
        %parallel_loop3A_367 = vector.shape_cast %parallel_loop3A_362 : vector<16xf32> to vector<1x16xf32>
        tpu.vector_store %arg14[%parallel_loop3A_363, %parallel_loop3A_364], %parallel_loop3A_367 {strides = array<i32>} : memref<128x128xf32, #tpu.memory_space<vmem>>, vector<1x16xf32>,
        %parallel_loop3A_368 = arith.index_cast %parallel_loop3A_353 : i32 to index
        %parallel_loop3A_369 = arith.constant 16 : index
        %parallel_loop3A_370 = tpu.vector_load %arg14[%parallel_loop3A_368, %parallel_loop3A_369] {strides = array<i32>} : memref<128x128xf32, #tpu.memory_space<vmem>>, vector<1x16xf32>,
        %parallel_loop3A_371 = vector.shape_cast %parallel_loop3A_370 : vector<1x16xf32> to vector<16xf32>
        %parallel_loop3A_372 = arith.mulf %parallel_loop3A_371, %parallel_loop3A_357 : vector<16xf32>
        %parallel_loop3A_373 = arith.index_cast %parallel_loop3A_353 : i32 to index
        %parallel_loop3A_374 = arith.constant 16 : index
        %parallel_loop3A_375 = tpu.vector_load %arg14[%parallel_loop3A_373, %parallel_loop3A_374] {strides = array<i32>} : memref<128x128xf32, #tpu.memory_space<vmem>>, vector<1x16xf32>,
        %parallel_loop3A_376 = vector.shape_cast %parallel_loop3A_375 : vector<1x16xf32> to vector<16xf32>
        %parallel_loop3A_377 = vector.shape_cast %parallel_loop3A_372 : vector<16xf32> to vector<1x16xf32>
        tpu.vector_store %arg14[%parallel_loop3A_373, %parallel_loop3A_374], %parallel_loop3A_377 {strides = array<i32>} : memref<128x128xf32, #tpu.memory_space<vmem>>, vector<1x16xf32>,
        %parallel_loop3A_378 = arith.index_cast %parallel_loop3A_353 : i32 to index
        %parallel_loop3A_379 = arith.constant 32 : index
        %parallel_loop3A_380 = tpu.vector_load %arg14[%parallel_loop3A_378, %parallel_loop3A_379] {strides = array<i32>} : memref<128x128xf32, #tpu.memory_space<vmem>>, vector<1x16xf32>,
        %parallel_loop3A_381 = vector.shape_cast %parallel_loop3A_380 : vector<1x16xf32> to vector<16xf32>
        %parallel_loop3A_382 = arith.mulf %parallel_loop3A_381, %parallel_loop3A_357 : vector<16xf32>
        %parallel_loop3A_383 = arith.index_cast %parallel_loop3A_353 : i32 to index
        %parallel_loop3A_384 = arith.constant 32 : index
        %parallel_loop3A_385 = tpu.vector_load %arg14[%parallel_loop3A_383, %parallel_loop3A_384] {strides = array<i32>} : memref<128x128xf32, #tpu.memory_space<vmem>>, vector<1x16xf32>,
        %parallel_loop3A_386 = vector.shape_cast %parallel_loop3A_385 : vector<1x16xf32> to vector<16xf32>
        %parallel_loop3A_387 = vector.shape_cast %parallel_loop3A_382 : vector<16xf32> to vector<1x16xf32>
        tpu.vector_store %arg14[%parallel_loop3A_383, %parallel_loop3A_384], %parallel_loop3A_387 {strides = array<i32>} : memref<128x128xf32, #tpu.memory_space<vmem>>, vector<1x16xf32>,
        %parallel_loop3A_388 = arith.index_cast %parallel_loop3A_353 : i32 to index
        %parallel_loop3A_389 = arith.constant 48 : index
        %parallel_loop3A_390 = tpu.vector_load %arg14[%parallel_loop3A_388, %parallel_loop3A_389] {strides = array<i32>} : memref<128x128xf32, #tpu.memory_space<vmem>>, vector<1x16xf32>,
        %parallel_loop3A_391 = vector.shape_cast %parallel_loop3A_390 : vector<1x16xf32> to vector<16xf32>
        %parallel_loop3A_392 = arith.mulf %parallel_loop3A_391, %parallel_loop3A_357 : vector<16xf32>
        %parallel_loop3A_393 = arith.index_cast %parallel_loop3A_353 : i32 to index
        %parallel_loop3A_394 = arith.constant 48 : index
        %parallel_loop3A_395 = tpu.vector_load %arg14[%parallel_loop3A_393, %parallel_loop3A_394] {strides = array<i32>} : memref<128x128xf32, #tpu.memory_space<vmem>>, vector<1x16xf32>,
        %parallel_loop3A_396 = vector.shape_cast %parallel_loop3A_395 : vector<1x16xf32> to vector<16xf32>
        %parallel_loop3A_397 = vector.shape_cast %parallel_loop3A_392 : vector<16xf32> to vector<1x16xf32>
        tpu.vector_store %arg14[%parallel_loop3A_393, %parallel_loop3A_394], %parallel_loop3A_397 {strides = array<i32>} : memref<128x128xf32, #tpu.memory_space<vmem>>, vector<1x16xf32>,
        %parallel_loop3A_398 = arith.index_cast %parallel_loop3A_353 : i32 to index
        %parallel_loop3A_399 = arith.constant 64 : index
        %parallel_loop3A_400 = tpu.vector_load %arg14[%parallel_loop3A_398, %parallel_loop3A_399] {strides = array<i32>} : memref<128x128xf32, #tpu.memory_space<vmem>>, vector<1x16xf32>,
        %parallel_loop3A_401 = vector.shape_cast %parallel_loop3A_400 : vector<1x16xf32> to vector<16xf32>
        %parallel_loop3A_402 = arith.mulf %parallel_loop3A_401, %parallel_loop3A_357 : vector<16xf32>
        %parallel_loop3A_403 = arith.index_cast %parallel_loop3A_353 : i32 to index
        %parallel_loop3A_404 = arith.constant 64 : index
        %parallel_loop3A_405 = tpu.vector_load %arg14[%parallel_loop3A_403, %parallel_loop3A_404] {strides = array<i32>} : memref<128x128xf32, #tpu.memory_space<vmem>>, vector<1x16xf32>,
        %parallel_loop3A_406 = vector.shape_cast %parallel_loop3A_405 : vector<1x16xf32> to vector<16xf32>
        %parallel_loop3A_407 = vector.shape_cast %parallel_loop3A_402 : vector<16xf32> to vector<1x16xf32>
        tpu.vector_store %arg14[%parallel_loop3A_403, %parallel_loop3A_404], %parallel_loop3A_407 {strides = array<i32>} : memref<128x128xf32, #tpu.memory_space<vmem>>, vector<1x16xf32>,
        %parallel_loop3A_408 = arith.index_cast %parallel_loop3A_353 : i32 to index
        %parallel_loop3A_409 = arith.constant 80 : index
        %parallel_loop3A_410 = tpu.vector_load %arg14[%parallel_loop3A_408, %parallel_loop3A_409] {strides = array<i32>} : memref<128x128xf32, #tpu.memory_space<vmem>>, vector<1x16xf32>,
        %parallel_loop3A_411 = vector.shape_cast %parallel_loop3A_410 : vector<1x16xf32> to vector<16xf32>
        %parallel_loop3A_412 = arith.mulf %parallel_loop3A_411, %parallel_loop3A_357 : vector<16xf32>
        %parallel_loop3A_413 = arith.index_cast %parallel_loop3A_353 : i32 to index
        %parallel_loop3A_414 = arith.constant 80 : index
        %parallel_loop3A_415 = tpu.vector_load %arg14[%parallel_loop3A_413, %parallel_loop3A_414] {strides = array<i32>} : memref<128x128xf32, #tpu.memory_space<vmem>>, vector<1x16xf32>,
        %parallel_loop3A_416 = vector.shape_cast %parallel_loop3A_415 : vector<1x16xf32> to vector<16xf32>
        %parallel_loop3A_417 = vector.shape_cast %parallel_loop3A_412 : vector<16xf32> to vector<1x16xf32>
        tpu.vector_store %arg14[%parallel_loop3A_413, %parallel_loop3A_414], %parallel_loop3A_417 {strides = array<i32>} : memref<128x128xf32, #tpu.memory_space<vmem>>, vector<1x16xf32>,
        %parallel_loop3A_418 = arith.index_cast %parallel_loop3A_353 : i32 to index
        %parallel_loop3A_419 = arith.constant 96 : index
        %parallel_loop3A_420 = tpu.vector_load %arg14[%parallel_loop3A_418, %parallel_loop3A_419] {strides = array<i32>} : memref<128x128xf32, #tpu.memory_space<vmem>>, vector<1x16xf32>,
        %parallel_loop3A_421 = vector.shape_cast %parallel_loop3A_420 : vector<1x16xf32> to vector<16xf32>
        %parallel_loop3A_422 = arith.mulf %parallel_loop3A_421, %parallel_loop3A_357 : vector<16xf32>
        %parallel_loop3A_423 = arith.index_cast %parallel_loop3A_353 : i32 to index
        %parallel_loop3A_424 = arith.constant 96 : index
        %parallel_loop3A_425 = tpu.vector_load %arg14[%parallel_loop3A_423, %parallel_loop3A_424] {strides = array<i32>} : memref<128x128xf32, #tpu.memory_space<vmem>>, vector<1x16xf32>,
        %parallel_loop3A_426 = vector.shape_cast %parallel_loop3A_425 : vector<1x16xf32> to vector<16xf32>
        %parallel_loop3A_427 = vector.shape_cast %parallel_loop3A_422 : vector<16xf32> to vector<1x16xf32>
        tpu.vector_store %arg14[%parallel_loop3A_423, %parallel_loop3A_424], %parallel_loop3A_427 {strides = array<i32>} : memref<128x128xf32, #tpu.memory_space<vmem>>, vector<1x16xf32>,
        %parallel_loop3A_428 = arith.index_cast %parallel_loop3A_353 : i32 to index
        %parallel_loop3A_429 = arith.constant 112 : index
        %parallel_loop3A_430 = tpu.vector_load %arg14[%parallel_loop3A_428, %parallel_loop3A_429] {strides = array<i32>} : memref<128x128xf32, #tpu.memory_space<vmem>>, vector<1x16xf32>,
        %parallel_loop3A_431 = vector.shape_cast %parallel_loop3A_430 : vector<1x16xf32> to vector<16xf32>
        %parallel_loop3A_432 = arith.mulf %parallel_loop3A_431, %parallel_loop3A_357 : vector<16xf32>
        %parallel_loop3A_433 = arith.index_cast %parallel_loop3A_353 : i32 to index
        %parallel_loop3A_434 = arith.constant 112 : index
        %parallel_loop3A_435 = tpu.vector_load %arg14[%parallel_loop3A_433, %parallel_loop3A_434] {strides = array<i32>} : memref<128x128xf32, #tpu.memory_space<vmem>>, vector<1x16xf32>,
        %parallel_loop3A_436 = vector.shape_cast %parallel_loop3A_435 : vector<1x16xf32> to vector<16xf32>
        %parallel_loop3A_437 = vector.shape_cast %parallel_loop3A_432 : vector<16xf32> to vector<1x16xf32>
        tpu.vector_store %arg14[%parallel_loop3A_433, %parallel_loop3A_434], %parallel_loop3A_437 {strides = array<i32>} : memref<128x128xf32, #tpu.memory_space<vmem>>, vector<1x16xf32>,
        %parallel_loop3A_438 = arith.constant 16 : i32
        %parallel_loop3A_439 = arith.muli %parallel_loop3A_168, %parallel_loop3A_438 : i32
        %parallel_loop3A_440 = arith.constant 3 : i32
        %parallel_loop3A_441 = arith.addi %parallel_loop3A_439, %parallel_loop3A_440 : i32
        %parallel_loop3A_442 = arith.constant 3 : i32
        %parallel_loop3A_443 = vector.broadcast %parallel_loop3A_442 : i32 to vector<16x1xi32>
        %parallel_loop3A_444 = vector.shape_cast %parallel_loop3A_443 : vector<16x1xi32> to vector<16xi32>
        %parallel_loop3A_445 = tpu.dynamic_gather %parallel_loop3A_173[%parallel_loop3A_444] in [0] : vector<16xf32>, vector<16xi32> -> vector<16xf32>
        %parallel_loop3A_446 = arith.index_cast %parallel_loop3A_441 : i32 to index
        %parallel_loop3A_447 = arith.constant 0 : index
        %parallel_loop3A_448 = tpu.vector_load %arg14[%parallel_loop3A_446, %parallel_loop3A_447] {strides = array<i32>} : memref<128x128xf32, #tpu.memory_space<vmem>>, vector<1x16xf32>,
        %parallel_loop3A_449 = vector.shape_cast %parallel_loop3A_448 : vector<1x16xf32> to vector<16xf32>
        %parallel_loop3A_450 = arith.mulf %parallel_loop3A_449, %parallel_loop3A_445 : vector<16xf32>
        %parallel_loop3A_451 = arith.index_cast %parallel_loop3A_441 : i32 to index
        %parallel_loop3A_452 = arith.constant 0 : index
        %parallel_loop3A_453 = tpu.vector_load %arg14[%parallel_loop3A_451, %parallel_loop3A_452] {strides = array<i32>} : memref<128x128xf32, #tpu.memory_space<vmem>>, vector<1x16xf32>,
        %parallel_loop3A_454 = vector.shape_cast %parallel_loop3A_453 : vector<1x16xf32> to vector<16xf32>
        %parallel_loop3A_455 = vector.shape_cast %parallel_loop3A_450 : vector<16xf32> to vector<1x16xf32>
        tpu.vector_store %arg14[%parallel_loop3A_451, %parallel_loop3A_452], %parallel_loop3A_455 {strides = array<i32>} : memref<128x128xf32, #tpu.memory_space<vmem>>, vector<1x16xf32>,
        %parallel_loop3A_456 = arith.index_cast %parallel_loop3A_441 : i32 to index
        %parallel_loop3A_457 = arith.constant 16 : index
        %parallel_loop3A_458 = tpu.vector_load %arg14[%parallel_loop3A_456, %parallel_loop3A_457] {strides = array<i32>} : memref<128x128xf32, #tpu.memory_space<vmem>>, vector<1x16xf32>,
        %parallel_loop3A_459 = vector.shape_cast %parallel_loop3A_458 : vector<1x16xf32> to vector<16xf32>
        %parallel_loop3A_460 = arith.mulf %parallel_loop3A_459, %parallel_loop3A_445 : vector<16xf32>
        %parallel_loop3A_461 = arith.index_cast %parallel_loop3A_441 : i32 to index
        %parallel_loop3A_462 = arith.constant 16 : index
        %parallel_loop3A_463 = tpu.vector_load %arg14[%parallel_loop3A_461, %parallel_loop3A_462] {strides = array<i32>} : memref<128x128xf32, #tpu.memory_space<vmem>>, vector<1x16xf32>,
        %parallel_loop3A_464 = vector.shape_cast %parallel_loop3A_463 : vector<1x16xf32> to vector<16xf32>
        %parallel_loop3A_465 = vector.shape_cast %parallel_loop3A_460 : vector<16xf32> to vector<1x16xf32>
        tpu.vector_store %arg14[%parallel_loop3A_461, %parallel_loop3A_462], %parallel_loop3A_465 {strides = array<i32>} : memref<128x128xf32, #tpu.memory_space<vmem>>, vector<1x16xf32>,
        %parallel_loop3A_466 = arith.index_cast %parallel_loop3A_441 : i32 to index
        %parallel_loop3A_467 = arith.constant 32 : index
        %parallel_loop3A_468 = tpu.vector_load %arg14[%parallel_loop3A_466, %parallel_loop3A_467] {strides = array<i32>} : memref<128x128xf32, #tpu.memory_space<vmem>>, vector<1x16xf32>,
        %parallel_loop3A_469 = vector.shape_cast %parallel_loop3A_468 : vector<1x16xf32> to vector<16xf32>
        %parallel_loop3A_470 = arith.mulf %parallel_loop3A_469, %parallel_loop3A_445 : vector<16xf32>
        %parallel_loop3A_471 = arith.index_cast %parallel_loop3A_441 : i32 to index
        %parallel_loop3A_472 = arith.constant 32 : index
        %parallel_loop3A_473 = tpu.vector_load %arg14[%parallel_loop3A_471, %parallel_loop3A_472] {strides = array<i32>} : memref<128x128xf32, #tpu.memory_space<vmem>>, vector<1x16xf32>,
        %parallel_loop3A_474 = vector.shape_cast %parallel_loop3A_473 : vector<1x16xf32> to vector<16xf32>
        %parallel_loop3A_475 = vector.shape_cast %parallel_loop3A_470 : vector<16xf32> to vector<1x16xf32>
        tpu.vector_store %arg14[%parallel_loop3A_471, %parallel_loop3A_472], %parallel_loop3A_475 {strides = array<i32>} : memref<128x128xf32, #tpu.memory_space<vmem>>, vector<1x16xf32>,
        %parallel_loop3A_476 = arith.index_cast %parallel_loop3A_441 : i32 to index
        %parallel_loop3A_477 = arith.constant 48 : index
        %parallel_loop3A_478 = tpu.vector_load %arg14[%parallel_loop3A_476, %parallel_loop3A_477] {strides = array<i32>} : memref<128x128xf32, #tpu.memory_space<vmem>>, vector<1x16xf32>,
        %parallel_loop3A_479 = vector.shape_cast %parallel_loop3A_478 : vector<1x16xf32> to vector<16xf32>
        %parallel_loop3A_480 = arith.mulf %parallel_loop3A_479, %parallel_loop3A_445 : vector<16xf32>
        %parallel_loop3A_481 = arith.index_cast %parallel_loop3A_441 : i32 to index
        %parallel_loop3A_482 = arith.constant 48 : index
        %parallel_loop3A_483 = tpu.vector_load %arg14[%parallel_loop3A_481, %parallel_loop3A_482] {strides = array<i32>} : memref<128x128xf32, #tpu.memory_space<vmem>>, vector<1x16xf32>,
        %parallel_loop3A_484 = vector.shape_cast %parallel_loop3A_483 : vector<1x16xf32> to vector<16xf32>
        %parallel_loop3A_485 = vector.shape_cast %parallel_loop3A_480 : vector<16xf32> to vector<1x16xf32>
        tpu.vector_store %arg14[%parallel_loop3A_481, %parallel_loop3A_482], %parallel_loop3A_485 {strides = array<i32>} : memref<128x128xf32, #tpu.memory_space<vmem>>, vector<1x16xf32>,
        %parallel_loop3A_486 = arith.index_cast %parallel_loop3A_441 : i32 to index
        %parallel_loop3A_487 = arith.constant 64 : index
        %parallel_loop3A_488 = tpu.vector_load %arg14[%parallel_loop3A_486, %parallel_loop3A_487] {strides = array<i32>} : memref<128x128xf32, #tpu.memory_space<vmem>>, vector<1x16xf32>,
        %parallel_loop3A_489 = vector.shape_cast %parallel_loop3A_488 : vector<1x16xf32> to vector<16xf32>
        %parallel_loop3A_490 = arith.mulf %parallel_loop3A_489, %parallel_loop3A_445 : vector<16xf32>
        %parallel_loop3A_491 = arith.index_cast %parallel_loop3A_441 : i32 to index
        %parallel_loop3A_492 = arith.constant 64 : index
        %parallel_loop3A_493 = tpu.vector_load %arg14[%parallel_loop3A_491, %parallel_loop3A_492] {strides = array<i32>} : memref<128x128xf32, #tpu.memory_space<vmem>>, vector<1x16xf32>,
        %parallel_loop3A_494 = vector.shape_cast %parallel_loop3A_493 : vector<1x16xf32> to vector<16xf32>
        %parallel_loop3A_495 = vector.shape_cast %parallel_loop3A_490 : vector<16xf32> to vector<1x16xf32>
        tpu.vector_store %arg14[%parallel_loop3A_491, %parallel_loop3A_492], %parallel_loop3A_495 {strides = array<i32>} : memref<128x128xf32, #tpu.memory_space<vmem>>, vector<1x16xf32>,
        %parallel_loop3A_496 = arith.index_cast %parallel_loop3A_441 : i32 to index
        %parallel_loop3A_497 = arith.constant 80 : index
        %parallel_loop3A_498 = tpu.vector_load %arg14[%parallel_loop3A_496, %parallel_loop3A_497] {strides = array<i32>} : memref<128x128xf32, #tpu.memory_space<vmem>>, vector<1x16xf32>,
        %parallel_loop3A_499 = vector.shape_cast %parallel_loop3A_498 : vector<1x16xf32> to vector<16xf32>
        %parallel_loop3A_500 = arith.mulf %parallel_loop3A_499, %parallel_loop3A_445 : vector<16xf32>
        %parallel_loop3A_501 = arith.index_cast %parallel_loop3A_441 : i32 to index
        %parallel_loop3A_502 = arith.constant 80 : index
        %parallel_loop3A_503 = tpu.vector_load %arg14[%parallel_loop3A_501, %parallel_loop3A_502] {strides = array<i32>} : memref<128x128xf32, #tpu.memory_space<vmem>>, vector<1x16xf32>,
        %parallel_loop3A_504 = vector.shape_cast %parallel_loop3A_503 : vector<1x16xf32> to vector<16xf32>
        %parallel_loop3A_505 = vector.shape_cast %parallel_loop3A_500 : vector<16xf32> to vector<1x16xf32>
        tpu.vector_store %arg14[%parallel_loop3A_501, %parallel_loop3A_502], %parallel_loop3A_505 {strides = array<i32>} : memref<128x128xf32, #tpu.memory_space<vmem>>, vector<1x16xf32>,
        %parallel_loop3A_506 = arith.index_cast %parallel_loop3A_441 : i32 to index
        %parallel_loop3A_507 = arith.constant 96 : index
        %parallel_loop3A_508 = tpu.vector_load %arg14[%parallel_loop3A_506, %parallel_loop3A_507] {strides = array<i32>} : memref<128x128xf32, #tpu.memory_space<vmem>>, vector<1x16xf32>,
        %parallel_loop3A_509 = vector.shape_cast %parallel_loop3A_508 : vector<1x16xf32> to vector<16xf32>
        %parallel_loop3A_510 = arith.mulf %parallel_loop3A_509, %parallel_loop3A_445 : vector<16xf32>
        %parallel_loop3A_511 = arith.index_cast %parallel_loop3A_441 : i32 to index
        %parallel_loop3A_512 = arith.constant 96 : index
        %parallel_loop3A_513 = tpu.vector_load %arg14[%parallel_loop3A_511, %parallel_loop3A_512] {strides = array<i32>} : memref<128x128xf32, #tpu.memory_space<vmem>>, vector<1x16xf32>,
        %parallel_loop3A_514 = vector.shape_cast %parallel_loop3A_513 : vector<1x16xf32> to vector<16xf32>
        %parallel_loop3A_515 = vector.shape_cast %parallel_loop3A_510 : vector<16xf32> to vector<1x16xf32>
        tpu.vector_store %arg14[%parallel_loop3A_511, %parallel_loop3A_512], %parallel_loop3A_515 {strides = array<i32>} : memref<128x128xf32, #tpu.memory_space<vmem>>, vector<1x16xf32>,
        %parallel_loop3A_516 = arith.index_cast %parallel_loop3A_441 : i32 to index
        %parallel_loop3A_517 = arith.constant 112 : index
        %parallel_loop3A_518 = tpu.vector_load %arg14[%parallel_loop3A_516, %parallel_loop3A_517] {strides = array<i32>} : memref<128x128xf32, #tpu.memory_space<vmem>>, vector<1x16xf32>,
        %parallel_loop3A_519 = vector.shape_cast %parallel_loop3A_518 : vector<1x16xf32> to vector<16xf32>
        %parallel_loop3A_520 = arith.mulf %parallel_loop3A_519, %parallel_loop3A_445 : vector<16xf32>
        %parallel_loop3A_521 = arith.index_cast %parallel_loop3A_441 : i32 to index
        %parallel_loop3A_522 = arith.constant 112 : index
        %parallel_loop3A_523 = tpu.vector_load %arg14[%parallel_loop3A_521, %parallel_loop3A_522] {strides = array<i32>} : memref<128x128xf32, #tpu.memory_space<vmem>>, vector<1x16xf32>,
        %parallel_loop3A_524 = vector.shape_cast %parallel_loop3A_523 : vector<1x16xf32> to vector<16xf32>
        %parallel_loop3A_525 = vector.shape_cast %parallel_loop3A_520 : vector<16xf32> to vector<1x16xf32>
        tpu.vector_store %arg14[%parallel_loop3A_521, %parallel_loop3A_522], %parallel_loop3A_525 {strides = array<i32>} : memref<128x128xf32, #tpu.memory_space<vmem>>, vector<1x16xf32>,
        %parallel_loop3A_526 = arith.constant 16 : i32
        %parallel_loop3A_527 = arith.muli %parallel_loop3A_168, %parallel_loop3A_526 : i32
        %parallel_loop3A_528 = arith.constant 4 : i32
        %parallel_loop3A_529 = arith.addi %parallel_loop3A_527, %parallel_loop3A_528 : i32
        %parallel_loop3A_530 = arith.constant 4 : i32
        %parallel_loop3A_531 = vector.broadcast %parallel_loop3A_530 : i32 to vector<16x1xi32>
        %parallel_loop3A_532 = vector.shape_cast %parallel_loop3A_531 : vector<16x1xi32> to vector<16xi32>
        %parallel_loop3A_533 = tpu.dynamic_gather %parallel_loop3A_173[%parallel_loop3A_532] in [0] : vector<16xf32>, vector<16xi32> -> vector<16xf32>
        %parallel_loop3A_534 = arith.index_cast %parallel_loop3A_529 : i32 to index
        %parallel_loop3A_535 = arith.constant 0 : index
        %parallel_loop3A_536 = tpu.vector_load %arg14[%parallel_loop3A_534, %parallel_loop3A_535] {strides = array<i32>} : memref<128x128xf32, #tpu.memory_space<vmem>>, vector<1x16xf32>,
        %parallel_loop3A_537 = vector.shape_cast %parallel_loop3A_536 : vector<1x16xf32> to vector<16xf32>
        %parallel_loop3A_538 = arith.mulf %parallel_loop3A_537, %parallel_loop3A_533 : vector<16xf32>
        %parallel_loop3A_539 = arith.index_cast %parallel_loop3A_529 : i32 to index
        %parallel_loop3A_540 = arith.constant 0 : index
        %parallel_loop3A_541 = tpu.vector_load %arg14[%parallel_loop3A_539, %parallel_loop3A_540] {strides = array<i32>} : memref<128x128xf32, #tpu.memory_space<vmem>>, vector<1x16xf32>,
        %parallel_loop3A_542 = vector.shape_cast %parallel_loop3A_541 : vector<1x16xf32> to vector<16xf32>
        %parallel_loop3A_543 = vector.shape_cast %parallel_loop3A_538 : vector<16xf32> to vector<1x16xf32>
        tpu.vector_store %arg14[%parallel_loop3A_539, %parallel_loop3A_540], %parallel_loop3A_543 {strides = array<i32>} : memref<128x128xf32, #tpu.memory_space<vmem>>, vector<1x16xf32>,
        %parallel_loop3A_544 = arith.index_cast %parallel_loop3A_529 : i32 to index
        %parallel_loop3A_545 = arith.constant 16 : index
        %parallel_loop3A_546 = tpu.vector_load %arg14[%parallel_loop3A_544, %parallel_loop3A_545] {strides = array<i32>} : memref<128x128xf32, #tpu.memory_space<vmem>>, vector<1x16xf32>,
        %parallel_loop3A_547 = vector.shape_cast %parallel_loop3A_546 : vector<1x16xf32> to vector<16xf32>
        %parallel_loop3A_548 = arith.mulf %parallel_loop3A_547, %parallel_loop3A_533 : vector<16xf32>
        %parallel_loop3A_549 = arith.index_cast %parallel_loop3A_529 : i32 to index
        %parallel_loop3A_550 = arith.constant 16 : index
        %parallel_loop3A_551 = tpu.vector_load %arg14[%parallel_loop3A_549, %parallel_loop3A_550] {strides = array<i32>} : memref<128x128xf32, #tpu.memory_space<vmem>>, vector<1x16xf32>,
        %parallel_loop3A_552 = vector.shape_cast %parallel_loop3A_551 : vector<1x16xf32> to vector<16xf32>
        %parallel_loop3A_553 = vector.shape_cast %parallel_loop3A_548 : vector<16xf32> to vector<1x16xf32>
        tpu.vector_store %arg14[%parallel_loop3A_549, %parallel_loop3A_550], %parallel_loop3A_553 {strides = array<i32>} : memref<128x128xf32, #tpu.memory_space<vmem>>, vector<1x16xf32>,
        %parallel_loop3A_554 = arith.index_cast %parallel_loop3A_529 : i32 to index
        %parallel_loop3A_555 = arith.constant 32 : index
        %parallel_loop3A_556 = tpu.vector_load %arg14[%parallel_loop3A_554, %parallel_loop3A_555] {strides = array<i32>} : memref<128x128xf32, #tpu.memory_space<vmem>>, vector<1x16xf32>,
        %parallel_loop3A_557 = vector.shape_cast %parallel_loop3A_556 : vector<1x16xf32> to vector<16xf32>
        %parallel_loop3A_558 = arith.mulf %parallel_loop3A_557, %parallel_loop3A_533 : vector<16xf32>
        %parallel_loop3A_559 = arith.index_cast %parallel_loop3A_529 : i32 to index
        %parallel_loop3A_560 = arith.constant 32 : index
        %parallel_loop3A_561 = tpu.vector_load %arg14[%parallel_loop3A_559, %parallel_loop3A_560] {strides = array<i32>} : memref<128x128xf32, #tpu.memory_space<vmem>>, vector<1x16xf32>,
        %parallel_loop3A_562 = vector.shape_cast %parallel_loop3A_561 : vector<1x16xf32> to vector<16xf32>
        %parallel_loop3A_563 = vector.shape_cast %parallel_loop3A_558 : vector<16xf32> to vector<1x16xf32>
        tpu.vector_store %arg14[%parallel_loop3A_559, %parallel_loop3A_560], %parallel_loop3A_563 {strides = array<i32>} : memref<128x128xf32, #tpu.memory_space<vmem>>, vector<1x16xf32>,
        %parallel_loop3A_564 = arith.index_cast %parallel_loop3A_529 : i32 to index
        %parallel_loop3A_565 = arith.constant 48 : index
        %parallel_loop3A_566 = tpu.vector_load %arg14[%parallel_loop3A_564, %parallel_loop3A_565] {strides = array<i32>} : memref<128x128xf32, #tpu.memory_space<vmem>>, vector<1x16xf32>,
        %parallel_loop3A_567 = vector.shape_cast %parallel_loop3A_566 : vector<1x16xf32> to vector<16xf32>
        %parallel_loop3A_568 = arith.mulf %parallel_loop3A_567, %parallel_loop3A_533 : vector<16xf32>
        %parallel_loop3A_569 = arith.index_cast %parallel_loop3A_529 : i32 to index
        %parallel_loop3A_570 = arith.constant 48 : index
        %parallel_loop3A_571 = tpu.vector_load %arg14[%parallel_loop3A_569, %parallel_loop3A_570] {strides = array<i32>} : memref<128x128xf32, #tpu.memory_space<vmem>>, vector<1x16xf32>,
        %parallel_loop3A_572 = vector.shape_cast %parallel_loop3A_571 : vector<1x16xf32> to vector<16xf32>
        %parallel_loop3A_573 = vector.shape_cast %parallel_loop3A_568 : vector<16xf32> to vector<1x16xf32>
        tpu.vector_store %arg14[%parallel_loop3A_569, %parallel_loop3A_570], %parallel_loop3A_573 {strides = array<i32>} : memref<128x128xf32, #tpu.memory_space<vmem>>, vector<1x16xf32>,
        %parallel_loop3A_574 = arith.index_cast %parallel_loop3A_529 : i32 to index
        %parallel_loop3A_575 = arith.constant 64 : index
        %parallel_loop3A_576 = tpu.vector_load %arg14[%parallel_loop3A_574, %parallel_loop3A_575] {strides = array<i32>} : memref<128x128xf32, #tpu.memory_space<vmem>>, vector<1x16xf32>,
        %parallel_loop3A_577 = vector.shape_cast %parallel_loop3A_576 : vector<1x16xf32> to vector<16xf32>
        %parallel_loop3A_578 = arith.mulf %parallel_loop3A_577, %parallel_loop3A_533 : vector<16xf32>
        %parallel_loop3A_579 = arith.index_cast %parallel_loop3A_529 : i32 to index
        %parallel_loop3A_580 = arith.constant 64 : index
        %parallel_loop3A_581 = tpu.vector_load %arg14[%parallel_loop3A_579, %parallel_loop3A_580] {strides = array<i32>} : memref<128x128xf32, #tpu.memory_space<vmem>>, vector<1x16xf32>,
        %parallel_loop3A_582 = vector.shape_cast %parallel_loop3A_581 : vector<1x16xf32> to vector<16xf32>
        %parallel_loop3A_583 = vector.shape_cast %parallel_loop3A_578 : vector<16xf32> to vector<1x16xf32>
        tpu.vector_store %arg14[%parallel_loop3A_579, %parallel_loop3A_580], %parallel_loop3A_583 {strides = array<i32>} : memref<128x128xf32, #tpu.memory_space<vmem>>, vector<1x16xf32>,
        %parallel_loop3A_584 = arith.index_cast %parallel_loop3A_529 : i32 to index
        %parallel_loop3A_585 = arith.constant 80 : index
        %parallel_loop3A_586 = tpu.vector_load %arg14[%parallel_loop3A_584, %parallel_loop3A_585] {strides = array<i32>} : memref<128x128xf32, #tpu.memory_space<vmem>>, vector<1x16xf32>,
        %parallel_loop3A_587 = vector.shape_cast %parallel_loop3A_586 : vector<1x16xf32> to vector<16xf32>
        %parallel_loop3A_588 = arith.mulf %parallel_loop3A_587, %parallel_loop3A_533 : vector<16xf32>
        %parallel_loop3A_589 = arith.index_cast %parallel_loop3A_529 : i32 to index
        %parallel_loop3A_590 = arith.constant 80 : index
        %parallel_loop3A_591 = tpu.vector_load %arg14[%parallel_loop3A_589, %parallel_loop3A_590] {strides = array<i32>} : memref<128x128xf32, #tpu.memory_space<vmem>>, vector<1x16xf32>,
        %parallel_loop3A_592 = vector.shape_cast %parallel_loop3A_591 : vector<1x16xf32> to vector<16xf32>
        %parallel_loop3A_593 = vector.shape_cast %parallel_loop3A_588 : vector<16xf32> to vector<1x16xf32>
        tpu.vector_store %arg14[%parallel_loop3A_589, %parallel_loop3A_590], %parallel_loop3A_593 {strides = array<i32>} : memref<128x128xf32, #tpu.memory_space<vmem>>, vector<1x16xf32>,
        %parallel_loop3A_594 = arith.index_cast %parallel_loop3A_529 : i32 to index
        %parallel_loop3A_595 = arith.constant 96 : index
        %parallel_loop3A_596 = tpu.vector_load %arg14[%parallel_loop3A_594, %parallel_loop3A_595] {strides = array<i32>} : memref<128x128xf32, #tpu.memory_space<vmem>>, vector<1x16xf32>,
        %parallel_loop3A_597 = vector.shape_cast %parallel_loop3A_596 : vector<1x16xf32> to vector<16xf32>
        %parallel_loop3A_598 = arith.mulf %parallel_loop3A_597, %parallel_loop3A_533 : vector<16xf32>
        %parallel_loop3A_599 = arith.index_cast %parallel_loop3A_529 : i32 to index
        %parallel_loop3A_600 = arith.constant 96 : index
        %parallel_loop3A_601 = tpu.vector_load %arg14[%parallel_loop3A_599, %parallel_loop3A_600] {strides = array<i32>} : memref<128x128xf32, #tpu.memory_space<vmem>>, vector<1x16xf32>,
        %parallel_loop3A_602 = vector.shape_cast %parallel_loop3A_601 : vector<1x16xf32> to vector<16xf32>
        %parallel_loop3A_603 = vector.shape_cast %parallel_loop3A_598 : vector<16xf32> to vector<1x16xf32>
        tpu.vector_store %arg14[%parallel_loop3A_599, %parallel_loop3A_600], %parallel_loop3A_603 {strides = array<i32>} : memref<128x128xf32, #tpu.memory_space<vmem>>, vector<1x16xf32>,
        %parallel_loop3A_604 = arith.index_cast %parallel_loop3A_529 : i32 to index
        %parallel_loop3A_605 = arith.constant 112 : index
        %parallel_loop3A_606 = tpu.vector_load %arg14[%parallel_loop3A_604, %parallel_loop3A_605] {strides = array<i32>} : memref<128x128xf32, #tpu.memory_space<vmem>>, vector<1x16xf32>,
        %parallel_loop3A_607 = vector.shape_cast %parallel_loop3A_606 : vector<1x16xf32> to vector<16xf32>
        %parallel_loop3A_608 = arith.mulf %parallel_loop3A_607, %parallel_loop3A_533 : vector<16xf32>
        %parallel_loop3A_609 = arith.index_cast %parallel_loop3A_529 : i32 to index
        %parallel_loop3A_610 = arith.constant 112 : index
        %parallel_loop3A_611 = tpu.vector_load %arg14[%parallel_loop3A_609, %parallel_loop3A_610] {strides = array<i32>} : memref<128x128xf32, #tpu.memory_space<vmem>>, vector<1x16xf32>,
        %parallel_loop3A_612 = vector.shape_cast %parallel_loop3A_611 : vector<1x16xf32> to vector<16xf32>
        %parallel_loop3A_613 = vector.shape_cast %parallel_loop3A_608 : vector<16xf32> to vector<1x16xf32>
        tpu.vector_store %arg14[%parallel_loop3A_609, %parallel_loop3A_610], %parallel_loop3A_613 {strides = array<i32>} : memref<128x128xf32, #tpu.memory_space<vmem>>, vector<1x16xf32>,
        %parallel_loop3A_614 = arith.constant 16 : i32
        %parallel_loop3A_615 = arith.muli %parallel_loop3A_168, %parallel_loop3A_614 : i32
        %parallel_loop3A_616 = arith.constant 5 : i32
        %parallel_loop3A_617 = arith.addi %parallel_loop3A_615, %parallel_loop3A_616 : i32
        %parallel_loop3A_618 = arith.constant 5 : i32
        %parallel_loop3A_619 = vector.broadcast %parallel_loop3A_618 : i32 to vector<16x1xi32>
        %parallel_loop3A_620 = vector.shape_cast %parallel_loop3A_619 : vector<16x1xi32> to vector<16xi32>
        %parallel_loop3A_621 = tpu.dynamic_gather %parallel_loop3A_173[%parallel_loop3A_620] in [0] : vector<16xf32>, vector<16xi32> -> vector<16xf32>
        %parallel_loop3A_622 = arith.index_cast %parallel_loop3A_617 : i32 to index
        %parallel_loop3A_623 = arith.constant 0 : index
        %parallel_loop3A_624 = tpu.vector_load %arg14[%parallel_loop3A_622, %parallel_loop3A_623] {strides = array<i32>} : memref<128x128xf32, #tpu.memory_space<vmem>>, vector<1x16xf32>,
        %parallel_loop3A_625 = vector.shape_cast %parallel_loop3A_624 : vector<1x16xf32> to vector<16xf32>
        %parallel_loop3A_626 = arith.mulf %parallel_loop3A_625, %parallel_loop3A_621 : vector<16xf32>
        %parallel_loop3A_627 = arith.index_cast %parallel_loop3A_617 : i32 to index
        %parallel_loop3A_628 = arith.constant 0 : index
        %parallel_loop3A_629 = tpu.vector_load %arg14[%parallel_loop3A_627, %parallel_loop3A_628] {strides = array<i32>} : memref<128x128xf32, #tpu.memory_space<vmem>>, vector<1x16xf32>,
        %parallel_loop3A_630 = vector.shape_cast %parallel_loop3A_629 : vector<1x16xf32> to vector<16xf32>
        %parallel_loop3A_631 = vector.shape_cast %parallel_loop3A_626 : vector<16xf32> to vector<1x16xf32>
        tpu.vector_store %arg14[%parallel_loop3A_627, %parallel_loop3A_628], %parallel_loop3A_631 {strides = array<i32>} : memref<128x128xf32, #tpu.memory_space<vmem>>, vector<1x16xf32>,
        %parallel_loop3A_632 = arith.index_cast %parallel_loop3A_617 : i32 to index
        %parallel_loop3A_633 = arith.constant 16 : index
        %parallel_loop3A_634 = tpu.vector_load %arg14[%parallel_loop3A_632, %parallel_loop3A_633] {strides = array<i32>} : memref<128x128xf32, #tpu.memory_space<vmem>>, vector<1x16xf32>,
        %parallel_loop3A_635 = vector.shape_cast %parallel_loop3A_634 : vector<1x16xf32> to vector<16xf32>
        %parallel_loop3A_636 = arith.mulf %parallel_loop3A_635, %parallel_loop3A_621 : vector<16xf32>
        %parallel_loop3A_637 = arith.index_cast %parallel_loop3A_617 : i32 to index
        %parallel_loop3A_638 = arith.constant 16 : index
        %parallel_loop3A_639 = tpu.vector_load %arg14[%parallel_loop3A_637, %parallel_loop3A_638] {strides = array<i32>} : memref<128x128xf32, #tpu.memory_space<vmem>>, vector<1x16xf32>,
        %parallel_loop3A_640 = vector.shape_cast %parallel_loop3A_639 : vector<1x16xf32> to vector<16xf32>
        %parallel_loop3A_641 = vector.shape_cast %parallel_loop3A_636 : vector<16xf32> to vector<1x16xf32>
        tpu.vector_store %arg14[%parallel_loop3A_637, %parallel_loop3A_638], %parallel_loop3A_641 {strides = array<i32>} : memref<128x128xf32, #tpu.memory_space<vmem>>, vector<1x16xf32>,
        %parallel_loop3A_642 = arith.index_cast %parallel_loop3A_617 : i32 to index
        %parallel_loop3A_643 = arith.constant 32 : index
        %parallel_loop3A_644 = tpu.vector_load %arg14[%parallel_loop3A_642, %parallel_loop3A_643] {strides = array<i32>} : memref<128x128xf32, #tpu.memory_space<vmem>>, vector<1x16xf32>,
        %parallel_loop3A_645 = vector.shape_cast %parallel_loop3A_644 : vector<1x16xf32> to vector<16xf32>
        %parallel_loop3A_646 = arith.mulf %parallel_loop3A_645, %parallel_loop3A_621 : vector<16xf32>
        %parallel_loop3A_647 = arith.index_cast %parallel_loop3A_617 : i32 to index
        %parallel_loop3A_648 = arith.constant 32 : index
        %parallel_loop3A_649 = tpu.vector_load %arg14[%parallel_loop3A_647, %parallel_loop3A_648] {strides = array<i32>} : memref<128x128xf32, #tpu.memory_space<vmem>>, vector<1x16xf32>,
        %parallel_loop3A_650 = vector.shape_cast %parallel_loop3A_649 : vector<1x16xf32> to vector<16xf32>
        %parallel_loop3A_651 = vector.shape_cast %parallel_loop3A_646 : vector<16xf32> to vector<1x16xf32>
        tpu.vector_store %arg14[%parallel_loop3A_647, %parallel_loop3A_648], %parallel_loop3A_651 {strides = array<i32>} : memref<128x128xf32, #tpu.memory_space<vmem>>, vector<1x16xf32>,
        %parallel_loop3A_652 = arith.index_cast %parallel_loop3A_617 : i32 to index
        %parallel_loop3A_653 = arith.constant 48 : index
        %parallel_loop3A_654 = tpu.vector_load %arg14[%parallel_loop3A_652, %parallel_loop3A_653] {strides = array<i32>} : memref<128x128xf32, #tpu.memory_space<vmem>>, vector<1x16xf32>,
        %parallel_loop3A_655 = vector.shape_cast %parallel_loop3A_654 : vector<1x16xf32> to vector<16xf32>
        %parallel_loop3A_656 = arith.mulf %parallel_loop3A_655, %parallel_loop3A_621 : vector<16xf32>
        %parallel_loop3A_657 = arith.index_cast %parallel_loop3A_617 : i32 to index
        %parallel_loop3A_658 = arith.constant 48 : index
        %parallel_loop3A_659 = tpu.vector_load %arg14[%parallel_loop3A_657, %parallel_loop3A_658] {strides = array<i32>} : memref<128x128xf32, #tpu.memory_space<vmem>>, vector<1x16xf32>,
        %parallel_loop3A_660 = vector.shape_cast %parallel_loop3A_659 : vector<1x16xf32> to vector<16xf32>
        %parallel_loop3A_661 = vector.shape_cast %parallel_loop3A_656 : vector<16xf32> to vector<1x16xf32>
        tpu.vector_store %arg14[%parallel_loop3A_657, %parallel_loop3A_658], %parallel_loop3A_661 {strides = array<i32>} : memref<128x128xf32, #tpu.memory_space<vmem>>, vector<1x16xf32>,
        %parallel_loop3A_662 = arith.index_cast %parallel_loop3A_617 : i32 to index
        %parallel_loop3A_663 = arith.constant 64 : index
        %parallel_loop3A_664 = tpu.vector_load %arg14[%parallel_loop3A_662, %parallel_loop3A_663] {strides = array<i32>} : memref<128x128xf32, #tpu.memory_space<vmem>>, vector<1x16xf32>,
        %parallel_loop3A_665 = vector.shape_cast %parallel_loop3A_664 : vector<1x16xf32> to vector<16xf32>
        %parallel_loop3A_666 = arith.mulf %parallel_loop3A_665, %parallel_loop3A_621 : vector<16xf32>
        %parallel_loop3A_667 = arith.index_cast %parallel_loop3A_617 : i32 to index
        %parallel_loop3A_668 = arith.constant 64 : index
        %parallel_loop3A_669 = tpu.vector_load %arg14[%parallel_loop3A_667, %parallel_loop3A_668] {strides = array<i32>} : memref<128x128xf32, #tpu.memory_space<vmem>>, vector<1x16xf32>,
        %parallel_loop3A_670 = vector.shape_cast %parallel_loop3A_669 : vector<1x16xf32> to vector<16xf32>
        %parallel_loop3A_671 = vector.shape_cast %parallel_loop3A_666 : vector<16xf32> to vector<1x16xf32>
        tpu.vector_store %arg14[%parallel_loop3A_667, %parallel_loop3A_668], %parallel_loop3A_671 {strides = array<i32>} : memref<128x128xf32, #tpu.memory_space<vmem>>, vector<1x16xf32>,
        %parallel_loop3A_672 = arith.index_cast %parallel_loop3A_617 : i32 to index
        %parallel_loop3A_673 = arith.constant 80 : index
        %parallel_loop3A_674 = tpu.vector_load %arg14[%parallel_loop3A_672, %parallel_loop3A_673] {strides = array<i32>} : memref<128x128xf32, #tpu.memory_space<vmem>>, vector<1x16xf32>,
        %parallel_loop3A_675 = vector.shape_cast %parallel_loop3A_674 : vector<1x16xf32> to vector<16xf32>
        %parallel_loop3A_676 = arith.mulf %parallel_loop3A_675, %parallel_loop3A_621 : vector<16xf32>
        %parallel_loop3A_677 = arith.index_cast %parallel_loop3A_617 : i32 to index
        %parallel_loop3A_678 = arith.constant 80 : index
        %parallel_loop3A_679 = tpu.vector_load %arg14[%parallel_loop3A_677, %parallel_loop3A_678] {strides = array<i32>} : memref<128x128xf32, #tpu.memory_space<vmem>>, vector<1x16xf32>,
        %parallel_loop3A_680 = vector.shape_cast %parallel_loop3A_679 : vector<1x16xf32> to vector<16xf32>
        %parallel_loop3A_681 = vector.shape_cast %parallel_loop3A_676 : vector<16xf32> to vector<1x16xf32>
        tpu.vector_store %arg14[%parallel_loop3A_677, %parallel_loop3A_678], %parallel_loop3A_681 {strides = array<i32>} : memref<128x128xf32, #tpu.memory_space<vmem>>, vector<1x16xf32>,
        %parallel_loop3A_682 = arith.index_cast %parallel_loop3A_617 : i32 to index
        %parallel_loop3A_683 = arith.constant 96 : index
        %parallel_loop3A_684 = tpu.vector_load %arg14[%parallel_loop3A_682, %parallel_loop3A_683] {strides = array<i32>} : memref<128x128xf32, #tpu.memory_space<vmem>>, vector<1x16xf32>,
        %parallel_loop3A_685 = vector.shape_cast %parallel_loop3A_684 : vector<1x16xf32> to vector<16xf32>
        %parallel_loop3A_686 = arith.mulf %parallel_loop3A_685, %parallel_loop3A_621 : vector<16xf32>
        %parallel_loop3A_687 = arith.index_cast %parallel_loop3A_617 : i32 to index
        %parallel_loop3A_688 = arith.constant 96 : index
        %parallel_loop3A_689 = tpu.vector_load %arg14[%parallel_loop3A_687, %parallel_loop3A_688] {strides = array<i32>} : memref<128x128xf32, #tpu.memory_space<vmem>>, vector<1x16xf32>,
        %parallel_loop3A_690 = vector.shape_cast %parallel_loop3A_689 : vector<1x16xf32> to vector<16xf32>
        %parallel_loop3A_691 = vector.shape_cast %parallel_loop3A_686 : vector<16xf32> to vector<1x16xf32>
        tpu.vector_store %arg14[%parallel_loop3A_687, %parallel_loop3A_688], %parallel_loop3A_691 {strides = array<i32>} : memref<128x128xf32, #tpu.memory_space<vmem>>, vector<1x16xf32>,
        %parallel_loop3A_692 = arith.index_cast %parallel_loop3A_617 : i32 to index
        %parallel_loop3A_693 = arith.constant 112 : index
        %parallel_loop3A_694 = tpu.vector_load %arg14[%parallel_loop3A_692, %parallel_loop3A_693] {strides = array<i32>} : memref<128x128xf32, #tpu.memory_space<vmem>>, vector<1x16xf32>,
        %parallel_loop3A_695 = vector.shape_cast %parallel_loop3A_694 : vector<1x16xf32> to vector<16xf32>
        %parallel_loop3A_696 = arith.mulf %parallel_loop3A_695, %parallel_loop3A_621 : vector<16xf32>
        %parallel_loop3A_697 = arith.index_cast %parallel_loop3A_617 : i32 to index
        %parallel_loop3A_698 = arith.constant 112 : index
        %parallel_loop3A_699 = tpu.vector_load %arg14[%parallel_loop3A_697, %parallel_loop3A_698] {strides = array<i32>} : memref<128x128xf32, #tpu.memory_space<vmem>>, vector<1x16xf32>,
        %parallel_loop3A_700 = vector.shape_cast %parallel_loop3A_699 : vector<1x16xf32> to vector<16xf32>
        %parallel_loop3A_701 = vector.shape_cast %parallel_loop3A_696 : vector<16xf32> to vector<1x16xf32>
        tpu.vector_store %arg14[%parallel_loop3A_697, %parallel_loop3A_698], %parallel_loop3A_701 {strides = array<i32>} : memref<128x128xf32, #tpu.memory_space<vmem>>, vector<1x16xf32>,
        %parallel_loop3A_702 = arith.constant 16 : i32
        %parallel_loop3A_703 = arith.muli %parallel_loop3A_168, %parallel_loop3A_702 : i32
        %parallel_loop3A_704 = arith.constant 6 : i32
        %parallel_loop3A_705 = arith.addi %parallel_loop3A_703, %parallel_loop3A_704 : i32
        %parallel_loop3A_706 = arith.constant 6 : i32
        %parallel_loop3A_707 = vector.broadcast %parallel_loop3A_706 : i32 to vector<16x1xi32>
        %parallel_loop3A_708 = vector.shape_cast %parallel_loop3A_707 : vector<16x1xi32> to vector<16xi32>
        %parallel_loop3A_709 = tpu.dynamic_gather %parallel_loop3A_173[%parallel_loop3A_708] in [0] : vector<16xf32>, vector<16xi32> -> vector<16xf32>
        %parallel_loop3A_710 = arith.index_cast %parallel_loop3A_705 : i32 to index
        %parallel_loop3A_711 = arith.constant 0 : index
        %parallel_loop3A_712 = tpu.vector_load %arg14[%parallel_loop3A_710, %parallel_loop3A_711] {strides = array<i32>} : memref<128x128xf32, #tpu.memory_space<vmem>>, vector<1x16xf32>,
        %parallel_loop3A_713 = vector.shape_cast %parallel_loop3A_712 : vector<1x16xf32> to vector<16xf32>
        %parallel_loop3A_714 = arith.mulf %parallel_loop3A_713, %parallel_loop3A_709 : vector<16xf32>
        %parallel_loop3A_715 = arith.index_cast %parallel_loop3A_705 : i32 to index
        %parallel_loop3A_716 = arith.constant 0 : index
        %parallel_loop3A_717 = tpu.vector_load %arg14[%parallel_loop3A_715, %parallel_loop3A_716] {strides = array<i32>} : memref<128x128xf32, #tpu.memory_space<vmem>>, vector<1x16xf32>,
        %parallel_loop3A_718 = vector.shape_cast %parallel_loop3A_717 : vector<1x16xf32> to vector<16xf32>
        %parallel_loop3A_719 = vector.shape_cast %parallel_loop3A_714 : vector<16xf32> to vector<1x16xf32>
        tpu.vector_store %arg14[%parallel_loop3A_715, %parallel_loop3A_716], %parallel_loop3A_719 {strides = array<i32>} : memref<128x128xf32, #tpu.memory_space<vmem>>, vector<1x16xf32>,
        %parallel_loop3A_720 = arith.index_cast %parallel_loop3A_705 : i32 to index
        %parallel_loop3A_721 = arith.constant 16 : index
        %parallel_loop3A_722 = tpu.vector_load %arg14[%parallel_loop3A_720, %parallel_loop3A_721] {strides = array<i32>} : memref<128x128xf32, #tpu.memory_space<vmem>>, vector<1x16xf32>,
        %parallel_loop3A_723 = vector.shape_cast %parallel_loop3A_722 : vector<1x16xf32> to vector<16xf32>
        %parallel_loop3A_724 = arith.mulf %parallel_loop3A_723, %parallel_loop3A_709 : vector<16xf32>
        %parallel_loop3A_725 = arith.index_cast %parallel_loop3A_705 : i32 to index
        %parallel_loop3A_726 = arith.constant 16 : index
        %parallel_loop3A_727 = tpu.vector_load %arg14[%parallel_loop3A_725, %parallel_loop3A_726] {strides = array<i32>} : memref<128x128xf32, #tpu.memory_space<vmem>>, vector<1x16xf32>,
        %parallel_loop3A_728 = vector.shape_cast %parallel_loop3A_727 : vector<1x16xf32> to vector<16xf32>
        %parallel_loop3A_729 = vector.shape_cast %parallel_loop3A_724 : vector<16xf32> to vector<1x16xf32>
        tpu.vector_store %arg14[%parallel_loop3A_725, %parallel_loop3A_726], %parallel_loop3A_729 {strides = array<i32>} : memref<128x128xf32, #tpu.memory_space<vmem>>, vector<1x16xf32>,
        %parallel_loop3A_730 = arith.index_cast %parallel_loop3A_705 : i32 to index
        %parallel_loop3A_731 = arith.constant 32 : index
        %parallel_loop3A_732 = tpu.vector_load %arg14[%parallel_loop3A_730, %parallel_loop3A_731] {strides = array<i32>} : memref<128x128xf32, #tpu.memory_space<vmem>>, vector<1x16xf32>,
        %parallel_loop3A_733 = vector.shape_cast %parallel_loop3A_732 : vector<1x16xf32> to vector<16xf32>
        %parallel_loop3A_734 = arith.mulf %parallel_loop3A_733, %parallel_loop3A_709 : vector<16xf32>
        %parallel_loop3A_735 = arith.index_cast %parallel_loop3A_705 : i32 to index
        %parallel_loop3A_736 = arith.constant 32 : index
        %parallel_loop3A_737 = tpu.vector_load %arg14[%parallel_loop3A_735, %parallel_loop3A_736] {strides = array<i32>} : memref<128x128xf32, #tpu.memory_space<vmem>>, vector<1x16xf32>,
        %parallel_loop3A_738 = vector.shape_cast %parallel_loop3A_737 : vector<1x16xf32> to vector<16xf32>
        %parallel_loop3A_739 = vector.shape_cast %parallel_loop3A_734 : vector<16xf32> to vector<1x16xf32>
        tpu.vector_store %arg14[%parallel_loop3A_735, %parallel_loop3A_736], %parallel_loop3A_739 {strides = array<i32>} : memref<128x128xf32, #tpu.memory_space<vmem>>, vector<1x16xf32>,
        %parallel_loop3A_740 = arith.index_cast %parallel_loop3A_705 : i32 to index
        %parallel_loop3A_741 = arith.constant 48 : index
        %parallel_loop3A_742 = tpu.vector_load %arg14[%parallel_loop3A_740, %parallel_loop3A_741] {strides = array<i32>} : memref<128x128xf32, #tpu.memory_space<vmem>>, vector<1x16xf32>,
        %parallel_loop3A_743 = vector.shape_cast %parallel_loop3A_742 : vector<1x16xf32> to vector<16xf32>
        %parallel_loop3A_744 = arith.mulf %parallel_loop3A_743, %parallel_loop3A_709 : vector<16xf32>
        %parallel_loop3A_745 = arith.index_cast %parallel_loop3A_705 : i32 to index
        %parallel_loop3A_746 = arith.constant 48 : index
        %parallel_loop3A_747 = tpu.vector_load %arg14[%parallel_loop3A_745, %parallel_loop3A_746] {strides = array<i32>} : memref<128x128xf32, #tpu.memory_space<vmem>>, vector<1x16xf32>,
        %parallel_loop3A_748 = vector.shape_cast %parallel_loop3A_747 : vector<1x16xf32> to vector<16xf32>
        %parallel_loop3A_749 = vector.shape_cast %parallel_loop3A_744 : vector<16xf32> to vector<1x16xf32>
        tpu.vector_store %arg14[%parallel_loop3A_745, %parallel_loop3A_746], %parallel_loop3A_749 {strides = array<i32>} : memref<128x128xf32, #tpu.memory_space<vmem>>, vector<1x16xf32>,
        %parallel_loop3A_750 = arith.index_cast %parallel_loop3A_705 : i32 to index
        %parallel_loop3A_751 = arith.constant 64 : index
        %parallel_loop3A_752 = tpu.vector_load %arg14[%parallel_loop3A_750, %parallel_loop3A_751] {strides = array<i32>} : memref<128x128xf32, #tpu.memory_space<vmem>>, vector<1x16xf32>,
        %parallel_loop3A_753 = vector.shape_cast %parallel_loop3A_752 : vector<1x16xf32> to vector<16xf32>
        %parallel_loop3A_754 = arith.mulf %parallel_loop3A_753, %parallel_loop3A_709 : vector<16xf32>
        %parallel_loop3A_755 = arith.index_cast %parallel_loop3A_705 : i32 to index
        %parallel_loop3A_756 = arith.constant 64 : index
        %parallel_loop3A_757 = tpu.vector_load %arg14[%parallel_loop3A_755, %parallel_loop3A_756] {strides = array<i32>} : memref<128x128xf32, #tpu.memory_space<vmem>>, vector<1x16xf32>,
        %parallel_loop3A_758 = vector.shape_cast %parallel_loop3A_757 : vector<1x16xf32> to vector<16xf32>
        %parallel_loop3A_759 = vector.shape_cast %parallel_loop3A_754 : vector<16xf32> to vector<1x16xf32>
        tpu.vector_store %arg14[%parallel_loop3A_755, %parallel_loop3A_756], %parallel_loop3A_759 {strides = array<i32>} : memref<128x128xf32, #tpu.memory_space<vmem>>, vector<1x16xf32>,
        %parallel_loop3A_760 = arith.index_cast %parallel_loop3A_705 : i32 to index
        %parallel_loop3A_761 = arith.constant 80 : index
        %parallel_loop3A_762 = tpu.vector_load %arg14[%parallel_loop3A_760, %parallel_loop3A_761] {strides = array<i32>} : memref<128x128xf32, #tpu.memory_space<vmem>>, vector<1x16xf32>,
        %parallel_loop3A_763 = vector.shape_cast %parallel_loop3A_762 : vector<1x16xf32> to vector<16xf32>
        %parallel_loop3A_764 = arith.mulf %parallel_loop3A_763, %parallel_loop3A_709 : vector<16xf32>
        %parallel_loop3A_765 = arith.index_cast %parallel_loop3A_705 : i32 to index
        %parallel_loop3A_766 = arith.constant 80 : index
        %parallel_loop3A_767 = tpu.vector_load %arg14[%parallel_loop3A_765, %parallel_loop3A_766] {strides = array<i32>} : memref<128x128xf32, #tpu.memory_space<vmem>>, vector<1x16xf32>,
        %parallel_loop3A_768 = vector.shape_cast %parallel_loop3A_767 : vector<1x16xf32> to vector<16xf32>
        %parallel_loop3A_769 = vector.shape_cast %parallel_loop3A_764 : vector<16xf32> to vector<1x16xf32>
        tpu.vector_store %arg14[%parallel_loop3A_765, %parallel_loop3A_766], %parallel_loop3A_769 {strides = array<i32>} : memref<128x128xf32, #tpu.memory_space<vmem>>, vector<1x16xf32>,
        %parallel_loop3A_770 = arith.index_cast %parallel_loop3A_705 : i32 to index
        %parallel_loop3A_771 = arith.constant 96 : index
        %parallel_loop3A_772 = tpu.vector_load %arg14[%parallel_loop3A_770, %parallel_loop3A_771] {strides = array<i32>} : memref<128x128xf32, #tpu.memory_space<vmem>>, vector<1x16xf32>,
        %parallel_loop3A_773 = vector.shape_cast %parallel_loop3A_772 : vector<1x16xf32> to vector<16xf32>
        %parallel_loop3A_774 = arith.mulf %parallel_loop3A_773, %parallel_loop3A_709 : vector<16xf32>
        %parallel_loop3A_775 = arith.index_cast %parallel_loop3A_705 : i32 to index
        %parallel_loop3A_776 = arith.constant 96 : index
        %parallel_loop3A_777 = tpu.vector_load %arg14[%parallel_loop3A_775, %parallel_loop3A_776] {strides = array<i32>} : memref<128x128xf32, #tpu.memory_space<vmem>>, vector<1x16xf32>,
        %parallel_loop3A_778 = vector.shape_cast %parallel_loop3A_777 : vector<1x16xf32> to vector<16xf32>
        %parallel_loop3A_779 = vector.shape_cast %parallel_loop3A_774 : vector<16xf32> to vector<1x16xf32>
        tpu.vector_store %arg14[%parallel_loop3A_775, %parallel_loop3A_776], %parallel_loop3A_779 {strides = array<i32>} : memref<128x128xf32, #tpu.memory_space<vmem>>, vector<1x16xf32>,
        %parallel_loop3A_780 = arith.index_cast %parallel_loop3A_705 : i32 to index
        %parallel_loop3A_781 = arith.constant 112 : index
        %parallel_loop3A_782 = tpu.vector_load %arg14[%parallel_loop3A_780, %parallel_loop3A_781] {strides = array<i32>} : memref<128x128xf32, #tpu.memory_space<vmem>>, vector<1x16xf32>,
        %parallel_loop3A_783 = vector.shape_cast %parallel_loop3A_782 : vector<1x16xf32> to vector<16xf32>
        %parallel_loop3A_784 = arith.mulf %parallel_loop3A_783, %parallel_loop3A_709 : vector<16xf32>
        %parallel_loop3A_785 = arith.index_cast %parallel_loop3A_705 : i32 to index
        %parallel_loop3A_786 = arith.constant 112 : index
        %parallel_loop3A_787 = tpu.vector_load %arg14[%parallel_loop3A_785, %parallel_loop3A_786] {strides = array<i32>} : memref<128x128xf32, #tpu.memory_space<vmem>>, vector<1x16xf32>,
        %parallel_loop3A_788 = vector.shape_cast %parallel_loop3A_787 : vector<1x16xf32> to vector<16xf32>
        %parallel_loop3A_789 = vector.shape_cast %parallel_loop3A_784 : vector<16xf32> to vector<1x16xf32>
        tpu.vector_store %arg14[%parallel_loop3A_785, %parallel_loop3A_786], %parallel_loop3A_789 {strides = array<i32>} : memref<128x128xf32, #tpu.memory_space<vmem>>, vector<1x16xf32>,
        %parallel_loop3A_790 = arith.constant 16 : i32
        %parallel_loop3A_791 = arith.muli %parallel_loop3A_168, %parallel_loop3A_790 : i32
        %parallel_loop3A_792 = arith.constant 7 : i32
        %parallel_loop3A_793 = arith.addi %parallel_loop3A_791, %parallel_loop3A_792 : i32
        %parallel_loop3A_794 = arith.constant 7 : i32
        %parallel_loop3A_795 = vector.broadcast %parallel_loop3A_794 : i32 to vector<16x1xi32>
        %parallel_loop3A_796 = vector.shape_cast %parallel_loop3A_795 : vector<16x1xi32> to vector<16xi32>
        %parallel_loop3A_797 = tpu.dynamic_gather %parallel_loop3A_173[%parallel_loop3A_796] in [0] : vector<16xf32>, vector<16xi32> -> vector<16xf32>
        %parallel_loop3A_798 = arith.index_cast %parallel_loop3A_793 : i32 to index
        %parallel_loop3A_799 = arith.constant 0 : index
        %parallel_loop3A_800 = tpu.vector_load %arg14[%parallel_loop3A_798, %parallel_loop3A_799] {strides = array<i32>} : memref<128x128xf32, #tpu.memory_space<vmem>>, vector<1x16xf32>,
        %parallel_loop3A_801 = vector.shape_cast %parallel_loop3A_800 : vector<1x16xf32> to vector<16xf32>
        %parallel_loop3A_802 = arith.mulf %parallel_loop3A_801, %parallel_loop3A_797 : vector<16xf32>
        %parallel_loop3A_803 = arith.index_cast %parallel_loop3A_793 : i32 to index
        %parallel_loop3A_804 = arith.constant 0 : index
        %parallel_loop3A_805 = tpu.vector_load %arg14[%parallel_loop3A_803, %parallel_loop3A_804] {strides = array<i32>} : memref<128x128xf32, #tpu.memory_space<vmem>>, vector<1x16xf32>,
        %parallel_loop3A_806 = vector.shape_cast %parallel_loop3A_805 : vector<1x16xf32> to vector<16xf32>
        %parallel_loop3A_807 = vector.shape_cast %parallel_loop3A_802 : vector<16xf32> to vector<1x16xf32>
        tpu.vector_store %arg14[%parallel_loop3A_803, %parallel_loop3A_804], %parallel_loop3A_807 {strides = array<i32>} : memref<128x128xf32, #tpu.memory_space<vmem>>, vector<1x16xf32>,
        %parallel_loop3A_808 = arith.index_cast %parallel_loop3A_793 : i32 to index
        %parallel_loop3A_809 = arith.constant 16 : index
        %parallel_loop3A_810 = tpu.vector_load %arg14[%parallel_loop3A_808, %parallel_loop3A_809] {strides = array<i32>} : memref<128x128xf32, #tpu.memory_space<vmem>>, vector<1x16xf32>,
        %parallel_loop3A_811 = vector.shape_cast %parallel_loop3A_810 : vector<1x16xf32> to vector<16xf32>
        %parallel_loop3A_812 = arith.mulf %parallel_loop3A_811, %parallel_loop3A_797 : vector<16xf32>
        %parallel_loop3A_813 = arith.index_cast %parallel_loop3A_793 : i32 to index
        %parallel_loop3A_814 = arith.constant 16 : index
        %parallel_loop3A_815 = tpu.vector_load %arg14[%parallel_loop3A_813, %parallel_loop3A_814] {strides = array<i32>} : memref<128x128xf32, #tpu.memory_space<vmem>>, vector<1x16xf32>,
        %parallel_loop3A_816 = vector.shape_cast %parallel_loop3A_815 : vector<1x16xf32> to vector<16xf32>
        %parallel_loop3A_817 = vector.shape_cast %parallel_loop3A_812 : vector<16xf32> to vector<1x16xf32>
        tpu.vector_store %arg14[%parallel_loop3A_813, %parallel_loop3A_814], %parallel_loop3A_817 {strides = array<i32>} : memref<128x128xf32, #tpu.memory_space<vmem>>, vector<1x16xf32>,
        %parallel_loop3A_818 = arith.index_cast %parallel_loop3A_793 : i32 to index
        %parallel_loop3A_819 = arith.constant 32 : index
        %parallel_loop3A_820 = tpu.vector_load %arg14[%parallel_loop3A_818, %parallel_loop3A_819] {strides = array<i32>} : memref<128x128xf32, #tpu.memory_space<vmem>>, vector<1x16xf32>,
        %parallel_loop3A_821 = vector.shape_cast %parallel_loop3A_820 : vector<1x16xf32> to vector<16xf32>
        %parallel_loop3A_822 = arith.mulf %parallel_loop3A_821, %parallel_loop3A_797 : vector<16xf32>
        %parallel_loop3A_823 = arith.index_cast %parallel_loop3A_793 : i32 to index
        %parallel_loop3A_824 = arith.constant 32 : index
        %parallel_loop3A_825 = tpu.vector_load %arg14[%parallel_loop3A_823, %parallel_loop3A_824] {strides = array<i32>} : memref<128x128xf32, #tpu.memory_space<vmem>>, vector<1x16xf32>,
        %parallel_loop3A_826 = vector.shape_cast %parallel_loop3A_825 : vector<1x16xf32> to vector<16xf32>
        %parallel_loop3A_827 = vector.shape_cast %parallel_loop3A_822 : vector<16xf32> to vector<1x16xf32>
        tpu.vector_store %arg14[%parallel_loop3A_823, %parallel_loop3A_824], %parallel_loop3A_827 {strides = array<i32>} : memref<128x128xf32, #tpu.memory_space<vmem>>, vector<1x16xf32>,
        %parallel_loop3A_828 = arith.index_cast %parallel_loop3A_793 : i32 to index
        %parallel_loop3A_829 = arith.constant 48 : index
        %parallel_loop3A_830 = tpu.vector_load %arg14[%parallel_loop3A_828, %parallel_loop3A_829] {strides = array<i32>} : memref<128x128xf32, #tpu.memory_space<vmem>>, vector<1x16xf32>,
        %parallel_loop3A_831 = vector.shape_cast %parallel_loop3A_830 : vector<1x16xf32> to vector<16xf32>
        %parallel_loop3A_832 = arith.mulf %parallel_loop3A_831, %parallel_loop3A_797 : vector<16xf32>
        %parallel_loop3A_833 = arith.index_cast %parallel_loop3A_793 : i32 to index
        %parallel_loop3A_834 = arith.constant 48 : index
        %parallel_loop3A_835 = tpu.vector_load %arg14[%parallel_loop3A_833, %parallel_loop3A_834] {strides = array<i32>} : memref<128x128xf32, #tpu.memory_space<vmem>>, vector<1x16xf32>,
        %parallel_loop3A_836 = vector.shape_cast %parallel_loop3A_835 : vector<1x16xf32> to vector<16xf32>
        %parallel_loop3A_837 = vector.shape_cast %parallel_loop3A_832 : vector<16xf32> to vector<1x16xf32>
        tpu.vector_store %arg14[%parallel_loop3A_833, %parallel_loop3A_834], %parallel_loop3A_837 {strides = array<i32>} : memref<128x128xf32, #tpu.memory_space<vmem>>, vector<1x16xf32>,
        %parallel_loop3A_838 = arith.index_cast %parallel_loop3A_793 : i32 to index
        %parallel_loop3A_839 = arith.constant 64 : index
        %parallel_loop3A_840 = tpu.vector_load %arg14[%parallel_loop3A_838, %parallel_loop3A_839] {strides = array<i32>} : memref<128x128xf32, #tpu.memory_space<vmem>>, vector<1x16xf32>,
        %parallel_loop3A_841 = vector.shape_cast %parallel_loop3A_840 : vector<1x16xf32> to vector<16xf32>
        %parallel_loop3A_842 = arith.mulf %parallel_loop3A_841, %parallel_loop3A_797 : vector<16xf32>
        %parallel_loop3A_843 = arith.index_cast %parallel_loop3A_793 : i32 to index
        %parallel_loop3A_844 = arith.constant 64 : index
        %parallel_loop3A_845 = tpu.vector_load %arg14[%parallel_loop3A_843, %parallel_loop3A_844] {strides = array<i32>} : memref<128x128xf32, #tpu.memory_space<vmem>>, vector<1x16xf32>,
        %parallel_loop3A_846 = vector.shape_cast %parallel_loop3A_845 : vector<1x16xf32> to vector<16xf32>
        %parallel_loop3A_847 = vector.shape_cast %parallel_loop3A_842 : vector<16xf32> to vector<1x16xf32>
        tpu.vector_store %arg14[%parallel_loop3A_843, %parallel_loop3A_844], %parallel_loop3A_847 {strides = array<i32>} : memref<128x128xf32, #tpu.memory_space<vmem>>, vector<1x16xf32>,
        %parallel_loop3A_848 = arith.index_cast %parallel_loop3A_793 : i32 to index
        %parallel_loop3A_849 = arith.constant 80 : index
        %parallel_loop3A_850 = tpu.vector_load %arg14[%parallel_loop3A_848, %parallel_loop3A_849] {strides = array<i32>} : memref<128x128xf32, #tpu.memory_space<vmem>>, vector<1x16xf32>,
        %parallel_loop3A_851 = vector.shape_cast %parallel_loop3A_850 : vector<1x16xf32> to vector<16xf32>
        %parallel_loop3A_852 = arith.mulf %parallel_loop3A_851, %parallel_loop3A_797 : vector<16xf32>
        %parallel_loop3A_853 = arith.index_cast %parallel_loop3A_793 : i32 to index
        %parallel_loop3A_854 = arith.constant 80 : index
        %parallel_loop3A_855 = tpu.vector_load %arg14[%parallel_loop3A_853, %parallel_loop3A_854] {strides = array<i32>} : memref<128x128xf32, #tpu.memory_space<vmem>>, vector<1x16xf32>,
        %parallel_loop3A_856 = vector.shape_cast %parallel_loop3A_855 : vector<1x16xf32> to vector<16xf32>
        %parallel_loop3A_857 = vector.shape_cast %parallel_loop3A_852 : vector<16xf32> to vector<1x16xf32>
        tpu.vector_store %arg14[%parallel_loop3A_853, %parallel_loop3A_854], %parallel_loop3A_857 {strides = array<i32>} : memref<128x128xf32, #tpu.memory_space<vmem>>, vector<1x16xf32>,
        %parallel_loop3A_858 = arith.index_cast %parallel_loop3A_793 : i32 to index
        %parallel_loop3A_859 = arith.constant 96 : index
        %parallel_loop3A_860 = tpu.vector_load %arg14[%parallel_loop3A_858, %parallel_loop3A_859] {strides = array<i32>} : memref<128x128xf32, #tpu.memory_space<vmem>>, vector<1x16xf32>,
        %parallel_loop3A_861 = vector.shape_cast %parallel_loop3A_860 : vector<1x16xf32> to vector<16xf32>
        %parallel_loop3A_862 = arith.mulf %parallel_loop3A_861, %parallel_loop3A_797 : vector<16xf32>
        %parallel_loop3A_863 = arith.index_cast %parallel_loop3A_793 : i32 to index
        %parallel_loop3A_864 = arith.constant 96 : index
        %parallel_loop3A_865 = tpu.vector_load %arg14[%parallel_loop3A_863, %parallel_loop3A_864] {strides = array<i32>} : memref<128x128xf32, #tpu.memory_space<vmem>>, vector<1x16xf32>,
        %parallel_loop3A_866 = vector.shape_cast %parallel_loop3A_865 : vector<1x16xf32> to vector<16xf32>
        %parallel_loop3A_867 = vector.shape_cast %parallel_loop3A_862 : vector<16xf32> to vector<1x16xf32>
        tpu.vector_store %arg14[%parallel_loop3A_863, %parallel_loop3A_864], %parallel_loop3A_867 {strides = array<i32>} : memref<128x128xf32, #tpu.memory_space<vmem>>, vector<1x16xf32>,
        %parallel_loop3A_868 = arith.index_cast %parallel_loop3A_793 : i32 to index
        %parallel_loop3A_869 = arith.constant 112 : index
        %parallel_loop3A_870 = tpu.vector_load %arg14[%parallel_loop3A_868, %parallel_loop3A_869] {strides = array<i32>} : memref<128x128xf32, #tpu.memory_space<vmem>>, vector<1x16xf32>,
        %parallel_loop3A_871 = vector.shape_cast %parallel_loop3A_870 : vector<1x16xf32> to vector<16xf32>
        %parallel_loop3A_872 = arith.mulf %parallel_loop3A_871, %parallel_loop3A_797 : vector<16xf32>
        %parallel_loop3A_873 = arith.index_cast %parallel_loop3A_793 : i32 to index
        %parallel_loop3A_874 = arith.constant 112 : index
        %parallel_loop3A_875 = tpu.vector_load %arg14[%parallel_loop3A_873, %parallel_loop3A_874] {strides = array<i32>} : memref<128x128xf32, #tpu.memory_space<vmem>>, vector<1x16xf32>,
        %parallel_loop3A_876 = vector.shape_cast %parallel_loop3A_875 : vector<1x16xf32> to vector<16xf32>
        %parallel_loop3A_877 = vector.shape_cast %parallel_loop3A_872 : vector<16xf32> to vector<1x16xf32>
        tpu.vector_store %arg14[%parallel_loop3A_873, %parallel_loop3A_874], %parallel_loop3A_877 {strides = array<i32>} : memref<128x128xf32, #tpu.memory_space<vmem>>, vector<1x16xf32>,
        %parallel_loop3A_878 = arith.constant 16 : i32
        %parallel_loop3A_879 = arith.muli %parallel_loop3A_168, %parallel_loop3A_878 : i32
        %parallel_loop3A_880 = arith.constant 8 : i32
        %parallel_loop3A_881 = arith.addi %parallel_loop3A_879, %parallel_loop3A_880 : i32
        %parallel_loop3A_882 = arith.constant 8 : i32
        %parallel_loop3A_883 = vector.broadcast %parallel_loop3A_882 : i32 to vector<16x1xi32>
        %parallel_loop3A_884 = vector.shape_cast %parallel_loop3A_883 : vector<16x1xi32> to vector<16xi32>
        %parallel_loop3A_885 = tpu.dynamic_gather %parallel_loop3A_173[%parallel_loop3A_884] in [0] : vector<16xf32>, vector<16xi32> -> vector<16xf32>
        %parallel_loop3A_886 = arith.index_cast %parallel_loop3A_881 : i32 to index
        %parallel_loop3A_887 = arith.constant 0 : index
        %parallel_loop3A_888 = tpu.vector_load %arg14[%parallel_loop3A_886, %parallel_loop3A_887] {strides = array<i32>} : memref<128x128xf32, #tpu.memory_space<vmem>>, vector<1x16xf32>,
        %parallel_loop3A_889 = vector.shape_cast %parallel_loop3A_888 : vector<1x16xf32> to vector<16xf32>
        %parallel_loop3A_890 = arith.mulf %parallel_loop3A_889, %parallel_loop3A_885 : vector<16xf32>
        %parallel_loop3A_891 = arith.index_cast %parallel_loop3A_881 : i32 to index
        %parallel_loop3A_892 = arith.constant 0 : index
        %parallel_loop3A_893 = tpu.vector_load %arg14[%parallel_loop3A_891, %parallel_loop3A_892] {strides = array<i32>} : memref<128x128xf32, #tpu.memory_space<vmem>>, vector<1x16xf32>,
        %parallel_loop3A_894 = vector.shape_cast %parallel_loop3A_893 : vector<1x16xf32> to vector<16xf32>
        %parallel_loop3A_895 = vector.shape_cast %parallel_loop3A_890 : vector<16xf32> to vector<1x16xf32>
        tpu.vector_store %arg14[%parallel_loop3A_891, %parallel_loop3A_892], %parallel_loop3A_895 {strides = array<i32>} : memref<128x128xf32, #tpu.memory_space<vmem>>, vector<1x16xf32>,
        %parallel_loop3A_896 = arith.index_cast %parallel_loop3A_881 : i32 to index
        %parallel_loop3A_897 = arith.constant 16 : index
        %parallel_loop3A_898 = tpu.vector_load %arg14[%parallel_loop3A_896, %parallel_loop3A_897] {strides = array<i32>} : memref<128x128xf32, #tpu.memory_space<vmem>>, vector<1x16xf32>,
        %parallel_loop3A_899 = vector.shape_cast %parallel_loop3A_898 : vector<1x16xf32> to vector<16xf32>
        %parallel_loop3A_900 = arith.mulf %parallel_loop3A_899, %parallel_loop3A_885 : vector<16xf32>
        %parallel_loop3A_901 = arith.index_cast %parallel_loop3A_881 : i32 to index
        %parallel_loop3A_902 = arith.constant 16 : index
        %parallel_loop3A_903 = tpu.vector_load %arg14[%parallel_loop3A_901, %parallel_loop3A_902] {strides = array<i32>} : memref<128x128xf32, #tpu.memory_space<vmem>>, vector<1x16xf32>,
        %parallel_loop3A_904 = vector.shape_cast %parallel_loop3A_903 : vector<1x16xf32> to vector<16xf32>
        %parallel_loop3A_905 = vector.shape_cast %parallel_loop3A_900 : vector<16xf32> to vector<1x16xf32>
        tpu.vector_store %arg14[%parallel_loop3A_901, %parallel_loop3A_902], %parallel_loop3A_905 {strides = array<i32>} : memref<128x128xf32, #tpu.memory_space<vmem>>, vector<1x16xf32>,
        %parallel_loop3A_906 = arith.index_cast %parallel_loop3A_881 : i32 to index
        %parallel_loop3A_907 = arith.constant 32 : index
        %parallel_loop3A_908 = tpu.vector_load %arg14[%parallel_loop3A_906, %parallel_loop3A_907] {strides = array<i32>} : memref<128x128xf32, #tpu.memory_space<vmem>>, vector<1x16xf32>,
        %parallel_loop3A_909 = vector.shape_cast %parallel_loop3A_908 : vector<1x16xf32> to vector<16xf32>
        %parallel_loop3A_910 = arith.mulf %parallel_loop3A_909, %parallel_loop3A_885 : vector<16xf32>
        %parallel_loop3A_911 = arith.index_cast %parallel_loop3A_881 : i32 to index
        %parallel_loop3A_912 = arith.constant 32 : index
        %parallel_loop3A_913 = tpu.vector_load %arg14[%parallel_loop3A_911, %parallel_loop3A_912] {strides = array<i32>} : memref<128x128xf32, #tpu.memory_space<vmem>>, vector<1x16xf32>,
        %parallel_loop3A_914 = vector.shape_cast %parallel_loop3A_913 : vector<1x16xf32> to vector<16xf32>
        %parallel_loop3A_915 = vector.shape_cast %parallel_loop3A_910 : vector<16xf32> to vector<1x16xf32>
        tpu.vector_store %arg14[%parallel_loop3A_911, %parallel_loop3A_912], %parallel_loop3A_915 {strides = array<i32>} : memref<128x128xf32, #tpu.memory_space<vmem>>, vector<1x16xf32>,
        %parallel_loop3A_916 = arith.index_cast %parallel_loop3A_881 : i32 to index
        %parallel_loop3A_917 = arith.constant 48 : index
        %parallel_loop3A_918 = tpu.vector_load %arg14[%parallel_loop3A_916, %parallel_loop3A_917] {strides = array<i32>} : memref<128x128xf32, #tpu.memory_space<vmem>>, vector<1x16xf32>,
        %parallel_loop3A_919 = vector.shape_cast %parallel_loop3A_918 : vector<1x16xf32> to vector<16xf32>
        %parallel_loop3A_920 = arith.mulf %parallel_loop3A_919, %parallel_loop3A_885 : vector<16xf32>
        %parallel_loop3A_921 = arith.index_cast %parallel_loop3A_881 : i32 to index
        %parallel_loop3A_922 = arith.constant 48 : index
        %parallel_loop3A_923 = tpu.vector_load %arg14[%parallel_loop3A_921, %parallel_loop3A_922] {strides = array<i32>} : memref<128x128xf32, #tpu.memory_space<vmem>>, vector<1x16xf32>,
        %parallel_loop3A_924 = vector.shape_cast %parallel_loop3A_923 : vector<1x16xf32> to vector<16xf32>
        %parallel_loop3A_925 = vector.shape_cast %parallel_loop3A_920 : vector<16xf32> to vector<1x16xf32>
        tpu.vector_store %arg14[%parallel_loop3A_921, %parallel_loop3A_922], %parallel_loop3A_925 {strides = array<i32>} : memref<128x128xf32, #tpu.memory_space<vmem>>, vector<1x16xf32>,
        %parallel_loop3A_926 = arith.index_cast %parallel_loop3A_881 : i32 to index
        %parallel_loop3A_927 = arith.constant 64 : index
        %parallel_loop3A_928 = tpu.vector_load %arg14[%parallel_loop3A_926, %parallel_loop3A_927] {strides = array<i32>} : memref<128x128xf32, #tpu.memory_space<vmem>>, vector<1x16xf32>,
        %parallel_loop3A_929 = vector.shape_cast %parallel_loop3A_928 : vector<1x16xf32> to vector<16xf32>
        %parallel_loop3A_930 = arith.mulf %parallel_loop3A_929, %parallel_loop3A_885 : vector<16xf32>
        %parallel_loop3A_931 = arith.index_cast %parallel_loop3A_881 : i32 to index
        %parallel_loop3A_932 = arith.constant 64 : index
        %parallel_loop3A_933 = tpu.vector_load %arg14[%parallel_loop3A_931, %parallel_loop3A_932] {strides = array<i32>} : memref<128x128xf32, #tpu.memory_space<vmem>>, vector<1x16xf32>,
        %parallel_loop3A_934 = vector.shape_cast %parallel_loop3A_933 : vector<1x16xf32> to vector<16xf32>
        %parallel_loop3A_935 = vector.shape_cast %parallel_loop3A_930 : vector<16xf32> to vector<1x16xf32>
        tpu.vector_store %arg14[%parallel_loop3A_931, %parallel_loop3A_932], %parallel_loop3A_935 {strides = array<i32>} : memref<128x128xf32, #tpu.memory_space<vmem>>, vector<1x16xf32>,
        %parallel_loop3A_936 = arith.index_cast %parallel_loop3A_881 : i32 to index
        %parallel_loop3A_937 = arith.constant 80 : index
        %parallel_loop3A_938 = tpu.vector_load %arg14[%parallel_loop3A_936, %parallel_loop3A_937] {strides = array<i32>} : memref<128x128xf32, #tpu.memory_space<vmem>>, vector<1x16xf32>,
        %parallel_loop3A_939 = vector.shape_cast %parallel_loop3A_938 : vector<1x16xf32> to vector<16xf32>
        %parallel_loop3A_940 = arith.mulf %parallel_loop3A_939, %parallel_loop3A_885 : vector<16xf32>
        %parallel_loop3A_941 = arith.index_cast %parallel_loop3A_881 : i32 to index
        %parallel_loop3A_942 = arith.constant 80 : index
        %parallel_loop3A_943 = tpu.vector_load %arg14[%parallel_loop3A_941, %parallel_loop3A_942] {strides = array<i32>} : memref<128x128xf32, #tpu.memory_space<vmem>>, vector<1x16xf32>,
        %parallel_loop3A_944 = vector.shape_cast %parallel_loop3A_943 : vector<1x16xf32> to vector<16xf32>
        %parallel_loop3A_945 = vector.shape_cast %parallel_loop3A_940 : vector<16xf32> to vector<1x16xf32>
        tpu.vector_store %arg14[%parallel_loop3A_941, %parallel_loop3A_942], %parallel_loop3A_945 {strides = array<i32>} : memref<128x128xf32, #tpu.memory_space<vmem>>, vector<1x16xf32>,
        %parallel_loop3A_946 = arith.index_cast %parallel_loop3A_881 : i32 to index
        %parallel_loop3A_947 = arith.constant 96 : index
        %parallel_loop3A_948 = tpu.vector_load %arg14[%parallel_loop3A_946, %parallel_loop3A_947] {strides = array<i32>} : memref<128x128xf32, #tpu.memory_space<vmem>>, vector<1x16xf32>,
        %parallel_loop3A_949 = vector.shape_cast %parallel_loop3A_948 : vector<1x16xf32> to vector<16xf32>
        %parallel_loop3A_950 = arith.mulf %parallel_loop3A_949, %parallel_loop3A_885 : vector<16xf32>
        %parallel_loop3A_951 = arith.index_cast %parallel_loop3A_881 : i32 to index
        %parallel_loop3A_952 = arith.constant 96 : index
        %parallel_loop3A_953 = tpu.vector_load %arg14[%parallel_loop3A_951, %parallel_loop3A_952] {strides = array<i32>} : memref<128x128xf32, #tpu.memory_space<vmem>>, vector<1x16xf32>,
        %parallel_loop3A_954 = vector.shape_cast %parallel_loop3A_953 : vector<1x16xf32> to vector<16xf32>
        %parallel_loop3A_955 = vector.shape_cast %parallel_loop3A_950 : vector<16xf32> to vector<1x16xf32>
        tpu.vector_store %arg14[%parallel_loop3A_951, %parallel_loop3A_952], %parallel_loop3A_955 {strides = array<i32>} : memref<128x128xf32, #tpu.memory_space<vmem>>, vector<1x16xf32>,
        %parallel_loop3A_956 = arith.index_cast %parallel_loop3A_881 : i32 to index
        %parallel_loop3A_957 = arith.constant 112 : index
        %parallel_loop3A_958 = tpu.vector_load %arg14[%parallel_loop3A_956, %parallel_loop3A_957] {strides = array<i32>} : memref<128x128xf32, #tpu.memory_space<vmem>>, vector<1x16xf32>,
        %parallel_loop3A_959 = vector.shape_cast %parallel_loop3A_958 : vector<1x16xf32> to vector<16xf32>
        %parallel_loop3A_960 = arith.mulf %parallel_loop3A_959, %parallel_loop3A_885 : vector<16xf32>
        %parallel_loop3A_961 = arith.index_cast %parallel_loop3A_881 : i32 to index
        %parallel_loop3A_962 = arith.constant 112 : index
        %parallel_loop3A_963 = tpu.vector_load %arg14[%parallel_loop3A_961, %parallel_loop3A_962] {strides = array<i32>} : memref<128x128xf32, #tpu.memory_space<vmem>>, vector<1x16xf32>,
        %parallel_loop3A_964 = vector.shape_cast %parallel_loop3A_963 : vector<1x16xf32> to vector<16xf32>
        %parallel_loop3A_965 = vector.shape_cast %parallel_loop3A_960 : vector<16xf32> to vector<1x16xf32>
        tpu.vector_store %arg14[%parallel_loop3A_961, %parallel_loop3A_962], %parallel_loop3A_965 {strides = array<i32>} : memref<128x128xf32, #tpu.memory_space<vmem>>, vector<1x16xf32>,
        %parallel_loop3A_966 = arith.constant 16 : i32
        %parallel_loop3A_967 = arith.muli %parallel_loop3A_168, %parallel_loop3A_966 : i32
        %parallel_loop3A_968 = arith.constant 9 : i32
        %parallel_loop3A_969 = arith.addi %parallel_loop3A_967, %parallel_loop3A_968 : i32
        %parallel_loop3A_970 = arith.constant 9 : i32
        %parallel_loop3A_971 = vector.broadcast %parallel_loop3A_970 : i32 to vector<16x1xi32>
        %parallel_loop3A_972 = vector.shape_cast %parallel_loop3A_971 : vector<16x1xi32> to vector<16xi32>
        %parallel_loop3A_973 = tpu.dynamic_gather %parallel_loop3A_173[%parallel_loop3A_972] in [0] : vector<16xf32>, vector<16xi32> -> vector<16xf32>
        %parallel_loop3A_974 = arith.index_cast %parallel_loop3A_969 : i32 to index
        %parallel_loop3A_975 = arith.constant 0 : index
        %parallel_loop3A_976 = tpu.vector_load %arg14[%parallel_loop3A_974, %parallel_loop3A_975] {strides = array<i32>} : memref<128x128xf32, #tpu.memory_space<vmem>>, vector<1x16xf32>,
        %parallel_loop3A_977 = vector.shape_cast %parallel_loop3A_976 : vector<1x16xf32> to vector<16xf32>
        %parallel_loop3A_978 = arith.mulf %parallel_loop3A_977, %parallel_loop3A_973 : vector<16xf32>
        %parallel_loop3A_979 = arith.index_cast %parallel_loop3A_969 : i32 to index
        %parallel_loop3A_980 = arith.constant 0 : index
        %parallel_loop3A_981 = tpu.vector_load %arg14[%parallel_loop3A_979, %parallel_loop3A_980] {strides = array<i32>} : memref<128x128xf32, #tpu.memory_space<vmem>>, vector<1x16xf32>,
        %parallel_loop3A_982 = vector.shape_cast %parallel_loop3A_981 : vector<1x16xf32> to vector<16xf32>
        %parallel_loop3A_983 = vector.shape_cast %parallel_loop3A_978 : vector<16xf32> to vector<1x16xf32>
        tpu.vector_store %arg14[%parallel_loop3A_979, %parallel_loop3A_980], %parallel_loop3A_983 {strides = array<i32>} : memref<128x128xf32, #tpu.memory_space<vmem>>, vector<1x16xf32>,
        %parallel_loop3A_984 = arith.index_cast %parallel_loop3A_969 : i32 to index
        %parallel_loop3A_985 = arith.constant 16 : index
        %parallel_loop3A_986 = tpu.vector_load %arg14[%parallel_loop3A_984, %parallel_loop3A_985] {strides = array<i32>} : memref<128x128xf32, #tpu.memory_space<vmem>>, vector<1x16xf32>,
        %parallel_loop3A_987 = vector.shape_cast %parallel_loop3A_986 : vector<1x16xf32> to vector<16xf32>
        %parallel_loop3A_988 = arith.mulf %parallel_loop3A_987, %parallel_loop3A_973 : vector<16xf32>
        %parallel_loop3A_989 = arith.index_cast %parallel_loop3A_969 : i32 to index
        %parallel_loop3A_990 = arith.constant 16 : index
        %parallel_loop3A_991 = tpu.vector_load %arg14[%parallel_loop3A_989, %parallel_loop3A_990] {strides = array<i32>} : memref<128x128xf32, #tpu.memory_space<vmem>>, vector<1x16xf32>,
        %parallel_loop3A_992 = vector.shape_cast %parallel_loop3A_991 : vector<1x16xf32> to vector<16xf32>
        %parallel_loop3A_993 = vector.shape_cast %parallel_loop3A_988 : vector<16xf32> to vector<1x16xf32>
        tpu.vector_store %arg14[%parallel_loop3A_989, %parallel_loop3A_990], %parallel_loop3A_993 {strides = array<i32>} : memref<128x128xf32, #tpu.memory_space<vmem>>, vector<1x16xf32>,
        %parallel_loop3A_994 = arith.index_cast %parallel_loop3A_969 : i32 to index
        %parallel_loop3A_995 = arith.constant 32 : index
        %parallel_loop3A_996 = tpu.vector_load %arg14[%parallel_loop3A_994, %parallel_loop3A_995] {strides = array<i32>} : memref<128x128xf32, #tpu.memory_space<vmem>>, vector<1x16xf32>,
        %parallel_loop3A_997 = vector.shape_cast %parallel_loop3A_996 : vector<1x16xf32> to vector<16xf32>
        %parallel_loop3A_998 = arith.mulf %parallel_loop3A_997, %parallel_loop3A_973 : vector<16xf32>
        %parallel_loop3A_999 = arith.index_cast %parallel_loop3A_969 : i32 to index
        %parallel_loop3A_1000 = arith.constant 32 : index
        %parallel_loop3A_1001 = tpu.vector_load %arg14[%parallel_loop3A_999, %parallel_loop3A_1000] {strides = array<i32>} : memref<128x128xf32, #tpu.memory_space<vmem>>, vector<1x16xf32>,
        %parallel_loop3A_1002 = vector.shape_cast %parallel_loop3A_1001 : vector<1x16xf32> to vector<16xf32>
        %parallel_loop3A_1003 = vector.shape_cast %parallel_loop3A_998 : vector<16xf32> to vector<1x16xf32>
        tpu.vector_store %arg14[%parallel_loop3A_999, %parallel_loop3A_1000], %parallel_loop3A_1003 {strides = array<i32>} : memref<128x128xf32, #tpu.memory_space<vmem>>, vector<1x16xf32>,
        %parallel_loop3A_1004 = arith.index_cast %parallel_loop3A_969 : i32 to index
        %parallel_loop3A_1005 = arith.constant 48 : index
        %parallel_loop3A_1006 = tpu.vector_load %arg14[%parallel_loop3A_1004, %parallel_loop3A_1005] {strides = array<i32>} : memref<128x128xf32, #tpu.memory_space<vmem>>, vector<1x16xf32>,
        %parallel_loop3A_1007 = vector.shape_cast %parallel_loop3A_1006 : vector<1x16xf32> to vector<16xf32>
        %parallel_loop3A_1008 = arith.mulf %parallel_loop3A_1007, %parallel_loop3A_973 : vector<16xf32>
        %parallel_loop3A_1009 = arith.index_cast %parallel_loop3A_969 : i32 to index
        %parallel_loop3A_1010 = arith.constant 48 : index
        %parallel_loop3A_1011 = tpu.vector_load %arg14[%parallel_loop3A_1009, %parallel_loop3A_1010] {strides = array<i32>} : memref<128x128xf32, #tpu.memory_space<vmem>>, vector<1x16xf32>,
        %parallel_loop3A_1012 = vector.shape_cast %parallel_loop3A_1011 : vector<1x16xf32> to vector<16xf32>
        %parallel_loop3A_1013 = vector.shape_cast %parallel_loop3A_1008 : vector<16xf32> to vector<1x16xf32>
        tpu.vector_store %arg14[%parallel_loop3A_1009, %parallel_loop3A_1010], %parallel_loop3A_1013 {strides = array<i32>} : memref<128x128xf32, #tpu.memory_space<vmem>>, vector<1x16xf32>,
        %parallel_loop3A_1014 = arith.index_cast %parallel_loop3A_969 : i32 to index
        %parallel_loop3A_1015 = arith.constant 64 : index
        %parallel_loop3A_1016 = tpu.vector_load %arg14[%parallel_loop3A_1014, %parallel_loop3A_1015] {strides = array<i32>} : memref<128x128xf32, #tpu.memory_space<vmem>>, vector<1x16xf32>,
        %parallel_loop3A_1017 = vector.shape_cast %parallel_loop3A_1016 : vector<1x16xf32> to vector<16xf32>
        %parallel_loop3A_1018 = arith.mulf %parallel_loop3A_1017, %parallel_loop3A_973 : vector<16xf32>
        %parallel_loop3A_1019 = arith.index_cast %parallel_loop3A_969 : i32 to index
        %parallel_loop3A_1020 = arith.constant 64 : index
        %parallel_loop3A_1021 = tpu.vector_load %arg14[%parallel_loop3A_1019, %parallel_loop3A_1020] {strides = array<i32>} : memref<128x128xf32, #tpu.memory_space<vmem>>, vector<1x16xf32>,
        %parallel_loop3A_1022 = vector.shape_cast %parallel_loop3A_1021 : vector<1x16xf32> to vector<16xf32>
        %parallel_loop3A_1023 = vector.shape_cast %parallel_loop3A_1018 : vector<16xf32> to vector<1x16xf32>
        tpu.vector_store %arg14[%parallel_loop3A_1019, %parallel_loop3A_1020], %parallel_loop3A_1023 {strides = array<i32>} : memref<128x128xf32, #tpu.memory_space<vmem>>, vector<1x16xf32>,
        %parallel_loop3A_1024 = arith.index_cast %parallel_loop3A_969 : i32 to index
        %parallel_loop3A_1025 = arith.constant 80 : index
        %parallel_loop3A_1026 = tpu.vector_load %arg14[%parallel_loop3A_1024, %parallel_loop3A_1025] {strides = array<i32>} : memref<128x128xf32, #tpu.memory_space<vmem>>, vector<1x16xf32>,
        %parallel_loop3A_1027 = vector.shape_cast %parallel_loop3A_1026 : vector<1x16xf32> to vector<16xf32>
        %parallel_loop3A_1028 = arith.mulf %parallel_loop3A_1027, %parallel_loop3A_973 : vector<16xf32>
        %parallel_loop3A_1029 = arith.index_cast %parallel_loop3A_969 : i32 to index
        %parallel_loop3A_1030 = arith.constant 80 : index
        %parallel_loop3A_1031 = tpu.vector_load %arg14[%parallel_loop3A_1029, %parallel_loop3A_1030] {strides = array<i32>} : memref<128x128xf32, #tpu.memory_space<vmem>>, vector<1x16xf32>,
        %parallel_loop3A_1032 = vector.shape_cast %parallel_loop3A_1031 : vector<1x16xf32> to vector<16xf32>
        %parallel_loop3A_1033 = vector.shape_cast %parallel_loop3A_1028 : vector<16xf32> to vector<1x16xf32>
        tpu.vector_store %arg14[%parallel_loop3A_1029, %parallel_loop3A_1030], %parallel_loop3A_1033 {strides = array<i32>} : memref<128x128xf32, #tpu.memory_space<vmem>>, vector<1x16xf32>,
        %parallel_loop3A_1034 = arith.index_cast %parallel_loop3A_969 : i32 to index
        %parallel_loop3A_1035 = arith.constant 96 : index
        %parallel_loop3A_1036 = tpu.vector_load %arg14[%parallel_loop3A_1034, %parallel_loop3A_1035] {strides = array<i32>} : memref<128x128xf32, #tpu.memory_space<vmem>>, vector<1x16xf32>,
        %parallel_loop3A_1037 = vector.shape_cast %parallel_loop3A_1036 : vector<1x16xf32> to vector<16xf32>
        %parallel_loop3A_1038 = arith.mulf %parallel_loop3A_1037, %parallel_loop3A_973 : vector<16xf32>
        %parallel_loop3A_1039 = arith.index_cast %parallel_loop3A_969 : i32 to index
        %parallel_loop3A_1040 = arith.constant 96 : index
        %parallel_loop3A_1041 = tpu.vector_load %arg14[%parallel_loop3A_1039, %parallel_loop3A_1040] {strides = array<i32>} : memref<128x128xf32, #tpu.memory_space<vmem>>, vector<1x16xf32>,
        %parallel_loop3A_1042 = vector.shape_cast %parallel_loop3A_1041 : vector<1x16xf32> to vector<16xf32>
        %parallel_loop3A_1043 = vector.shape_cast %parallel_loop3A_1038 : vector<16xf32> to vector<1x16xf32>
        tpu.vector_store %arg14[%parallel_loop3A_1039, %parallel_loop3A_1040], %parallel_loop3A_1043 {strides = array<i32>} : memref<128x128xf32, #tpu.memory_space<vmem>>, vector<1x16xf32>,
        %parallel_loop3A_1044 = arith.index_cast %parallel_loop3A_969 : i32 to index
        %parallel_loop3A_1045 = arith.constant 112 : index
        %parallel_loop3A_1046 = tpu.vector_load %arg14[%parallel_loop3A_1044, %parallel_loop3A_1045] {strides = array<i32>} : memref<128x128xf32, #tpu.memory_space<vmem>>, vector<1x16xf32>,
        %parallel_loop3A_1047 = vector.shape_cast %parallel_loop3A_1046 : vector<1x16xf32> to vector<16xf32>
        %parallel_loop3A_1048 = arith.mulf %parallel_loop3A_1047, %parallel_loop3A_973 : vector<16xf32>
        %parallel_loop3A_1049 = arith.index_cast %parallel_loop3A_969 : i32 to index
        %parallel_loop3A_1050 = arith.constant 112 : index
        %parallel_loop3A_1051 = tpu.vector_load %arg14[%parallel_loop3A_1049, %parallel_loop3A_1050] {strides = array<i32>} : memref<128x128xf32, #tpu.memory_space<vmem>>, vector<1x16xf32>,
        %parallel_loop3A_1052 = vector.shape_cast %parallel_loop3A_1051 : vector<1x16xf32> to vector<16xf32>
        %parallel_loop3A_1053 = vector.shape_cast %parallel_loop3A_1048 : vector<16xf32> to vector<1x16xf32>
        tpu.vector_store %arg14[%parallel_loop3A_1049, %parallel_loop3A_1050], %parallel_loop3A_1053 {strides = array<i32>} : memref<128x128xf32, #tpu.memory_space<vmem>>, vector<1x16xf32>,
        %parallel_loop3A_1054 = arith.constant 16 : i32
        %parallel_loop3A_1055 = arith.muli %parallel_loop3A_168, %parallel_loop3A_1054 : i32
        %parallel_loop3A_1056 = arith.constant 10 : i32
        %parallel_loop3A_1057 = arith.addi %parallel_loop3A_1055, %parallel_loop3A_1056 : i32
        %parallel_loop3A_1058 = arith.constant 10 : i32
        %parallel_loop3A_1059 = vector.broadcast %parallel_loop3A_1058 : i32 to vector<16x1xi32>
        %parallel_loop3A_1060 = vector.shape_cast %parallel_loop3A_1059 : vector<16x1xi32> to vector<16xi32>
        %parallel_loop3A_1061 = tpu.dynamic_gather %parallel_loop3A_173[%parallel_loop3A_1060] in [0] : vector<16xf32>, vector<16xi32> -> vector<16xf32>
        %parallel_loop3A_1062 = arith.index_cast %parallel_loop3A_1057 : i32 to index
        %parallel_loop3A_1063 = arith.constant 0 : index
        %parallel_loop3A_1064 = tpu.vector_load %arg14[%parallel_loop3A_1062, %parallel_loop3A_1063] {strides = array<i32>} : memref<128x128xf32, #tpu.memory_space<vmem>>, vector<1x16xf32>,
        %parallel_loop3A_1065 = vector.shape_cast %parallel_loop3A_1064 : vector<1x16xf32> to vector<16xf32>
        %parallel_loop3A_1066 = arith.mulf %parallel_loop3A_1065, %parallel_loop3A_1061 : vector<16xf32>
        %parallel_loop3A_1067 = arith.index_cast %parallel_loop3A_1057 : i32 to index
        %parallel_loop3A_1068 = arith.constant 0 : index
        %parallel_loop3A_1069 = tpu.vector_load %arg14[%parallel_loop3A_1067, %parallel_loop3A_1068] {strides = array<i32>} : memref<128x128xf32, #tpu.memory_space<vmem>>, vector<1x16xf32>,
        %parallel_loop3A_1070 = vector.shape_cast %parallel_loop3A_1069 : vector<1x16xf32> to vector<16xf32>
        %parallel_loop3A_1071 = vector.shape_cast %parallel_loop3A_1066 : vector<16xf32> to vector<1x16xf32>
        tpu.vector_store %arg14[%parallel_loop3A_1067, %parallel_loop3A_1068], %parallel_loop3A_1071 {strides = array<i32>} : memref<128x128xf32, #tpu.memory_space<vmem>>, vector<1x16xf32>,
        %parallel_loop3A_1072 = arith.index_cast %parallel_loop3A_1057 : i32 to index
        %parallel_loop3A_1073 = arith.constant 16 : index
        %parallel_loop3A_1074 = tpu.vector_load %arg14[%parallel_loop3A_1072, %parallel_loop3A_1073] {strides = array<i32>} : memref<128x128xf32, #tpu.memory_space<vmem>>, vector<1x16xf32>,
        %parallel_loop3A_1075 = vector.shape_cast %parallel_loop3A_1074 : vector<1x16xf32> to vector<16xf32>
        %parallel_loop3A_1076 = arith.mulf %parallel_loop3A_1075, %parallel_loop3A_1061 : vector<16xf32>
        %parallel_loop3A_1077 = arith.index_cast %parallel_loop3A_1057 : i32 to index
        %parallel_loop3A_1078 = arith.constant 16 : index
        %parallel_loop3A_1079 = tpu.vector_load %arg14[%parallel_loop3A_1077, %parallel_loop3A_1078] {strides = array<i32>} : memref<128x128xf32, #tpu.memory_space<vmem>>, vector<1x16xf32>,
        %parallel_loop3A_1080 = vector.shape_cast %parallel_loop3A_1079 : vector<1x16xf32> to vector<16xf32>
        %parallel_loop3A_1081 = vector.shape_cast %parallel_loop3A_1076 : vector<16xf32> to vector<1x16xf32>
        tpu.vector_store %arg14[%parallel_loop3A_1077, %parallel_loop3A_1078], %parallel_loop3A_1081 {strides = array<i32>} : memref<128x128xf32, #tpu.memory_space<vmem>>, vector<1x16xf32>,
        %parallel_loop3A_1082 = arith.index_cast %parallel_loop3A_1057 : i32 to index
        %parallel_loop3A_1083 = arith.constant 32 : index
        %parallel_loop3A_1084 = tpu.vector_load %arg14[%parallel_loop3A_1082, %parallel_loop3A_1083] {strides = array<i32>} : memref<128x128xf32, #tpu.memory_space<vmem>>, vector<1x16xf32>,
        %parallel_loop3A_1085 = vector.shape_cast %parallel_loop3A_1084 : vector<1x16xf32> to vector<16xf32>
        %parallel_loop3A_1086 = arith.mulf %parallel_loop3A_1085, %parallel_loop3A_1061 : vector<16xf32>
        %parallel_loop3A_1087 = arith.index_cast %parallel_loop3A_1057 : i32 to index
        %parallel_loop3A_1088 = arith.constant 32 : index
        %parallel_loop3A_1089 = tpu.vector_load %arg14[%parallel_loop3A_1087, %parallel_loop3A_1088] {strides = array<i32>} : memref<128x128xf32, #tpu.memory_space<vmem>>, vector<1x16xf32>,
        %parallel_loop3A_1090 = vector.shape_cast %parallel_loop3A_1089 : vector<1x16xf32> to vector<16xf32>
        %parallel_loop3A_1091 = vector.shape_cast %parallel_loop3A_1086 : vector<16xf32> to vector<1x16xf32>
        tpu.vector_store %arg14[%parallel_loop3A_1087, %parallel_loop3A_1088], %parallel_loop3A_1091 {strides = array<i32>} : memref<128x128xf32, #tpu.memory_space<vmem>>, vector<1x16xf32>,
        %parallel_loop3A_1092 = arith.index_cast %parallel_loop3A_1057 : i32 to index
        %parallel_loop3A_1093 = arith.constant 48 : index
        %parallel_loop3A_1094 = tpu.vector_load %arg14[%parallel_loop3A_1092, %parallel_loop3A_1093] {strides = array<i32>} : memref<128x128xf32, #tpu.memory_space<vmem>>, vector<1x16xf32>,
        %parallel_loop3A_1095 = vector.shape_cast %parallel_loop3A_1094 : vector<1x16xf32> to vector<16xf32>
        %parallel_loop3A_1096 = arith.mulf %parallel_loop3A_1095, %parallel_loop3A_1061 : vector<16xf32>
        %parallel_loop3A_1097 = arith.index_cast %parallel_loop3A_1057 : i32 to index
        %parallel_loop3A_1098 = arith.constant 48 : index
        %parallel_loop3A_1099 = tpu.vector_load %arg14[%parallel_loop3A_1097, %parallel_loop3A_1098] {strides = array<i32>} : memref<128x128xf32, #tpu.memory_space<vmem>>, vector<1x16xf32>,
        %parallel_loop3A_1100 = vector.shape_cast %parallel_loop3A_1099 : vector<1x16xf32> to vector<16xf32>
        %parallel_loop3A_1101 = vector.shape_cast %parallel_loop3A_1096 : vector<16xf32> to vector<1x16xf32>
        tpu.vector_store %arg14[%parallel_loop3A_1097, %parallel_loop3A_1098], %parallel_loop3A_1101 {strides = array<i32>} : memref<128x128xf32, #tpu.memory_space<vmem>>, vector<1x16xf32>,
        %parallel_loop3A_1102 = arith.index_cast %parallel_loop3A_1057 : i32 to index
        %parallel_loop3A_1103 = arith.constant 64 : index
        %parallel_loop3A_1104 = tpu.vector_load %arg14[%parallel_loop3A_1102, %parallel_loop3A_1103] {strides = array<i32>} : memref<128x128xf32, #tpu.memory_space<vmem>>, vector<1x16xf32>,
        %parallel_loop3A_1105 = vector.shape_cast %parallel_loop3A_1104 : vector<1x16xf32> to vector<16xf32>
        %parallel_loop3A_1106 = arith.mulf %parallel_loop3A_1105, %parallel_loop3A_1061 : vector<16xf32>
        %parallel_loop3A_1107 = arith.index_cast %parallel_loop3A_1057 : i32 to index
        %parallel_loop3A_1108 = arith.constant 64 : index
        %parallel_loop3A_1109 = tpu.vector_load %arg14[%parallel_loop3A_1107, %parallel_loop3A_1108] {strides = array<i32>} : memref<128x128xf32, #tpu.memory_space<vmem>>, vector<1x16xf32>,
        %parallel_loop3A_1110 = vector.shape_cast %parallel_loop3A_1109 : vector<1x16xf32> to vector<16xf32>
        %parallel_loop3A_1111 = vector.shape_cast %parallel_loop3A_1106 : vector<16xf32> to vector<1x16xf32>
        tpu.vector_store %arg14[%parallel_loop3A_1107, %parallel_loop3A_1108], %parallel_loop3A_1111 {strides = array<i32>} : memref<128x128xf32, #tpu.memory_space<vmem>>, vector<1x16xf32>,
        %parallel_loop3A_1112 = arith.index_cast %parallel_loop3A_1057 : i32 to index
        %parallel_loop3A_1113 = arith.constant 80 : index
        %parallel_loop3A_1114 = tpu.vector_load %arg14[%parallel_loop3A_1112, %parallel_loop3A_1113] {strides = array<i32>} : memref<128x128xf32, #tpu.memory_space<vmem>>, vector<1x16xf32>,
        %parallel_loop3A_1115 = vector.shape_cast %parallel_loop3A_1114 : vector<1x16xf32> to vector<16xf32>
        %parallel_loop3A_1116 = arith.mulf %parallel_loop3A_1115, %parallel_loop3A_1061 : vector<16xf32>
        %parallel_loop3A_1117 = arith.index_cast %parallel_loop3A_1057 : i32 to index
        %parallel_loop3A_1118 = arith.constant 80 : index
        %parallel_loop3A_1119 = tpu.vector_load %arg14[%parallel_loop3A_1117, %parallel_loop3A_1118] {strides = array<i32>} : memref<128x128xf32, #tpu.memory_space<vmem>>, vector<1x16xf32>,
        %parallel_loop3A_1120 = vector.shape_cast %parallel_loop3A_1119 : vector<1x16xf32> to vector<16xf32>
        %parallel_loop3A_1121 = vector.shape_cast %parallel_loop3A_1116 : vector<16xf32> to vector<1x16xf32>
        tpu.vector_store %arg14[%parallel_loop3A_1117, %parallel_loop3A_1118], %parallel_loop3A_1121 {strides = array<i32>} : memref<128x128xf32, #tpu.memory_space<vmem>>, vector<1x16xf32>,
        %parallel_loop3A_1122 = arith.index_cast %parallel_loop3A_1057 : i32 to index
        %parallel_loop3A_1123 = arith.constant 96 : index
        %parallel_loop3A_1124 = tpu.vector_load %arg14[%parallel_loop3A_1122, %parallel_loop3A_1123] {strides = array<i32>} : memref<128x128xf32, #tpu.memory_space<vmem>>, vector<1x16xf32>,
        %parallel_loop3A_1125 = vector.shape_cast %parallel_loop3A_1124 : vector<1x16xf32> to vector<16xf32>
        %parallel_loop3A_1126 = arith.mulf %parallel_loop3A_1125, %parallel_loop3A_1061 : vector<16xf32>
        %parallel_loop3A_1127 = arith.index_cast %parallel_loop3A_1057 : i32 to index
        %parallel_loop3A_1128 = arith.constant 96 : index
        %parallel_loop3A_1129 = tpu.vector_load %arg14[%parallel_loop3A_1127, %parallel_loop3A_1128] {strides = array<i32>} : memref<128x128xf32, #tpu.memory_space<vmem>>, vector<1x16xf32>,
        %parallel_loop3A_1130 = vector.shape_cast %parallel_loop3A_1129 : vector<1x16xf32> to vector<16xf32>
        %parallel_loop3A_1131 = vector.shape_cast %parallel_loop3A_1126 : vector<16xf32> to vector<1x16xf32>
        tpu.vector_store %arg14[%parallel_loop3A_1127, %parallel_loop3A_1128], %parallel_loop3A_1131 {strides = array<i32>} : memref<128x128xf32, #tpu.memory_space<vmem>>, vector<1x16xf32>,
        %parallel_loop3A_1132 = arith.index_cast %parallel_loop3A_1057 : i32 to index
        %parallel_loop3A_1133 = arith.constant 112 : index
        %parallel_loop3A_1134 = tpu.vector_load %arg14[%parallel_loop3A_1132, %parallel_loop3A_1133] {strides = array<i32>} : memref<128x128xf32, #tpu.memory_space<vmem>>, vector<1x16xf32>,
        %parallel_loop3A_1135 = vector.shape_cast %parallel_loop3A_1134 : vector<1x16xf32> to vector<16xf32>
        %parallel_loop3A_1136 = arith.mulf %parallel_loop3A_1135, %parallel_loop3A_1061 : vector<16xf32>
        %parallel_loop3A_1137 = arith.index_cast %parallel_loop3A_1057 : i32 to index
        %parallel_loop3A_1138 = arith.constant 112 : index
        %parallel_loop3A_1139 = tpu.vector_load %arg14[%parallel_loop3A_1137, %parallel_loop3A_1138] {strides = array<i32>} : memref<128x128xf32, #tpu.memory_space<vmem>>, vector<1x16xf32>,
        %parallel_loop3A_1140 = vector.shape_cast %parallel_loop3A_1139 : vector<1x16xf32> to vector<16xf32>
        %parallel_loop3A_1141 = vector.shape_cast %parallel_loop3A_1136 : vector<16xf32> to vector<1x16xf32>
        tpu.vector_store %arg14[%parallel_loop3A_1137, %parallel_loop3A_1138], %parallel_loop3A_1141 {strides = array<i32>} : memref<128x128xf32, #tpu.memory_space<vmem>>, vector<1x16xf32>,
        %parallel_loop3A_1142 = arith.constant 16 : i32
        %parallel_loop3A_1143 = arith.muli %parallel_loop3A_168, %parallel_loop3A_1142 : i32
        %parallel_loop3A_1144 = arith.constant 11 : i32
        %parallel_loop3A_1145 = arith.addi %parallel_loop3A_1143, %parallel_loop3A_1144 : i32
        %parallel_loop3A_1146 = arith.constant 11 : i32
        %parallel_loop3A_1147 = vector.broadcast %parallel_loop3A_1146 : i32 to vector<16x1xi32>
        %parallel_loop3A_1148 = vector.shape_cast %parallel_loop3A_1147 : vector<16x1xi32> to vector<16xi32>
        %parallel_loop3A_1149 = tpu.dynamic_gather %parallel_loop3A_173[%parallel_loop3A_1148] in [0] : vector<16xf32>, vector<16xi32> -> vector<16xf32>
        %parallel_loop3A_1150 = arith.index_cast %parallel_loop3A_1145 : i32 to index
        %parallel_loop3A_1151 = arith.constant 0 : index
        %parallel_loop3A_1152 = tpu.vector_load %arg14[%parallel_loop3A_1150, %parallel_loop3A_1151] {strides = array<i32>} : memref<128x128xf32, #tpu.memory_space<vmem>>, vector<1x16xf32>,
        %parallel_loop3A_1153 = vector.shape_cast %parallel_loop3A_1152 : vector<1x16xf32> to vector<16xf32>
        %parallel_loop3A_1154 = arith.mulf %parallel_loop3A_1153, %parallel_loop3A_1149 : vector<16xf32>
        %parallel_loop3A_1155 = arith.index_cast %parallel_loop3A_1145 : i32 to index
        %parallel_loop3A_1156 = arith.constant 0 : index
        %parallel_loop3A_1157 = tpu.vector_load %arg14[%parallel_loop3A_1155, %parallel_loop3A_1156] {strides = array<i32>} : memref<128x128xf32, #tpu.memory_space<vmem>>, vector<1x16xf32>,
        %parallel_loop3A_1158 = vector.shape_cast %parallel_loop3A_1157 : vector<1x16xf32> to vector<16xf32>
        %parallel_loop3A_1159 = vector.shape_cast %parallel_loop3A_1154 : vector<16xf32> to vector<1x16xf32>
        tpu.vector_store %arg14[%parallel_loop3A_1155, %parallel_loop3A_1156], %parallel_loop3A_1159 {strides = array<i32>} : memref<128x128xf32, #tpu.memory_space<vmem>>, vector<1x16xf32>,
        %parallel_loop3A_1160 = arith.index_cast %parallel_loop3A_1145 : i32 to index
        %parallel_loop3A_1161 = arith.constant 16 : index
        %parallel_loop3A_1162 = tpu.vector_load %arg14[%parallel_loop3A_1160, %parallel_loop3A_1161] {strides = array<i32>} : memref<128x128xf32, #tpu.memory_space<vmem>>, vector<1x16xf32>,
        %parallel_loop3A_1163 = vector.shape_cast %parallel_loop3A_1162 : vector<1x16xf32> to vector<16xf32>
        %parallel_loop3A_1164 = arith.mulf %parallel_loop3A_1163, %parallel_loop3A_1149 : vector<16xf32>
        %parallel_loop3A_1165 = arith.index_cast %parallel_loop3A_1145 : i32 to index
        %parallel_loop3A_1166 = arith.constant 16 : index
        %parallel_loop3A_1167 = tpu.vector_load %arg14[%parallel_loop3A_1165, %parallel_loop3A_1166] {strides = array<i32>} : memref<128x128xf32, #tpu.memory_space<vmem>>, vector<1x16xf32>,
        %parallel_loop3A_1168 = vector.shape_cast %parallel_loop3A_1167 : vector<1x16xf32> to vector<16xf32>
        %parallel_loop3A_1169 = vector.shape_cast %parallel_loop3A_1164 : vector<16xf32> to vector<1x16xf32>
        tpu.vector_store %arg14[%parallel_loop3A_1165, %parallel_loop3A_1166], %parallel_loop3A_1169 {strides = array<i32>} : memref<128x128xf32, #tpu.memory_space<vmem>>, vector<1x16xf32>,
        %parallel_loop3A_1170 = arith.index_cast %parallel_loop3A_1145 : i32 to index
        %parallel_loop3A_1171 = arith.constant 32 : index
        %parallel_loop3A_1172 = tpu.vector_load %arg14[%parallel_loop3A_1170, %parallel_loop3A_1171] {strides = array<i32>} : memref<128x128xf32, #tpu.memory_space<vmem>>, vector<1x16xf32>,
        %parallel_loop3A_1173 = vector.shape_cast %parallel_loop3A_1172 : vector<1x16xf32> to vector<16xf32>
        %parallel_loop3A_1174 = arith.mulf %parallel_loop3A_1173, %parallel_loop3A_1149 : vector<16xf32>
        %parallel_loop3A_1175 = arith.index_cast %parallel_loop3A_1145 : i32 to index
        %parallel_loop3A_1176 = arith.constant 32 : index
        %parallel_loop3A_1177 = tpu.vector_load %arg14[%parallel_loop3A_1175, %parallel_loop3A_1176] {strides = array<i32>} : memref<128x128xf32, #tpu.memory_space<vmem>>, vector<1x16xf32>,
        %parallel_loop3A_1178 = vector.shape_cast %parallel_loop3A_1177 : vector<1x16xf32> to vector<16xf32>
        %parallel_loop3A_1179 = vector.shape_cast %parallel_loop3A_1174 : vector<16xf32> to vector<1x16xf32>
        tpu.vector_store %arg14[%parallel_loop3A_1175, %parallel_loop3A_1176], %parallel_loop3A_1179 {strides = array<i32>} : memref<128x128xf32, #tpu.memory_space<vmem>>, vector<1x16xf32>,
        %parallel_loop3A_1180 = arith.index_cast %parallel_loop3A_1145 : i32 to index
        %parallel_loop3A_1181 = arith.constant 48 : index
        %parallel_loop3A_1182 = tpu.vector_load %arg14[%parallel_loop3A_1180, %parallel_loop3A_1181] {strides = array<i32>} : memref<128x128xf32, #tpu.memory_space<vmem>>, vector<1x16xf32>,
        %parallel_loop3A_1183 = vector.shape_cast %parallel_loop3A_1182 : vector<1x16xf32> to vector<16xf32>
        %parallel_loop3A_1184 = arith.mulf %parallel_loop3A_1183, %parallel_loop3A_1149 : vector<16xf32>
        %parallel_loop3A_1185 = arith.index_cast %parallel_loop3A_1145 : i32 to index
        %parallel_loop3A_1186 = arith.constant 48 : index
        %parallel_loop3A_1187 = tpu.vector_load %arg14[%parallel_loop3A_1185, %parallel_loop3A_1186] {strides = array<i32>} : memref<128x128xf32, #tpu.memory_space<vmem>>, vector<1x16xf32>,
        %parallel_loop3A_1188 = vector.shape_cast %parallel_loop3A_1187 : vector<1x16xf32> to vector<16xf32>
        %parallel_loop3A_1189 = vector.shape_cast %parallel_loop3A_1184 : vector<16xf32> to vector<1x16xf32>
        tpu.vector_store %arg14[%parallel_loop3A_1185, %parallel_loop3A_1186], %parallel_loop3A_1189 {strides = array<i32>} : memref<128x128xf32, #tpu.memory_space<vmem>>, vector<1x16xf32>,
        %parallel_loop3A_1190 = arith.index_cast %parallel_loop3A_1145 : i32 to index
        %parallel_loop3A_1191 = arith.constant 64 : index
        %parallel_loop3A_1192 = tpu.vector_load %arg14[%parallel_loop3A_1190, %parallel_loop3A_1191] {strides = array<i32>} : memref<128x128xf32, #tpu.memory_space<vmem>>, vector<1x16xf32>,
        %parallel_loop3A_1193 = vector.shape_cast %parallel_loop3A_1192 : vector<1x16xf32> to vector<16xf32>
        %parallel_loop3A_1194 = arith.mulf %parallel_loop3A_1193, %parallel_loop3A_1149 : vector<16xf32>
        %parallel_loop3A_1195 = arith.index_cast %parallel_loop3A_1145 : i32 to index
        %parallel_loop3A_1196 = arith.constant 64 : index
        %parallel_loop3A_1197 = tpu.vector_load %arg14[%parallel_loop3A_1195, %parallel_loop3A_1196] {strides = array<i32>} : memref<128x128xf32, #tpu.memory_space<vmem>>, vector<1x16xf32>,
        %parallel_loop3A_1198 = vector.shape_cast %parallel_loop3A_1197 : vector<1x16xf32> to vector<16xf32>
        %parallel_loop3A_1199 = vector.shape_cast %parallel_loop3A_1194 : vector<16xf32> to vector<1x16xf32>
        tpu.vector_store %arg14[%parallel_loop3A_1195, %parallel_loop3A_1196], %parallel_loop3A_1199 {strides = array<i32>} : memref<128x128xf32, #tpu.memory_space<vmem>>, vector<1x16xf32>,
        %parallel_loop3A_1200 = arith.index_cast %parallel_loop3A_1145 : i32 to index
        %parallel_loop3A_1201 = arith.constant 80 : index
        %parallel_loop3A_1202 = tpu.vector_load %arg14[%parallel_loop3A_1200, %parallel_loop3A_1201] {strides = array<i32>} : memref<128x128xf32, #tpu.memory_space<vmem>>, vector<1x16xf32>,
        %parallel_loop3A_1203 = vector.shape_cast %parallel_loop3A_1202 : vector<1x16xf32> to vector<16xf32>
        %parallel_loop3A_1204 = arith.mulf %parallel_loop3A_1203, %parallel_loop3A_1149 : vector<16xf32>
        %parallel_loop3A_1205 = arith.index_cast %parallel_loop3A_1145 : i32 to index
        %parallel_loop3A_1206 = arith.constant 80 : index
        %parallel_loop3A_1207 = tpu.vector_load %arg14[%parallel_loop3A_1205, %parallel_loop3A_1206] {strides = array<i32>} : memref<128x128xf32, #tpu.memory_space<vmem>>, vector<1x16xf32>,
        %parallel_loop3A_1208 = vector.shape_cast %parallel_loop3A_1207 : vector<1x16xf32> to vector<16xf32>
        %parallel_loop3A_1209 = vector.shape_cast %parallel_loop3A_1204 : vector<16xf32> to vector<1x16xf32>
        tpu.vector_store %arg14[%parallel_loop3A_1205, %parallel_loop3A_1206], %parallel_loop3A_1209 {strides = array<i32>} : memref<128x128xf32, #tpu.memory_space<vmem>>, vector<1x16xf32>,
        %parallel_loop3A_1210 = arith.index_cast %parallel_loop3A_1145 : i32 to index
        %parallel_loop3A_1211 = arith.constant 96 : index
        %parallel_loop3A_1212 = tpu.vector_load %arg14[%parallel_loop3A_1210, %parallel_loop3A_1211] {strides = array<i32>} : memref<128x128xf32, #tpu.memory_space<vmem>>, vector<1x16xf32>,
        %parallel_loop3A_1213 = vector.shape_cast %parallel_loop3A_1212 : vector<1x16xf32> to vector<16xf32>
        %parallel_loop3A_1214 = arith.mulf %parallel_loop3A_1213, %parallel_loop3A_1149 : vector<16xf32>
        %parallel_loop3A_1215 = arith.index_cast %parallel_loop3A_1145 : i32 to index
        %parallel_loop3A_1216 = arith.constant 96 : index
        %parallel_loop3A_1217 = tpu.vector_load %arg14[%parallel_loop3A_1215, %parallel_loop3A_1216] {strides = array<i32>} : memref<128x128xf32, #tpu.memory_space<vmem>>, vector<1x16xf32>,
        %parallel_loop3A_1218 = vector.shape_cast %parallel_loop3A_1217 : vector<1x16xf32> to vector<16xf32>
        %parallel_loop3A_1219 = vector.shape_cast %parallel_loop3A_1214 : vector<16xf32> to vector<1x16xf32>
        tpu.vector_store %arg14[%parallel_loop3A_1215, %parallel_loop3A_1216], %parallel_loop3A_1219 {strides = array<i32>} : memref<128x128xf32, #tpu.memory_space<vmem>>, vector<1x16xf32>,
        %parallel_loop3A_1220 = arith.index_cast %parallel_loop3A_1145 : i32 to index
        %parallel_loop3A_1221 = arith.constant 112 : index
        %parallel_loop3A_1222 = tpu.vector_load %arg14[%parallel_loop3A_1220, %parallel_loop3A_1221] {strides = array<i32>} : memref<128x128xf32, #tpu.memory_space<vmem>>, vector<1x16xf32>,
        %parallel_loop3A_1223 = vector.shape_cast %parallel_loop3A_1222 : vector<1x16xf32> to vector<16xf32>
        %parallel_loop3A_1224 = arith.mulf %parallel_loop3A_1223, %parallel_loop3A_1149 : vector<16xf32>
        %parallel_loop3A_1225 = arith.index_cast %parallel_loop3A_1145 : i32 to index
        %parallel_loop3A_1226 = arith.constant 112 : index
        %parallel_loop3A_1227 = tpu.vector_load %arg14[%parallel_loop3A_1225, %parallel_loop3A_1226] {strides = array<i32>} : memref<128x128xf32, #tpu.memory_space<vmem>>, vector<1x16xf32>,
        %parallel_loop3A_1228 = vector.shape_cast %parallel_loop3A_1227 : vector<1x16xf32> to vector<16xf32>
        %parallel_loop3A_1229 = vector.shape_cast %parallel_loop3A_1224 : vector<16xf32> to vector<1x16xf32>
        tpu.vector_store %arg14[%parallel_loop3A_1225, %parallel_loop3A_1226], %parallel_loop3A_1229 {strides = array<i32>} : memref<128x128xf32, #tpu.memory_space<vmem>>, vector<1x16xf32>,
        %parallel_loop3A_1230 = arith.constant 16 : i32
        %parallel_loop3A_1231 = arith.muli %parallel_loop3A_168, %parallel_loop3A_1230 : i32
        %parallel_loop3A_1232 = arith.constant 12 : i32
        %parallel_loop3A_1233 = arith.addi %parallel_loop3A_1231, %parallel_loop3A_1232 : i32
        %parallel_loop3A_1234 = arith.constant 12 : i32
        %parallel_loop3A_1235 = vector.broadcast %parallel_loop3A_1234 : i32 to vector<16x1xi32>
        %parallel_loop3A_1236 = vector.shape_cast %parallel_loop3A_1235 : vector<16x1xi32> to vector<16xi32>
        %parallel_loop3A_1237 = tpu.dynamic_gather %parallel_loop3A_173[%parallel_loop3A_1236] in [0] : vector<16xf32>, vector<16xi32> -> vector<16xf32>
        %parallel_loop3A_1238 = arith.index_cast %parallel_loop3A_1233 : i32 to index
        %parallel_loop3A_1239 = arith.constant 0 : index
        %parallel_loop3A_1240 = tpu.vector_load %arg14[%parallel_loop3A_1238, %parallel_loop3A_1239] {strides = array<i32>} : memref<128x128xf32, #tpu.memory_space<vmem>>, vector<1x16xf32>,
        %parallel_loop3A_1241 = vector.shape_cast %parallel_loop3A_1240 : vector<1x16xf32> to vector<16xf32>
        %parallel_loop3A_1242 = arith.mulf %parallel_loop3A_1241, %parallel_loop3A_1237 : vector<16xf32>
        %parallel_loop3A_1243 = arith.index_cast %parallel_loop3A_1233 : i32 to index
        %parallel_loop3A_1244 = arith.constant 0 : index
        %parallel_loop3A_1245 = tpu.vector_load %arg14[%parallel_loop3A_1243, %parallel_loop3A_1244] {strides = array<i32>} : memref<128x128xf32, #tpu.memory_space<vmem>>, vector<1x16xf32>,
        %parallel_loop3A_1246 = vector.shape_cast %parallel_loop3A_1245 : vector<1x16xf32> to vector<16xf32>
        %parallel_loop3A_1247 = vector.shape_cast %parallel_loop3A_1242 : vector<16xf32> to vector<1x16xf32>
        tpu.vector_store %arg14[%parallel_loop3A_1243, %parallel_loop3A_1244], %parallel_loop3A_1247 {strides = array<i32>} : memref<128x128xf32, #tpu.memory_space<vmem>>, vector<1x16xf32>,
        %parallel_loop3A_1248 = arith.index_cast %parallel_loop3A_1233 : i32 to index
        %parallel_loop3A_1249 = arith.constant 16 : index
        %parallel_loop3A_1250 = tpu.vector_load %arg14[%parallel_loop3A_1248, %parallel_loop3A_1249] {strides = array<i32>} : memref<128x128xf32, #tpu.memory_space<vmem>>, vector<1x16xf32>,
        %parallel_loop3A_1251 = vector.shape_cast %parallel_loop3A_1250 : vector<1x16xf32> to vector<16xf32>
        %parallel_loop3A_1252 = arith.mulf %parallel_loop3A_1251, %parallel_loop3A_1237 : vector<16xf32>
        %parallel_loop3A_1253 = arith.index_cast %parallel_loop3A_1233 : i32 to index
        %parallel_loop3A_1254 = arith.constant 16 : index
        %parallel_loop3A_1255 = tpu.vector_load %arg14[%parallel_loop3A_1253, %parallel_loop3A_1254] {strides = array<i32>} : memref<128x128xf32, #tpu.memory_space<vmem>>, vector<1x16xf32>,
        %parallel_loop3A_1256 = vector.shape_cast %parallel_loop3A_1255 : vector<1x16xf32> to vector<16xf32>
        %parallel_loop3A_1257 = vector.shape_cast %parallel_loop3A_1252 : vector<16xf32> to vector<1x16xf32>
        tpu.vector_store %arg14[%parallel_loop3A_1253, %parallel_loop3A_1254], %parallel_loop3A_1257 {strides = array<i32>} : memref<128x128xf32, #tpu.memory_space<vmem>>, vector<1x16xf32>,
        %parallel_loop3A_1258 = arith.index_cast %parallel_loop3A_1233 : i32 to index
        %parallel_loop3A_1259 = arith.constant 32 : index
        %parallel_loop3A_1260 = tpu.vector_load %arg14[%parallel_loop3A_1258, %parallel_loop3A_1259] {strides = array<i32>} : memref<128x128xf32, #tpu.memory_space<vmem>>, vector<1x16xf32>,
        %parallel_loop3A_1261 = vector.shape_cast %parallel_loop3A_1260 : vector<1x16xf32> to vector<16xf32>
        %parallel_loop3A_1262 = arith.mulf %parallel_loop3A_1261, %parallel_loop3A_1237 : vector<16xf32>
        %parallel_loop3A_1263 = arith.index_cast %parallel_loop3A_1233 : i32 to index
        %parallel_loop3A_1264 = arith.constant 32 : index
        %parallel_loop3A_1265 = tpu.vector_load %arg14[%parallel_loop3A_1263, %parallel_loop3A_1264] {strides = array<i32>} : memref<128x128xf32, #tpu.memory_space<vmem>>, vector<1x16xf32>,
        %parallel_loop3A_1266 = vector.shape_cast %parallel_loop3A_1265 : vector<1x16xf32> to vector<16xf32>
        %parallel_loop3A_1267 = vector.shape_cast %parallel_loop3A_1262 : vector<16xf32> to vector<1x16xf32>
        tpu.vector_store %arg14[%parallel_loop3A_1263, %parallel_loop3A_1264], %parallel_loop3A_1267 {strides = array<i32>} : memref<128x128xf32, #tpu.memory_space<vmem>>, vector<1x16xf32>,
        %parallel_loop3A_1268 = arith.index_cast %parallel_loop3A_1233 : i32 to index
        %parallel_loop3A_1269 = arith.constant 48 : index
        %parallel_loop3A_1270 = tpu.vector_load %arg14[%parallel_loop3A_1268, %parallel_loop3A_1269] {strides = array<i32>} : memref<128x128xf32, #tpu.memory_space<vmem>>, vector<1x16xf32>,
        %parallel_loop3A_1271 = vector.shape_cast %parallel_loop3A_1270 : vector<1x16xf32> to vector<16xf32>
        %parallel_loop3A_1272 = arith.mulf %parallel_loop3A_1271, %parallel_loop3A_1237 : vector<16xf32>
        %parallel_loop3A_1273 = arith.index_cast %parallel_loop3A_1233 : i32 to index
        %parallel_loop3A_1274 = arith.constant 48 : index
        %parallel_loop3A_1275 = tpu.vector_load %arg14[%parallel_loop3A_1273, %parallel_loop3A_1274] {strides = array<i32>} : memref<128x128xf32, #tpu.memory_space<vmem>>, vector<1x16xf32>,
        %parallel_loop3A_1276 = vector.shape_cast %parallel_loop3A_1275 : vector<1x16xf32> to vector<16xf32>
        %parallel_loop3A_1277 = vector.shape_cast %parallel_loop3A_1272 : vector<16xf32> to vector<1x16xf32>
        tpu.vector_store %arg14[%parallel_loop3A_1273, %parallel_loop3A_1274], %parallel_loop3A_1277 {strides = array<i32>} : memref<128x128xf32, #tpu.memory_space<vmem>>, vector<1x16xf32>,
        %parallel_loop3A_1278 = arith.index_cast %parallel_loop3A_1233 : i32 to index
        %parallel_loop3A_1279 = arith.constant 64 : index
        %parallel_loop3A_1280 = tpu.vector_load %arg14[%parallel_loop3A_1278, %parallel_loop3A_1279] {strides = array<i32>} : memref<128x128xf32, #tpu.memory_space<vmem>>, vector<1x16xf32>,
        %parallel_loop3A_1281 = vector.shape_cast %parallel_loop3A_1280 : vector<1x16xf32> to vector<16xf32>
        %parallel_loop3A_1282 = arith.mulf %parallel_loop3A_1281, %parallel_loop3A_1237 : vector<16xf32>
        %parallel_loop3A_1283 = arith.index_cast %parallel_loop3A_1233 : i32 to index
        %parallel_loop3A_1284 = arith.constant 64 : index
        %parallel_loop3A_1285 = tpu.vector_load %arg14[%parallel_loop3A_1283, %parallel_loop3A_1284] {strides = array<i32>} : memref<128x128xf32, #tpu.memory_space<vmem>>, vector<1x16xf32>,
        %parallel_loop3A_1286 = vector.shape_cast %parallel_loop3A_1285 : vector<1x16xf32> to vector<16xf32>
        %parallel_loop3A_1287 = vector.shape_cast %parallel_loop3A_1282 : vector<16xf32> to vector<1x16xf32>
        tpu.vector_store %arg14[%parallel_loop3A_1283, %parallel_loop3A_1284], %parallel_loop3A_1287 {strides = array<i32>} : memref<128x128xf32, #tpu.memory_space<vmem>>, vector<1x16xf32>,
        %parallel_loop3A_1288 = arith.index_cast %parallel_loop3A_1233 : i32 to index
        %parallel_loop3A_1289 = arith.constant 80 : index
        %parallel_loop3A_1290 = tpu.vector_load %arg14[%parallel_loop3A_1288, %parallel_loop3A_1289] {strides = array<i32>} : memref<128x128xf32, #tpu.memory_space<vmem>>, vector<1x16xf32>,
        %parallel_loop3A_1291 = vector.shape_cast %parallel_loop3A_1290 : vector<1x16xf32> to vector<16xf32>
        %parallel_loop3A_1292 = arith.mulf %parallel_loop3A_1291, %parallel_loop3A_1237 : vector<16xf32>
        %parallel_loop3A_1293 = arith.index_cast %parallel_loop3A_1233 : i32 to index
        %parallel_loop3A_1294 = arith.constant 80 : index
        %parallel_loop3A_1295 = tpu.vector_load %arg14[%parallel_loop3A_1293, %parallel_loop3A_1294] {strides = array<i32>} : memref<128x128xf32, #tpu.memory_space<vmem>>, vector<1x16xf32>,
        %parallel_loop3A_1296 = vector.shape_cast %parallel_loop3A_1295 : vector<1x16xf32> to vector<16xf32>
        %parallel_loop3A_1297 = vector.shape_cast %parallel_loop3A_1292 : vector<16xf32> to vector<1x16xf32>
        tpu.vector_store %arg14[%parallel_loop3A_1293, %parallel_loop3A_1294], %parallel_loop3A_1297 {strides = array<i32>} : memref<128x128xf32, #tpu.memory_space<vmem>>, vector<1x16xf32>,
        %parallel_loop3A_1298 = arith.index_cast %parallel_loop3A_1233 : i32 to index
        %parallel_loop3A_1299 = arith.constant 96 : index
        %parallel_loop3A_1300 = tpu.vector_load %arg14[%parallel_loop3A_1298, %parallel_loop3A_1299] {strides = array<i32>} : memref<128x128xf32, #tpu.memory_space<vmem>>, vector<1x16xf32>,
        %parallel_loop3A_1301 = vector.shape_cast %parallel_loop3A_1300 : vector<1x16xf32> to vector<16xf32>
        %parallel_loop3A_1302 = arith.mulf %parallel_loop3A_1301, %parallel_loop3A_1237 : vector<16xf32>
        %parallel_loop3A_1303 = arith.index_cast %parallel_loop3A_1233 : i32 to index
        %parallel_loop3A_1304 = arith.constant 96 : index
        %parallel_loop3A_1305 = tpu.vector_load %arg14[%parallel_loop3A_1303, %parallel_loop3A_1304] {strides = array<i32>} : memref<128x128xf32, #tpu.memory_space<vmem>>, vector<1x16xf32>,
        %parallel_loop3A_1306 = vector.shape_cast %parallel_loop3A_1305 : vector<1x16xf32> to vector<16xf32>
        %parallel_loop3A_1307 = vector.shape_cast %parallel_loop3A_1302 : vector<16xf32> to vector<1x16xf32>
        tpu.vector_store %arg14[%parallel_loop3A_1303, %parallel_loop3A_1304], %parallel_loop3A_1307 {strides = array<i32>} : memref<128x128xf32, #tpu.memory_space<vmem>>, vector<1x16xf32>,
        %parallel_loop3A_1308 = arith.index_cast %parallel_loop3A_1233 : i32 to index
        %parallel_loop3A_1309 = arith.constant 112 : index
        %parallel_loop3A_1310 = tpu.vector_load %arg14[%parallel_loop3A_1308, %parallel_loop3A_1309] {strides = array<i32>} : memref<128x128xf32, #tpu.memory_space<vmem>>, vector<1x16xf32>,
        %parallel_loop3A_1311 = vector.shape_cast %parallel_loop3A_1310 : vector<1x16xf32> to vector<16xf32>
        %parallel_loop3A_1312 = arith.mulf %parallel_loop3A_1311, %parallel_loop3A_1237 : vector<16xf32>
        %parallel_loop3A_1313 = arith.index_cast %parallel_loop3A_1233 : i32 to index
        %parallel_loop3A_1314 = arith.constant 112 : index
        %parallel_loop3A_1315 = tpu.vector_load %arg14[%parallel_loop3A_1313, %parallel_loop3A_1314] {strides = array<i32>} : memref<128x128xf32, #tpu.memory_space<vmem>>, vector<1x16xf32>,
        %parallel_loop3A_1316 = vector.shape_cast %parallel_loop3A_1315 : vector<1x16xf32> to vector<16xf32>
        %parallel_loop3A_1317 = vector.shape_cast %parallel_loop3A_1312 : vector<16xf32> to vector<1x16xf32>
        tpu.vector_store %arg14[%parallel_loop3A_1313, %parallel_loop3A_1314], %parallel_loop3A_1317 {strides = array<i32>} : memref<128x128xf32, #tpu.memory_space<vmem>>, vector<1x16xf32>,
        %parallel_loop3A_1318 = arith.constant 16 : i32
        %parallel_loop3A_1319 = arith.muli %parallel_loop3A_168, %parallel_loop3A_1318 : i32
        %parallel_loop3A_1320 = arith.constant 13 : i32
        %parallel_loop3A_1321 = arith.addi %parallel_loop3A_1319, %parallel_loop3A_1320 : i32
        %parallel_loop3A_1322 = arith.constant 13 : i32
        %parallel_loop3A_1323 = vector.broadcast %parallel_loop3A_1322 : i32 to vector<16x1xi32>
        %parallel_loop3A_1324 = vector.shape_cast %parallel_loop3A_1323 : vector<16x1xi32> to vector<16xi32>
        %parallel_loop3A_1325 = tpu.dynamic_gather %parallel_loop3A_173[%parallel_loop3A_1324] in [0] : vector<16xf32>, vector<16xi32> -> vector<16xf32>
        %parallel_loop3A_1326 = arith.index_cast %parallel_loop3A_1321 : i32 to index
        %parallel_loop3A_1327 = arith.constant 0 : index
        %parallel_loop3A_1328 = tpu.vector_load %arg14[%parallel_loop3A_1326, %parallel_loop3A_1327] {strides = array<i32>} : memref<128x128xf32, #tpu.memory_space<vmem>>, vector<1x16xf32>,
        %parallel_loop3A_1329 = vector.shape_cast %parallel_loop3A_1328 : vector<1x16xf32> to vector<16xf32>
        %parallel_loop3A_1330 = arith.mulf %parallel_loop3A_1329, %parallel_loop3A_1325 : vector<16xf32>
        %parallel_loop3A_1331 = arith.index_cast %parallel_loop3A_1321 : i32 to index
        %parallel_loop3A_1332 = arith.constant 0 : index
        %parallel_loop3A_1333 = tpu.vector_load %arg14[%parallel_loop3A_1331, %parallel_loop3A_1332] {strides = array<i32>} : memref<128x128xf32, #tpu.memory_space<vmem>>, vector<1x16xf32>,
        %parallel_loop3A_1334 = vector.shape_cast %parallel_loop3A_1333 : vector<1x16xf32> to vector<16xf32>
        %parallel_loop3A_1335 = vector.shape_cast %parallel_loop3A_1330 : vector<16xf32> to vector<1x16xf32>
        tpu.vector_store %arg14[%parallel_loop3A_1331, %parallel_loop3A_1332], %parallel_loop3A_1335 {strides = array<i32>} : memref<128x128xf32, #tpu.memory_space<vmem>>, vector<1x16xf32>,
        %parallel_loop3A_1336 = arith.index_cast %parallel_loop3A_1321 : i32 to index
        %parallel_loop3A_1337 = arith.constant 16 : index
        %parallel_loop3A_1338 = tpu.vector_load %arg14[%parallel_loop3A_1336, %parallel_loop3A_1337] {strides = array<i32>} : memref<128x128xf32, #tpu.memory_space<vmem>>, vector<1x16xf32>,
        %parallel_loop3A_1339 = vector.shape_cast %parallel_loop3A_1338 : vector<1x16xf32> to vector<16xf32>
        %parallel_loop3A_1340 = arith.mulf %parallel_loop3A_1339, %parallel_loop3A_1325 : vector<16xf32>
        %parallel_loop3A_1341 = arith.index_cast %parallel_loop3A_1321 : i32 to index
        %parallel_loop3A_1342 = arith.constant 16 : index
        %parallel_loop3A_1343 = tpu.vector_load %arg14[%parallel_loop3A_1341, %parallel_loop3A_1342] {strides = array<i32>} : memref<128x128xf32, #tpu.memory_space<vmem>>, vector<1x16xf32>,
        %parallel_loop3A_1344 = vector.shape_cast %parallel_loop3A_1343 : vector<1x16xf32> to vector<16xf32>
        %parallel_loop3A_1345 = vector.shape_cast %parallel_loop3A_1340 : vector<16xf32> to vector<1x16xf32>
        tpu.vector_store %arg14[%parallel_loop3A_1341, %parallel_loop3A_1342], %parallel_loop3A_1345 {strides = array<i32>} : memref<128x128xf32, #tpu.memory_space<vmem>>, vector<1x16xf32>,
        %parallel_loop3A_1346 = arith.index_cast %parallel_loop3A_1321 : i32 to index
        %parallel_loop3A_1347 = arith.constant 32 : index
        %parallel_loop3A_1348 = tpu.vector_load %arg14[%parallel_loop3A_1346, %parallel_loop3A_1347] {strides = array<i32>} : memref<128x128xf32, #tpu.memory_space<vmem>>, vector<1x16xf32>,
        %parallel_loop3A_1349 = vector.shape_cast %parallel_loop3A_1348 : vector<1x16xf32> to vector<16xf32>
        %parallel_loop3A_1350 = arith.mulf %parallel_loop3A_1349, %parallel_loop3A_1325 : vector<16xf32>
        %parallel_loop3A_1351 = arith.index_cast %parallel_loop3A_1321 : i32 to index
        %parallel_loop3A_1352 = arith.constant 32 : index
        %parallel_loop3A_1353 = tpu.vector_load %arg14[%parallel_loop3A_1351, %parallel_loop3A_1352] {strides = array<i32>} : memref<128x128xf32, #tpu.memory_space<vmem>>, vector<1x16xf32>,
        %parallel_loop3A_1354 = vector.shape_cast %parallel_loop3A_1353 : vector<1x16xf32> to vector<16xf32>
        %parallel_loop3A_1355 = vector.shape_cast %parallel_loop3A_1350 : vector<16xf32> to vector<1x16xf32>
        tpu.vector_store %arg14[%parallel_loop3A_1351, %parallel_loop3A_1352], %parallel_loop3A_1355 {strides = array<i32>} : memref<128x128xf32, #tpu.memory_space<vmem>>, vector<1x16xf32>,
        %parallel_loop3A_1356 = arith.index_cast %parallel_loop3A_1321 : i32 to index
        %parallel_loop3A_1357 = arith.constant 48 : index
        %parallel_loop3A_1358 = tpu.vector_load %arg14[%parallel_loop3A_1356, %parallel_loop3A_1357] {strides = array<i32>} : memref<128x128xf32, #tpu.memory_space<vmem>>, vector<1x16xf32>,
        %parallel_loop3A_1359 = vector.shape_cast %parallel_loop3A_1358 : vector<1x16xf32> to vector<16xf32>
        %parallel_loop3A_1360 = arith.mulf %parallel_loop3A_1359, %parallel_loop3A_1325 : vector<16xf32>
        %parallel_loop3A_1361 = arith.index_cast %parallel_loop3A_1321 : i32 to index
        %parallel_loop3A_1362 = arith.constant 48 : index
        %parallel_loop3A_1363 = tpu.vector_load %arg14[%parallel_loop3A_1361, %parallel_loop3A_1362] {strides = array<i32>} : memref<128x128xf32, #tpu.memory_space<vmem>>, vector<1x16xf32>,
        %parallel_loop3A_1364 = vector.shape_cast %parallel_loop3A_1363 : vector<1x16xf32> to vector<16xf32>
        %parallel_loop3A_1365 = vector.shape_cast %parallel_loop3A_1360 : vector<16xf32> to vector<1x16xf32>
        tpu.vector_store %arg14[%parallel_loop3A_1361, %parallel_loop3A_1362], %parallel_loop3A_1365 {strides = array<i32>} : memref<128x128xf32, #tpu.memory_space<vmem>>, vector<1x16xf32>,
        %parallel_loop3A_1366 = arith.index_cast %parallel_loop3A_1321 : i32 to index
        %parallel_loop3A_1367 = arith.constant 64 : index
        %parallel_loop3A_1368 = tpu.vector_load %arg14[%parallel_loop3A_1366, %parallel_loop3A_1367] {strides = array<i32>} : memref<128x128xf32, #tpu.memory_space<vmem>>, vector<1x16xf32>,
        %parallel_loop3A_1369 = vector.shape_cast %parallel_loop3A_1368 : vector<1x16xf32> to vector<16xf32>
        %parallel_loop3A_1370 = arith.mulf %parallel_loop3A_1369, %parallel_loop3A_1325 : vector<16xf32>
        %parallel_loop3A_1371 = arith.index_cast %parallel_loop3A_1321 : i32 to index
        %parallel_loop3A_1372 = arith.constant 64 : index
        %parallel_loop3A_1373 = tpu.vector_load %arg14[%parallel_loop3A_1371, %parallel_loop3A_1372] {strides = array<i32>} : memref<128x128xf32, #tpu.memory_space<vmem>>, vector<1x16xf32>,
        %parallel_loop3A_1374 = vector.shape_cast %parallel_loop3A_1373 : vector<1x16xf32> to vector<16xf32>
        %parallel_loop3A_1375 = vector.shape_cast %parallel_loop3A_1370 : vector<16xf32> to vector<1x16xf32>
        tpu.vector_store %arg14[%parallel_loop3A_1371, %parallel_loop3A_1372], %parallel_loop3A_1375 {strides = array<i32>} : memref<128x128xf32, #tpu.memory_space<vmem>>, vector<1x16xf32>,
        %parallel_loop3A_1376 = arith.index_cast %parallel_loop3A_1321 : i32 to index
        %parallel_loop3A_1377 = arith.constant 80 : index
        %parallel_loop3A_1378 = tpu.vector_load %arg14[%parallel_loop3A_1376, %parallel_loop3A_1377] {strides = array<i32>} : memref<128x128xf32, #tpu.memory_space<vmem>>, vector<1x16xf32>,
        %parallel_loop3A_1379 = vector.shape_cast %parallel_loop3A_1378 : vector<1x16xf32> to vector<16xf32>
        %parallel_loop3A_1380 = arith.mulf %parallel_loop3A_1379, %parallel_loop3A_1325 : vector<16xf32>
        %parallel_loop3A_1381 = arith.index_cast %parallel_loop3A_1321 : i32 to index
        %parallel_loop3A_1382 = arith.constant 80 : index
        %parallel_loop3A_1383 = tpu.vector_load %arg14[%parallel_loop3A_1381, %parallel_loop3A_1382] {strides = array<i32>} : memref<128x128xf32, #tpu.memory_space<vmem>>, vector<1x16xf32>,
        %parallel_loop3A_1384 = vector.shape_cast %parallel_loop3A_1383 : vector<1x16xf32> to vector<16xf32>
        %parallel_loop3A_1385 = vector.shape_cast %parallel_loop3A_1380 : vector<16xf32> to vector<1x16xf32>
        tpu.vector_store %arg14[%parallel_loop3A_1381, %parallel_loop3A_1382], %parallel_loop3A_1385 {strides = array<i32>} : memref<128x128xf32, #tpu.memory_space<vmem>>, vector<1x16xf32>,
        %parallel_loop3A_1386 = arith.index_cast %parallel_loop3A_1321 : i32 to index
        %parallel_loop3A_1387 = arith.constant 96 : index
        %parallel_loop3A_1388 = tpu.vector_load %arg14[%parallel_loop3A_1386, %parallel_loop3A_1387] {strides = array<i32>} : memref<128x128xf32, #tpu.memory_space<vmem>>, vector<1x16xf32>,
        %parallel_loop3A_1389 = vector.shape_cast %parallel_loop3A_1388 : vector<1x16xf32> to vector<16xf32>
        %parallel_loop3A_1390 = arith.mulf %parallel_loop3A_1389, %parallel_loop3A_1325 : vector<16xf32>
        %parallel_loop3A_1391 = arith.index_cast %parallel_loop3A_1321 : i32 to index
        %parallel_loop3A_1392 = arith.constant 96 : index
        %parallel_loop3A_1393 = tpu.vector_load %arg14[%parallel_loop3A_1391, %parallel_loop3A_1392] {strides = array<i32>} : memref<128x128xf32, #tpu.memory_space<vmem>>, vector<1x16xf32>,
        %parallel_loop3A_1394 = vector.shape_cast %parallel_loop3A_1393 : vector<1x16xf32> to vector<16xf32>
        %parallel_loop3A_1395 = vector.shape_cast %parallel_loop3A_1390 : vector<16xf32> to vector<1x16xf32>
        tpu.vector_store %arg14[%parallel_loop3A_1391, %parallel_loop3A_1392], %parallel_loop3A_1395 {strides = array<i32>} : memref<128x128xf32, #tpu.memory_space<vmem>>, vector<1x16xf32>,
        %parallel_loop3A_1396 = arith.index_cast %parallel_loop3A_1321 : i32 to index
        %parallel_loop3A_1397 = arith.constant 112 : index
        %parallel_loop3A_1398 = tpu.vector_load %arg14[%parallel_loop3A_1396, %parallel_loop3A_1397] {strides = array<i32>} : memref<128x128xf32, #tpu.memory_space<vmem>>, vector<1x16xf32>,
        %parallel_loop3A_1399 = vector.shape_cast %parallel_loop3A_1398 : vector<1x16xf32> to vector<16xf32>
        %parallel_loop3A_1400 = arith.mulf %parallel_loop3A_1399, %parallel_loop3A_1325 : vector<16xf32>
        %parallel_loop3A_1401 = arith.index_cast %parallel_loop3A_1321 : i32 to index
        %parallel_loop3A_1402 = arith.constant 112 : index
        %parallel_loop3A_1403 = tpu.vector_load %arg14[%parallel_loop3A_1401, %parallel_loop3A_1402] {strides = array<i32>} : memref<128x128xf32, #tpu.memory_space<vmem>>, vector<1x16xf32>,
        %parallel_loop3A_1404 = vector.shape_cast %parallel_loop3A_1403 : vector<1x16xf32> to vector<16xf32>
        %parallel_loop3A_1405 = vector.shape_cast %parallel_loop3A_1400 : vector<16xf32> to vector<1x16xf32>
        tpu.vector_store %arg14[%parallel_loop3A_1401, %parallel_loop3A_1402], %parallel_loop3A_1405 {strides = array<i32>} : memref<128x128xf32, #tpu.memory_space<vmem>>, vector<1x16xf32>,
        %parallel_loop3A_1406 = arith.constant 16 : i32
        %parallel_loop3A_1407 = arith.muli %parallel_loop3A_168, %parallel_loop3A_1406 : i32
        %parallel_loop3A_1408 = arith.constant 14 : i32
        %parallel_loop3A_1409 = arith.addi %parallel_loop3A_1407, %parallel_loop3A_1408 : i32
        %parallel_loop3A_1410 = arith.constant 14 : i32
        %parallel_loop3A_1411 = vector.broadcast %parallel_loop3A_1410 : i32 to vector<16x1xi32>
        %parallel_loop3A_1412 = vector.shape_cast %parallel_loop3A_1411 : vector<16x1xi32> to vector<16xi32>
        %parallel_loop3A_1413 = tpu.dynamic_gather %parallel_loop3A_173[%parallel_loop3A_1412] in [0] : vector<16xf32>, vector<16xi32> -> vector<16xf32>
        %parallel_loop3A_1414 = arith.index_cast %parallel_loop3A_1409 : i32 to index
        %parallel_loop3A_1415 = arith.constant 0 : index
        %parallel_loop3A_1416 = tpu.vector_load %arg14[%parallel_loop3A_1414, %parallel_loop3A_1415] {strides = array<i32>} : memref<128x128xf32, #tpu.memory_space<vmem>>, vector<1x16xf32>,
        %parallel_loop3A_1417 = vector.shape_cast %parallel_loop3A_1416 : vector<1x16xf32> to vector<16xf32>
        %parallel_loop3A_1418 = arith.mulf %parallel_loop3A_1417, %parallel_loop3A_1413 : vector<16xf32>
        %parallel_loop3A_1419 = arith.index_cast %parallel_loop3A_1409 : i32 to index
        %parallel_loop3A_1420 = arith.constant 0 : index
        %parallel_loop3A_1421 = tpu.vector_load %arg14[%parallel_loop3A_1419, %parallel_loop3A_1420] {strides = array<i32>} : memref<128x128xf32, #tpu.memory_space<vmem>>, vector<1x16xf32>,
        %parallel_loop3A_1422 = vector.shape_cast %parallel_loop3A_1421 : vector<1x16xf32> to vector<16xf32>
        %parallel_loop3A_1423 = vector.shape_cast %parallel_loop3A_1418 : vector<16xf32> to vector<1x16xf32>
        tpu.vector_store %arg14[%parallel_loop3A_1419, %parallel_loop3A_1420], %parallel_loop3A_1423 {strides = array<i32>} : memref<128x128xf32, #tpu.memory_space<vmem>>, vector<1x16xf32>,
        %parallel_loop3A_1424 = arith.index_cast %parallel_loop3A_1409 : i32 to index
        %parallel_loop3A_1425 = arith.constant 16 : index
        %parallel_loop3A_1426 = tpu.vector_load %arg14[%parallel_loop3A_1424, %parallel_loop3A_1425] {strides = array<i32>} : memref<128x128xf32, #tpu.memory_space<vmem>>, vector<1x16xf32>,
        %parallel_loop3A_1427 = vector.shape_cast %parallel_loop3A_1426 : vector<1x16xf32> to vector<16xf32>
        %parallel_loop3A_1428 = arith.mulf %parallel_loop3A_1427, %parallel_loop3A_1413 : vector<16xf32>
        %parallel_loop3A_1429 = arith.index_cast %parallel_loop3A_1409 : i32 to index
        %parallel_loop3A_1430 = arith.constant 16 : index
        %parallel_loop3A_1431 = tpu.vector_load %arg14[%parallel_loop3A_1429, %parallel_loop3A_1430] {strides = array<i32>} : memref<128x128xf32, #tpu.memory_space<vmem>>, vector<1x16xf32>,
        %parallel_loop3A_1432 = vector.shape_cast %parallel_loop3A_1431 : vector<1x16xf32> to vector<16xf32>
        %parallel_loop3A_1433 = vector.shape_cast %parallel_loop3A_1428 : vector<16xf32> to vector<1x16xf32>
        tpu.vector_store %arg14[%parallel_loop3A_1429, %parallel_loop3A_1430], %parallel_loop3A_1433 {strides = array<i32>} : memref<128x128xf32, #tpu.memory_space<vmem>>, vector<1x16xf32>,
        %parallel_loop3A_1434 = arith.index_cast %parallel_loop3A_1409 : i32 to index
        %parallel_loop3A_1435 = arith.constant 32 : index
        %parallel_loop3A_1436 = tpu.vector_load %arg14[%parallel_loop3A_1434, %parallel_loop3A_1435] {strides = array<i32>} : memref<128x128xf32, #tpu.memory_space<vmem>>, vector<1x16xf32>,
        %parallel_loop3A_1437 = vector.shape_cast %parallel_loop3A_1436 : vector<1x16xf32> to vector<16xf32>
        %parallel_loop3A_1438 = arith.mulf %parallel_loop3A_1437, %parallel_loop3A_1413 : vector<16xf32>
        %parallel_loop3A_1439 = arith.index_cast %parallel_loop3A_1409 : i32 to index
        %parallel_loop3A_1440 = arith.constant 32 : index
        %parallel_loop3A_1441 = tpu.vector_load %arg14[%parallel_loop3A_1439, %parallel_loop3A_1440] {strides = array<i32>} : memref<128x128xf32, #tpu.memory_space<vmem>>, vector<1x16xf32>,
        %parallel_loop3A_1442 = vector.shape_cast %parallel_loop3A_1441 : vector<1x16xf32> to vector<16xf32>
        %parallel_loop3A_1443 = vector.shape_cast %parallel_loop3A_1438 : vector<16xf32> to vector<1x16xf32>
        tpu.vector_store %arg14[%parallel_loop3A_1439, %parallel_loop3A_1440], %parallel_loop3A_1443 {strides = array<i32>} : memref<128x128xf32, #tpu.memory_space<vmem>>, vector<1x16xf32>,
        %parallel_loop3A_1444 = arith.index_cast %parallel_loop3A_1409 : i32 to index
        %parallel_loop3A_1445 = arith.constant 48 : index
        %parallel_loop3A_1446 = tpu.vector_load %arg14[%parallel_loop3A_1444, %parallel_loop3A_1445] {strides = array<i32>} : memref<128x128xf32, #tpu.memory_space<vmem>>, vector<1x16xf32>,
        %parallel_loop3A_1447 = vector.shape_cast %parallel_loop3A_1446 : vector<1x16xf32> to vector<16xf32>
        %parallel_loop3A_1448 = arith.mulf %parallel_loop3A_1447, %parallel_loop3A_1413 : vector<16xf32>
        %parallel_loop3A_1449 = arith.index_cast %parallel_loop3A_1409 : i32 to index
        %parallel_loop3A_1450 = arith.constant 48 : index
        %parallel_loop3A_1451 = tpu.vector_load %arg14[%parallel_loop3A_1449, %parallel_loop3A_1450] {strides = array<i32>} : memref<128x128xf32, #tpu.memory_space<vmem>>, vector<1x16xf32>,
        %parallel_loop3A_1452 = vector.shape_cast %parallel_loop3A_1451 : vector<1x16xf32> to vector<16xf32>
        %parallel_loop3A_1453 = vector.shape_cast %parallel_loop3A_1448 : vector<16xf32> to vector<1x16xf32>
        tpu.vector_store %arg14[%parallel_loop3A_1449, %parallel_loop3A_1450], %parallel_loop3A_1453 {strides = array<i32>} : memref<128x128xf32, #tpu.memory_space<vmem>>, vector<1x16xf32>,
        %parallel_loop3A_1454 = arith.index_cast %parallel_loop3A_1409 : i32 to index
        %parallel_loop3A_1455 = arith.constant 64 : index
        %parallel_loop3A_1456 = tpu.vector_load %arg14[%parallel_loop3A_1454, %parallel_loop3A_1455] {strides = array<i32>} : memref<128x128xf32, #tpu.memory_space<vmem>>, vector<1x16xf32>,
        %parallel_loop3A_1457 = vector.shape_cast %parallel_loop3A_1456 : vector<1x16xf32> to vector<16xf32>
        %parallel_loop3A_1458 = arith.mulf %parallel_loop3A_1457, %parallel_loop3A_1413 : vector<16xf32>
        %parallel_loop3A_1459 = arith.index_cast %parallel_loop3A_1409 : i32 to index
        %parallel_loop3A_1460 = arith.constant 64 : index
        %parallel_loop3A_1461 = tpu.vector_load %arg14[%parallel_loop3A_1459, %parallel_loop3A_1460] {strides = array<i32>} : memref<128x128xf32, #tpu.memory_space<vmem>>, vector<1x16xf32>,
        %parallel_loop3A_1462 = vector.shape_cast %parallel_loop3A_1461 : vector<1x16xf32> to vector<16xf32>
        %parallel_loop3A_1463 = vector.shape_cast %parallel_loop3A_1458 : vector<16xf32> to vector<1x16xf32>
        tpu.vector_store %arg14[%parallel_loop3A_1459, %parallel_loop3A_1460], %parallel_loop3A_1463 {strides = array<i32>} : memref<128x128xf32, #tpu.memory_space<vmem>>, vector<1x16xf32>,
        %parallel_loop3A_1464 = arith.index_cast %parallel_loop3A_1409 : i32 to index
        %parallel_loop3A_1465 = arith.constant 80 : index
        %parallel_loop3A_1466 = tpu.vector_load %arg14[%parallel_loop3A_1464, %parallel_loop3A_1465] {strides = array<i32>} : memref<128x128xf32, #tpu.memory_space<vmem>>, vector<1x16xf32>,
        %parallel_loop3A_1467 = vector.shape_cast %parallel_loop3A_1466 : vector<1x16xf32> to vector<16xf32>
        %parallel_loop3A_1468 = arith.mulf %parallel_loop3A_1467, %parallel_loop3A_1413 : vector<16xf32>
        %parallel_loop3A_1469 = arith.index_cast %parallel_loop3A_1409 : i32 to index
        %parallel_loop3A_1470 = arith.constant 80 : index
        %parallel_loop3A_1471 = tpu.vector_load %arg14[%parallel_loop3A_1469, %parallel_loop3A_1470] {strides = array<i32>} : memref<128x128xf32, #tpu.memory_space<vmem>>, vector<1x16xf32>,
        %parallel_loop3A_1472 = vector.shape_cast %parallel_loop3A_1471 : vector<1x16xf32> to vector<16xf32>
        %parallel_loop3A_1473 = vector.shape_cast %parallel_loop3A_1468 : vector<16xf32> to vector<1x16xf32>
        tpu.vector_store %arg14[%parallel_loop3A_1469, %parallel_loop3A_1470], %parallel_loop3A_1473 {strides = array<i32>} : memref<128x128xf32, #tpu.memory_space<vmem>>, vector<1x16xf32>,
        %parallel_loop3A_1474 = arith.index_cast %parallel_loop3A_1409 : i32 to index
        %parallel_loop3A_1475 = arith.constant 96 : index
        %parallel_loop3A_1476 = tpu.vector_load %arg14[%parallel_loop3A_1474, %parallel_loop3A_1475] {strides = array<i32>} : memref<128x128xf32, #tpu.memory_space<vmem>>, vector<1x16xf32>,
        %parallel_loop3A_1477 = vector.shape_cast %parallel_loop3A_1476 : vector<1x16xf32> to vector<16xf32>
        %parallel_loop3A_1478 = arith.mulf %parallel_loop3A_1477, %parallel_loop3A_1413 : vector<16xf32>
        %parallel_loop3A_1479 = arith.index_cast %parallel_loop3A_1409 : i32 to index
        %parallel_loop3A_1480 = arith.constant 96 : index
        %parallel_loop3A_1481 = tpu.vector_load %arg14[%parallel_loop3A_1479, %parallel_loop3A_1480] {strides = array<i32>} : memref<128x128xf32, #tpu.memory_space<vmem>>, vector<1x16xf32>,
        %parallel_loop3A_1482 = vector.shape_cast %parallel_loop3A_1481 : vector<1x16xf32> to vector<16xf32>
        %parallel_loop3A_1483 = vector.shape_cast %parallel_loop3A_1478 : vector<16xf32> to vector<1x16xf32>
        tpu.vector_store %arg14[%parallel_loop3A_1479, %parallel_loop3A_1480], %parallel_loop3A_1483 {strides = array<i32>} : memref<128x128xf32, #tpu.memory_space<vmem>>, vector<1x16xf32>,
        %parallel_loop3A_1484 = arith.index_cast %parallel_loop3A_1409 : i32 to index
        %parallel_loop3A_1485 = arith.constant 112 : index
        %parallel_loop3A_1486 = tpu.vector_load %arg14[%parallel_loop3A_1484, %parallel_loop3A_1485] {strides = array<i32>} : memref<128x128xf32, #tpu.memory_space<vmem>>, vector<1x16xf32>,
        %parallel_loop3A_1487 = vector.shape_cast %parallel_loop3A_1486 : vector<1x16xf32> to vector<16xf32>
        %parallel_loop3A_1488 = arith.mulf %parallel_loop3A_1487, %parallel_loop3A_1413 : vector<16xf32>
        %parallel_loop3A_1489 = arith.index_cast %parallel_loop3A_1409 : i32 to index
        %parallel_loop3A_1490 = arith.constant 112 : index
        %parallel_loop3A_1491 = tpu.vector_load %arg14[%parallel_loop3A_1489, %parallel_loop3A_1490] {strides = array<i32>} : memref<128x128xf32, #tpu.memory_space<vmem>>, vector<1x16xf32>,
        %parallel_loop3A_1492 = vector.shape_cast %parallel_loop3A_1491 : vector<1x16xf32> to vector<16xf32>
        %parallel_loop3A_1493 = vector.shape_cast %parallel_loop3A_1488 : vector<16xf32> to vector<1x16xf32>
        tpu.vector_store %arg14[%parallel_loop3A_1489, %parallel_loop3A_1490], %parallel_loop3A_1493 {strides = array<i32>} : memref<128x128xf32, #tpu.memory_space<vmem>>, vector<1x16xf32>,
        %parallel_loop3A_1494 = arith.constant 16 : i32
        %parallel_loop3A_1495 = arith.muli %parallel_loop3A_168, %parallel_loop3A_1494 : i32
        %parallel_loop3A_1496 = arith.constant 15 : i32
        %parallel_loop3A_1497 = arith.addi %parallel_loop3A_1495, %parallel_loop3A_1496 : i32
        %parallel_loop3A_1498 = arith.constant 15 : i32
        %parallel_loop3A_1499 = vector.broadcast %parallel_loop3A_1498 : i32 to vector<16x1xi32>
        %parallel_loop3A_1500 = vector.shape_cast %parallel_loop3A_1499 : vector<16x1xi32> to vector<16xi32>
        %parallel_loop3A_1501 = tpu.dynamic_gather %parallel_loop3A_173[%parallel_loop3A_1500] in [0] : vector<16xf32>, vector<16xi32> -> vector<16xf32>
        %parallel_loop3A_1502 = arith.index_cast %parallel_loop3A_1497 : i32 to index
        %parallel_loop3A_1503 = arith.constant 0 : index
        %parallel_loop3A_1504 = tpu.vector_load %arg14[%parallel_loop3A_1502, %parallel_loop3A_1503] {strides = array<i32>} : memref<128x128xf32, #tpu.memory_space<vmem>>, vector<1x16xf32>,
        %parallel_loop3A_1505 = vector.shape_cast %parallel_loop3A_1504 : vector<1x16xf32> to vector<16xf32>
        %parallel_loop3A_1506 = arith.mulf %parallel_loop3A_1505, %parallel_loop3A_1501 : vector<16xf32>
        %parallel_loop3A_1507 = arith.index_cast %parallel_loop3A_1497 : i32 to index
        %parallel_loop3A_1508 = arith.constant 0 : index
        %parallel_loop3A_1509 = tpu.vector_load %arg14[%parallel_loop3A_1507, %parallel_loop3A_1508] {strides = array<i32>} : memref<128x128xf32, #tpu.memory_space<vmem>>, vector<1x16xf32>,
        %parallel_loop3A_1510 = vector.shape_cast %parallel_loop3A_1509 : vector<1x16xf32> to vector<16xf32>
        %parallel_loop3A_1511 = vector.shape_cast %parallel_loop3A_1506 : vector<16xf32> to vector<1x16xf32>
        tpu.vector_store %arg14[%parallel_loop3A_1507, %parallel_loop3A_1508], %parallel_loop3A_1511 {strides = array<i32>} : memref<128x128xf32, #tpu.memory_space<vmem>>, vector<1x16xf32>,
        %parallel_loop3A_1512 = arith.index_cast %parallel_loop3A_1497 : i32 to index
        %parallel_loop3A_1513 = arith.constant 16 : index
        %parallel_loop3A_1514 = tpu.vector_load %arg14[%parallel_loop3A_1512, %parallel_loop3A_1513] {strides = array<i32>} : memref<128x128xf32, #tpu.memory_space<vmem>>, vector<1x16xf32>,
        %parallel_loop3A_1515 = vector.shape_cast %parallel_loop3A_1514 : vector<1x16xf32> to vector<16xf32>
        %parallel_loop3A_1516 = arith.mulf %parallel_loop3A_1515, %parallel_loop3A_1501 : vector<16xf32>
        %parallel_loop3A_1517 = arith.index_cast %parallel_loop3A_1497 : i32 to index
        %parallel_loop3A_1518 = arith.constant 16 : index
        %parallel_loop3A_1519 = tpu.vector_load %arg14[%parallel_loop3A_1517, %parallel_loop3A_1518] {strides = array<i32>} : memref<128x128xf32, #tpu.memory_space<vmem>>, vector<1x16xf32>,
        %parallel_loop3A_1520 = vector.shape_cast %parallel_loop3A_1519 : vector<1x16xf32> to vector<16xf32>
        %parallel_loop3A_1521 = vector.shape_cast %parallel_loop3A_1516 : vector<16xf32> to vector<1x16xf32>
        tpu.vector_store %arg14[%parallel_loop3A_1517, %parallel_loop3A_1518], %parallel_loop3A_1521 {strides = array<i32>} : memref<128x128xf32, #tpu.memory_space<vmem>>, vector<1x16xf32>,
        %parallel_loop3A_1522 = arith.index_cast %parallel_loop3A_1497 : i32 to index
        %parallel_loop3A_1523 = arith.constant 32 : index
        %parallel_loop3A_1524 = tpu.vector_load %arg14[%parallel_loop3A_1522, %parallel_loop3A_1523] {strides = array<i32>} : memref<128x128xf32, #tpu.memory_space<vmem>>, vector<1x16xf32>,
        %parallel_loop3A_1525 = vector.shape_cast %parallel_loop3A_1524 : vector<1x16xf32> to vector<16xf32>
        %parallel_loop3A_1526 = arith.mulf %parallel_loop3A_1525, %parallel_loop3A_1501 : vector<16xf32>
        %parallel_loop3A_1527 = arith.index_cast %parallel_loop3A_1497 : i32 to index
        %parallel_loop3A_1528 = arith.constant 32 : index
        %parallel_loop3A_1529 = tpu.vector_load %arg14[%parallel_loop3A_1527, %parallel_loop3A_1528] {strides = array<i32>} : memref<128x128xf32, #tpu.memory_space<vmem>>, vector<1x16xf32>,
        %parallel_loop3A_1530 = vector.shape_cast %parallel_loop3A_1529 : vector<1x16xf32> to vector<16xf32>
        %parallel_loop3A_1531 = vector.shape_cast %parallel_loop3A_1526 : vector<16xf32> to vector<1x16xf32>
        tpu.vector_store %arg14[%parallel_loop3A_1527, %parallel_loop3A_1528], %parallel_loop3A_1531 {strides = array<i32>} : memref<128x128xf32, #tpu.memory_space<vmem>>, vector<1x16xf32>,
        %parallel_loop3A_1532 = arith.index_cast %parallel_loop3A_1497 : i32 to index
        %parallel_loop3A_1533 = arith.constant 48 : index
        %parallel_loop3A_1534 = tpu.vector_load %arg14[%parallel_loop3A_1532, %parallel_loop3A_1533] {strides = array<i32>} : memref<128x128xf32, #tpu.memory_space<vmem>>, vector<1x16xf32>,
        %parallel_loop3A_1535 = vector.shape_cast %parallel_loop3A_1534 : vector<1x16xf32> to vector<16xf32>
        %parallel_loop3A_1536 = arith.mulf %parallel_loop3A_1535, %parallel_loop3A_1501 : vector<16xf32>
        %parallel_loop3A_1537 = arith.index_cast %parallel_loop3A_1497 : i32 to index
        %parallel_loop3A_1538 = arith.constant 48 : index
        %parallel_loop3A_1539 = tpu.vector_load %arg14[%parallel_loop3A_1537, %parallel_loop3A_1538] {strides = array<i32>} : memref<128x128xf32, #tpu.memory_space<vmem>>, vector<1x16xf32>,
        %parallel_loop3A_1540 = vector.shape_cast %parallel_loop3A_1539 : vector<1x16xf32> to vector<16xf32>
        %parallel_loop3A_1541 = vector.shape_cast %parallel_loop3A_1536 : vector<16xf32> to vector<1x16xf32>
        tpu.vector_store %arg14[%parallel_loop3A_1537, %parallel_loop3A_1538], %parallel_loop3A_1541 {strides = array<i32>} : memref<128x128xf32, #tpu.memory_space<vmem>>, vector<1x16xf32>,
        %parallel_loop3A_1542 = arith.index_cast %parallel_loop3A_1497 : i32 to index
        %parallel_loop3A_1543 = arith.constant 64 : index
        %parallel_loop3A_1544 = tpu.vector_load %arg14[%parallel_loop3A_1542, %parallel_loop3A_1543] {strides = array<i32>} : memref<128x128xf32, #tpu.memory_space<vmem>>, vector<1x16xf32>,
        %parallel_loop3A_1545 = vector.shape_cast %parallel_loop3A_1544 : vector<1x16xf32> to vector<16xf32>
        %parallel_loop3A_1546 = arith.mulf %parallel_loop3A_1545, %parallel_loop3A_1501 : vector<16xf32>
        %parallel_loop3A_1547 = arith.index_cast %parallel_loop3A_1497 : i32 to index
        %parallel_loop3A_1548 = arith.constant 64 : index
        %parallel_loop3A_1549 = tpu.vector_load %arg14[%parallel_loop3A_1547, %parallel_loop3A_1548] {strides = array<i32>} : memref<128x128xf32, #tpu.memory_space<vmem>>, vector<1x16xf32>,
        %parallel_loop3A_1550 = vector.shape_cast %parallel_loop3A_1549 : vector<1x16xf32> to vector<16xf32>
        %parallel_loop3A_1551 = vector.shape_cast %parallel_loop3A_1546 : vector<16xf32> to vector<1x16xf32>
        tpu.vector_store %arg14[%parallel_loop3A_1547, %parallel_loop3A_1548], %parallel_loop3A_1551 {strides = array<i32>} : memref<128x128xf32, #tpu.memory_space<vmem>>, vector<1x16xf32>,
        %parallel_loop3A_1552 = arith.index_cast %parallel_loop3A_1497 : i32 to index
        %parallel_loop3A_1553 = arith.constant 80 : index
        %parallel_loop3A_1554 = tpu.vector_load %arg14[%parallel_loop3A_1552, %parallel_loop3A_1553] {strides = array<i32>} : memref<128x128xf32, #tpu.memory_space<vmem>>, vector<1x16xf32>,
        %parallel_loop3A_1555 = vector.shape_cast %parallel_loop3A_1554 : vector<1x16xf32> to vector<16xf32>
        %parallel_loop3A_1556 = arith.mulf %parallel_loop3A_1555, %parallel_loop3A_1501 : vector<16xf32>
        %parallel_loop3A_1557 = arith.index_cast %parallel_loop3A_1497 : i32 to index
        %parallel_loop3A_1558 = arith.constant 80 : index
        %parallel_loop3A_1559 = tpu.vector_load %arg14[%parallel_loop3A_1557, %parallel_loop3A_1558] {strides = array<i32>} : memref<128x128xf32, #tpu.memory_space<vmem>>, vector<1x16xf32>,
        %parallel_loop3A_1560 = vector.shape_cast %parallel_loop3A_1559 : vector<1x16xf32> to vector<16xf32>
        %parallel_loop3A_1561 = vector.shape_cast %parallel_loop3A_1556 : vector<16xf32> to vector<1x16xf32>
        tpu.vector_store %arg14[%parallel_loop3A_1557, %parallel_loop3A_1558], %parallel_loop3A_1561 {strides = array<i32>} : memref<128x128xf32, #tpu.memory_space<vmem>>, vector<1x16xf32>,
        %parallel_loop3A_1562 = arith.index_cast %parallel_loop3A_1497 : i32 to index
        %parallel_loop3A_1563 = arith.constant 96 : index
        %parallel_loop3A_1564 = tpu.vector_load %arg14[%parallel_loop3A_1562, %parallel_loop3A_1563] {strides = array<i32>} : memref<128x128xf32, #tpu.memory_space<vmem>>, vector<1x16xf32>,
        %parallel_loop3A_1565 = vector.shape_cast %parallel_loop3A_1564 : vector<1x16xf32> to vector<16xf32>
        %parallel_loop3A_1566 = arith.mulf %parallel_loop3A_1565, %parallel_loop3A_1501 : vector<16xf32>
        %parallel_loop3A_1567 = arith.index_cast %parallel_loop3A_1497 : i32 to index
        %parallel_loop3A_1568 = arith.constant 96 : index
        %parallel_loop3A_1569 = tpu.vector_load %arg14[%parallel_loop3A_1567, %parallel_loop3A_1568] {strides = array<i32>} : memref<128x128xf32, #tpu.memory_space<vmem>>, vector<1x16xf32>,
        %parallel_loop3A_1570 = vector.shape_cast %parallel_loop3A_1569 : vector<1x16xf32> to vector<16xf32>
        %parallel_loop3A_1571 = vector.shape_cast %parallel_loop3A_1566 : vector<16xf32> to vector<1x16xf32>
        tpu.vector_store %arg14[%parallel_loop3A_1567, %parallel_loop3A_1568], %parallel_loop3A_1571 {strides = array<i32>} : memref<128x128xf32, #tpu.memory_space<vmem>>, vector<1x16xf32>,
        %parallel_loop3A_1572 = arith.index_cast %parallel_loop3A_1497 : i32 to index
        %parallel_loop3A_1573 = arith.constant 112 : index
        %parallel_loop3A_1574 = tpu.vector_load %arg14[%parallel_loop3A_1572, %parallel_loop3A_1573] {strides = array<i32>} : memref<128x128xf32, #tpu.memory_space<vmem>>, vector<1x16xf32>,
        %parallel_loop3A_1575 = vector.shape_cast %parallel_loop3A_1574 : vector<1x16xf32> to vector<16xf32>
        %parallel_loop3A_1576 = arith.mulf %parallel_loop3A_1575, %parallel_loop3A_1501 : vector<16xf32>
        %parallel_loop3A_1577 = arith.index_cast %parallel_loop3A_1497 : i32 to index
        %parallel_loop3A_1578 = arith.constant 112 : index
        %parallel_loop3A_1579 = tpu.vector_load %arg14[%parallel_loop3A_1577, %parallel_loop3A_1578] {strides = array<i32>} : memref<128x128xf32, #tpu.memory_space<vmem>>, vector<1x16xf32>,
        %parallel_loop3A_1580 = vector.shape_cast %parallel_loop3A_1579 : vector<1x16xf32> to vector<16xf32>
        %parallel_loop3A_1581 = vector.shape_cast %parallel_loop3A_1576 : vector<16xf32> to vector<1x16xf32>
        tpu.vector_store %arg14[%parallel_loop3A_1577, %parallel_loop3A_1578], %parallel_loop3A_1581 {strides = array<i32>} : memref<128x128xf32, #tpu.memory_space<vmem>>, vector<1x16xf32>,
      } {sc.loop_unroll_factor = 2 : i64, sc.parallel_access}
      %dma_start3A_92 = arith.constant 0 : i32
      %dma_start3A_93 = arith.constant 0 : i32
      %dma_start3A_94 = tpu.memref_slice %arg16[%dma_start3A_92, %dma_start3A_93] : memref<10000x128xf32, #tpu.memory_space<vmem_shared>> -> memref<10000x128xf32, #tpu.memory_space<vmem_shared>>
      tpu.enqueue_indirect_dma source(%arg14 : memref<128x128xf32, #tpu.memory_space<vmem>>) target(%dma_start3A_94 : memref<10000x128xf32, #tpu.memory_space<vmem_shared>>) offsets(%arg8 : memref<128xi32, #tpu.memory_space<vmem>>) semaphore(%arg21 : memref<!tpu.dma_semaphore, #tpu.memory_space<semaphore_mem>>) {add = true}
      %dma_wait3A_95 = arith.constant 0 : i32
      %dma_wait3A_96 = arith.constant 0 : i32
      %dma_wait3A_97 = tpu.memref_slice %arg2[%dma_wait3A_95, %dma_wait3A_96] : memref<10000x128xf32, #tpu.memory_space<hbm>> -> memref<128x128xf32, #tpu.memory_space<hbm>>
      %dma_wait3A_98 = arith.constant 0 : i32
      %dma_wait3A_99 = arith.constant 0 : i32
      %dma_wait3A_100 = tpu.memref_slice %arg2[%dma_wait3A_98, %dma_wait3A_99] : memref<10000x128xf32, #tpu.memory_space<hbm>> -> memref<128x128xf32, #tpu.memory_space<hbm>>
      tpu.wait_dma2 semaphore(%arg20 : memref<!tpu.dma_semaphore, #tpu.memory_space<semaphore_mem>>) src(%dma_wait3A_100 : memref<128x128xf32, #tpu.memory_space<hbm>>) dst(%arg15 : memref<128x128xf32, #tpu.memory_space<vmem>>)
      %parallel_loop3A_101 = arith.constant 0 : i32
      %parallel_loop3A_102 = arith.constant 8 : i32
      %parallel_loop3A_103 = arith.constant 1 : i32
      scf.for %parallel_loop3A_168 = %parallel_loop3A_101 to %parallel_loop3A_102 step %parallel_loop3A_103  : i32 {
        %parallel_loop3A_169 = arith.constant 16 : i32
        %parallel_loop3A_170 = arith.muli %parallel_loop3A_168, %parallel_loop3A_169 : i32
        %parallel_loop3A_171 = arith.index_cast %parallel_loop3A_170 : i32 to index
        %parallel_loop3A_172 = tpu.vector_load %arg12[%parallel_loop3A_171] {strides = array<i32>} : memref<128xf32, #tpu.memory_space<vmem>>, vector<16xf32>,
        %parallel_loop3A_173 = vector.shape_cast %parallel_loop3A_172 : vector<16xf32> to vector<16xf32>
        %parallel_loop3A_174 = arith.constant 16 : i32
        %parallel_loop3A_175 = arith.muli %parallel_loop3A_168, %parallel_loop3A_174 : i32
        %parallel_loop3A_176 = arith.constant 0 : i32
        %parallel_loop3A_177 = arith.addi %parallel_loop3A_175, %parallel_loop3A_176 : i32
        %parallel_loop3A_178 = arith.constant 0 : i32
        %parallel_loop3A_179 = vector.broadcast %parallel_loop3A_178 : i32 to vector<16x1xi32>
        %parallel_loop3A_180 = vector.shape_cast %parallel_loop3A_179 : vector<16x1xi32> to vector<16xi32>
        %parallel_loop3A_181 = tpu.dynamic_gather %parallel_loop3A_173[%parallel_loop3A_180] in [0] : vector<16xf32>, vector<16xi32> -> vector<16xf32>
        %parallel_loop3A_182 = arith.index_cast %parallel_loop3A_177 : i32 to index
        %parallel_loop3A_183 = arith.constant 0 : index
        %parallel_loop3A_184 = tpu.vector_load %arg15[%parallel_loop3A_182, %parallel_loop3A_183] {strides = array<i32>} : memref<128x128xf32, #tpu.memory_space<vmem>>, vector<1x16xf32>,
        %parallel_loop3A_185 = vector.shape_cast %parallel_loop3A_184 : vector<1x16xf32> to vector<16xf32>
        %parallel_loop3A_186 = arith.mulf %parallel_loop3A_185, %parallel_loop3A_181 : vector<16xf32>
        %parallel_loop3A_187 = arith.index_cast %parallel_loop3A_177 : i32 to index
        %parallel_loop3A_188 = arith.constant 0 : index
        %parallel_loop3A_189 = tpu.vector_load %arg15[%parallel_loop3A_187, %parallel_loop3A_188] {strides = array<i32>} : memref<128x128xf32, #tpu.memory_space<vmem>>, vector<1x16xf32>,
        %parallel_loop3A_190 = vector.shape_cast %parallel_loop3A_189 : vector<1x16xf32> to vector<16xf32>
        %parallel_loop3A_191 = vector.shape_cast %parallel_loop3A_186 : vector<16xf32> to vector<1x16xf32>
        tpu.vector_store %arg15[%parallel_loop3A_187, %parallel_loop3A_188], %parallel_loop3A_191 {strides = array<i32>} : memref<128x128xf32, #tpu.memory_space<vmem>>, vector<1x16xf32>,
        %parallel_loop3A_192 = arith.index_cast %parallel_loop3A_177 : i32 to index
        %parallel_loop3A_193 = arith.constant 16 : index
        %parallel_loop3A_194 = tpu.vector_load %arg15[%parallel_loop3A_192, %parallel_loop3A_193] {strides = array<i32>} : memref<128x128xf32, #tpu.memory_space<vmem>>, vector<1x16xf32>,
        %parallel_loop3A_195 = vector.shape_cast %parallel_loop3A_194 : vector<1x16xf32> to vector<16xf32>
        %parallel_loop3A_196 = arith.mulf %parallel_loop3A_195, %parallel_loop3A_181 : vector<16xf32>
        %parallel_loop3A_197 = arith.index_cast %parallel_loop3A_177 : i32 to index
        %parallel_loop3A_198 = arith.constant 16 : index
        %parallel_loop3A_199 = tpu.vector_load %arg15[%parallel_loop3A_197, %parallel_loop3A_198] {strides = array<i32>} : memref<128x128xf32, #tpu.memory_space<vmem>>, vector<1x16xf32>,
        %parallel_loop3A_200 = vector.shape_cast %parallel_loop3A_199 : vector<1x16xf32> to vector<16xf32>
        %parallel_loop3A_201 = vector.shape_cast %parallel_loop3A_196 : vector<16xf32> to vector<1x16xf32>
        tpu.vector_store %arg15[%parallel_loop3A_197, %parallel_loop3A_198], %parallel_loop3A_201 {strides = array<i32>} : memref<128x128xf32, #tpu.memory_space<vmem>>, vector<1x16xf32>,
        %parallel_loop3A_202 = arith.index_cast %parallel_loop3A_177 : i32 to index
        %parallel_loop3A_203 = arith.constant 32 : index
        %parallel_loop3A_204 = tpu.vector_load %arg15[%parallel_loop3A_202, %parallel_loop3A_203] {strides = array<i32>} : memref<128x128xf32, #tpu.memory_space<vmem>>, vector<1x16xf32>,
        %parallel_loop3A_205 = vector.shape_cast %parallel_loop3A_204 : vector<1x16xf32> to vector<16xf32>
        %parallel_loop3A_206 = arith.mulf %parallel_loop3A_205, %parallel_loop3A_181 : vector<16xf32>
        %parallel_loop3A_207 = arith.index_cast %parallel_loop3A_177 : i32 to index
        %parallel_loop3A_208 = arith.constant 32 : index
        %parallel_loop3A_209 = tpu.vector_load %arg15[%parallel_loop3A_207, %parallel_loop3A_208] {strides = array<i32>} : memref<128x128xf32, #tpu.memory_space<vmem>>, vector<1x16xf32>,
        %parallel_loop3A_210 = vector.shape_cast %parallel_loop3A_209 : vector<1x16xf32> to vector<16xf32>
        %parallel_loop3A_211 = vector.shape_cast %parallel_loop3A_206 : vector<16xf32> to vector<1x16xf32>
        tpu.vector_store %arg15[%parallel_loop3A_207, %parallel_loop3A_208], %parallel_loop3A_211 {strides = array<i32>} : memref<128x128xf32, #tpu.memory_space<vmem>>, vector<1x16xf32>,
        %parallel_loop3A_212 = arith.index_cast %parallel_loop3A_177 : i32 to index
        %parallel_loop3A_213 = arith.constant 48 : index
        %parallel_loop3A_214 = tpu.vector_load %arg15[%parallel_loop3A_212, %parallel_loop3A_213] {strides = array<i32>} : memref<128x128xf32, #tpu.memory_space<vmem>>, vector<1x16xf32>,
        %parallel_loop3A_215 = vector.shape_cast %parallel_loop3A_214 : vector<1x16xf32> to vector<16xf32>
        %parallel_loop3A_216 = arith.mulf %parallel_loop3A_215, %parallel_loop3A_181 : vector<16xf32>
        %parallel_loop3A_217 = arith.index_cast %parallel_loop3A_177 : i32 to index
        %parallel_loop3A_218 = arith.constant 48 : index
        %parallel_loop3A_219 = tpu.vector_load %arg15[%parallel_loop3A_217, %parallel_loop3A_218] {strides = array<i32>} : memref<128x128xf32, #tpu.memory_space<vmem>>, vector<1x16xf32>,
        %parallel_loop3A_220 = vector.shape_cast %parallel_loop3A_219 : vector<1x16xf32> to vector<16xf32>
        %parallel_loop3A_221 = vector.shape_cast %parallel_loop3A_216 : vector<16xf32> to vector<1x16xf32>
        tpu.vector_store %arg15[%parallel_loop3A_217, %parallel_loop3A_218], %parallel_loop3A_221 {strides = array<i32>} : memref<128x128xf32, #tpu.memory_space<vmem>>, vector<1x16xf32>,
        %parallel_loop3A_222 = arith.index_cast %parallel_loop3A_177 : i32 to index
        %parallel_loop3A_223 = arith.constant 64 : index
        %parallel_loop3A_224 = tpu.vector_load %arg15[%parallel_loop3A_222, %parallel_loop3A_223] {strides = array<i32>} : memref<128x128xf32, #tpu.memory_space<vmem>>, vector<1x16xf32>,
        %parallel_loop3A_225 = vector.shape_cast %parallel_loop3A_224 : vector<1x16xf32> to vector<16xf32>
        %parallel_loop3A_226 = arith.mulf %parallel_loop3A_225, %parallel_loop3A_181 : vector<16xf32>
        %parallel_loop3A_227 = arith.index_cast %parallel_loop3A_177 : i32 to index
        %parallel_loop3A_228 = arith.constant 64 : index
        %parallel_loop3A_229 = tpu.vector_load %arg15[%parallel_loop3A_227, %parallel_loop3A_228] {strides = array<i32>} : memref<128x128xf32, #tpu.memory_space<vmem>>, vector<1x16xf32>,
        %parallel_loop3A_230 = vector.shape_cast %parallel_loop3A_229 : vector<1x16xf32> to vector<16xf32>
        %parallel_loop3A_231 = vector.shape_cast %parallel_loop3A_226 : vector<16xf32> to vector<1x16xf32>
        tpu.vector_store %arg15[%parallel_loop3A_227, %parallel_loop3A_228], %parallel_loop3A_231 {strides = array<i32>} : memref<128x128xf32, #tpu.memory_space<vmem>>, vector<1x16xf32>,
        %parallel_loop3A_232 = arith.index_cast %parallel_loop3A_177 : i32 to index
        %parallel_loop3A_233 = arith.constant 80 : index
        %parallel_loop3A_234 = tpu.vector_load %arg15[%parallel_loop3A_232, %parallel_loop3A_233] {strides = array<i32>} : memref<128x128xf32, #tpu.memory_space<vmem>>, vector<1x16xf32>,
        %parallel_loop3A_235 = vector.shape_cast %parallel_loop3A_234 : vector<1x16xf32> to vector<16xf32>
        %parallel_loop3A_236 = arith.mulf %parallel_loop3A_235, %parallel_loop3A_181 : vector<16xf32>
        %parallel_loop3A_237 = arith.index_cast %parallel_loop3A_177 : i32 to index
        %parallel_loop3A_238 = arith.constant 80 : index
        %parallel_loop3A_239 = tpu.vector_load %arg15[%parallel_loop3A_237, %parallel_loop3A_238] {strides = array<i32>} : memref<128x128xf32, #tpu.memory_space<vmem>>, vector<1x16xf32>,
        %parallel_loop3A_240 = vector.shape_cast %parallel_loop3A_239 : vector<1x16xf32> to vector<16xf32>
        %parallel_loop3A_241 = vector.shape_cast %parallel_loop3A_236 : vector<16xf32> to vector<1x16xf32>
        tpu.vector_store %arg15[%parallel_loop3A_237, %parallel_loop3A_238], %parallel_loop3A_241 {strides = array<i32>} : memref<128x128xf32, #tpu.memory_space<vmem>>, vector<1x16xf32>,
        %parallel_loop3A_242 = arith.index_cast %parallel_loop3A_177 : i32 to index
        %parallel_loop3A_243 = arith.constant 96 : index
        %parallel_loop3A_244 = tpu.vector_load %arg15[%parallel_loop3A_242, %parallel_loop3A_243] {strides = array<i32>} : memref<128x128xf32, #tpu.memory_space<vmem>>, vector<1x16xf32>,
        %parallel_loop3A_245 = vector.shape_cast %parallel_loop3A_244 : vector<1x16xf32> to vector<16xf32>
        %parallel_loop3A_246 = arith.mulf %parallel_loop3A_245, %parallel_loop3A_181 : vector<16xf32>
        %parallel_loop3A_247 = arith.index_cast %parallel_loop3A_177 : i32 to index
        %parallel_loop3A_248 = arith.constant 96 : index
        %parallel_loop3A_249 = tpu.vector_load %arg15[%parallel_loop3A_247, %parallel_loop3A_248] {strides = array<i32>} : memref<128x128xf32, #tpu.memory_space<vmem>>, vector<1x16xf32>,
        %parallel_loop3A_250 = vector.shape_cast %parallel_loop3A_249 : vector<1x16xf32> to vector<16xf32>
        %parallel_loop3A_251 = vector.shape_cast %parallel_loop3A_246 : vector<16xf32> to vector<1x16xf32>
        tpu.vector_store %arg15[%parallel_loop3A_247, %parallel_loop3A_248], %parallel_loop3A_251 {strides = array<i32>} : memref<128x128xf32, #tpu.memory_space<vmem>>, vector<1x16xf32>,
        %parallel_loop3A_252 = arith.index_cast %parallel_loop3A_177 : i32 to index
        %parallel_loop3A_253 = arith.constant 112 : index
        %parallel_loop3A_254 = tpu.vector_load %arg15[%parallel_loop3A_252, %parallel_loop3A_253] {strides = array<i32>} : memref<128x128xf32, #tpu.memory_space<vmem>>, vector<1x16xf32>,
        %parallel_loop3A_255 = vector.shape_cast %parallel_loop3A_254 : vector<1x16xf32> to vector<16xf32>
        %parallel_loop3A_256 = arith.mulf %parallel_loop3A_255, %parallel_loop3A_181 : vector<16xf32>
        %parallel_loop3A_257 = arith.index_cast %parallel_loop3A_177 : i32 to index
        %parallel_loop3A_258 = arith.constant 112 : index
        %parallel_loop3A_259 = tpu.vector_load %arg15[%parallel_loop3A_257, %parallel_loop3A_258] {strides = array<i32>} : memref<128x128xf32, #tpu.memory_space<vmem>>, vector<1x16xf32>,
        %parallel_loop3A_260 = vector.shape_cast %parallel_loop3A_259 : vector<1x16xf32> to vector<16xf32>
        %parallel_loop3A_261 = vector.shape_cast %parallel_loop3A_256 : vector<16xf32> to vector<1x16xf32>
        tpu.vector_store %arg15[%parallel_loop3A_257, %parallel_loop3A_258], %parallel_loop3A_261 {strides = array<i32>} : memref<128x128xf32, #tpu.memory_space<vmem>>, vector<1x16xf32>,
        %parallel_loop3A_262 = arith.constant 16 : i32
        %parallel_loop3A_263 = arith.muli %parallel_loop3A_168, %parallel_loop3A_262 : i32
        %parallel_loop3A_264 = arith.constant 1 : i32
        %parallel_loop3A_265 = arith.addi %parallel_loop3A_263, %parallel_loop3A_264 : i32
        %parallel_loop3A_266 = arith.constant 1 : i32
        %parallel_loop3A_267 = vector.broadcast %parallel_loop3A_266 : i32 to vector<16x1xi32>
        %parallel_loop3A_268 = vector.shape_cast %parallel_loop3A_267 : vector<16x1xi32> to vector<16xi32>
        %parallel_loop3A_269 = tpu.dynamic_gather %parallel_loop3A_173[%parallel_loop3A_268] in [0] : vector<16xf32>, vector<16xi32> -> vector<16xf32>
        %parallel_loop3A_270 = arith.index_cast %parallel_loop3A_265 : i32 to index
        %parallel_loop3A_271 = arith.constant 0 : index
        %parallel_loop3A_272 = tpu.vector_load %arg15[%parallel_loop3A_270, %parallel_loop3A_271] {strides = array<i32>} : memref<128x128xf32, #tpu.memory_space<vmem>>, vector<1x16xf32>,
        %parallel_loop3A_273 = vector.shape_cast %parallel_loop3A_272 : vector<1x16xf32> to vector<16xf32>
        %parallel_loop3A_274 = arith.mulf %parallel_loop3A_273, %parallel_loop3A_269 : vector<16xf32>
        %parallel_loop3A_275 = arith.index_cast %parallel_loop3A_265 : i32 to index
        %parallel_loop3A_276 = arith.constant 0 : index
        %parallel_loop3A_277 = tpu.vector_load %arg15[%parallel_loop3A_275, %parallel_loop3A_276] {strides = array<i32>} : memref<128x128xf32, #tpu.memory_space<vmem>>, vector<1x16xf32>,
        %parallel_loop3A_278 = vector.shape_cast %parallel_loop3A_277 : vector<1x16xf32> to vector<16xf32>
        %parallel_loop3A_279 = vector.shape_cast %parallel_loop3A_274 : vector<16xf32> to vector<1x16xf32>
        tpu.vector_store %arg15[%parallel_loop3A_275, %parallel_loop3A_276], %parallel_loop3A_279 {strides = array<i32>} : memref<128x128xf32, #tpu.memory_space<vmem>>, vector<1x16xf32>,
        %parallel_loop3A_280 = arith.index_cast %parallel_loop3A_265 : i32 to index
        %parallel_loop3A_281 = arith.constant 16 : index
        %parallel_loop3A_282 = tpu.vector_load %arg15[%parallel_loop3A_280, %parallel_loop3A_281] {strides = array<i32>} : memref<128x128xf32, #tpu.memory_space<vmem>>, vector<1x16xf32>,
        %parallel_loop3A_283 = vector.shape_cast %parallel_loop3A_282 : vector<1x16xf32> to vector<16xf32>
        %parallel_loop3A_284 = arith.mulf %parallel_loop3A_283, %parallel_loop3A_269 : vector<16xf32>
        %parallel_loop3A_285 = arith.index_cast %parallel_loop3A_265 : i32 to index
        %parallel_loop3A_286 = arith.constant 16 : index
        %parallel_loop3A_287 = tpu.vector_load %arg15[%parallel_loop3A_285, %parallel_loop3A_286] {strides = array<i32>} : memref<128x128xf32, #tpu.memory_space<vmem>>, vector<1x16xf32>,
        %parallel_loop3A_288 = vector.shape_cast %parallel_loop3A_287 : vector<1x16xf32> to vector<16xf32>
        %parallel_loop3A_289 = vector.shape_cast %parallel_loop3A_284 : vector<16xf32> to vector<1x16xf32>
        tpu.vector_store %arg15[%parallel_loop3A_285, %parallel_loop3A_286], %parallel_loop3A_289 {strides = array<i32>} : memref<128x128xf32, #tpu.memory_space<vmem>>, vector<1x16xf32>,
        %parallel_loop3A_290 = arith.index_cast %parallel_loop3A_265 : i32 to index
        %parallel_loop3A_291 = arith.constant 32 : index
        %parallel_loop3A_292 = tpu.vector_load %arg15[%parallel_loop3A_290, %parallel_loop3A_291] {strides = array<i32>} : memref<128x128xf32, #tpu.memory_space<vmem>>, vector<1x16xf32>,
        %parallel_loop3A_293 = vector.shape_cast %parallel_loop3A_292 : vector<1x16xf32> to vector<16xf32>
        %parallel_loop3A_294 = arith.mulf %parallel_loop3A_293, %parallel_loop3A_269 : vector<16xf32>
        %parallel_loop3A_295 = arith.index_cast %parallel_loop3A_265 : i32 to index
        %parallel_loop3A_296 = arith.constant 32 : index
        %parallel_loop3A_297 = tpu.vector_load %arg15[%parallel_loop3A_295, %parallel_loop3A_296] {strides = array<i32>} : memref<128x128xf32, #tpu.memory_space<vmem>>, vector<1x16xf32>,
        %parallel_loop3A_298 = vector.shape_cast %parallel_loop3A_297 : vector<1x16xf32> to vector<16xf32>
        %parallel_loop3A_299 = vector.shape_cast %parallel_loop3A_294 : vector<16xf32> to vector<1x16xf32>
        tpu.vector_store %arg15[%parallel_loop3A_295, %parallel_loop3A_296], %parallel_loop3A_299 {strides = array<i32>} : memref<128x128xf32, #tpu.memory_space<vmem>>, vector<1x16xf32>,
        %parallel_loop3A_300 = arith.index_cast %parallel_loop3A_265 : i32 to index
        %parallel_loop3A_301 = arith.constant 48 : index
        %parallel_loop3A_302 = tpu.vector_load %arg15[%parallel_loop3A_300, %parallel_loop3A_301] {strides = array<i32>} : memref<128x128xf32, #tpu.memory_space<vmem>>, vector<1x16xf32>,
        %parallel_loop3A_303 = vector.shape_cast %parallel_loop3A_302 : vector<1x16xf32> to vector<16xf32>
        %parallel_loop3A_304 = arith.mulf %parallel_loop3A_303, %parallel_loop3A_269 : vector<16xf32>
        %parallel_loop3A_305 = arith.index_cast %parallel_loop3A_265 : i32 to index
        %parallel_loop3A_306 = arith.constant 48 : index
        %parallel_loop3A_307 = tpu.vector_load %arg15[%parallel_loop3A_305, %parallel_loop3A_306] {strides = array<i32>} : memref<128x128xf32, #tpu.memory_space<vmem>>, vector<1x16xf32>,
        %parallel_loop3A_308 = vector.shape_cast %parallel_loop3A_307 : vector<1x16xf32> to vector<16xf32>
        %parallel_loop3A_309 = vector.shape_cast %parallel_loop3A_304 : vector<16xf32> to vector<1x16xf32>
        tpu.vector_store %arg15[%parallel_loop3A_305, %parallel_loop3A_306], %parallel_loop3A_309 {strides = array<i32>} : memref<128x128xf32, #tpu.memory_space<vmem>>, vector<1x16xf32>,
        %parallel_loop3A_310 = arith.index_cast %parallel_loop3A_265 : i32 to index
        %parallel_loop3A_311 = arith.constant 64 : index
        %parallel_loop3A_312 = tpu.vector_load %arg15[%parallel_loop3A_310, %parallel_loop3A_311] {strides = array<i32>} : memref<128x128xf32, #tpu.memory_space<vmem>>, vector<1x16xf32>,
        %parallel_loop3A_313 = vector.shape_cast %parallel_loop3A_312 : vector<1x16xf32> to vector<16xf32>
        %parallel_loop3A_314 = arith.mulf %parallel_loop3A_313, %parallel_loop3A_269 : vector<16xf32>
        %parallel_loop3A_315 = arith.index_cast %parallel_loop3A_265 : i32 to index
        %parallel_loop3A_316 = arith.constant 64 : index
        %parallel_loop3A_317 = tpu.vector_load %arg15[%parallel_loop3A_315, %parallel_loop3A_316] {strides = array<i32>} : memref<128x128xf32, #tpu.memory_space<vmem>>, vector<1x16xf32>,
        %parallel_loop3A_318 = vector.shape_cast %parallel_loop3A_317 : vector<1x16xf32> to vector<16xf32>
        %parallel_loop3A_319 = vector.shape_cast %parallel_loop3A_314 : vector<16xf32> to vector<1x16xf32>
        tpu.vector_store %arg15[%parallel_loop3A_315, %parallel_loop3A_316], %parallel_loop3A_319 {strides = array<i32>} : memref<128x128xf32, #tpu.memory_space<vmem>>, vector<1x16xf32>,
        %parallel_loop3A_320 = arith.index_cast %parallel_loop3A_265 : i32 to index
        %parallel_loop3A_321 = arith.constant 80 : index
        %parallel_loop3A_322 = tpu.vector_load %arg15[%parallel_loop3A_320, %parallel_loop3A_321] {strides = array<i32>} : memref<128x128xf32, #tpu.memory_space<vmem>>, vector<1x16xf32>,
        %parallel_loop3A_323 = vector.shape_cast %parallel_loop3A_322 : vector<1x16xf32> to vector<16xf32>
        %parallel_loop3A_324 = arith.mulf %parallel_loop3A_323, %parallel_loop3A_269 : vector<16xf32>
        %parallel_loop3A_325 = arith.index_cast %parallel_loop3A_265 : i32 to index
        %parallel_loop3A_326 = arith.constant 80 : index
        %parallel_loop3A_327 = tpu.vector_load %arg15[%parallel_loop3A_325, %parallel_loop3A_326] {strides = array<i32>} : memref<128x128xf32, #tpu.memory_space<vmem>>, vector<1x16xf32>,
        %parallel_loop3A_328 = vector.shape_cast %parallel_loop3A_327 : vector<1x16xf32> to vector<16xf32>
        %parallel_loop3A_329 = vector.shape_cast %parallel_loop3A_324 : vector<16xf32> to vector<1x16xf32>
        tpu.vector_store %arg15[%parallel_loop3A_325, %parallel_loop3A_326], %parallel_loop3A_329 {strides = array<i32>} : memref<128x128xf32, #tpu.memory_space<vmem>>, vector<1x16xf32>,
        %parallel_loop3A_330 = arith.index_cast %parallel_loop3A_265 : i32 to index
        %parallel_loop3A_331 = arith.constant 96 : index
        %parallel_loop3A_332 = tpu.vector_load %arg15[%parallel_loop3A_330, %parallel_loop3A_331] {strides = array<i32>} : memref<128x128xf32, #tpu.memory_space<vmem>>, vector<1x16xf32>,
        %parallel_loop3A_333 = vector.shape_cast %parallel_loop3A_332 : vector<1x16xf32> to vector<16xf32>
        %parallel_loop3A_334 = arith.mulf %parallel_loop3A_333, %parallel_loop3A_269 : vector<16xf32>
        %parallel_loop3A_335 = arith.index_cast %parallel_loop3A_265 : i32 to index
        %parallel_loop3A_336 = arith.constant 96 : index
        %parallel_loop3A_337 = tpu.vector_load %arg15[%parallel_loop3A_335, %parallel_loop3A_336] {strides = array<i32>} : memref<128x128xf32, #tpu.memory_space<vmem>>, vector<1x16xf32>,
        %parallel_loop3A_338 = vector.shape_cast %parallel_loop3A_337 : vector<1x16xf32> to vector<16xf32>
        %parallel_loop3A_339 = vector.shape_cast %parallel_loop3A_334 : vector<16xf32> to vector<1x16xf32>
        tpu.vector_store %arg15[%parallel_loop3A_335, %parallel_loop3A_336], %parallel_loop3A_339 {strides = array<i32>} : memref<128x128xf32, #tpu.memory_space<vmem>>, vector<1x16xf32>,
        %parallel_loop3A_340 = arith.index_cast %parallel_loop3A_265 : i32 to index
        %parallel_loop3A_341 = arith.constant 112 : index
        %parallel_loop3A_342 = tpu.vector_load %arg15[%parallel_loop3A_340, %parallel_loop3A_341] {strides = array<i32>} : memref<128x128xf32, #tpu.memory_space<vmem>>, vector<1x16xf32>,
        %parallel_loop3A_343 = vector.shape_cast %parallel_loop3A_342 : vector<1x16xf32> to vector<16xf32>
        %parallel_loop3A_344 = arith.mulf %parallel_loop3A_343, %parallel_loop3A_269 : vector<16xf32>
        %parallel_loop3A_345 = arith.index_cast %parallel_loop3A_265 : i32 to index
        %parallel_loop3A_346 = arith.constant 112 : index
        %parallel_loop3A_347 = tpu.vector_load %arg15[%parallel_loop3A_345, %parallel_loop3A_346] {strides = array<i32>} : memref<128x128xf32, #tpu.memory_space<vmem>>, vector<1x16xf32>,
        %parallel_loop3A_348 = vector.shape_cast %parallel_loop3A_347 : vector<1x16xf32> to vector<16xf32>
        %parallel_loop3A_349 = vector.shape_cast %parallel_loop3A_344 : vector<16xf32> to vector<1x16xf32>
        tpu.vector_store %arg15[%parallel_loop3A_345, %parallel_loop3A_346], %parallel_loop3A_349 {strides = array<i32>} : memref<128x128xf32, #tpu.memory_space<vmem>>, vector<1x16xf32>,
        %parallel_loop3A_350 = arith.constant 16 : i32
        %parallel_loop3A_351 = arith.muli %parallel_loop3A_168, %parallel_loop3A_350 : i32
        %parallel_loop3A_352 = arith.constant 2 : i32
        %parallel_loop3A_353 = arith.addi %parallel_loop3A_351, %parallel_loop3A_352 : i32
        %parallel_loop3A_354 = arith.constant 2 : i32
        %parallel_loop3A_355 = vector.broadcast %parallel_loop3A_354 : i32 to vector<16x1xi32>
        %parallel_loop3A_356 = vector.shape_cast %parallel_loop3A_355 : vector<16x1xi32> to vector<16xi32>
        %parallel_loop3A_357 = tpu.dynamic_gather %parallel_loop3A_173[%parallel_loop3A_356] in [0] : vector<16xf32>, vector<16xi32> -> vector<16xf32>
        %parallel_loop3A_358 = arith.index_cast %parallel_loop3A_353 : i32 to index
        %parallel_loop3A_359 = arith.constant 0 : index
        %parallel_loop3A_360 = tpu.vector_load %arg15[%parallel_loop3A_358, %parallel_loop3A_359] {strides = array<i32>} : memref<128x128xf32, #tpu.memory_space<vmem>>, vector<1x16xf32>,
        %parallel_loop3A_361 = vector.shape_cast %parallel_loop3A_360 : vector<1x16xf32> to vector<16xf32>
        %parallel_loop3A_362 = arith.mulf %parallel_loop3A_361, %parallel_loop3A_357 : vector<16xf32>
        %parallel_loop3A_363 = arith.index_cast %parallel_loop3A_353 : i32 to index
        %parallel_loop3A_364 = arith.constant 0 : index
        %parallel_loop3A_365 = tpu.vector_load %arg15[%parallel_loop3A_363, %parallel_loop3A_364] {strides = array<i32>} : memref<128x128xf32, #tpu.memory_space<vmem>>, vector<1x16xf32>,
        %parallel_loop3A_366 = vector.shape_cast %parallel_loop3A_365 : vector<1x16xf32> to vector<16xf32>
        %parallel_loop3A_367 = vector.shape_cast %parallel_loop3A_362 : vector<16xf32> to vector<1x16xf32>
        tpu.vector_store %arg15[%parallel_loop3A_363, %parallel_loop3A_364], %parallel_loop3A_367 {strides = array<i32>} : memref<128x128xf32, #tpu.memory_space<vmem>>, vector<1x16xf32>,
        %parallel_loop3A_368 = arith.index_cast %parallel_loop3A_353 : i32 to index
        %parallel_loop3A_369 = arith.constant 16 : index
        %parallel_loop3A_370 = tpu.vector_load %arg15[%parallel_loop3A_368, %parallel_loop3A_369] {strides = array<i32>} : memref<128x128xf32, #tpu.memory_space<vmem>>, vector<1x16xf32>,
        %parallel_loop3A_371 = vector.shape_cast %parallel_loop3A_370 : vector<1x16xf32> to vector<16xf32>
        %parallel_loop3A_372 = arith.mulf %parallel_loop3A_371, %parallel_loop3A_357 : vector<16xf32>
        %parallel_loop3A_373 = arith.index_cast %parallel_loop3A_353 : i32 to index
        %parallel_loop3A_374 = arith.constant 16 : index
        %parallel_loop3A_375 = tpu.vector_load %arg15[%parallel_loop3A_373, %parallel_loop3A_374] {strides = array<i32>} : memref<128x128xf32, #tpu.memory_space<vmem>>, vector<1x16xf32>,
        %parallel_loop3A_376 = vector.shape_cast %parallel_loop3A_375 : vector<1x16xf32> to vector<16xf32>
        %parallel_loop3A_377 = vector.shape_cast %parallel_loop3A_372 : vector<16xf32> to vector<1x16xf32>
        tpu.vector_store %arg15[%parallel_loop3A_373, %parallel_loop3A_374], %parallel_loop3A_377 {strides = array<i32>} : memref<128x128xf32, #tpu.memory_space<vmem>>, vector<1x16xf32>,
        %parallel_loop3A_378 = arith.index_cast %parallel_loop3A_353 : i32 to index
        %parallel_loop3A_379 = arith.constant 32 : index
        %parallel_loop3A_380 = tpu.vector_load %arg15[%parallel_loop3A_378, %parallel_loop3A_379] {strides = array<i32>} : memref<128x128xf32, #tpu.memory_space<vmem>>, vector<1x16xf32>,
        %parallel_loop3A_381 = vector.shape_cast %parallel_loop3A_380 : vector<1x16xf32> to vector<16xf32>
        %parallel_loop3A_382 = arith.mulf %parallel_loop3A_381, %parallel_loop3A_357 : vector<16xf32>
        %parallel_loop3A_383 = arith.index_cast %parallel_loop3A_353 : i32 to index
        %parallel_loop3A_384 = arith.constant 32 : index
        %parallel_loop3A_385 = tpu.vector_load %arg15[%parallel_loop3A_383, %parallel_loop3A_384] {strides = array<i32>} : memref<128x128xf32, #tpu.memory_space<vmem>>, vector<1x16xf32>,
        %parallel_loop3A_386 = vector.shape_cast %parallel_loop3A_385 : vector<1x16xf32> to vector<16xf32>
        %parallel_loop3A_387 = vector.shape_cast %parallel_loop3A_382 : vector<16xf32> to vector<1x16xf32>
        tpu.vector_store %arg15[%parallel_loop3A_383, %parallel_loop3A_384], %parallel_loop3A_387 {strides = array<i32>} : memref<128x128xf32, #tpu.memory_space<vmem>>, vector<1x16xf32>,
        %parallel_loop3A_388 = arith.index_cast %parallel_loop3A_353 : i32 to index
        %parallel_loop3A_389 = arith.constant 48 : index
        %parallel_loop3A_390 = tpu.vector_load %arg15[%parallel_loop3A_388, %parallel_loop3A_389] {strides = array<i32>} : memref<128x128xf32, #tpu.memory_space<vmem>>, vector<1x16xf32>,
        %parallel_loop3A_391 = vector.shape_cast %parallel_loop3A_390 : vector<1x16xf32> to vector<16xf32>
        %parallel_loop3A_392 = arith.mulf %parallel_loop3A_391, %parallel_loop3A_357 : vector<16xf32>
        %parallel_loop3A_393 = arith.index_cast %parallel_loop3A_353 : i32 to index
        %parallel_loop3A_394 = arith.constant 48 : index
        %parallel_loop3A_395 = tpu.vector_load %arg15[%parallel_loop3A_393, %parallel_loop3A_394] {strides = array<i32>} : memref<128x128xf32, #tpu.memory_space<vmem>>, vector<1x16xf32>,
        %parallel_loop3A_396 = vector.shape_cast %parallel_loop3A_395 : vector<1x16xf32> to vector<16xf32>
        %parallel_loop3A_397 = vector.shape_cast %parallel_loop3A_392 : vector<16xf32> to vector<1x16xf32>
        tpu.vector_store %arg15[%parallel_loop3A_393, %parallel_loop3A_394], %parallel_loop3A_397 {strides = array<i32>} : memref<128x128xf32, #tpu.memory_space<vmem>>, vector<1x16xf32>,
        %parallel_loop3A_398 = arith.index_cast %parallel_loop3A_353 : i32 to index
        %parallel_loop3A_399 = arith.constant 64 : index
        %parallel_loop3A_400 = tpu.vector_load %arg15[%parallel_loop3A_398, %parallel_loop3A_399] {strides = array<i32>} : memref<128x128xf32, #tpu.memory_space<vmem>>, vector<1x16xf32>,
        %parallel_loop3A_401 = vector.shape_cast %parallel_loop3A_400 : vector<1x16xf32> to vector<16xf32>
        %parallel_loop3A_402 = arith.mulf %parallel_loop3A_401, %parallel_loop3A_357 : vector<16xf32>
        %parallel_loop3A_403 = arith.index_cast %parallel_loop3A_353 : i32 to index
        %parallel_loop3A_404 = arith.constant 64 : index
        %parallel_loop3A_405 = tpu.vector_load %arg15[%parallel_loop3A_403, %parallel_loop3A_404] {strides = array<i32>} : memref<128x128xf32, #tpu.memory_space<vmem>>, vector<1x16xf32>,
        %parallel_loop3A_406 = vector.shape_cast %parallel_loop3A_405 : vector<1x16xf32> to vector<16xf32>
        %parallel_loop3A_407 = vector.shape_cast %parallel_loop3A_402 : vector<16xf32> to vector<1x16xf32>
        tpu.vector_store %arg15[%parallel_loop3A_403, %parallel_loop3A_404], %parallel_loop3A_407 {strides = array<i32>} : memref<128x128xf32, #tpu.memory_space<vmem>>, vector<1x16xf32>,
        %parallel_loop3A_408 = arith.index_cast %parallel_loop3A_353 : i32 to index
        %parallel_loop3A_409 = arith.constant 80 : index
        %parallel_loop3A_410 = tpu.vector_load %arg15[%parallel_loop3A_408, %parallel_loop3A_409] {strides = array<i32>} : memref<128x128xf32, #tpu.memory_space<vmem>>, vector<1x16xf32>,
        %parallel_loop3A_411 = vector.shape_cast %parallel_loop3A_410 : vector<1x16xf32> to vector<16xf32>
        %parallel_loop3A_412 = arith.mulf %parallel_loop3A_411, %parallel_loop3A_357 : vector<16xf32>
        %parallel_loop3A_413 = arith.index_cast %parallel_loop3A_353 : i32 to index
        %parallel_loop3A_414 = arith.constant 80 : index
        %parallel_loop3A_415 = tpu.vector_load %arg15[%parallel_loop3A_413, %parallel_loop3A_414] {strides = array<i32>} : memref<128x128xf32, #tpu.memory_space<vmem>>, vector<1x16xf32>,
        %parallel_loop3A_416 = vector.shape_cast %parallel_loop3A_415 : vector<1x16xf32> to vector<16xf32>
        %parallel_loop3A_417 = vector.shape_cast %parallel_loop3A_412 : vector<16xf32> to vector<1x16xf32>
        tpu.vector_store %arg15[%parallel_loop3A_413, %parallel_loop3A_414], %parallel_loop3A_417 {strides = array<i32>} : memref<128x128xf32, #tpu.memory_space<vmem>>, vector<1x16xf32>,
        %parallel_loop3A_418 = arith.index_cast %parallel_loop3A_353 : i32 to index
        %parallel_loop3A_419 = arith.constant 96 : index
        %parallel_loop3A_420 = tpu.vector_load %arg15[%parallel_loop3A_418, %parallel_loop3A_419] {strides = array<i32>} : memref<128x128xf32, #tpu.memory_space<vmem>>, vector<1x16xf32>,
        %parallel_loop3A_421 = vector.shape_cast %parallel_loop3A_420 : vector<1x16xf32> to vector<16xf32>
        %parallel_loop3A_422 = arith.mulf %parallel_loop3A_421, %parallel_loop3A_357 : vector<16xf32>
        %parallel_loop3A_423 = arith.index_cast %parallel_loop3A_353 : i32 to index
        %parallel_loop3A_424 = arith.constant 96 : index
        %parallel_loop3A_425 = tpu.vector_load %arg15[%parallel_loop3A_423, %parallel_loop3A_424] {strides = array<i32>} : memref<128x128xf32, #tpu.memory_space<vmem>>, vector<1x16xf32>,
        %parallel_loop3A_426 = vector.shape_cast %parallel_loop3A_425 : vector<1x16xf32> to vector<16xf32>
        %parallel_loop3A_427 = vector.shape_cast %parallel_loop3A_422 : vector<16xf32> to vector<1x16xf32>
        tpu.vector_store %arg15[%parallel_loop3A_423, %parallel_loop3A_424], %parallel_loop3A_427 {strides = array<i32>} : memref<128x128xf32, #tpu.memory_space<vmem>>, vector<1x16xf32>,
        %parallel_loop3A_428 = arith.index_cast %parallel_loop3A_353 : i32 to index
        %parallel_loop3A_429 = arith.constant 112 : index
        %parallel_loop3A_430 = tpu.vector_load %arg15[%parallel_loop3A_428, %parallel_loop3A_429] {strides = array<i32>} : memref<128x128xf32, #tpu.memory_space<vmem>>, vector<1x16xf32>,
        %parallel_loop3A_431 = vector.shape_cast %parallel_loop3A_430 : vector<1x16xf32> to vector<16xf32>
        %parallel_loop3A_432 = arith.mulf %parallel_loop3A_431, %parallel_loop3A_357 : vector<16xf32>
        %parallel_loop3A_433 = arith.index_cast %parallel_loop3A_353 : i32 to index
        %parallel_loop3A_434 = arith.constant 112 : index
        %parallel_loop3A_435 = tpu.vector_load %arg15[%parallel_loop3A_433, %parallel_loop3A_434] {strides = array<i32>} : memref<128x128xf32, #tpu.memory_space<vmem>>, vector<1x16xf32>,
        %parallel_loop3A_436 = vector.shape_cast %parallel_loop3A_435 : vector<1x16xf32> to vector<16xf32>
        %parallel_loop3A_437 = vector.shape_cast %parallel_loop3A_432 : vector<16xf32> to vector<1x16xf32>
        tpu.vector_store %arg15[%parallel_loop3A_433, %parallel_loop3A_434], %parallel_loop3A_437 {strides = array<i32>} : memref<128x128xf32, #tpu.memory_space<vmem>>, vector<1x16xf32>,
        %parallel_loop3A_438 = arith.constant 16 : i32
        %parallel_loop3A_439 = arith.muli %parallel_loop3A_168, %parallel_loop3A_438 : i32
        %parallel_loop3A_440 = arith.constant 3 : i32
        %parallel_loop3A_441 = arith.addi %parallel_loop3A_439, %parallel_loop3A_440 : i32
        %parallel_loop3A_442 = arith.constant 3 : i32
        %parallel_loop3A_443 = vector.broadcast %parallel_loop3A_442 : i32 to vector<16x1xi32>
        %parallel_loop3A_444 = vector.shape_cast %parallel_loop3A_443 : vector<16x1xi32> to vector<16xi32>
        %parallel_loop3A_445 = tpu.dynamic_gather %parallel_loop3A_173[%parallel_loop3A_444] in [0] : vector<16xf32>, vector<16xi32> -> vector<16xf32>
        %parallel_loop3A_446 = arith.index_cast %parallel_loop3A_441 : i32 to index
        %parallel_loop3A_447 = arith.constant 0 : index
        %parallel_loop3A_448 = tpu.vector_load %arg15[%parallel_loop3A_446, %parallel_loop3A_447] {strides = array<i32>} : memref<128x128xf32, #tpu.memory_space<vmem>>, vector<1x16xf32>,
        %parallel_loop3A_449 = vector.shape_cast %parallel_loop3A_448 : vector<1x16xf32> to vector<16xf32>
        %parallel_loop3A_450 = arith.mulf %parallel_loop3A_449, %parallel_loop3A_445 : vector<16xf32>
        %parallel_loop3A_451 = arith.index_cast %parallel_loop3A_441 : i32 to index
        %parallel_loop3A_452 = arith.constant 0 : index
        %parallel_loop3A_453 = tpu.vector_load %arg15[%parallel_loop3A_451, %parallel_loop3A_452] {strides = array<i32>} : memref<128x128xf32, #tpu.memory_space<vmem>>, vector<1x16xf32>,
        %parallel_loop3A_454 = vector.shape_cast %parallel_loop3A_453 : vector<1x16xf32> to vector<16xf32>
        %parallel_loop3A_455 = vector.shape_cast %parallel_loop3A_450 : vector<16xf32> to vector<1x16xf32>
        tpu.vector_store %arg15[%parallel_loop3A_451, %parallel_loop3A_452], %parallel_loop3A_455 {strides = array<i32>} : memref<128x128xf32, #tpu.memory_space<vmem>>, vector<1x16xf32>,
        %parallel_loop3A_456 = arith.index_cast %parallel_loop3A_441 : i32 to index
        %parallel_loop3A_457 = arith.constant 16 : index
        %parallel_loop3A_458 = tpu.vector_load %arg15[%parallel_loop3A_456, %parallel_loop3A_457] {strides = array<i32>} : memref<128x128xf32, #tpu.memory_space<vmem>>, vector<1x16xf32>,
        %parallel_loop3A_459 = vector.shape_cast %parallel_loop3A_458 : vector<1x16xf32> to vector<16xf32>
        %parallel_loop3A_460 = arith.mulf %parallel_loop3A_459, %parallel_loop3A_445 : vector<16xf32>
        %parallel_loop3A_461 = arith.index_cast %parallel_loop3A_441 : i32 to index
        %parallel_loop3A_462 = arith.constant 16 : index
        %parallel_loop3A_463 = tpu.vector_load %arg15[%parallel_loop3A_461, %parallel_loop3A_462] {strides = array<i32>} : memref<128x128xf32, #tpu.memory_space<vmem>>, vector<1x16xf32>,
        %parallel_loop3A_464 = vector.shape_cast %parallel_loop3A_463 : vector<1x16xf32> to vector<16xf32>
        %parallel_loop3A_465 = vector.shape_cast %parallel_loop3A_460 : vector<16xf32> to vector<1x16xf32>
        tpu.vector_store %arg15[%parallel_loop3A_461, %parallel_loop3A_462], %parallel_loop3A_465 {strides = array<i32>} : memref<128x128xf32, #tpu.memory_space<vmem>>, vector<1x16xf32>,
        %parallel_loop3A_466 = arith.index_cast %parallel_loop3A_441 : i32 to index
        %parallel_loop3A_467 = arith.constant 32 : index
        %parallel_loop3A_468 = tpu.vector_load %arg15[%parallel_loop3A_466, %parallel_loop3A_467] {strides = array<i32>} : memref<128x128xf32, #tpu.memory_space<vmem>>, vector<1x16xf32>,
        %parallel_loop3A_469 = vector.shape_cast %parallel_loop3A_468 : vector<1x16xf32> to vector<16xf32>
        %parallel_loop3A_470 = arith.mulf %parallel_loop3A_469, %parallel_loop3A_445 : vector<16xf32>
        %parallel_loop3A_471 = arith.index_cast %parallel_loop3A_441 : i32 to index
        %parallel_loop3A_472 = arith.constant 32 : index
        %parallel_loop3A_473 = tpu.vector_load %arg15[%parallel_loop3A_471, %parallel_loop3A_472] {strides = array<i32>} : memref<128x128xf32, #tpu.memory_space<vmem>>, vector<1x16xf32>,
        %parallel_loop3A_474 = vector.shape_cast %parallel_loop3A_473 : vector<1x16xf32> to vector<16xf32>
        %parallel_loop3A_475 = vector.shape_cast %parallel_loop3A_470 : vector<16xf32> to vector<1x16xf32>
        tpu.vector_store %arg15[%parallel_loop3A_471, %parallel_loop3A_472], %parallel_loop3A_475 {strides = array<i32>} : memref<128x128xf32, #tpu.memory_space<vmem>>, vector<1x16xf32>,
        %parallel_loop3A_476 = arith.index_cast %parallel_loop3A_441 : i32 to index
        %parallel_loop3A_477 = arith.constant 48 : index
        %parallel_loop3A_478 = tpu.vector_load %arg15[%parallel_loop3A_476, %parallel_loop3A_477] {strides = array<i32>} : memref<128x128xf32, #tpu.memory_space<vmem>>, vector<1x16xf32>,
        %parallel_loop3A_479 = vector.shape_cast %parallel_loop3A_478 : vector<1x16xf32> to vector<16xf32>
        %parallel_loop3A_480 = arith.mulf %parallel_loop3A_479, %parallel_loop3A_445 : vector<16xf32>
        %parallel_loop3A_481 = arith.index_cast %parallel_loop3A_441 : i32 to index
        %parallel_loop3A_482 = arith.constant 48 : index
        %parallel_loop3A_483 = tpu.vector_load %arg15[%parallel_loop3A_481, %parallel_loop3A_482] {strides = array<i32>} : memref<128x128xf32, #tpu.memory_space<vmem>>, vector<1x16xf32>,
        %parallel_loop3A_484 = vector.shape_cast %parallel_loop3A_483 : vector<1x16xf32> to vector<16xf32>
        %parallel_loop3A_485 = vector.shape_cast %parallel_loop3A_480 : vector<16xf32> to vector<1x16xf32>
        tpu.vector_store %arg15[%parallel_loop3A_481, %parallel_loop3A_482], %parallel_loop3A_485 {strides = array<i32>} : memref<128x128xf32, #tpu.memory_space<vmem>>, vector<1x16xf32>,
        %parallel_loop3A_486 = arith.index_cast %parallel_loop3A_441 : i32 to index
        %parallel_loop3A_487 = arith.constant 64 : index
        %parallel_loop3A_488 = tpu.vector_load %arg15[%parallel_loop3A_486, %parallel_loop3A_487] {strides = array<i32>} : memref<128x128xf32, #tpu.memory_space<vmem>>, vector<1x16xf32>,
        %parallel_loop3A_489 = vector.shape_cast %parallel_loop3A_488 : vector<1x16xf32> to vector<16xf32>
        %parallel_loop3A_490 = arith.mulf %parallel_loop3A_489, %parallel_loop3A_445 : vector<16xf32>
        %parallel_loop3A_491 = arith.index_cast %parallel_loop3A_441 : i32 to index
        %parallel_loop3A_492 = arith.constant 64 : index
        %parallel_loop3A_493 = tpu.vector_load %arg15[%parallel_loop3A_491, %parallel_loop3A_492] {strides = array<i32>} : memref<128x128xf32, #tpu.memory_space<vmem>>, vector<1x16xf32>,
        %parallel_loop3A_494 = vector.shape_cast %parallel_loop3A_493 : vector<1x16xf32> to vector<16xf32>
        %parallel_loop3A_495 = vector.shape_cast %parallel_loop3A_490 : vector<16xf32> to vector<1x16xf32>
        tpu.vector_store %arg15[%parallel_loop3A_491, %parallel_loop3A_492], %parallel_loop3A_495 {strides = array<i32>} : memref<128x128xf32, #tpu.memory_space<vmem>>, vector<1x16xf32>,
        %parallel_loop3A_496 = arith.index_cast %parallel_loop3A_441 : i32 to index
        %parallel_loop3A_497 = arith.constant 80 : index
        %parallel_loop3A_498 = tpu.vector_load %arg15[%parallel_loop3A_496, %parallel_loop3A_497] {strides = array<i32>} : memref<128x128xf32, #tpu.memory_space<vmem>>, vector<1x16xf32>,
        %parallel_loop3A_499 = vector.shape_cast %parallel_loop3A_498 : vector<1x16xf32> to vector<16xf32>
        %parallel_loop3A_500 = arith.mulf %parallel_loop3A_499, %parallel_loop3A_445 : vector<16xf32>
        %parallel_loop3A_501 = arith.index_cast %parallel_loop3A_441 : i32 to index
        %parallel_loop3A_502 = arith.constant 80 : index
        %parallel_loop3A_503 = tpu.vector_load %arg15[%parallel_loop3A_501, %parallel_loop3A_502] {strides = array<i32>} : memref<128x128xf32, #tpu.memory_space<vmem>>, vector<1x16xf32>,
        %parallel_loop3A_504 = vector.shape_cast %parallel_loop3A_503 : vector<1x16xf32> to vector<16xf32>
        %parallel_loop3A_505 = vector.shape_cast %parallel_loop3A_500 : vector<16xf32> to vector<1x16xf32>
        tpu.vector_store %arg15[%parallel_loop3A_501, %parallel_loop3A_502], %parallel_loop3A_505 {strides = array<i32>} : memref<128x128xf32, #tpu.memory_space<vmem>>, vector<1x16xf32>,
        %parallel_loop3A_506 = arith.index_cast %parallel_loop3A_441 : i32 to index
        %parallel_loop3A_507 = arith.constant 96 : index
        %parallel_loop3A_508 = tpu.vector_load %arg15[%parallel_loop3A_506, %parallel_loop3A_507] {strides = array<i32>} : memref<128x128xf32, #tpu.memory_space<vmem>>, vector<1x16xf32>,
        %parallel_loop3A_509 = vector.shape_cast %parallel_loop3A_508 : vector<1x16xf32> to vector<16xf32>
        %parallel_loop3A_510 = arith.mulf %parallel_loop3A_509, %parallel_loop3A_445 : vector<16xf32>
        %parallel_loop3A_511 = arith.index_cast %parallel_loop3A_441 : i32 to index
        %parallel_loop3A_512 = arith.constant 96 : index
        %parallel_loop3A_513 = tpu.vector_load %arg15[%parallel_loop3A_511, %parallel_loop3A_512] {strides = array<i32>} : memref<128x128xf32, #tpu.memory_space<vmem>>, vector<1x16xf32>,
        %parallel_loop3A_514 = vector.shape_cast %parallel_loop3A_513 : vector<1x16xf32> to vector<16xf32>
        %parallel_loop3A_515 = vector.shape_cast %parallel_loop3A_510 : vector<16xf32> to vector<1x16xf32>
        tpu.vector_store %arg15[%parallel_loop3A_511, %parallel_loop3A_512], %parallel_loop3A_515 {strides = array<i32>} : memref<128x128xf32, #tpu.memory_space<vmem>>, vector<1x16xf32>,
        %parallel_loop3A_516 = arith.index_cast %parallel_loop3A_441 : i32 to index
        %parallel_loop3A_517 = arith.constant 112 : index
        %parallel_loop3A_518 = tpu.vector_load %arg15[%parallel_loop3A_516, %parallel_loop3A_517] {strides = array<i32>} : memref<128x128xf32, #tpu.memory_space<vmem>>, vector<1x16xf32>,
        %parallel_loop3A_519 = vector.shape_cast %parallel_loop3A_518 : vector<1x16xf32> to vector<16xf32>
        %parallel_loop3A_520 = arith.mulf %parallel_loop3A_519, %parallel_loop3A_445 : vector<16xf32>
        %parallel_loop3A_521 = arith.index_cast %parallel_loop3A_441 : i32 to index
        %parallel_loop3A_522 = arith.constant 112 : index
        %parallel_loop3A_523 = tpu.vector_load %arg15[%parallel_loop3A_521, %parallel_loop3A_522] {strides = array<i32>} : memref<128x128xf32, #tpu.memory_space<vmem>>, vector<1x16xf32>,
        %parallel_loop3A_524 = vector.shape_cast %parallel_loop3A_523 : vector<1x16xf32> to vector<16xf32>
        %parallel_loop3A_525 = vector.shape_cast %parallel_loop3A_520 : vector<16xf32> to vector<1x16xf32>
        tpu.vector_store %arg15[%parallel_loop3A_521, %parallel_loop3A_522], %parallel_loop3A_525 {strides = array<i32>} : memref<128x128xf32, #tpu.memory_space<vmem>>, vector<1x16xf32>,
        %parallel_loop3A_526 = arith.constant 16 : i32
        %parallel_loop3A_527 = arith.muli %parallel_loop3A_168, %parallel_loop3A_526 : i32
        %parallel_loop3A_528 = arith.constant 4 : i32
        %parallel_loop3A_529 = arith.addi %parallel_loop3A_527, %parallel_loop3A_528 : i32
        %parallel_loop3A_530 = arith.constant 4 : i32
        %parallel_loop3A_531 = vector.broadcast %parallel_loop3A_530 : i32 to vector<16x1xi32>
        %parallel_loop3A_532 = vector.shape_cast %parallel_loop3A_531 : vector<16x1xi32> to vector<16xi32>
        %parallel_loop3A_533 = tpu.dynamic_gather %parallel_loop3A_173[%parallel_loop3A_532] in [0] : vector<16xf32>, vector<16xi32> -> vector<16xf32>
        %parallel_loop3A_534 = arith.index_cast %parallel_loop3A_529 : i32 to index
        %parallel_loop3A_535 = arith.constant 0 : index
        %parallel_loop3A_536 = tpu.vector_load %arg15[%parallel_loop3A_534, %parallel_loop3A_535] {strides = array<i32>} : memref<128x128xf32, #tpu.memory_space<vmem>>, vector<1x16xf32>,
        %parallel_loop3A_537 = vector.shape_cast %parallel_loop3A_536 : vector<1x16xf32> to vector<16xf32>
        %parallel_loop3A_538 = arith.mulf %parallel_loop3A_537, %parallel_loop3A_533 : vector<16xf32>
        %parallel_loop3A_539 = arith.index_cast %parallel_loop3A_529 : i32 to index
        %parallel_loop3A_540 = arith.constant 0 : index
        %parallel_loop3A_541 = tpu.vector_load %arg15[%parallel_loop3A_539, %parallel_loop3A_540] {strides = array<i32>} : memref<128x128xf32, #tpu.memory_space<vmem>>, vector<1x16xf32>,
        %parallel_loop3A_542 = vector.shape_cast %parallel_loop3A_541 : vector<1x16xf32> to vector<16xf32>
        %parallel_loop3A_543 = vector.shape_cast %parallel_loop3A_538 : vector<16xf32> to vector<1x16xf32>
        tpu.vector_store %arg15[%parallel_loop3A_539, %parallel_loop3A_540], %parallel_loop3A_543 {strides = array<i32>} : memref<128x128xf32, #tpu.memory_space<vmem>>, vector<1x16xf32>,
        %parallel_loop3A_544 = arith.index_cast %parallel_loop3A_529 : i32 to index
        %parallel_loop3A_545 = arith.constant 16 : index
        %parallel_loop3A_546 = tpu.vector_load %arg15[%parallel_loop3A_544, %parallel_loop3A_545] {strides = array<i32>} : memref<128x128xf32, #tpu.memory_space<vmem>>, vector<1x16xf32>,
        %parallel_loop3A_547 = vector.shape_cast %parallel_loop3A_546 : vector<1x16xf32> to vector<16xf32>
        %parallel_loop3A_548 = arith.mulf %parallel_loop3A_547, %parallel_loop3A_533 : vector<16xf32>
        %parallel_loop3A_549 = arith.index_cast %parallel_loop3A_529 : i32 to index
        %parallel_loop3A_550 = arith.constant 16 : index
        %parallel_loop3A_551 = tpu.vector_load %arg15[%parallel_loop3A_549, %parallel_loop3A_550] {strides = array<i32>} : memref<128x128xf32, #tpu.memory_space<vmem>>, vector<1x16xf32>,
        %parallel_loop3A_552 = vector.shape_cast %parallel_loop3A_551 : vector<1x16xf32> to vector<16xf32>
        %parallel_loop3A_553 = vector.shape_cast %parallel_loop3A_548 : vector<16xf32> to vector<1x16xf32>
        tpu.vector_store %arg15[%parallel_loop3A_549, %parallel_loop3A_550], %parallel_loop3A_553 {strides = array<i32>} : memref<128x128xf32, #tpu.memory_space<vmem>>, vector<1x16xf32>,
        %parallel_loop3A_554 = arith.index_cast %parallel_loop3A_529 : i32 to index
        %parallel_loop3A_555 = arith.constant 32 : index
        %parallel_loop3A_556 = tpu.vector_load %arg15[%parallel_loop3A_554, %parallel_loop3A_555] {strides = array<i32>} : memref<128x128xf32, #tpu.memory_space<vmem>>, vector<1x16xf32>,
        %parallel_loop3A_557 = vector.shape_cast %parallel_loop3A_556 : vector<1x16xf32> to vector<16xf32>
        %parallel_loop3A_558 = arith.mulf %parallel_loop3A_557, %parallel_loop3A_533 : vector<16xf32>
        %parallel_loop3A_559 = arith.index_cast %parallel_loop3A_529 : i32 to index
        %parallel_loop3A_560 = arith.constant 32 : index
        %parallel_loop3A_561 = tpu.vector_load %arg15[%parallel_loop3A_559, %parallel_loop3A_560] {strides = array<i32>} : memref<128x128xf32, #tpu.memory_space<vmem>>, vector<1x16xf32>,
        %parallel_loop3A_562 = vector.shape_cast %parallel_loop3A_561 : vector<1x16xf32> to vector<16xf32>
        %parallel_loop3A_563 = vector.shape_cast %parallel_loop3A_558 : vector<16xf32> to vector<1x16xf32>
        tpu.vector_store %arg15[%parallel_loop3A_559, %parallel_loop3A_560], %parallel_loop3A_563 {strides = array<i32>} : memref<128x128xf32, #tpu.memory_space<vmem>>, vector<1x16xf32>,
        %parallel_loop3A_564 = arith.index_cast %parallel_loop3A_529 : i32 to index
        %parallel_loop3A_565 = arith.constant 48 : index
        %parallel_loop3A_566 = tpu.vector_load %arg15[%parallel_loop3A_564, %parallel_loop3A_565] {strides = array<i32>} : memref<128x128xf32, #tpu.memory_space<vmem>>, vector<1x16xf32>,
        %parallel_loop3A_567 = vector.shape_cast %parallel_loop3A_566 : vector<1x16xf32> to vector<16xf32>
        %parallel_loop3A_568 = arith.mulf %parallel_loop3A_567, %parallel_loop3A_533 : vector<16xf32>
        %parallel_loop3A_569 = arith.index_cast %parallel_loop3A_529 : i32 to index
        %parallel_loop3A_570 = arith.constant 48 : index
        %parallel_loop3A_571 = tpu.vector_load %arg15[%parallel_loop3A_569, %parallel_loop3A_570] {strides = array<i32>} : memref<128x128xf32, #tpu.memory_space<vmem>>, vector<1x16xf32>,
        %parallel_loop3A_572 = vector.shape_cast %parallel_loop3A_571 : vector<1x16xf32> to vector<16xf32>
        %parallel_loop3A_573 = vector.shape_cast %parallel_loop3A_568 : vector<16xf32> to vector<1x16xf32>
        tpu.vector_store %arg15[%parallel_loop3A_569, %parallel_loop3A_570], %parallel_loop3A_573 {strides = array<i32>} : memref<128x128xf32, #tpu.memory_space<vmem>>, vector<1x16xf32>,
        %parallel_loop3A_574 = arith.index_cast %parallel_loop3A_529 : i32 to index
        %parallel_loop3A_575 = arith.constant 64 : index
        %parallel_loop3A_576 = tpu.vector_load %arg15[%parallel_loop3A_574, %parallel_loop3A_575] {strides = array<i32>} : memref<128x128xf32, #tpu.memory_space<vmem>>, vector<1x16xf32>,
        %parallel_loop3A_577 = vector.shape_cast %parallel_loop3A_576 : vector<1x16xf32> to vector<16xf32>
        %parallel_loop3A_578 = arith.mulf %parallel_loop3A_577, %parallel_loop3A_533 : vector<16xf32>
        %parallel_loop3A_579 = arith.index_cast %parallel_loop3A_529 : i32 to index
        %parallel_loop3A_580 = arith.constant 64 : index
        %parallel_loop3A_581 = tpu.vector_load %arg15[%parallel_loop3A_579, %parallel_loop3A_580] {strides = array<i32>} : memref<128x128xf32, #tpu.memory_space<vmem>>, vector<1x16xf32>,
        %parallel_loop3A_582 = vector.shape_cast %parallel_loop3A_581 : vector<1x16xf32> to vector<16xf32>
        %parallel_loop3A_583 = vector.shape_cast %parallel_loop3A_578 : vector<16xf32> to vector<1x16xf32>
        tpu.vector_store %arg15[%parallel_loop3A_579, %parallel_loop3A_580], %parallel_loop3A_583 {strides = array<i32>} : memref<128x128xf32, #tpu.memory_space<vmem>>, vector<1x16xf32>,
        %parallel_loop3A_584 = arith.index_cast %parallel_loop3A_529 : i32 to index
        %parallel_loop3A_585 = arith.constant 80 : index
        %parallel_loop3A_586 = tpu.vector_load %arg15[%parallel_loop3A_584, %parallel_loop3A_585] {strides = array<i32>} : memref<128x128xf32, #tpu.memory_space<vmem>>, vector<1x16xf32>,
        %parallel_loop3A_587 = vector.shape_cast %parallel_loop3A_586 : vector<1x16xf32> to vector<16xf32>
        %parallel_loop3A_588 = arith.mulf %parallel_loop3A_587, %parallel_loop3A_533 : vector<16xf32>
        %parallel_loop3A_589 = arith.index_cast %parallel_loop3A_529 : i32 to index
        %parallel_loop3A_590 = arith.constant 80 : index
        %parallel_loop3A_591 = tpu.vector_load %arg15[%parallel_loop3A_589, %parallel_loop3A_590] {strides = array<i32>} : memref<128x128xf32, #tpu.memory_space<vmem>>, vector<1x16xf32>,
        %parallel_loop3A_592 = vector.shape_cast %parallel_loop3A_591 : vector<1x16xf32> to vector<16xf32>
        %parallel_loop3A_593 = vector.shape_cast %parallel_loop3A_588 : vector<16xf32> to vector<1x16xf32>
        tpu.vector_store %arg15[%parallel_loop3A_589, %parallel_loop3A_590], %parallel_loop3A_593 {strides = array<i32>} : memref<128x128xf32, #tpu.memory_space<vmem>>, vector<1x16xf32>,
        %parallel_loop3A_594 = arith.index_cast %parallel_loop3A_529 : i32 to index
        %parallel_loop3A_595 = arith.constant 96 : index
        %parallel_loop3A_596 = tpu.vector_load %arg15[%parallel_loop3A_594, %parallel_loop3A_595] {strides = array<i32>} : memref<128x128xf32, #tpu.memory_space<vmem>>, vector<1x16xf32>,
        %parallel_loop3A_597 = vector.shape_cast %parallel_loop3A_596 : vector<1x16xf32> to vector<16xf32>
        %parallel_loop3A_598 = arith.mulf %parallel_loop3A_597, %parallel_loop3A_533 : vector<16xf32>
        %parallel_loop3A_599 = arith.index_cast %parallel_loop3A_529 : i32 to index
        %parallel_loop3A_600 = arith.constant 96 : index
        %parallel_loop3A_601 = tpu.vector_load %arg15[%parallel_loop3A_599, %parallel_loop3A_600] {strides = array<i32>} : memref<128x128xf32, #tpu.memory_space<vmem>>, vector<1x16xf32>,
        %parallel_loop3A_602 = vector.shape_cast %parallel_loop3A_601 : vector<1x16xf32> to vector<16xf32>
        %parallel_loop3A_603 = vector.shape_cast %parallel_loop3A_598 : vector<16xf32> to vector<1x16xf32>
        tpu.vector_store %arg15[%parallel_loop3A_599, %parallel_loop3A_600], %parallel_loop3A_603 {strides = array<i32>} : memref<128x128xf32, #tpu.memory_space<vmem>>, vector<1x16xf32>,
        %parallel_loop3A_604 = arith.index_cast %parallel_loop3A_529 : i32 to index
        %parallel_loop3A_605 = arith.constant 112 : index
        %parallel_loop3A_606 = tpu.vector_load %arg15[%parallel_loop3A_604, %parallel_loop3A_605] {strides = array<i32>} : memref<128x128xf32, #tpu.memory_space<vmem>>, vector<1x16xf32>,
        %parallel_loop3A_607 = vector.shape_cast %parallel_loop3A_606 : vector<1x16xf32> to vector<16xf32>
        %parallel_loop3A_608 = arith.mulf %parallel_loop3A_607, %parallel_loop3A_533 : vector<16xf32>
        %parallel_loop3A_609 = arith.index_cast %parallel_loop3A_529 : i32 to index
        %parallel_loop3A_610 = arith.constant 112 : index
        %parallel_loop3A_611 = tpu.vector_load %arg15[%parallel_loop3A_609, %parallel_loop3A_610] {strides = array<i32>} : memref<128x128xf32, #tpu.memory_space<vmem>>, vector<1x16xf32>,
        %parallel_loop3A_612 = vector.shape_cast %parallel_loop3A_611 : vector<1x16xf32> to vector<16xf32>
        %parallel_loop3A_613 = vector.shape_cast %parallel_loop3A_608 : vector<16xf32> to vector<1x16xf32>
        tpu.vector_store %arg15[%parallel_loop3A_609, %parallel_loop3A_610], %parallel_loop3A_613 {strides = array<i32>} : memref<128x128xf32, #tpu.memory_space<vmem>>, vector<1x16xf32>,
        %parallel_loop3A_614 = arith.constant 16 : i32
        %parallel_loop3A_615 = arith.muli %parallel_loop3A_168, %parallel_loop3A_614 : i32
        %parallel_loop3A_616 = arith.constant 5 : i32
        %parallel_loop3A_617 = arith.addi %parallel_loop3A_615, %parallel_loop3A_616 : i32
        %parallel_loop3A_618 = arith.constant 5 : i32
        %parallel_loop3A_619 = vector.broadcast %parallel_loop3A_618 : i32 to vector<16x1xi32>
        %parallel_loop3A_620 = vector.shape_cast %parallel_loop3A_619 : vector<16x1xi32> to vector<16xi32>
        %parallel_loop3A_621 = tpu.dynamic_gather %parallel_loop3A_173[%parallel_loop3A_620] in [0] : vector<16xf32>, vector<16xi32> -> vector<16xf32>
        %parallel_loop3A_622 = arith.index_cast %parallel_loop3A_617 : i32 to index
        %parallel_loop3A_623 = arith.constant 0 : index
        %parallel_loop3A_624 = tpu.vector_load %arg15[%parallel_loop3A_622, %parallel_loop3A_623] {strides = array<i32>} : memref<128x128xf32, #tpu.memory_space<vmem>>, vector<1x16xf32>,
        %parallel_loop3A_625 = vector.shape_cast %parallel_loop3A_624 : vector<1x16xf32> to vector<16xf32>
        %parallel_loop3A_626 = arith.mulf %parallel_loop3A_625, %parallel_loop3A_621 : vector<16xf32>
        %parallel_loop3A_627 = arith.index_cast %parallel_loop3A_617 : i32 to index
        %parallel_loop3A_628 = arith.constant 0 : index
        %parallel_loop3A_629 = tpu.vector_load %arg15[%parallel_loop3A_627, %parallel_loop3A_628] {strides = array<i32>} : memref<128x128xf32, #tpu.memory_space<vmem>>, vector<1x16xf32>,
        %parallel_loop3A_630 = vector.shape_cast %parallel_loop3A_629 : vector<1x16xf32> to vector<16xf32>
        %parallel_loop3A_631 = vector.shape_cast %parallel_loop3A_626 : vector<16xf32> to vector<1x16xf32>
        tpu.vector_store %arg15[%parallel_loop3A_627, %parallel_loop3A_628], %parallel_loop3A_631 {strides = array<i32>} : memref<128x128xf32, #tpu.memory_space<vmem>>, vector<1x16xf32>,
        %parallel_loop3A_632 = arith.index_cast %parallel_loop3A_617 : i32 to index
        %parallel_loop3A_633 = arith.constant 16 : index
        %parallel_loop3A_634 = tpu.vector_load %arg15[%parallel_loop3A_632, %parallel_loop3A_633] {strides = array<i32>} : memref<128x128xf32, #tpu.memory_space<vmem>>, vector<1x16xf32>,
        %parallel_loop3A_635 = vector.shape_cast %parallel_loop3A_634 : vector<1x16xf32> to vector<16xf32>
        %parallel_loop3A_636 = arith.mulf %parallel_loop3A_635, %parallel_loop3A_621 : vector<16xf32>
        %parallel_loop3A_637 = arith.index_cast %parallel_loop3A_617 : i32 to index
        %parallel_loop3A_638 = arith.constant 16 : index
        %parallel_loop3A_639 = tpu.vector_load %arg15[%parallel_loop3A_637, %parallel_loop3A_638] {strides = array<i32>} : memref<128x128xf32, #tpu.memory_space<vmem>>, vector<1x16xf32>,
        %parallel_loop3A_640 = vector.shape_cast %parallel_loop3A_639 : vector<1x16xf32> to vector<16xf32>
        %parallel_loop3A_641 = vector.shape_cast %parallel_loop3A_636 : vector<16xf32> to vector<1x16xf32>
        tpu.vector_store %arg15[%parallel_loop3A_637, %parallel_loop3A_638], %parallel_loop3A_641 {strides = array<i32>} : memref<128x128xf32, #tpu.memory_space<vmem>>, vector<1x16xf32>,
        %parallel_loop3A_642 = arith.index_cast %parallel_loop3A_617 : i32 to index
        %parallel_loop3A_643 = arith.constant 32 : index
        %parallel_loop3A_644 = tpu.vector_load %arg15[%parallel_loop3A_642, %parallel_loop3A_643] {strides = array<i32>} : memref<128x128xf32, #tpu.memory_space<vmem>>, vector<1x16xf32>,
        %parallel_loop3A_645 = vector.shape_cast %parallel_loop3A_644 : vector<1x16xf32> to vector<16xf32>
        %parallel_loop3A_646 = arith.mulf %parallel_loop3A_645, %parallel_loop3A_621 : vector<16xf32>
        %parallel_loop3A_647 = arith.index_cast %parallel_loop3A_617 : i32 to index
        %parallel_loop3A_648 = arith.constant 32 : index
        %parallel_loop3A_649 = tpu.vector_load %arg15[%parallel_loop3A_647, %parallel_loop3A_648] {strides = array<i32>} : memref<128x128xf32, #tpu.memory_space<vmem>>, vector<1x16xf32>,
        %parallel_loop3A_650 = vector.shape_cast %parallel_loop3A_649 : vector<1x16xf32> to vector<16xf32>
        %parallel_loop3A_651 = vector.shape_cast %parallel_loop3A_646 : vector<16xf32> to vector<1x16xf32>
        tpu.vector_store %arg15[%parallel_loop3A_647, %parallel_loop3A_648], %parallel_loop3A_651 {strides = array<i32>} : memref<128x128xf32, #tpu.memory_space<vmem>>, vector<1x16xf32>,
        %parallel_loop3A_652 = arith.index_cast %parallel_loop3A_617 : i32 to index
        %parallel_loop3A_653 = arith.constant 48 : index
        %parallel_loop3A_654 = tpu.vector_load %arg15[%parallel_loop3A_652, %parallel_loop3A_653] {strides = array<i32>} : memref<128x128xf32, #tpu.memory_space<vmem>>, vector<1x16xf32>,
        %parallel_loop3A_655 = vector.shape_cast %parallel_loop3A_654 : vector<1x16xf32> to vector<16xf32>
        %parallel_loop3A_656 = arith.mulf %parallel_loop3A_655, %parallel_loop3A_621 : vector<16xf32>
        %parallel_loop3A_657 = arith.index_cast %parallel_loop3A_617 : i32 to index
        %parallel_loop3A_658 = arith.constant 48 : index
        %parallel_loop3A_659 = tpu.vector_load %arg15[%parallel_loop3A_657, %parallel_loop3A_658] {strides = array<i32>} : memref<128x128xf32, #tpu.memory_space<vmem>>, vector<1x16xf32>,
        %parallel_loop3A_660 = vector.shape_cast %parallel_loop3A_659 : vector<1x16xf32> to vector<16xf32>
        %parallel_loop3A_661 = vector.shape_cast %parallel_loop3A_656 : vector<16xf32> to vector<1x16xf32>
        tpu.vector_store %arg15[%parallel_loop3A_657, %parallel_loop3A_658], %parallel_loop3A_661 {strides = array<i32>} : memref<128x128xf32, #tpu.memory_space<vmem>>, vector<1x16xf32>,
        %parallel_loop3A_662 = arith.index_cast %parallel_loop3A_617 : i32 to index
        %parallel_loop3A_663 = arith.constant 64 : index
        %parallel_loop3A_664 = tpu.vector_load %arg15[%parallel_loop3A_662, %parallel_loop3A_663] {strides = array<i32>} : memref<128x128xf32, #tpu.memory_space<vmem>>, vector<1x16xf32>,
        %parallel_loop3A_665 = vector.shape_cast %parallel_loop3A_664 : vector<1x16xf32> to vector<16xf32>
        %parallel_loop3A_666 = arith.mulf %parallel_loop3A_665, %parallel_loop3A_621 : vector<16xf32>
        %parallel_loop3A_667 = arith.index_cast %parallel_loop3A_617 : i32 to index
        %parallel_loop3A_668 = arith.constant 64 : index
        %parallel_loop3A_669 = tpu.vector_load %arg15[%parallel_loop3A_667, %parallel_loop3A_668] {strides = array<i32>} : memref<128x128xf32, #tpu.memory_space<vmem>>, vector<1x16xf32>,
        %parallel_loop3A_670 = vector.shape_cast %parallel_loop3A_669 : vector<1x16xf32> to vector<16xf32>
        %parallel_loop3A_671 = vector.shape_cast %parallel_loop3A_666 : vector<16xf32> to vector<1x16xf32>
        tpu.vector_store %arg15[%parallel_loop3A_667, %parallel_loop3A_668], %parallel_loop3A_671 {strides = array<i32>} : memref<128x128xf32, #tpu.memory_space<vmem>>, vector<1x16xf32>,
        %parallel_loop3A_672 = arith.index_cast %parallel_loop3A_617 : i32 to index
        %parallel_loop3A_673 = arith.constant 80 : index
        %parallel_loop3A_674 = tpu.vector_load %arg15[%parallel_loop3A_672, %parallel_loop3A_673] {strides = array<i32>} : memref<128x128xf32, #tpu.memory_space<vmem>>, vector<1x16xf32>,
        %parallel_loop3A_675 = vector.shape_cast %parallel_loop3A_674 : vector<1x16xf32> to vector<16xf32>
        %parallel_loop3A_676 = arith.mulf %parallel_loop3A_675, %parallel_loop3A_621 : vector<16xf32>
        %parallel_loop3A_677 = arith.index_cast %parallel_loop3A_617 : i32 to index
        %parallel_loop3A_678 = arith.constant 80 : index
        %parallel_loop3A_679 = tpu.vector_load %arg15[%parallel_loop3A_677, %parallel_loop3A_678] {strides = array<i32>} : memref<128x128xf32, #tpu.memory_space<vmem>>, vector<1x16xf32>,
        %parallel_loop3A_680 = vector.shape_cast %parallel_loop3A_679 : vector<1x16xf32> to vector<16xf32>
        %parallel_loop3A_681 = vector.shape_cast %parallel_loop3A_676 : vector<16xf32> to vector<1x16xf32>
        tpu.vector_store %arg15[%parallel_loop3A_677, %parallel_loop3A_678], %parallel_loop3A_681 {strides = array<i32>} : memref<128x128xf32, #tpu.memory_space<vmem>>, vector<1x16xf32>,
        %parallel_loop3A_682 = arith.index_cast %parallel_loop3A_617 : i32 to index
        %parallel_loop3A_683 = arith.constant 96 : index
        %parallel_loop3A_684 = tpu.vector_load %arg15[%parallel_loop3A_682, %parallel_loop3A_683] {strides = array<i32>} : memref<128x128xf32, #tpu.memory_space<vmem>>, vector<1x16xf32>,
        %parallel_loop3A_685 = vector.shape_cast %parallel_loop3A_684 : vector<1x16xf32> to vector<16xf32>
        %parallel_loop3A_686 = arith.mulf %parallel_loop3A_685, %parallel_loop3A_621 : vector<16xf32>
        %parallel_loop3A_687 = arith.index_cast %parallel_loop3A_617 : i32 to index
        %parallel_loop3A_688 = arith.constant 96 : index
        %parallel_loop3A_689 = tpu.vector_load %arg15[%parallel_loop3A_687, %parallel_loop3A_688] {strides = array<i32>} : memref<128x128xf32, #tpu.memory_space<vmem>>, vector<1x16xf32>,
        %parallel_loop3A_690 = vector.shape_cast %parallel_loop3A_689 : vector<1x16xf32> to vector<16xf32>
        %parallel_loop3A_691 = vector.shape_cast %parallel_loop3A_686 : vector<16xf32> to vector<1x16xf32>
        tpu.vector_store %arg15[%parallel_loop3A_687, %parallel_loop3A_688], %parallel_loop3A_691 {strides = array<i32>} : memref<128x128xf32, #tpu.memory_space<vmem>>, vector<1x16xf32>,
        %parallel_loop3A_692 = arith.index_cast %parallel_loop3A_617 : i32 to index
        %parallel_loop3A_693 = arith.constant 112 : index
        %parallel_loop3A_694 = tpu.vector_load %arg15[%parallel_loop3A_692, %parallel_loop3A_693] {strides = array<i32>} : memref<128x128xf32, #tpu.memory_space<vmem>>, vector<1x16xf32>,
        %parallel_loop3A_695 = vector.shape_cast %parallel_loop3A_694 : vector<1x16xf32> to vector<16xf32>
        %parallel_loop3A_696 = arith.mulf %parallel_loop3A_695, %parallel_loop3A_621 : vector<16xf32>
        %parallel_loop3A_697 = arith.index_cast %parallel_loop3A_617 : i32 to index
        %parallel_loop3A_698 = arith.constant 112 : index
        %parallel_loop3A_699 = tpu.vector_load %arg15[%parallel_loop3A_697, %parallel_loop3A_698] {strides = array<i32>} : memref<128x128xf32, #tpu.memory_space<vmem>>, vector<1x16xf32>,
        %parallel_loop3A_700 = vector.shape_cast %parallel_loop3A_699 : vector<1x16xf32> to vector<16xf32>
        %parallel_loop3A_701 = vector.shape_cast %parallel_loop3A_696 : vector<16xf32> to vector<1x16xf32>
        tpu.vector_store %arg15[%parallel_loop3A_697, %parallel_loop3A_698], %parallel_loop3A_701 {strides = array<i32>} : memref<128x128xf32, #tpu.memory_space<vmem>>, vector<1x16xf32>,
        %parallel_loop3A_702 = arith.constant 16 : i32
        %parallel_loop3A_703 = arith.muli %parallel_loop3A_168, %parallel_loop3A_702 : i32
        %parallel_loop3A_704 = arith.constant 6 : i32
        %parallel_loop3A_705 = arith.addi %parallel_loop3A_703, %parallel_loop3A_704 : i32
        %parallel_loop3A_706 = arith.constant 6 : i32
        %parallel_loop3A_707 = vector.broadcast %parallel_loop3A_706 : i32 to vector<16x1xi32>
        %parallel_loop3A_708 = vector.shape_cast %parallel_loop3A_707 : vector<16x1xi32> to vector<16xi32>
        %parallel_loop3A_709 = tpu.dynamic_gather %parallel_loop3A_173[%parallel_loop3A_708] in [0] : vector<16xf32>, vector<16xi32> -> vector<16xf32>
        %parallel_loop3A_710 = arith.index_cast %parallel_loop3A_705 : i32 to index
        %parallel_loop3A_711 = arith.constant 0 : index
        %parallel_loop3A_712 = tpu.vector_load %arg15[%parallel_loop3A_710, %parallel_loop3A_711] {strides = array<i32>} : memref<128x128xf32, #tpu.memory_space<vmem>>, vector<1x16xf32>,
        %parallel_loop3A_713 = vector.shape_cast %parallel_loop3A_712 : vector<1x16xf32> to vector<16xf32>
        %parallel_loop3A_714 = arith.mulf %parallel_loop3A_713, %parallel_loop3A_709 : vector<16xf32>
        %parallel_loop3A_715 = arith.index_cast %parallel_loop3A_705 : i32 to index
        %parallel_loop3A_716 = arith.constant 0 : index
        %parallel_loop3A_717 = tpu.vector_load %arg15[%parallel_loop3A_715, %parallel_loop3A_716] {strides = array<i32>} : memref<128x128xf32, #tpu.memory_space<vmem>>, vector<1x16xf32>,
        %parallel_loop3A_718 = vector.shape_cast %parallel_loop3A_717 : vector<1x16xf32> to vector<16xf32>
        %parallel_loop3A_719 = vector.shape_cast %parallel_loop3A_714 : vector<16xf32> to vector<1x16xf32>
        tpu.vector_store %arg15[%parallel_loop3A_715, %parallel_loop3A_716], %parallel_loop3A_719 {strides = array<i32>} : memref<128x128xf32, #tpu.memory_space<vmem>>, vector<1x16xf32>,
        %parallel_loop3A_720 = arith.index_cast %parallel_loop3A_705 : i32 to index
        %parallel_loop3A_721 = arith.constant 16 : index
        %parallel_loop3A_722 = tpu.vector_load %arg15[%parallel_loop3A_720, %parallel_loop3A_721] {strides = array<i32>} : memref<128x128xf32, #tpu.memory_space<vmem>>, vector<1x16xf32>,
        %parallel_loop3A_723 = vector.shape_cast %parallel_loop3A_722 : vector<1x16xf32> to vector<16xf32>
        %parallel_loop3A_724 = arith.mulf %parallel_loop3A_723, %parallel_loop3A_709 : vector<16xf32>
        %parallel_loop3A_725 = arith.index_cast %parallel_loop3A_705 : i32 to index
        %parallel_loop3A_726 = arith.constant 16 : index
        %parallel_loop3A_727 = tpu.vector_load %arg15[%parallel_loop3A_725, %parallel_loop3A_726] {strides = array<i32>} : memref<128x128xf32, #tpu.memory_space<vmem>>, vector<1x16xf32>,
        %parallel_loop3A_728 = vector.shape_cast %parallel_loop3A_727 : vector<1x16xf32> to vector<16xf32>
        %parallel_loop3A_729 = vector.shape_cast %parallel_loop3A_724 : vector<16xf32> to vector<1x16xf32>
        tpu.vector_store %arg15[%parallel_loop3A_725, %parallel_loop3A_726], %parallel_loop3A_729 {strides = array<i32>} : memref<128x128xf32, #tpu.memory_space<vmem>>, vector<1x16xf32>,
        %parallel_loop3A_730 = arith.index_cast %parallel_loop3A_705 : i32 to index
        %parallel_loop3A_731 = arith.constant 32 : index
        %parallel_loop3A_732 = tpu.vector_load %arg15[%parallel_loop3A_730, %parallel_loop3A_731] {strides = array<i32>} : memref<128x128xf32, #tpu.memory_space<vmem>>, vector<1x16xf32>,
        %parallel_loop3A_733 = vector.shape_cast %parallel_loop3A_732 : vector<1x16xf32> to vector<16xf32>
        %parallel_loop3A_734 = arith.mulf %parallel_loop3A_733, %parallel_loop3A_709 : vector<16xf32>
        %parallel_loop3A_735 = arith.index_cast %parallel_loop3A_705 : i32 to index
        %parallel_loop3A_736 = arith.constant 32 : index
        %parallel_loop3A_737 = tpu.vector_load %arg15[%parallel_loop3A_735, %parallel_loop3A_736] {strides = array<i32>} : memref<128x128xf32, #tpu.memory_space<vmem>>, vector<1x16xf32>,
        %parallel_loop3A_738 = vector.shape_cast %parallel_loop3A_737 : vector<1x16xf32> to vector<16xf32>
        %parallel_loop3A_739 = vector.shape_cast %parallel_loop3A_734 : vector<16xf32> to vector<1x16xf32>
        tpu.vector_store %arg15[%parallel_loop3A_735, %parallel_loop3A_736], %parallel_loop3A_739 {strides = array<i32>} : memref<128x128xf32, #tpu.memory_space<vmem>>, vector<1x16xf32>,
        %parallel_loop3A_740 = arith.index_cast %parallel_loop3A_705 : i32 to index
        %parallel_loop3A_741 = arith.constant 48 : index
        %parallel_loop3A_742 = tpu.vector_load %arg15[%parallel_loop3A_740, %parallel_loop3A_741] {strides = array<i32>} : memref<128x128xf32, #tpu.memory_space<vmem>>, vector<1x16xf32>,
        %parallel_loop3A_743 = vector.shape_cast %parallel_loop3A_742 : vector<1x16xf32> to vector<16xf32>
        %parallel_loop3A_744 = arith.mulf %parallel_loop3A_743, %parallel_loop3A_709 : vector<16xf32>
        %parallel_loop3A_745 = arith.index_cast %parallel_loop3A_705 : i32 to index
        %parallel_loop3A_746 = arith.constant 48 : index
        %parallel_loop3A_747 = tpu.vector_load %arg15[%parallel_loop3A_745, %parallel_loop3A_746] {strides = array<i32>} : memref<128x128xf32, #tpu.memory_space<vmem>>, vector<1x16xf32>,
        %parallel_loop3A_748 = vector.shape_cast %parallel_loop3A_747 : vector<1x16xf32> to vector<16xf32>
        %parallel_loop3A_749 = vector.shape_cast %parallel_loop3A_744 : vector<16xf32> to vector<1x16xf32>
        tpu.vector_store %arg15[%parallel_loop3A_745, %parallel_loop3A_746], %parallel_loop3A_749 {strides = array<i32>} : memref<128x128xf32, #tpu.memory_space<vmem>>, vector<1x16xf32>,
        %parallel_loop3A_750 = arith.index_cast %parallel_loop3A_705 : i32 to index
        %parallel_loop3A_751 = arith.constant 64 : index
        %parallel_loop3A_752 = tpu.vector_load %arg15[%parallel_loop3A_750, %parallel_loop3A_751] {strides = array<i32>} : memref<128x128xf32, #tpu.memory_space<vmem>>, vector<1x16xf32>,
        %parallel_loop3A_753 = vector.shape_cast %parallel_loop3A_752 : vector<1x16xf32> to vector<16xf32>
        %parallel_loop3A_754 = arith.mulf %parallel_loop3A_753, %parallel_loop3A_709 : vector<16xf32>
        %parallel_loop3A_755 = arith.index_cast %parallel_loop3A_705 : i32 to index
        %parallel_loop3A_756 = arith.constant 64 : index
        %parallel_loop3A_757 = tpu.vector_load %arg15[%parallel_loop3A_755, %parallel_loop3A_756] {strides = array<i32>} : memref<128x128xf32, #tpu.memory_space<vmem>>, vector<1x16xf32>,
        %parallel_loop3A_758 = vector.shape_cast %parallel_loop3A_757 : vector<1x16xf32> to vector<16xf32>
        %parallel_loop3A_759 = vector.shape_cast %parallel_loop3A_754 : vector<16xf32> to vector<1x16xf32>
        tpu.vector_store %arg15[%parallel_loop3A_755, %parallel_loop3A_756], %parallel_loop3A_759 {strides = array<i32>} : memref<128x128xf32, #tpu.memory_space<vmem>>, vector<1x16xf32>,
        %parallel_loop3A_760 = arith.index_cast %parallel_loop3A_705 : i32 to index
        %parallel_loop3A_761 = arith.constant 80 : index
        %parallel_loop3A_762 = tpu.vector_load %arg15[%parallel_loop3A_760, %parallel_loop3A_761] {strides = array<i32>} : memref<128x128xf32, #tpu.memory_space<vmem>>, vector<1x16xf32>,
        %parallel_loop3A_763 = vector.shape_cast %parallel_loop3A_762 : vector<1x16xf32> to vector<16xf32>
        %parallel_loop3A_764 = arith.mulf %parallel_loop3A_763, %parallel_loop3A_709 : vector<16xf32>
        %parallel_loop3A_765 = arith.index_cast %parallel_loop3A_705 : i32 to index
        %parallel_loop3A_766 = arith.constant 80 : index
        %parallel_loop3A_767 = tpu.vector_load %arg15[%parallel_loop3A_765, %parallel_loop3A_766] {strides = array<i32>} : memref<128x128xf32, #tpu.memory_space<vmem>>, vector<1x16xf32>,
        %parallel_loop3A_768 = vector.shape_cast %parallel_loop3A_767 : vector<1x16xf32> to vector<16xf32>
        %parallel_loop3A_769 = vector.shape_cast %parallel_loop3A_764 : vector<16xf32> to vector<1x16xf32>
        tpu.vector_store %arg15[%parallel_loop3A_765, %parallel_loop3A_766], %parallel_loop3A_769 {strides = array<i32>} : memref<128x128xf32, #tpu.memory_space<vmem>>, vector<1x16xf32>,
        %parallel_loop3A_770 = arith.index_cast %parallel_loop3A_705 : i32 to index
        %parallel_loop3A_771 = arith.constant 96 : index
        %parallel_loop3A_772 = tpu.vector_load %arg15[%parallel_loop3A_770, %parallel_loop3A_771] {strides = array<i32>} : memref<128x128xf32, #tpu.memory_space<vmem>>, vector<1x16xf32>,
        %parallel_loop3A_773 = vector.shape_cast %parallel_loop3A_772 : vector<1x16xf32> to vector<16xf32>
        %parallel_loop3A_774 = arith.mulf %parallel_loop3A_773, %parallel_loop3A_709 : vector<16xf32>
        %parallel_loop3A_775 = arith.index_cast %parallel_loop3A_705 : i32 to index
        %parallel_loop3A_776 = arith.constant 96 : index
        %parallel_loop3A_777 = tpu.vector_load %arg15[%parallel_loop3A_775, %parallel_loop3A_776] {strides = array<i32>} : memref<128x128xf32, #tpu.memory_space<vmem>>, vector<1x16xf32>,
        %parallel_loop3A_778 = vector.shape_cast %parallel_loop3A_777 : vector<1x16xf32> to vector<16xf32>
        %parallel_loop3A_779 = vector.shape_cast %parallel_loop3A_774 : vector<16xf32> to vector<1x16xf32>
        tpu.vector_store %arg15[%parallel_loop3A_775, %parallel_loop3A_776], %parallel_loop3A_779 {strides = array<i32>} : memref<128x128xf32, #tpu.memory_space<vmem>>, vector<1x16xf32>,
        %parallel_loop3A_780 = arith.index_cast %parallel_loop3A_705 : i32 to index
        %parallel_loop3A_781 = arith.constant 112 : index
        %parallel_loop3A_782 = tpu.vector_load %arg15[%parallel_loop3A_780, %parallel_loop3A_781] {strides = array<i32>} : memref<128x128xf32, #tpu.memory_space<vmem>>, vector<1x16xf32>,
        %parallel_loop3A_783 = vector.shape_cast %parallel_loop3A_782 : vector<1x16xf32> to vector<16xf32>
        %parallel_loop3A_784 = arith.mulf %parallel_loop3A_783, %parallel_loop3A_709 : vector<16xf32>
        %parallel_loop3A_785 = arith.index_cast %parallel_loop3A_705 : i32 to index
        %parallel_loop3A_786 = arith.constant 112 : index
        %parallel_loop3A_787 = tpu.vector_load %arg15[%parallel_loop3A_785, %parallel_loop3A_786] {strides = array<i32>} : memref<128x128xf32, #tpu.memory_space<vmem>>, vector<1x16xf32>,
        %parallel_loop3A_788 = vector.shape_cast %parallel_loop3A_787 : vector<1x16xf32> to vector<16xf32>
        %parallel_loop3A_789 = vector.shape_cast %parallel_loop3A_784 : vector<16xf32> to vector<1x16xf32>
        tpu.vector_store %arg15[%parallel_loop3A_785, %parallel_loop3A_786], %parallel_loop3A_789 {strides = array<i32>} : memref<128x128xf32, #tpu.memory_space<vmem>>, vector<1x16xf32>,
        %parallel_loop3A_790 = arith.constant 16 : i32
        %parallel_loop3A_791 = arith.muli %parallel_loop3A_168, %parallel_loop3A_790 : i32
        %parallel_loop3A_792 = arith.constant 7 : i32
        %parallel_loop3A_793 = arith.addi %parallel_loop3A_791, %parallel_loop3A_792 : i32
        %parallel_loop3A_794 = arith.constant 7 : i32
        %parallel_loop3A_795 = vector.broadcast %parallel_loop3A_794 : i32 to vector<16x1xi32>
        %parallel_loop3A_796 = vector.shape_cast %parallel_loop3A_795 : vector<16x1xi32> to vector<16xi32>
        %parallel_loop3A_797 = tpu.dynamic_gather %parallel_loop3A_173[%parallel_loop3A_796] in [0] : vector<16xf32>, vector<16xi32> -> vector<16xf32>
        %parallel_loop3A_798 = arith.index_cast %parallel_loop3A_793 : i32 to index
        %parallel_loop3A_799 = arith.constant 0 : index
        %parallel_loop3A_800 = tpu.vector_load %arg15[%parallel_loop3A_798, %parallel_loop3A_799] {strides = array<i32>} : memref<128x128xf32, #tpu.memory_space<vmem>>, vector<1x16xf32>,
        %parallel_loop3A_801 = vector.shape_cast %parallel_loop3A_800 : vector<1x16xf32> to vector<16xf32>
        %parallel_loop3A_802 = arith.mulf %parallel_loop3A_801, %parallel_loop3A_797 : vector<16xf32>
        %parallel_loop3A_803 = arith.index_cast %parallel_loop3A_793 : i32 to index
        %parallel_loop3A_804 = arith.constant 0 : index
        %parallel_loop3A_805 = tpu.vector_load %arg15[%parallel_loop3A_803, %parallel_loop3A_804] {strides = array<i32>} : memref<128x128xf32, #tpu.memory_space<vmem>>, vector<1x16xf32>,
        %parallel_loop3A_806 = vector.shape_cast %parallel_loop3A_805 : vector<1x16xf32> to vector<16xf32>
        %parallel_loop3A_807 = vector.shape_cast %parallel_loop3A_802 : vector<16xf32> to vector<1x16xf32>
        tpu.vector_store %arg15[%parallel_loop3A_803, %parallel_loop3A_804], %parallel_loop3A_807 {strides = array<i32>} : memref<128x128xf32, #tpu.memory_space<vmem>>, vector<1x16xf32>,
        %parallel_loop3A_808 = arith.index_cast %parallel_loop3A_793 : i32 to index
        %parallel_loop3A_809 = arith.constant 16 : index
        %parallel_loop3A_810 = tpu.vector_load %arg15[%parallel_loop3A_808, %parallel_loop3A_809] {strides = array<i32>} : memref<128x128xf32, #tpu.memory_space<vmem>>, vector<1x16xf32>,
        %parallel_loop3A_811 = vector.shape_cast %parallel_loop3A_810 : vector<1x16xf32> to vector<16xf32>
        %parallel_loop3A_812 = arith.mulf %parallel_loop3A_811, %parallel_loop3A_797 : vector<16xf32>
        %parallel_loop3A_813 = arith.index_cast %parallel_loop3A_793 : i32 to index
        %parallel_loop3A_814 = arith.constant 16 : index
        %parallel_loop3A_815 = tpu.vector_load %arg15[%parallel_loop3A_813, %parallel_loop3A_814] {strides = array<i32>} : memref<128x128xf32, #tpu.memory_space<vmem>>, vector<1x16xf32>,
        %parallel_loop3A_816 = vector.shape_cast %parallel_loop3A_815 : vector<1x16xf32> to vector<16xf32>
        %parallel_loop3A_817 = vector.shape_cast %parallel_loop3A_812 : vector<16xf32> to vector<1x16xf32>
        tpu.vector_store %arg15[%parallel_loop3A_813, %parallel_loop3A_814], %parallel_loop3A_817 {strides = array<i32>} : memref<128x128xf32, #tpu.memory_space<vmem>>, vector<1x16xf32>,
        %parallel_loop3A_818 = arith.index_cast %parallel_loop3A_793 : i32 to index
        %parallel_loop3A_819 = arith.constant 32 : index
        %parallel_loop3A_820 = tpu.vector_load %arg15[%parallel_loop3A_818, %parallel_loop3A_819] {strides = array<i32>} : memref<128x128xf32, #tpu.memory_space<vmem>>, vector<1x16xf32>,
        %parallel_loop3A_821 = vector.shape_cast %parallel_loop3A_820 : vector<1x16xf32> to vector<16xf32>
        %parallel_loop3A_822 = arith.mulf %parallel_loop3A_821, %parallel_loop3A_797 : vector<16xf32>
        %parallel_loop3A_823 = arith.index_cast %parallel_loop3A_793 : i32 to index
        %parallel_loop3A_824 = arith.constant 32 : index
        %parallel_loop3A_825 = tpu.vector_load %arg15[%parallel_loop3A_823, %parallel_loop3A_824] {strides = array<i32>} : memref<128x128xf32, #tpu.memory_space<vmem>>, vector<1x16xf32>,
        %parallel_loop3A_826 = vector.shape_cast %parallel_loop3A_825 : vector<1x16xf32> to vector<16xf32>
        %parallel_loop3A_827 = vector.shape_cast %parallel_loop3A_822 : vector<16xf32> to vector<1x16xf32>
        tpu.vector_store %arg15[%parallel_loop3A_823, %parallel_loop3A_824], %parallel_loop3A_827 {strides = array<i32>} : memref<128x128xf32, #tpu.memory_space<vmem>>, vector<1x16xf32>,
        %parallel_loop3A_828 = arith.index_cast %parallel_loop3A_793 : i32 to index
        %parallel_loop3A_829 = arith.constant 48 : index
        %parallel_loop3A_830 = tpu.vector_load %arg15[%parallel_loop3A_828, %parallel_loop3A_829] {strides = array<i32>} : memref<128x128xf32, #tpu.memory_space<vmem>>, vector<1x16xf32>,
        %parallel_loop3A_831 = vector.shape_cast %parallel_loop3A_830 : vector<1x16xf32> to vector<16xf32>
        %parallel_loop3A_832 = arith.mulf %parallel_loop3A_831, %parallel_loop3A_797 : vector<16xf32>
        %parallel_loop3A_833 = arith.index_cast %parallel_loop3A_793 : i32 to index
        %parallel_loop3A_834 = arith.constant 48 : index
        %parallel_loop3A_835 = tpu.vector_load %arg15[%parallel_loop3A_833, %parallel_loop3A_834] {strides = array<i32>} : memref<128x128xf32, #tpu.memory_space<vmem>>, vector<1x16xf32>,
        %parallel_loop3A_836 = vector.shape_cast %parallel_loop3A_835 : vector<1x16xf32> to vector<16xf32>
        %parallel_loop3A_837 = vector.shape_cast %parallel_loop3A_832 : vector<16xf32> to vector<1x16xf32>
        tpu.vector_store %arg15[%parallel_loop3A_833, %parallel_loop3A_834], %parallel_loop3A_837 {strides = array<i32>} : memref<128x128xf32, #tpu.memory_space<vmem>>, vector<1x16xf32>,
        %parallel_loop3A_838 = arith.index_cast %parallel_loop3A_793 : i32 to index
        %parallel_loop3A_839 = arith.constant 64 : index
        %parallel_loop3A_840 = tpu.vector_load %arg15[%parallel_loop3A_838, %parallel_loop3A_839] {strides = array<i32>} : memref<128x128xf32, #tpu.memory_space<vmem>>, vector<1x16xf32>,
        %parallel_loop3A_841 = vector.shape_cast %parallel_loop3A_840 : vector<1x16xf32> to vector<16xf32>
        %parallel_loop3A_842 = arith.mulf %parallel_loop3A_841, %parallel_loop3A_797 : vector<16xf32>
        %parallel_loop3A_843 = arith.index_cast %parallel_loop3A_793 : i32 to index
        %parallel_loop3A_844 = arith.constant 64 : index
        %parallel_loop3A_845 = tpu.vector_load %arg15[%parallel_loop3A_843, %parallel_loop3A_844] {strides = array<i32>} : memref<128x128xf32, #tpu.memory_space<vmem>>, vector<1x16xf32>,
        %parallel_loop3A_846 = vector.shape_cast %parallel_loop3A_845 : vector<1x16xf32> to vector<16xf32>
        %parallel_loop3A_847 = vector.shape_cast %parallel_loop3A_842 : vector<16xf32> to vector<1x16xf32>
        tpu.vector_store %arg15[%parallel_loop3A_843, %parallel_loop3A_844], %parallel_loop3A_847 {strides = array<i32>} : memref<128x128xf32, #tpu.memory_space<vmem>>, vector<1x16xf32>,
        %parallel_loop3A_848 = arith.index_cast %parallel_loop3A_793 : i32 to index
        %parallel_loop3A_849 = arith.constant 80 : index
        %parallel_loop3A_850 = tpu.vector_load %arg15[%parallel_loop3A_848, %parallel_loop3A_849] {strides = array<i32>} : memref<128x128xf32, #tpu.memory_space<vmem>>, vector<1x16xf32>,
        %parallel_loop3A_851 = vector.shape_cast %parallel_loop3A_850 : vector<1x16xf32> to vector<16xf32>
        %parallel_loop3A_852 = arith.mulf %parallel_loop3A_851, %parallel_loop3A_797 : vector<16xf32>
        %parallel_loop3A_853 = arith.index_cast %parallel_loop3A_793 : i32 to index
        %parallel_loop3A_854 = arith.constant 80 : index
        %parallel_loop3A_855 = tpu.vector_load %arg15[%parallel_loop3A_853, %parallel_loop3A_854] {strides = array<i32>} : memref<128x128xf32, #tpu.memory_space<vmem>>, vector<1x16xf32>,
        %parallel_loop3A_856 = vector.shape_cast %parallel_loop3A_855 : vector<1x16xf32> to vector<16xf32>
        %parallel_loop3A_857 = vector.shape_cast %parallel_loop3A_852 : vector<16xf32> to vector<1x16xf32>
        tpu.vector_store %arg15[%parallel_loop3A_853, %parallel_loop3A_854], %parallel_loop3A_857 {strides = array<i32>} : memref<128x128xf32, #tpu.memory_space<vmem>>, vector<1x16xf32>,
        %parallel_loop3A_858 = arith.index_cast %parallel_loop3A_793 : i32 to index
        %parallel_loop3A_859 = arith.constant 96 : index
        %parallel_loop3A_860 = tpu.vector_load %arg15[%parallel_loop3A_858, %parallel_loop3A_859] {strides = array<i32>} : memref<128x128xf32, #tpu.memory_space<vmem>>, vector<1x16xf32>,
        %parallel_loop3A_861 = vector.shape_cast %parallel_loop3A_860 : vector<1x16xf32> to vector<16xf32>
        %parallel_loop3A_862 = arith.mulf %parallel_loop3A_861, %parallel_loop3A_797 : vector<16xf32>
        %parallel_loop3A_863 = arith.index_cast %parallel_loop3A_793 : i32 to index
        %parallel_loop3A_864 = arith.constant 96 : index
        %parallel_loop3A_865 = tpu.vector_load %arg15[%parallel_loop3A_863, %parallel_loop3A_864] {strides = array<i32>} : memref<128x128xf32, #tpu.memory_space<vmem>>, vector<1x16xf32>,
        %parallel_loop3A_866 = vector.shape_cast %parallel_loop3A_865 : vector<1x16xf32> to vector<16xf32>
        %parallel_loop3A_867 = vector.shape_cast %parallel_loop3A_862 : vector<16xf32> to vector<1x16xf32>
        tpu.vector_store %arg15[%parallel_loop3A_863, %parallel_loop3A_864], %parallel_loop3A_867 {strides = array<i32>} : memref<128x128xf32, #tpu.memory_space<vmem>>, vector<1x16xf32>,
        %parallel_loop3A_868 = arith.index_cast %parallel_loop3A_793 : i32 to index
        %parallel_loop3A_869 = arith.constant 112 : index
        %parallel_loop3A_870 = tpu.vector_load %arg15[%parallel_loop3A_868, %parallel_loop3A_869] {strides = array<i32>} : memref<128x128xf32, #tpu.memory_space<vmem>>, vector<1x16xf32>,
        %parallel_loop3A_871 = vector.shape_cast %parallel_loop3A_870 : vector<1x16xf32> to vector<16xf32>
        %parallel_loop3A_872 = arith.mulf %parallel_loop3A_871, %parallel_loop3A_797 : vector<16xf32>
        %parallel_loop3A_873 = arith.index_cast %parallel_loop3A_793 : i32 to index
        %parallel_loop3A_874 = arith.constant 112 : index
        %parallel_loop3A_875 = tpu.vector_load %arg15[%parallel_loop3A_873, %parallel_loop3A_874] {strides = array<i32>} : memref<128x128xf32, #tpu.memory_space<vmem>>, vector<1x16xf32>,
        %parallel_loop3A_876 = vector.shape_cast %parallel_loop3A_875 : vector<1x16xf32> to vector<16xf32>
        %parallel_loop3A_877 = vector.shape_cast %parallel_loop3A_872 : vector<16xf32> to vector<1x16xf32>
        tpu.vector_store %arg15[%parallel_loop3A_873, %parallel_loop3A_874], %parallel_loop3A_877 {strides = array<i32>} : memref<128x128xf32, #tpu.memory_space<vmem>>, vector<1x16xf32>,
        %parallel_loop3A_878 = arith.constant 16 : i32
        %parallel_loop3A_879 = arith.muli %parallel_loop3A_168, %parallel_loop3A_878 : i32
        %parallel_loop3A_880 = arith.constant 8 : i32
        %parallel_loop3A_881 = arith.addi %parallel_loop3A_879, %parallel_loop3A_880 : i32
        %parallel_loop3A_882 = arith.constant 8 : i32
        %parallel_loop3A_883 = vector.broadcast %parallel_loop3A_882 : i32 to vector<16x1xi32>
        %parallel_loop3A_884 = vector.shape_cast %parallel_loop3A_883 : vector<16x1xi32> to vector<16xi32>
        %parallel_loop3A_885 = tpu.dynamic_gather %parallel_loop3A_173[%parallel_loop3A_884] in [0] : vector<16xf32>, vector<16xi32> -> vector<16xf32>
        %parallel_loop3A_886 = arith.index_cast %parallel_loop3A_881 : i32 to index
        %parallel_loop3A_887 = arith.constant 0 : index
        %parallel_loop3A_888 = tpu.vector_load %arg15[%parallel_loop3A_886, %parallel_loop3A_887] {strides = array<i32>} : memref<128x128xf32, #tpu.memory_space<vmem>>, vector<1x16xf32>,
        %parallel_loop3A_889 = vector.shape_cast %parallel_loop3A_888 : vector<1x16xf32> to vector<16xf32>
        %parallel_loop3A_890 = arith.mulf %parallel_loop3A_889, %parallel_loop3A_885 : vector<16xf32>
        %parallel_loop3A_891 = arith.index_cast %parallel_loop3A_881 : i32 to index
        %parallel_loop3A_892 = arith.constant 0 : index
        %parallel_loop3A_893 = tpu.vector_load %arg15[%parallel_loop3A_891, %parallel_loop3A_892] {strides = array<i32>} : memref<128x128xf32, #tpu.memory_space<vmem>>, vector<1x16xf32>,
        %parallel_loop3A_894 = vector.shape_cast %parallel_loop3A_893 : vector<1x16xf32> to vector<16xf32>
        %parallel_loop3A_895 = vector.shape_cast %parallel_loop3A_890 : vector<16xf32> to vector<1x16xf32>
        tpu.vector_store %arg15[%parallel_loop3A_891, %parallel_loop3A_892], %parallel_loop3A_895 {strides = array<i32>} : memref<128x128xf32, #tpu.memory_space<vmem>>, vector<1x16xf32>,
        %parallel_loop3A_896 = arith.index_cast %parallel_loop3A_881 : i32 to index
        %parallel_loop3A_897 = arith.constant 16 : index
        %parallel_loop3A_898 = tpu.vector_load %arg15[%parallel_loop3A_896, %parallel_loop3A_897] {strides = array<i32>} : memref<128x128xf32, #tpu.memory_space<vmem>>, vector<1x16xf32>,
        %parallel_loop3A_899 = vector.shape_cast %parallel_loop3A_898 : vector<1x16xf32> to vector<16xf32>
        %parallel_loop3A_900 = arith.mulf %parallel_loop3A_899, %parallel_loop3A_885 : vector<16xf32>
        %parallel_loop3A_901 = arith.index_cast %parallel_loop3A_881 : i32 to index
        %parallel_loop3A_902 = arith.constant 16 : index
        %parallel_loop3A_903 = tpu.vector_load %arg15[%parallel_loop3A_901, %parallel_loop3A_902] {strides = array<i32>} : memref<128x128xf32, #tpu.memory_space<vmem>>, vector<1x16xf32>,
        %parallel_loop3A_904 = vector.shape_cast %parallel_loop3A_903 : vector<1x16xf32> to vector<16xf32>
        %parallel_loop3A_905 = vector.shape_cast %parallel_loop3A_900 : vector<16xf32> to vector<1x16xf32>
        tpu.vector_store %arg15[%parallel_loop3A_901, %parallel_loop3A_902], %parallel_loop3A_905 {strides = array<i32>} : memref<128x128xf32, #tpu.memory_space<vmem>>, vector<1x16xf32>,
        %parallel_loop3A_906 = arith.index_cast %parallel_loop3A_881 : i32 to index
        %parallel_loop3A_907 = arith.constant 32 : index
        %parallel_loop3A_908 = tpu.vector_load %arg15[%parallel_loop3A_906, %parallel_loop3A_907] {strides = array<i32>} : memref<128x128xf32, #tpu.memory_space<vmem>>, vector<1x16xf32>,
        %parallel_loop3A_909 = vector.shape_cast %parallel_loop3A_908 : vector<1x16xf32> to vector<16xf32>
        %parallel_loop3A_910 = arith.mulf %parallel_loop3A_909, %parallel_loop3A_885 : vector<16xf32>
        %parallel_loop3A_911 = arith.index_cast %parallel_loop3A_881 : i32 to index
        %parallel_loop3A_912 = arith.constant 32 : index
        %parallel_loop3A_913 = tpu.vector_load %arg15[%parallel_loop3A_911, %parallel_loop3A_912] {strides = array<i32>} : memref<128x128xf32, #tpu.memory_space<vmem>>, vector<1x16xf32>,
        %parallel_loop3A_914 = vector.shape_cast %parallel_loop3A_913 : vector<1x16xf32> to vector<16xf32>
        %parallel_loop3A_915 = vector.shape_cast %parallel_loop3A_910 : vector<16xf32> to vector<1x16xf32>
        tpu.vector_store %arg15[%parallel_loop3A_911, %parallel_loop3A_912], %parallel_loop3A_915 {strides = array<i32>} : memref<128x128xf32, #tpu.memory_space<vmem>>, vector<1x16xf32>,
        %parallel_loop3A_916 = arith.index_cast %parallel_loop3A_881 : i32 to index
        %parallel_loop3A_917 = arith.constant 48 : index
        %parallel_loop3A_918 = tpu.vector_load %arg15[%parallel_loop3A_916, %parallel_loop3A_917] {strides = array<i32>} : memref<128x128xf32, #tpu.memory_space<vmem>>, vector<1x16xf32>,
        %parallel_loop3A_919 = vector.shape_cast %parallel_loop3A_918 : vector<1x16xf32> to vector<16xf32>
        %parallel_loop3A_920 = arith.mulf %parallel_loop3A_919, %parallel_loop3A_885 : vector<16xf32>
        %parallel_loop3A_921 = arith.index_cast %parallel_loop3A_881 : i32 to index
        %parallel_loop3A_922 = arith.constant 48 : index
        %parallel_loop3A_923 = tpu.vector_load %arg15[%parallel_loop3A_921, %parallel_loop3A_922] {strides = array<i32>} : memref<128x128xf32, #tpu.memory_space<vmem>>, vector<1x16xf32>,
        %parallel_loop3A_924 = vector.shape_cast %parallel_loop3A_923 : vector<1x16xf32> to vector<16xf32>
        %parallel_loop3A_925 = vector.shape_cast %parallel_loop3A_920 : vector<16xf32> to vector<1x16xf32>
        tpu.vector_store %arg15[%parallel_loop3A_921, %parallel_loop3A_922], %parallel_loop3A_925 {strides = array<i32>} : memref<128x128xf32, #tpu.memory_space<vmem>>, vector<1x16xf32>,
        %parallel_loop3A_926 = arith.index_cast %parallel_loop3A_881 : i32 to index
        %parallel_loop3A_927 = arith.constant 64 : index
        %parallel_loop3A_928 = tpu.vector_load %arg15[%parallel_loop3A_926, %parallel_loop3A_927] {strides = array<i32>} : memref<128x128xf32, #tpu.memory_space<vmem>>, vector<1x16xf32>,
        %parallel_loop3A_929 = vector.shape_cast %parallel_loop3A_928 : vector<1x16xf32> to vector<16xf32>
        %parallel_loop3A_930 = arith.mulf %parallel_loop3A_929, %parallel_loop3A_885 : vector<16xf32>
        %parallel_loop3A_931 = arith.index_cast %parallel_loop3A_881 : i32 to index
        %parallel_loop3A_932 = arith.constant 64 : index
        %parallel_loop3A_933 = tpu.vector_load %arg15[%parallel_loop3A_931, %parallel_loop3A_932] {strides = array<i32>} : memref<128x128xf32, #tpu.memory_space<vmem>>, vector<1x16xf32>,
        %parallel_loop3A_934 = vector.shape_cast %parallel_loop3A_933 : vector<1x16xf32> to vector<16xf32>
        %parallel_loop3A_935 = vector.shape_cast %parallel_loop3A_930 : vector<16xf32> to vector<1x16xf32>
        tpu.vector_store %arg15[%parallel_loop3A_931, %parallel_loop3A_932], %parallel_loop3A_935 {strides = array<i32>} : memref<128x128xf32, #tpu.memory_space<vmem>>, vector<1x16xf32>,
        %parallel_loop3A_936 = arith.index_cast %parallel_loop3A_881 : i32 to index
        %parallel_loop3A_937 = arith.constant 80 : index
        %parallel_loop3A_938 = tpu.vector_load %arg15[%parallel_loop3A_936, %parallel_loop3A_937] {strides = array<i32>} : memref<128x128xf32, #tpu.memory_space<vmem>>, vector<1x16xf32>,
        %parallel_loop3A_939 = vector.shape_cast %parallel_loop3A_938 : vector<1x16xf32> to vector<16xf32>
        %parallel_loop3A_940 = arith.mulf %parallel_loop3A_939, %parallel_loop3A_885 : vector<16xf32>
        %parallel_loop3A_941 = arith.index_cast %parallel_loop3A_881 : i32 to index
        %parallel_loop3A_942 = arith.constant 80 : index
        %parallel_loop3A_943 = tpu.vector_load %arg15[%parallel_loop3A_941, %parallel_loop3A_942] {strides = array<i32>} : memref<128x128xf32, #tpu.memory_space<vmem>>, vector<1x16xf32>,
        %parallel_loop3A_944 = vector.shape_cast %parallel_loop3A_943 : vector<1x16xf32> to vector<16xf32>
        %parallel_loop3A_945 = vector.shape_cast %parallel_loop3A_940 : vector<16xf32> to vector<1x16xf32>
        tpu.vector_store %arg15[%parallel_loop3A_941, %parallel_loop3A_942], %parallel_loop3A_945 {strides = array<i32>} : memref<128x128xf32, #tpu.memory_space<vmem>>, vector<1x16xf32>,
        %parallel_loop3A_946 = arith.index_cast %parallel_loop3A_881 : i32 to index
        %parallel_loop3A_947 = arith.constant 96 : index
        %parallel_loop3A_948 = tpu.vector_load %arg15[%parallel_loop3A_946, %parallel_loop3A_947] {strides = array<i32>} : memref<128x128xf32, #tpu.memory_space<vmem>>, vector<1x16xf32>,
        %parallel_loop3A_949 = vector.shape_cast %parallel_loop3A_948 : vector<1x16xf32> to vector<16xf32>
        %parallel_loop3A_950 = arith.mulf %parallel_loop3A_949, %parallel_loop3A_885 : vector<16xf32>
        %parallel_loop3A_951 = arith.index_cast %parallel_loop3A_881 : i32 to index
        %parallel_loop3A_952 = arith.constant 96 : index
        %parallel_loop3A_953 = tpu.vector_load %arg15[%parallel_loop3A_951, %parallel_loop3A_952] {strides = array<i32>} : memref<128x128xf32, #tpu.memory_space<vmem>>, vector<1x16xf32>,
        %parallel_loop3A_954 = vector.shape_cast %parallel_loop3A_953 : vector<1x16xf32> to vector<16xf32>
        %parallel_loop3A_955 = vector.shape_cast %parallel_loop3A_950 : vector<16xf32> to vector<1x16xf32>
        tpu.vector_store %arg15[%parallel_loop3A_951, %parallel_loop3A_952], %parallel_loop3A_955 {strides = array<i32>} : memref<128x128xf32, #tpu.memory_space<vmem>>, vector<1x16xf32>,
        %parallel_loop3A_956 = arith.index_cast %parallel_loop3A_881 : i32 to index
        %parallel_loop3A_957 = arith.constant 112 : index
        %parallel_loop3A_958 = tpu.vector_load %arg15[%parallel_loop3A_956, %parallel_loop3A_957] {strides = array<i32>} : memref<128x128xf32, #tpu.memory_space<vmem>>, vector<1x16xf32>,
        %parallel_loop3A_959 = vector.shape_cast %parallel_loop3A_958 : vector<1x16xf32> to vector<16xf32>
        %parallel_loop3A_960 = arith.mulf %parallel_loop3A_959, %parallel_loop3A_885 : vector<16xf32>
        %parallel_loop3A_961 = arith.index_cast %parallel_loop3A_881 : i32 to index
        %parallel_loop3A_962 = arith.constant 112 : index
        %parallel_loop3A_963 = tpu.vector_load %arg15[%parallel_loop3A_961, %parallel_loop3A_962] {strides = array<i32>} : memref<128x128xf32, #tpu.memory_space<vmem>>, vector<1x16xf32>,
        %parallel_loop3A_964 = vector.shape_cast %parallel_loop3A_963 : vector<1x16xf32> to vector<16xf32>
        %parallel_loop3A_965 = vector.shape_cast %parallel_loop3A_960 : vector<16xf32> to vector<1x16xf32>
        tpu.vector_store %arg15[%parallel_loop3A_961, %parallel_loop3A_962], %parallel_loop3A_965 {strides = array<i32>} : memref<128x128xf32, #tpu.memory_space<vmem>>, vector<1x16xf32>,
        %parallel_loop3A_966 = arith.constant 16 : i32
        %parallel_loop3A_967 = arith.muli %parallel_loop3A_168, %parallel_loop3A_966 : i32
        %parallel_loop3A_968 = arith.constant 9 : i32
        %parallel_loop3A_969 = arith.addi %parallel_loop3A_967, %parallel_loop3A_968 : i32
        %parallel_loop3A_970 = arith.constant 9 : i32
        %parallel_loop3A_971 = vector.broadcast %parallel_loop3A_970 : i32 to vector<16x1xi32>
        %parallel_loop3A_972 = vector.shape_cast %parallel_loop3A_971 : vector<16x1xi32> to vector<16xi32>
        %parallel_loop3A_973 = tpu.dynamic_gather %parallel_loop3A_173[%parallel_loop3A_972] in [0] : vector<16xf32>, vector<16xi32> -> vector<16xf32>
        %parallel_loop3A_974 = arith.index_cast %parallel_loop3A_969 : i32 to index
        %parallel_loop3A_975 = arith.constant 0 : index
        %parallel_loop3A_976 = tpu.vector_load %arg15[%parallel_loop3A_974, %parallel_loop3A_975] {strides = array<i32>} : memref<128x128xf32, #tpu.memory_space<vmem>>, vector<1x16xf32>,
        %parallel_loop3A_977 = vector.shape_cast %parallel_loop3A_976 : vector<1x16xf32> to vector<16xf32>
        %parallel_loop3A_978 = arith.mulf %parallel_loop3A_977, %parallel_loop3A_973 : vector<16xf32>
        %parallel_loop3A_979 = arith.index_cast %parallel_loop3A_969 : i32 to index
        %parallel_loop3A_980 = arith.constant 0 : index
        %parallel_loop3A_981 = tpu.vector_load %arg15[%parallel_loop3A_979, %parallel_loop3A_980] {strides = array<i32>} : memref<128x128xf32, #tpu.memory_space<vmem>>, vector<1x16xf32>,
        %parallel_loop3A_982 = vector.shape_cast %parallel_loop3A_981 : vector<1x16xf32> to vector<16xf32>
        %parallel_loop3A_983 = vector.shape_cast %parallel_loop3A_978 : vector<16xf32> to vector<1x16xf32>
        tpu.vector_store %arg15[%parallel_loop3A_979, %parallel_loop3A_980], %parallel_loop3A_983 {strides = array<i32>} : memref<128x128xf32, #tpu.memory_space<vmem>>, vector<1x16xf32>,
        %parallel_loop3A_984 = arith.index_cast %parallel_loop3A_969 : i32 to index
        %parallel_loop3A_985 = arith.constant 16 : index
        %parallel_loop3A_986 = tpu.vector_load %arg15[%parallel_loop3A_984, %parallel_loop3A_985] {strides = array<i32>} : memref<128x128xf32, #tpu.memory_space<vmem>>, vector<1x16xf32>,
        %parallel_loop3A_987 = vector.shape_cast %parallel_loop3A_986 : vector<1x16xf32> to vector<16xf32>
        %parallel_loop3A_988 = arith.mulf %parallel_loop3A_987, %parallel_loop3A_973 : vector<16xf32>
        %parallel_loop3A_989 = arith.index_cast %parallel_loop3A_969 : i32 to index
        %parallel_loop3A_990 = arith.constant 16 : index
        %parallel_loop3A_991 = tpu.vector_load %arg15[%parallel_loop3A_989, %parallel_loop3A_990] {strides = array<i32>} : memref<128x128xf32, #tpu.memory_space<vmem>>, vector<1x16xf32>,
        %parallel_loop3A_992 = vector.shape_cast %parallel_loop3A_991 : vector<1x16xf32> to vector<16xf32>
        %parallel_loop3A_993 = vector.shape_cast %parallel_loop3A_988 : vector<16xf32> to vector<1x16xf32>
        tpu.vector_store %arg15[%parallel_loop3A_989, %parallel_loop3A_990], %parallel_loop3A_993 {strides = array<i32>} : memref<128x128xf32, #tpu.memory_space<vmem>>, vector<1x16xf32>,
        %parallel_loop3A_994 = arith.index_cast %parallel_loop3A_969 : i32 to index
        %parallel_loop3A_995 = arith.constant 32 : index
        %parallel_loop3A_996 = tpu.vector_load %arg15[%parallel_loop3A_994, %parallel_loop3A_995] {strides = array<i32>} : memref<128x128xf32, #tpu.memory_space<vmem>>, vector<1x16xf32>,
        %parallel_loop3A_997 = vector.shape_cast %parallel_loop3A_996 : vector<1x16xf32> to vector<16xf32>
        %parallel_loop3A_998 = arith.mulf %parallel_loop3A_997, %parallel_loop3A_973 : vector<16xf32>
        %parallel_loop3A_999 = arith.index_cast %parallel_loop3A_969 : i32 to index
        %parallel_loop3A_1000 = arith.constant 32 : index
        %parallel_loop3A_1001 = tpu.vector_load %arg15[%parallel_loop3A_999, %parallel_loop3A_1000] {strides = array<i32>} : memref<128x128xf32, #tpu.memory_space<vmem>>, vector<1x16xf32>,
        %parallel_loop3A_1002 = vector.shape_cast %parallel_loop3A_1001 : vector<1x16xf32> to vector<16xf32>
        %parallel_loop3A_1003 = vector.shape_cast %parallel_loop3A_998 : vector<16xf32> to vector<1x16xf32>
        tpu.vector_store %arg15[%parallel_loop3A_999, %parallel_loop3A_1000], %parallel_loop3A_1003 {strides = array<i32>} : memref<128x128xf32, #tpu.memory_space<vmem>>, vector<1x16xf32>,
        %parallel_loop3A_1004 = arith.index_cast %parallel_loop3A_969 : i32 to index
        %parallel_loop3A_1005 = arith.constant 48 : index
        %parallel_loop3A_1006 = tpu.vector_load %arg15[%parallel_loop3A_1004, %parallel_loop3A_1005] {strides = array<i32>} : memref<128x128xf32, #tpu.memory_space<vmem>>, vector<1x16xf32>,
        %parallel_loop3A_1007 = vector.shape_cast %parallel_loop3A_1006 : vector<1x16xf32> to vector<16xf32>
        %parallel_loop3A_1008 = arith.mulf %parallel_loop3A_1007, %parallel_loop3A_973 : vector<16xf32>
        %parallel_loop3A_1009 = arith.index_cast %parallel_loop3A_969 : i32 to index
        %parallel_loop3A_1010 = arith.constant 48 : index
        %parallel_loop3A_1011 = tpu.vector_load %arg15[%parallel_loop3A_1009, %parallel_loop3A_1010] {strides = array<i32>} : memref<128x128xf32, #tpu.memory_space<vmem>>, vector<1x16xf32>,
        %parallel_loop3A_1012 = vector.shape_cast %parallel_loop3A_1011 : vector<1x16xf32> to vector<16xf32>
        %parallel_loop3A_1013 = vector.shape_cast %parallel_loop3A_1008 : vector<16xf32> to vector<1x16xf32>
        tpu.vector_store %arg15[%parallel_loop3A_1009, %parallel_loop3A_1010], %parallel_loop3A_1013 {strides = array<i32>} : memref<128x128xf32, #tpu.memory_space<vmem>>, vector<1x16xf32>,
        %parallel_loop3A_1014 = arith.index_cast %parallel_loop3A_969 : i32 to index
        %parallel_loop3A_1015 = arith.constant 64 : index
        %parallel_loop3A_1016 = tpu.vector_load %arg15[%parallel_loop3A_1014, %parallel_loop3A_1015] {strides = array<i32>} : memref<128x128xf32, #tpu.memory_space<vmem>>, vector<1x16xf32>,
        %parallel_loop3A_1017 = vector.shape_cast %parallel_loop3A_1016 : vector<1x16xf32> to vector<16xf32>
        %parallel_loop3A_1018 = arith.mulf %parallel_loop3A_1017, %parallel_loop3A_973 : vector<16xf32>
        %parallel_loop3A_1019 = arith.index_cast %parallel_loop3A_969 : i32 to index
        %parallel_loop3A_1020 = arith.constant 64 : index
        %parallel_loop3A_1021 = tpu.vector_load %arg15[%parallel_loop3A_1019, %parallel_loop3A_1020] {strides = array<i32>} : memref<128x128xf32, #tpu.memory_space<vmem>>, vector<1x16xf32>,
        %parallel_loop3A_1022 = vector.shape_cast %parallel_loop3A_1021 : vector<1x16xf32> to vector<16xf32>
        %parallel_loop3A_1023 = vector.shape_cast %parallel_loop3A_1018 : vector<16xf32> to vector<1x16xf32>
        tpu.vector_store %arg15[%parallel_loop3A_1019, %parallel_loop3A_1020], %parallel_loop3A_1023 {strides = array<i32>} : memref<128x128xf32, #tpu.memory_space<vmem>>, vector<1x16xf32>,
        %parallel_loop3A_1024 = arith.index_cast %parallel_loop3A_969 : i32 to index
        %parallel_loop3A_1025 = arith.constant 80 : index
        %parallel_loop3A_1026 = tpu.vector_load %arg15[%parallel_loop3A_1024, %parallel_loop3A_1025] {strides = array<i32>} : memref<128x128xf32, #tpu.memory_space<vmem>>, vector<1x16xf32>,
        %parallel_loop3A_1027 = vector.shape_cast %parallel_loop3A_1026 : vector<1x16xf32> to vector<16xf32>
        %parallel_loop3A_1028 = arith.mulf %parallel_loop3A_1027, %parallel_loop3A_973 : vector<16xf32>
        %parallel_loop3A_1029 = arith.index_cast %parallel_loop3A_969 : i32 to index
        %parallel_loop3A_1030 = arith.constant 80 : index
        %parallel_loop3A_1031 = tpu.vector_load %arg15[%parallel_loop3A_1029, %parallel_loop3A_1030] {strides = array<i32>} : memref<128x128xf32, #tpu.memory_space<vmem>>, vector<1x16xf32>,
        %parallel_loop3A_1032 = vector.shape_cast %parallel_loop3A_1031 : vector<1x16xf32> to vector<16xf32>
        %parallel_loop3A_1033 = vector.shape_cast %parallel_loop3A_1028 : vector<16xf32> to vector<1x16xf32>
        tpu.vector_store %arg15[%parallel_loop3A_1029, %parallel_loop3A_1030], %parallel_loop3A_1033 {strides = array<i32>} : memref<128x128xf32, #tpu.memory_space<vmem>>, vector<1x16xf32>,
        %parallel_loop3A_1034 = arith.index_cast %parallel_loop3A_969 : i32 to index
        %parallel_loop3A_1035 = arith.constant 96 : index
        %parallel_loop3A_1036 = tpu.vector_load %arg15[%parallel_loop3A_1034, %parallel_loop3A_1035] {strides = array<i32>} : memref<128x128xf32, #tpu.memory_space<vmem>>, vector<1x16xf32>,
        %parallel_loop3A_1037 = vector.shape_cast %parallel_loop3A_1036 : vector<1x16xf32> to vector<16xf32>
        %parallel_loop3A_1038 = arith.mulf %parallel_loop3A_1037, %parallel_loop3A_973 : vector<16xf32>
        %parallel_loop3A_1039 = arith.index_cast %parallel_loop3A_969 : i32 to index
        %parallel_loop3A_1040 = arith.constant 96 : index
        %parallel_loop3A_1041 = tpu.vector_load %arg15[%parallel_loop3A_1039, %parallel_loop3A_1040] {strides = array<i32>} : memref<128x128xf32, #tpu.memory_space<vmem>>, vector<1x16xf32>,
        %parallel_loop3A_1042 = vector.shape_cast %parallel_loop3A_1041 : vector<1x16xf32> to vector<16xf32>
        %parallel_loop3A_1043 = vector.shape_cast %parallel_loop3A_1038 : vector<16xf32> to vector<1x16xf32>
        tpu.vector_store %arg15[%parallel_loop3A_1039, %parallel_loop3A_1040], %parallel_loop3A_1043 {strides = array<i32>} : memref<128x128xf32, #tpu.memory_space<vmem>>, vector<1x16xf32>,
        %parallel_loop3A_1044 = arith.index_cast %parallel_loop3A_969 : i32 to index
        %parallel_loop3A_1045 = arith.constant 112 : index
        %parallel_loop3A_1046 = tpu.vector_load %arg15[%parallel_loop3A_1044, %parallel_loop3A_1045] {strides = array<i32>} : memref<128x128xf32, #tpu.memory_space<vmem>>, vector<1x16xf32>,
        %parallel_loop3A_1047 = vector.shape_cast %parallel_loop3A_1046 : vector<1x16xf32> to vector<16xf32>
        %parallel_loop3A_1048 = arith.mulf %parallel_loop3A_1047, %parallel_loop3A_973 : vector<16xf32>
        %parallel_loop3A_1049 = arith.index_cast %parallel_loop3A_969 : i32 to index
        %parallel_loop3A_1050 = arith.constant 112 : index
        %parallel_loop3A_1051 = tpu.vector_load %arg15[%parallel_loop3A_1049, %parallel_loop3A_1050] {strides = array<i32>} : memref<128x128xf32, #tpu.memory_space<vmem>>, vector<1x16xf32>,
        %parallel_loop3A_1052 = vector.shape_cast %parallel_loop3A_1051 : vector<1x16xf32> to vector<16xf32>
        %parallel_loop3A_1053 = vector.shape_cast %parallel_loop3A_1048 : vector<16xf32> to vector<1x16xf32>
        tpu.vector_store %arg15[%parallel_loop3A_1049, %parallel_loop3A_1050], %parallel_loop3A_1053 {strides = array<i32>} : memref<128x128xf32, #tpu.memory_space<vmem>>, vector<1x16xf32>,
        %parallel_loop3A_1054 = arith.constant 16 : i32
        %parallel_loop3A_1055 = arith.muli %parallel_loop3A_168, %parallel_loop3A_1054 : i32
        %parallel_loop3A_1056 = arith.constant 10 : i32
        %parallel_loop3A_1057 = arith.addi %parallel_loop3A_1055, %parallel_loop3A_1056 : i32
        %parallel_loop3A_1058 = arith.constant 10 : i32
        %parallel_loop3A_1059 = vector.broadcast %parallel_loop3A_1058 : i32 to vector<16x1xi32>
        %parallel_loop3A_1060 = vector.shape_cast %parallel_loop3A_1059 : vector<16x1xi32> to vector<16xi32>
        %parallel_loop3A_1061 = tpu.dynamic_gather %parallel_loop3A_173[%parallel_loop3A_1060] in [0] : vector<16xf32>, vector<16xi32> -> vector<16xf32>
        %parallel_loop3A_1062 = arith.index_cast %parallel_loop3A_1057 : i32 to index
        %parallel_loop3A_1063 = arith.constant 0 : index
        %parallel_loop3A_1064 = tpu.vector_load %arg15[%parallel_loop3A_1062, %parallel_loop3A_1063] {strides = array<i32>} : memref<128x128xf32, #tpu.memory_space<vmem>>, vector<1x16xf32>,
        %parallel_loop3A_1065 = vector.shape_cast %parallel_loop3A_1064 : vector<1x16xf32> to vector<16xf32>
        %parallel_loop3A_1066 = arith.mulf %parallel_loop3A_1065, %parallel_loop3A_1061 : vector<16xf32>
        %parallel_loop3A_1067 = arith.index_cast %parallel_loop3A_1057 : i32 to index
        %parallel_loop3A_1068 = arith.constant 0 : index
        %parallel_loop3A_1069 = tpu.vector_load %arg15[%parallel_loop3A_1067, %parallel_loop3A_1068] {strides = array<i32>} : memref<128x128xf32, #tpu.memory_space<vmem>>, vector<1x16xf32>,
        %parallel_loop3A_1070 = vector.shape_cast %parallel_loop3A_1069 : vector<1x16xf32> to vector<16xf32>
        %parallel_loop3A_1071 = vector.shape_cast %parallel_loop3A_1066 : vector<16xf32> to vector<1x16xf32>
        tpu.vector_store %arg15[%parallel_loop3A_1067, %parallel_loop3A_1068], %parallel_loop3A_1071 {strides = array<i32>} : memref<128x128xf32, #tpu.memory_space<vmem>>, vector<1x16xf32>,
        %parallel_loop3A_1072 = arith.index_cast %parallel_loop3A_1057 : i32 to index
        %parallel_loop3A_1073 = arith.constant 16 : index
        %parallel_loop3A_1074 = tpu.vector_load %arg15[%parallel_loop3A_1072, %parallel_loop3A_1073] {strides = array<i32>} : memref<128x128xf32, #tpu.memory_space<vmem>>, vector<1x16xf32>,
        %parallel_loop3A_1075 = vector.shape_cast %parallel_loop3A_1074 : vector<1x16xf32> to vector<16xf32>
        %parallel_loop3A_1076 = arith.mulf %parallel_loop3A_1075, %parallel_loop3A_1061 : vector<16xf32>
        %parallel_loop3A_1077 = arith.index_cast %parallel_loop3A_1057 : i32 to index
        %parallel_loop3A_1078 = arith.constant 16 : index
        %parallel_loop3A_1079 = tpu.vector_load %arg15[%parallel_loop3A_1077, %parallel_loop3A_1078] {strides = array<i32>} : memref<128x128xf32, #tpu.memory_space<vmem>>, vector<1x16xf32>,
        %parallel_loop3A_1080 = vector.shape_cast %parallel_loop3A_1079 : vector<1x16xf32> to vector<16xf32>
        %parallel_loop3A_1081 = vector.shape_cast %parallel_loop3A_1076 : vector<16xf32> to vector<1x16xf32>
        tpu.vector_store %arg15[%parallel_loop3A_1077, %parallel_loop3A_1078], %parallel_loop3A_1081 {strides = array<i32>} : memref<128x128xf32, #tpu.memory_space<vmem>>, vector<1x16xf32>,
        %parallel_loop3A_1082 = arith.index_cast %parallel_loop3A_1057 : i32 to index
        %parallel_loop3A_1083 = arith.constant 32 : index
        %parallel_loop3A_1084 = tpu.vector_load %arg15[%parallel_loop3A_1082, %parallel_loop3A_1083] {strides = array<i32>} : memref<128x128xf32, #tpu.memory_space<vmem>>, vector<1x16xf32>,
        %parallel_loop3A_1085 = vector.shape_cast %parallel_loop3A_1084 : vector<1x16xf32> to vector<16xf32>
        %parallel_loop3A_1086 = arith.mulf %parallel_loop3A_1085, %parallel_loop3A_1061 : vector<16xf32>
        %parallel_loop3A_1087 = arith.index_cast %parallel_loop3A_1057 : i32 to index
        %parallel_loop3A_1088 = arith.constant 32 : index
        %parallel_loop3A_1089 = tpu.vector_load %arg15[%parallel_loop3A_1087, %parallel_loop3A_1088] {strides = array<i32>} : memref<128x128xf32, #tpu.memory_space<vmem>>, vector<1x16xf32>,
        %parallel_loop3A_1090 = vector.shape_cast %parallel_loop3A_1089 : vector<1x16xf32> to vector<16xf32>
        %parallel_loop3A_1091 = vector.shape_cast %parallel_loop3A_1086 : vector<16xf32> to vector<1x16xf32>
        tpu.vector_store %arg15[%parallel_loop3A_1087, %parallel_loop3A_1088], %parallel_loop3A_1091 {strides = array<i32>} : memref<128x128xf32, #tpu.memory_space<vmem>>, vector<1x16xf32>,
        %parallel_loop3A_1092 = arith.index_cast %parallel_loop3A_1057 : i32 to index
        %parallel_loop3A_1093 = arith.constant 48 : index
        %parallel_loop3A_1094 = tpu.vector_load %arg15[%parallel_loop3A_1092, %parallel_loop3A_1093] {strides = array<i32>} : memref<128x128xf32, #tpu.memory_space<vmem>>, vector<1x16xf32>,
        %parallel_loop3A_1095 = vector.shape_cast %parallel_loop3A_1094 : vector<1x16xf32> to vector<16xf32>
        %parallel_loop3A_1096 = arith.mulf %parallel_loop3A_1095, %parallel_loop3A_1061 : vector<16xf32>
        %parallel_loop3A_1097 = arith.index_cast %parallel_loop3A_1057 : i32 to index
        %parallel_loop3A_1098 = arith.constant 48 : index
        %parallel_loop3A_1099 = tpu.vector_load %arg15[%parallel_loop3A_1097, %parallel_loop3A_1098] {strides = array<i32>} : memref<128x128xf32, #tpu.memory_space<vmem>>, vector<1x16xf32>,
        %parallel_loop3A_1100 = vector.shape_cast %parallel_loop3A_1099 : vector<1x16xf32> to vector<16xf32>
        %parallel_loop3A_1101 = vector.shape_cast %parallel_loop3A_1096 : vector<16xf32> to vector<1x16xf32>
        tpu.vector_store %arg15[%parallel_loop3A_1097, %parallel_loop3A_1098], %parallel_loop3A_1101 {strides = array<i32>} : memref<128x128xf32, #tpu.memory_space<vmem>>, vector<1x16xf32>,
        %parallel_loop3A_1102 = arith.index_cast %parallel_loop3A_1057 : i32 to index
        %parallel_loop3A_1103 = arith.constant 64 : index
        %parallel_loop3A_1104 = tpu.vector_load %arg15[%parallel_loop3A_1102, %parallel_loop3A_1103] {strides = array<i32>} : memref<128x128xf32, #tpu.memory_space<vmem>>, vector<1x16xf32>,
        %parallel_loop3A_1105 = vector.shape_cast %parallel_loop3A_1104 : vector<1x16xf32> to vector<16xf32>
        %parallel_loop3A_1106 = arith.mulf %parallel_loop3A_1105, %parallel_loop3A_1061 : vector<16xf32>
        %parallel_loop3A_1107 = arith.index_cast %parallel_loop3A_1057 : i32 to index
        %parallel_loop3A_1108 = arith.constant 64 : index
        %parallel_loop3A_1109 = tpu.vector_load %arg15[%parallel_loop3A_1107, %parallel_loop3A_1108] {strides = array<i32>} : memref<128x128xf32, #tpu.memory_space<vmem>>, vector<1x16xf32>,
        %parallel_loop3A_1110 = vector.shape_cast %parallel_loop3A_1109 : vector<1x16xf32> to vector<16xf32>
        %parallel_loop3A_1111 = vector.shape_cast %parallel_loop3A_1106 : vector<16xf32> to vector<1x16xf32>
        tpu.vector_store %arg15[%parallel_loop3A_1107, %parallel_loop3A_1108], %parallel_loop3A_1111 {strides = array<i32>} : memref<128x128xf32, #tpu.memory_space<vmem>>, vector<1x16xf32>,
        %parallel_loop3A_1112 = arith.index_cast %parallel_loop3A_1057 : i32 to index
        %parallel_loop3A_1113 = arith.constant 80 : index
        %parallel_loop3A_1114 = tpu.vector_load %arg15[%parallel_loop3A_1112, %parallel_loop3A_1113] {strides = array<i32>} : memref<128x128xf32, #tpu.memory_space<vmem>>, vector<1x16xf32>,
        %parallel_loop3A_1115 = vector.shape_cast %parallel_loop3A_1114 : vector<1x16xf32> to vector<16xf32>
        %parallel_loop3A_1116 = arith.mulf %parallel_loop3A_1115, %parallel_loop3A_1061 : vector<16xf32>
        %parallel_loop3A_1117 = arith.index_cast %parallel_loop3A_1057 : i32 to index
        %parallel_loop3A_1118 = arith.constant 80 : index
        %parallel_loop3A_1119 = tpu.vector_load %arg15[%parallel_loop3A_1117, %parallel_loop3A_1118] {strides = array<i32>} : memref<128x128xf32, #tpu.memory_space<vmem>>, vector<1x16xf32>,
        %parallel_loop3A_1120 = vector.shape_cast %parallel_loop3A_1119 : vector<1x16xf32> to vector<16xf32>
        %parallel_loop3A_1121 = vector.shape_cast %parallel_loop3A_1116 : vector<16xf32> to vector<1x16xf32>
        tpu.vector_store %arg15[%parallel_loop3A_1117, %parallel_loop3A_1118], %parallel_loop3A_1121 {strides = array<i32>} : memref<128x128xf32, #tpu.memory_space<vmem>>, vector<1x16xf32>,
        %parallel_loop3A_1122 = arith.index_cast %parallel_loop3A_1057 : i32 to index
        %parallel_loop3A_1123 = arith.constant 96 : index
        %parallel_loop3A_1124 = tpu.vector_load %arg15[%parallel_loop3A_1122, %parallel_loop3A_1123] {strides = array<i32>} : memref<128x128xf32, #tpu.memory_space<vmem>>, vector<1x16xf32>,
        %parallel_loop3A_1125 = vector.shape_cast %parallel_loop3A_1124 : vector<1x16xf32> to vector<16xf32>
        %parallel_loop3A_1126 = arith.mulf %parallel_loop3A_1125, %parallel_loop3A_1061 : vector<16xf32>
        %parallel_loop3A_1127 = arith.index_cast %parallel_loop3A_1057 : i32 to index
        %parallel_loop3A_1128 = arith.constant 96 : index
        %parallel_loop3A_1129 = tpu.vector_load %arg15[%parallel_loop3A_1127, %parallel_loop3A_1128] {strides = array<i32>} : memref<128x128xf32, #tpu.memory_space<vmem>>, vector<1x16xf32>,
        %parallel_loop3A_1130 = vector.shape_cast %parallel_loop3A_1129 : vector<1x16xf32> to vector<16xf32>
        %parallel_loop3A_1131 = vector.shape_cast %parallel_loop3A_1126 : vector<16xf32> to vector<1x16xf32>
        tpu.vector_store %arg15[%parallel_loop3A_1127, %parallel_loop3A_1128], %parallel_loop3A_1131 {strides = array<i32>} : memref<128x128xf32, #tpu.memory_space<vmem>>, vector<1x16xf32>,
        %parallel_loop3A_1132 = arith.index_cast %parallel_loop3A_1057 : i32 to index
        %parallel_loop3A_1133 = arith.constant 112 : index
        %parallel_loop3A_1134 = tpu.vector_load %arg15[%parallel_loop3A_1132, %parallel_loop3A_1133] {strides = array<i32>} : memref<128x128xf32, #tpu.memory_space<vmem>>, vector<1x16xf32>,
        %parallel_loop3A_1135 = vector.shape_cast %parallel_loop3A_1134 : vector<1x16xf32> to vector<16xf32>
        %parallel_loop3A_1136 = arith.mulf %parallel_loop3A_1135, %parallel_loop3A_1061 : vector<16xf32>
        %parallel_loop3A_1137 = arith.index_cast %parallel_loop3A_1057 : i32 to index
        %parallel_loop3A_1138 = arith.constant 112 : index
        %parallel_loop3A_1139 = tpu.vector_load %arg15[%parallel_loop3A_1137, %parallel_loop3A_1138] {strides = array<i32>} : memref<128x128xf32, #tpu.memory_space<vmem>>, vector<1x16xf32>,
        %parallel_loop3A_1140 = vector.shape_cast %parallel_loop3A_1139 : vector<1x16xf32> to vector<16xf32>
        %parallel_loop3A_1141 = vector.shape_cast %parallel_loop3A_1136 : vector<16xf32> to vector<1x16xf32>
        tpu.vector_store %arg15[%parallel_loop3A_1137, %parallel_loop3A_1138], %parallel_loop3A_1141 {strides = array<i32>} : memref<128x128xf32, #tpu.memory_space<vmem>>, vector<1x16xf32>,
        %parallel_loop3A_1142 = arith.constant 16 : i32
        %parallel_loop3A_1143 = arith.muli %parallel_loop3A_168, %parallel_loop3A_1142 : i32
        %parallel_loop3A_1144 = arith.constant 11 : i32
        %parallel_loop3A_1145 = arith.addi %parallel_loop3A_1143, %parallel_loop3A_1144 : i32
        %parallel_loop3A_1146 = arith.constant 11 : i32
        %parallel_loop3A_1147 = vector.broadcast %parallel_loop3A_1146 : i32 to vector<16x1xi32>
        %parallel_loop3A_1148 = vector.shape_cast %parallel_loop3A_1147 : vector<16x1xi32> to vector<16xi32>
        %parallel_loop3A_1149 = tpu.dynamic_gather %parallel_loop3A_173[%parallel_loop3A_1148] in [0] : vector<16xf32>, vector<16xi32> -> vector<16xf32>
        %parallel_loop3A_1150 = arith.index_cast %parallel_loop3A_1145 : i32 to index
        %parallel_loop3A_1151 = arith.constant 0 : index
        %parallel_loop3A_1152 = tpu.vector_load %arg15[%parallel_loop3A_1150, %parallel_loop3A_1151] {strides = array<i32>} : memref<128x128xf32, #tpu.memory_space<vmem>>, vector<1x16xf32>,
        %parallel_loop3A_1153 = vector.shape_cast %parallel_loop3A_1152 : vector<1x16xf32> to vector<16xf32>
        %parallel_loop3A_1154 = arith.mulf %parallel_loop3A_1153, %parallel_loop3A_1149 : vector<16xf32>
        %parallel_loop3A_1155 = arith.index_cast %parallel_loop3A_1145 : i32 to index
        %parallel_loop3A_1156 = arith.constant 0 : index
        %parallel_loop3A_1157 = tpu.vector_load %arg15[%parallel_loop3A_1155, %parallel_loop3A_1156] {strides = array<i32>} : memref<128x128xf32, #tpu.memory_space<vmem>>, vector<1x16xf32>,
        %parallel_loop3A_1158 = vector.shape_cast %parallel_loop3A_1157 : vector<1x16xf32> to vector<16xf32>
        %parallel_loop3A_1159 = vector.shape_cast %parallel_loop3A_1154 : vector<16xf32> to vector<1x16xf32>
        tpu.vector_store %arg15[%parallel_loop3A_1155, %parallel_loop3A_1156], %parallel_loop3A_1159 {strides = array<i32>} : memref<128x128xf32, #tpu.memory_space<vmem>>, vector<1x16xf32>,
        %parallel_loop3A_1160 = arith.index_cast %parallel_loop3A_1145 : i32 to index
        %parallel_loop3A_1161 = arith.constant 16 : index
        %parallel_loop3A_1162 = tpu.vector_load %arg15[%parallel_loop3A_1160, %parallel_loop3A_1161] {strides = array<i32>} : memref<128x128xf32, #tpu.memory_space<vmem>>, vector<1x16xf32>,
        %parallel_loop3A_1163 = vector.shape_cast %parallel_loop3A_1162 : vector<1x16xf32> to vector<16xf32>
        %parallel_loop3A_1164 = arith.mulf %parallel_loop3A_1163, %parallel_loop3A_1149 : vector<16xf32>
        %parallel_loop3A_1165 = arith.index_cast %parallel_loop3A_1145 : i32 to index
        %parallel_loop3A_1166 = arith.constant 16 : index
        %parallel_loop3A_1167 = tpu.vector_load %arg15[%parallel_loop3A_1165, %parallel_loop3A_1166] {strides = array<i32>} : memref<128x128xf32, #tpu.memory_space<vmem>>, vector<1x16xf32>,
        %parallel_loop3A_1168 = vector.shape_cast %parallel_loop3A_1167 : vector<1x16xf32> to vector<16xf32>
        %parallel_loop3A_1169 = vector.shape_cast %parallel_loop3A_1164 : vector<16xf32> to vector<1x16xf32>
        tpu.vector_store %arg15[%parallel_loop3A_1165, %parallel_loop3A_1166], %parallel_loop3A_1169 {strides = array<i32>} : memref<128x128xf32, #tpu.memory_space<vmem>>, vector<1x16xf32>,
        %parallel_loop3A_1170 = arith.index_cast %parallel_loop3A_1145 : i32 to index
        %parallel_loop3A_1171 = arith.constant 32 : index
        %parallel_loop3A_1172 = tpu.vector_load %arg15[%parallel_loop3A_1170, %parallel_loop3A_1171] {strides = array<i32>} : memref<128x128xf32, #tpu.memory_space<vmem>>, vector<1x16xf32>,
        %parallel_loop3A_1173 = vector.shape_cast %parallel_loop3A_1172 : vector<1x16xf32> to vector<16xf32>
        %parallel_loop3A_1174 = arith.mulf %parallel_loop3A_1173, %parallel_loop3A_1149 : vector<16xf32>
        %parallel_loop3A_1175 = arith.index_cast %parallel_loop3A_1145 : i32 to index
        %parallel_loop3A_1176 = arith.constant 32 : index
        %parallel_loop3A_1177 = tpu.vector_load %arg15[%parallel_loop3A_1175, %parallel_loop3A_1176] {strides = array<i32>} : memref<128x128xf32, #tpu.memory_space<vmem>>, vector<1x16xf32>,
        %parallel_loop3A_1178 = vector.shape_cast %parallel_loop3A_1177 : vector<1x16xf32> to vector<16xf32>
        %parallel_loop3A_1179 = vector.shape_cast %parallel_loop3A_1174 : vector<16xf32> to vector<1x16xf32>
        tpu.vector_store %arg15[%parallel_loop3A_1175, %parallel_loop3A_1176], %parallel_loop3A_1179 {strides = array<i32>} : memref<128x128xf32, #tpu.memory_space<vmem>>, vector<1x16xf32>,
        %parallel_loop3A_1180 = arith.index_cast %parallel_loop3A_1145 : i32 to index
        %parallel_loop3A_1181 = arith.constant 48 : index
        %parallel_loop3A_1182 = tpu.vector_load %arg15[%parallel_loop3A_1180, %parallel_loop3A_1181] {strides = array<i32>} : memref<128x128xf32, #tpu.memory_space<vmem>>, vector<1x16xf32>,
        %parallel_loop3A_1183 = vector.shape_cast %parallel_loop3A_1182 : vector<1x16xf32> to vector<16xf32>
        %parallel_loop3A_1184 = arith.mulf %parallel_loop3A_1183, %parallel_loop3A_1149 : vector<16xf32>
        %parallel_loop3A_1185 = arith.index_cast %parallel_loop3A_1145 : i32 to index
        %parallel_loop3A_1186 = arith.constant 48 : index
        %parallel_loop3A_1187 = tpu.vector_load %arg15[%parallel_loop3A_1185, %parallel_loop3A_1186] {strides = array<i32>} : memref<128x128xf32, #tpu.memory_space<vmem>>, vector<1x16xf32>,
        %parallel_loop3A_1188 = vector.shape_cast %parallel_loop3A_1187 : vector<1x16xf32> to vector<16xf32>
        %parallel_loop3A_1189 = vector.shape_cast %parallel_loop3A_1184 : vector<16xf32> to vector<1x16xf32>
        tpu.vector_store %arg15[%parallel_loop3A_1185, %parallel_loop3A_1186], %parallel_loop3A_1189 {strides = array<i32>} : memref<128x128xf32, #tpu.memory_space<vmem>>, vector<1x16xf32>,
        %parallel_loop3A_1190 = arith.index_cast %parallel_loop3A_1145 : i32 to index
        %parallel_loop3A_1191 = arith.constant 64 : index
        %parallel_loop3A_1192 = tpu.vector_load %arg15[%parallel_loop3A_1190, %parallel_loop3A_1191] {strides = array<i32>} : memref<128x128xf32, #tpu.memory_space<vmem>>, vector<1x16xf32>,
        %parallel_loop3A_1193 = vector.shape_cast %parallel_loop3A_1192 : vector<1x16xf32> to vector<16xf32>
        %parallel_loop3A_1194 = arith.mulf %parallel_loop3A_1193, %parallel_loop3A_1149 : vector<16xf32>
        %parallel_loop3A_1195 = arith.index_cast %parallel_loop3A_1145 : i32 to index
        %parallel_loop3A_1196 = arith.constant 64 : index
        %parallel_loop3A_1197 = tpu.vector_load %arg15[%parallel_loop3A_1195, %parallel_loop3A_1196] {strides = array<i32>} : memref<128x128xf32, #tpu.memory_space<vmem>>, vector<1x16xf32>,
        %parallel_loop3A_1198 = vector.shape_cast %parallel_loop3A_1197 : vector<1x16xf32> to vector<16xf32>
        %parallel_loop3A_1199 = vector.shape_cast %parallel_loop3A_1194 : vector<16xf32> to vector<1x16xf32>
        tpu.vector_store %arg15[%parallel_loop3A_1195, %parallel_loop3A_1196], %parallel_loop3A_1199 {strides = array<i32>} : memref<128x128xf32, #tpu.memory_space<vmem>>, vector<1x16xf32>,
        %parallel_loop3A_1200 = arith.index_cast %parallel_loop3A_1145 : i32 to index
        %parallel_loop3A_1201 = arith.constant 80 : index
        %parallel_loop3A_1202 = tpu.vector_load %arg15[%parallel_loop3A_1200, %parallel_loop3A_1201] {strides = array<i32>} : memref<128x128xf32, #tpu.memory_space<vmem>>, vector<1x16xf32>,
        %parallel_loop3A_1203 = vector.shape_cast %parallel_loop3A_1202 : vector<1x16xf32> to vector<16xf32>
        %parallel_loop3A_1204 = arith.mulf %parallel_loop3A_1203, %parallel_loop3A_1149 : vector<16xf32>
        %parallel_loop3A_1205 = arith.index_cast %parallel_loop3A_1145 : i32 to index
        %parallel_loop3A_1206 = arith.constant 80 : index
        %parallel_loop3A_1207 = tpu.vector_load %arg15[%parallel_loop3A_1205, %parallel_loop3A_1206] {strides = array<i32>} : memref<128x128xf32, #tpu.memory_space<vmem>>, vector<1x16xf32>,
        %parallel_loop3A_1208 = vector.shape_cast %parallel_loop3A_1207 : vector<1x16xf32> to vector<16xf32>
        %parallel_loop3A_1209 = vector.shape_cast %parallel_loop3A_1204 : vector<16xf32> to vector<1x16xf32>
        tpu.vector_store %arg15[%parallel_loop3A_1205, %parallel_loop3A_1206], %parallel_loop3A_1209 {strides = array<i32>} : memref<128x128xf32, #tpu.memory_space<vmem>>, vector<1x16xf32>,
        %parallel_loop3A_1210 = arith.index_cast %parallel_loop3A_1145 : i32 to index
        %parallel_loop3A_1211 = arith.constant 96 : index
        %parallel_loop3A_1212 = tpu.vector_load %arg15[%parallel_loop3A_1210, %parallel_loop3A_1211] {strides = array<i32>} : memref<128x128xf32, #tpu.memory_space<vmem>>, vector<1x16xf32>,
        %parallel_loop3A_1213 = vector.shape_cast %parallel_loop3A_1212 : vector<1x16xf32> to vector<16xf32>
        %parallel_loop3A_1214 = arith.mulf %parallel_loop3A_1213, %parallel_loop3A_1149 : vector<16xf32>
        %parallel_loop3A_1215 = arith.index_cast %parallel_loop3A_1145 : i32 to index
        %parallel_loop3A_1216 = arith.constant 96 : index
        %parallel_loop3A_1217 = tpu.vector_load %arg15[%parallel_loop3A_1215, %parallel_loop3A_1216] {strides = array<i32>} : memref<128x128xf32, #tpu.memory_space<vmem>>, vector<1x16xf32>,
        %parallel_loop3A_1218 = vector.shape_cast %parallel_loop3A_1217 : vector<1x16xf32> to vector<16xf32>
        %parallel_loop3A_1219 = vector.shape_cast %parallel_loop3A_1214 : vector<16xf32> to vector<1x16xf32>
        tpu.vector_store %arg15[%parallel_loop3A_1215, %parallel_loop3A_1216], %parallel_loop3A_1219 {strides = array<i32>} : memref<128x128xf32, #tpu.memory_space<vmem>>, vector<1x16xf32>,
        %parallel_loop3A_1220 = arith.index_cast %parallel_loop3A_1145 : i32 to index
        %parallel_loop3A_1221 = arith.constant 112 : index
        %parallel_loop3A_1222 = tpu.vector_load %arg15[%parallel_loop3A_1220, %parallel_loop3A_1221] {strides = array<i32>} : memref<128x128xf32, #tpu.memory_space<vmem>>, vector<1x16xf32>,
        %parallel_loop3A_1223 = vector.shape_cast %parallel_loop3A_1222 : vector<1x16xf32> to vector<16xf32>
        %parallel_loop3A_1224 = arith.mulf %parallel_loop3A_1223, %parallel_loop3A_1149 : vector<16xf32>
        %parallel_loop3A_1225 = arith.index_cast %parallel_loop3A_1145 : i32 to index
        %parallel_loop3A_1226 = arith.constant 112 : index
        %parallel_loop3A_1227 = tpu.vector_load %arg15[%parallel_loop3A_1225, %parallel_loop3A_1226] {strides = array<i32>} : memref<128x128xf32, #tpu.memory_space<vmem>>, vector<1x16xf32>,
        %parallel_loop3A_1228 = vector.shape_cast %parallel_loop3A_1227 : vector<1x16xf32> to vector<16xf32>
        %parallel_loop3A_1229 = vector.shape_cast %parallel_loop3A_1224 : vector<16xf32> to vector<1x16xf32>
        tpu.vector_store %arg15[%parallel_loop3A_1225, %parallel_loop3A_1226], %parallel_loop3A_1229 {strides = array<i32>} : memref<128x128xf32, #tpu.memory_space<vmem>>, vector<1x16xf32>,
        %parallel_loop3A_1230 = arith.constant 16 : i32
        %parallel_loop3A_1231 = arith.muli %parallel_loop3A_168, %parallel_loop3A_1230 : i32
        %parallel_loop3A_1232 = arith.constant 12 : i32
        %parallel_loop3A_1233 = arith.addi %parallel_loop3A_1231, %parallel_loop3A_1232 : i32
        %parallel_loop3A_1234 = arith.constant 12 : i32
        %parallel_loop3A_1235 = vector.broadcast %parallel_loop3A_1234 : i32 to vector<16x1xi32>
        %parallel_loop3A_1236 = vector.shape_cast %parallel_loop3A_1235 : vector<16x1xi32> to vector<16xi32>
        %parallel_loop3A_1237 = tpu.dynamic_gather %parallel_loop3A_173[%parallel_loop3A_1236] in [0] : vector<16xf32>, vector<16xi32> -> vector<16xf32>
        %parallel_loop3A_1238 = arith.index_cast %parallel_loop3A_1233 : i32 to index
        %parallel_loop3A_1239 = arith.constant 0 : index
        %parallel_loop3A_1240 = tpu.vector_load %arg15[%parallel_loop3A_1238, %parallel_loop3A_1239] {strides = array<i32>} : memref<128x128xf32, #tpu.memory_space<vmem>>, vector<1x16xf32>,
        %parallel_loop3A_1241 = vector.shape_cast %parallel_loop3A_1240 : vector<1x16xf32> to vector<16xf32>
        %parallel_loop3A_1242 = arith.mulf %parallel_loop3A_1241, %parallel_loop3A_1237 : vector<16xf32>
        %parallel_loop3A_1243 = arith.index_cast %parallel_loop3A_1233 : i32 to index
        %parallel_loop3A_1244 = arith.constant 0 : index
        %parallel_loop3A_1245 = tpu.vector_load %arg15[%parallel_loop3A_1243, %parallel_loop3A_1244] {strides = array<i32>} : memref<128x128xf32, #tpu.memory_space<vmem>>, vector<1x16xf32>,
        %parallel_loop3A_1246 = vector.shape_cast %parallel_loop3A_1245 : vector<1x16xf32> to vector<16xf32>
        %parallel_loop3A_1247 = vector.shape_cast %parallel_loop3A_1242 : vector<16xf32> to vector<1x16xf32>
        tpu.vector_store %arg15[%parallel_loop3A_1243, %parallel_loop3A_1244], %parallel_loop3A_1247 {strides = array<i32>} : memref<128x128xf32, #tpu.memory_space<vmem>>, vector<1x16xf32>,
        %parallel_loop3A_1248 = arith.index_cast %parallel_loop3A_1233 : i32 to index
        %parallel_loop3A_1249 = arith.constant 16 : index
        %parallel_loop3A_1250 = tpu.vector_load %arg15[%parallel_loop3A_1248, %parallel_loop3A_1249] {strides = array<i32>} : memref<128x128xf32, #tpu.memory_space<vmem>>, vector<1x16xf32>,
        %parallel_loop3A_1251 = vector.shape_cast %parallel_loop3A_1250 : vector<1x16xf32> to vector<16xf32>
        %parallel_loop3A_1252 = arith.mulf %parallel_loop3A_1251, %parallel_loop3A_1237 : vector<16xf32>
        %parallel_loop3A_1253 = arith.index_cast %parallel_loop3A_1233 : i32 to index
        %parallel_loop3A_1254 = arith.constant 16 : index
        %parallel_loop3A_1255 = tpu.vector_load %arg15[%parallel_loop3A_1253, %parallel_loop3A_1254] {strides = array<i32>} : memref<128x128xf32, #tpu.memory_space<vmem>>, vector<1x16xf32>,
        %parallel_loop3A_1256 = vector.shape_cast %parallel_loop3A_1255 : vector<1x16xf32> to vector<16xf32>
        %parallel_loop3A_1257 = vector.shape_cast %parallel_loop3A_1252 : vector<16xf32> to vector<1x16xf32>
        tpu.vector_store %arg15[%parallel_loop3A_1253, %parallel_loop3A_1254], %parallel_loop3A_1257 {strides = array<i32>} : memref<128x128xf32, #tpu.memory_space<vmem>>, vector<1x16xf32>,
        %parallel_loop3A_1258 = arith.index_cast %parallel_loop3A_1233 : i32 to index
        %parallel_loop3A_1259 = arith.constant 32 : index
        %parallel_loop3A_1260 = tpu.vector_load %arg15[%parallel_loop3A_1258, %parallel_loop3A_1259] {strides = array<i32>} : memref<128x128xf32, #tpu.memory_space<vmem>>, vector<1x16xf32>,
        %parallel_loop3A_1261 = vector.shape_cast %parallel_loop3A_1260 : vector<1x16xf32> to vector<16xf32>
        %parallel_loop3A_1262 = arith.mulf %parallel_loop3A_1261, %parallel_loop3A_1237 : vector<16xf32>
        %parallel_loop3A_1263 = arith.index_cast %parallel_loop3A_1233 : i32 to index
        %parallel_loop3A_1264 = arith.constant 32 : index
        %parallel_loop3A_1265 = tpu.vector_load %arg15[%parallel_loop3A_1263, %parallel_loop3A_1264] {strides = array<i32>} : memref<128x128xf32, #tpu.memory_space<vmem>>, vector<1x16xf32>,
        %parallel_loop3A_1266 = vector.shape_cast %parallel_loop3A_1265 : vector<1x16xf32> to vector<16xf32>
        %parallel_loop3A_1267 = vector.shape_cast %parallel_loop3A_1262 : vector<16xf32> to vector<1x16xf32>
        tpu.vector_store %arg15[%parallel_loop3A_1263, %parallel_loop3A_1264], %parallel_loop3A_1267 {strides = array<i32>} : memref<128x128xf32, #tpu.memory_space<vmem>>, vector<1x16xf32>,
        %parallel_loop3A_1268 = arith.index_cast %parallel_loop3A_1233 : i32 to index
        %parallel_loop3A_1269 = arith.constant 48 : index
        %parallel_loop3A_1270 = tpu.vector_load %arg15[%parallel_loop3A_1268, %parallel_loop3A_1269] {strides = array<i32>} : memref<128x128xf32, #tpu.memory_space<vmem>>, vector<1x16xf32>,
        %parallel_loop3A_1271 = vector.shape_cast %parallel_loop3A_1270 : vector<1x16xf32> to vector<16xf32>
        %parallel_loop3A_1272 = arith.mulf %parallel_loop3A_1271, %parallel_loop3A_1237 : vector<16xf32>
        %parallel_loop3A_1273 = arith.index_cast %parallel_loop3A_1233 : i32 to index
        %parallel_loop3A_1274 = arith.constant 48 : index
        %parallel_loop3A_1275 = tpu.vector_load %arg15[%parallel_loop3A_1273, %parallel_loop3A_1274] {strides = array<i32>} : memref<128x128xf32, #tpu.memory_space<vmem>>, vector<1x16xf32>,
        %parallel_loop3A_1276 = vector.shape_cast %parallel_loop3A_1275 : vector<1x16xf32> to vector<16xf32>
        %parallel_loop3A_1277 = vector.shape_cast %parallel_loop3A_1272 : vector<16xf32> to vector<1x16xf32>
        tpu.vector_store %arg15[%parallel_loop3A_1273, %parallel_loop3A_1274], %parallel_loop3A_1277 {strides = array<i32>} : memref<128x128xf32, #tpu.memory_space<vmem>>, vector<1x16xf32>,
        %parallel_loop3A_1278 = arith.index_cast %parallel_loop3A_1233 : i32 to index
        %parallel_loop3A_1279 = arith.constant 64 : index
        %parallel_loop3A_1280 = tpu.vector_load %arg15[%parallel_loop3A_1278, %parallel_loop3A_1279] {strides = array<i32>} : memref<128x128xf32, #tpu.memory_space<vmem>>, vector<1x16xf32>,
        %parallel_loop3A_1281 = vector.shape_cast %parallel_loop3A_1280 : vector<1x16xf32> to vector<16xf32>
        %parallel_loop3A_1282 = arith.mulf %parallel_loop3A_1281, %parallel_loop3A_1237 : vector<16xf32>
        %parallel_loop3A_1283 = arith.index_cast %parallel_loop3A_1233 : i32 to index
        %parallel_loop3A_1284 = arith.constant 64 : index
        %parallel_loop3A_1285 = tpu.vector_load %arg15[%parallel_loop3A_1283, %parallel_loop3A_1284] {strides = array<i32>} : memref<128x128xf32, #tpu.memory_space<vmem>>, vector<1x16xf32>,
        %parallel_loop3A_1286 = vector.shape_cast %parallel_loop3A_1285 : vector<1x16xf32> to vector<16xf32>
        %parallel_loop3A_1287 = vector.shape_cast %parallel_loop3A_1282 : vector<16xf32> to vector<1x16xf32>
        tpu.vector_store %arg15[%parallel_loop3A_1283, %parallel_loop3A_1284], %parallel_loop3A_1287 {strides = array<i32>} : memref<128x128xf32, #tpu.memory_space<vmem>>, vector<1x16xf32>,
        %parallel_loop3A_1288 = arith.index_cast %parallel_loop3A_1233 : i32 to index
        %parallel_loop3A_1289 = arith.constant 80 : index
        %parallel_loop3A_1290 = tpu.vector_load %arg15[%parallel_loop3A_1288, %parallel_loop3A_1289] {strides = array<i32>} : memref<128x128xf32, #tpu.memory_space<vmem>>, vector<1x16xf32>,
        %parallel_loop3A_1291 = vector.shape_cast %parallel_loop3A_1290 : vector<1x16xf32> to vector<16xf32>
        %parallel_loop3A_1292 = arith.mulf %parallel_loop3A_1291, %parallel_loop3A_1237 : vector<16xf32>
        %parallel_loop3A_1293 = arith.index_cast %parallel_loop3A_1233 : i32 to index
        %parallel_loop3A_1294 = arith.constant 80 : index
        %parallel_loop3A_1295 = tpu.vector_load %arg15[%parallel_loop3A_1293, %parallel_loop3A_1294] {strides = array<i32>} : memref<128x128xf32, #tpu.memory_space<vmem>>, vector<1x16xf32>,
        %parallel_loop3A_1296 = vector.shape_cast %parallel_loop3A_1295 : vector<1x16xf32> to vector<16xf32>
        %parallel_loop3A_1297 = vector.shape_cast %parallel_loop3A_1292 : vector<16xf32> to vector<1x16xf32>
        tpu.vector_store %arg15[%parallel_loop3A_1293, %parallel_loop3A_1294], %parallel_loop3A_1297 {strides = array<i32>} : memref<128x128xf32, #tpu.memory_space<vmem>>, vector<1x16xf32>,
        %parallel_loop3A_1298 = arith.index_cast %parallel_loop3A_1233 : i32 to index
        %parallel_loop3A_1299 = arith.constant 96 : index
        %parallel_loop3A_1300 = tpu.vector_load %arg15[%parallel_loop3A_1298, %parallel_loop3A_1299] {strides = array<i32>} : memref<128x128xf32, #tpu.memory_space<vmem>>, vector<1x16xf32>,
        %parallel_loop3A_1301 = vector.shape_cast %parallel_loop3A_1300 : vector<1x16xf32> to vector<16xf32>
        %parallel_loop3A_1302 = arith.mulf %parallel_loop3A_1301, %parallel_loop3A_1237 : vector<16xf32>
        %parallel_loop3A_1303 = arith.index_cast %parallel_loop3A_1233 : i32 to index
        %parallel_loop3A_1304 = arith.constant 96 : index
        %parallel_loop3A_1305 = tpu.vector_load %arg15[%parallel_loop3A_1303, %parallel_loop3A_1304] {strides = array<i32>} : memref<128x128xf32, #tpu.memory_space<vmem>>, vector<1x16xf32>,
        %parallel_loop3A_1306 = vector.shape_cast %parallel_loop3A_1305 : vector<1x16xf32> to vector<16xf32>
        %parallel_loop3A_1307 = vector.shape_cast %parallel_loop3A_1302 : vector<16xf32> to vector<1x16xf32>
        tpu.vector_store %arg15[%parallel_loop3A_1303, %parallel_loop3A_1304], %parallel_loop3A_1307 {strides = array<i32>} : memref<128x128xf32, #tpu.memory_space<vmem>>, vector<1x16xf32>,
        %parallel_loop3A_1308 = arith.index_cast %parallel_loop3A_1233 : i32 to index
        %parallel_loop3A_1309 = arith.constant 112 : index
        %parallel_loop3A_1310 = tpu.vector_load %arg15[%parallel_loop3A_1308, %parallel_loop3A_1309] {strides = array<i32>} : memref<128x128xf32, #tpu.memory_space<vmem>>, vector<1x16xf32>,
        %parallel_loop3A_1311 = vector.shape_cast %parallel_loop3A_1310 : vector<1x16xf32> to vector<16xf32>
        %parallel_loop3A_1312 = arith.mulf %parallel_loop3A_1311, %parallel_loop3A_1237 : vector<16xf32>
        %parallel_loop3A_1313 = arith.index_cast %parallel_loop3A_1233 : i32 to index
        %parallel_loop3A_1314 = arith.constant 112 : index
        %parallel_loop3A_1315 = tpu.vector_load %arg15[%parallel_loop3A_1313, %parallel_loop3A_1314] {strides = array<i32>} : memref<128x128xf32, #tpu.memory_space<vmem>>, vector<1x16xf32>,
        %parallel_loop3A_1316 = vector.shape_cast %parallel_loop3A_1315 : vector<1x16xf32> to vector<16xf32>
        %parallel_loop3A_1317 = vector.shape_cast %parallel_loop3A_1312 : vector<16xf32> to vector<1x16xf32>
        tpu.vector_store %arg15[%parallel_loop3A_1313, %parallel_loop3A_1314], %parallel_loop3A_1317 {strides = array<i32>} : memref<128x128xf32, #tpu.memory_space<vmem>>, vector<1x16xf32>,
        %parallel_loop3A_1318 = arith.constant 16 : i32
        %parallel_loop3A_1319 = arith.muli %parallel_loop3A_168, %parallel_loop3A_1318 : i32
        %parallel_loop3A_1320 = arith.constant 13 : i32
        %parallel_loop3A_1321 = arith.addi %parallel_loop3A_1319, %parallel_loop3A_1320 : i32
        %parallel_loop3A_1322 = arith.constant 13 : i32
        %parallel_loop3A_1323 = vector.broadcast %parallel_loop3A_1322 : i32 to vector<16x1xi32>
        %parallel_loop3A_1324 = vector.shape_cast %parallel_loop3A_1323 : vector<16x1xi32> to vector<16xi32>
        %parallel_loop3A_1325 = tpu.dynamic_gather %parallel_loop3A_173[%parallel_loop3A_1324] in [0] : vector<16xf32>, vector<16xi32> -> vector<16xf32>
        %parallel_loop3A_1326 = arith.index_cast %parallel_loop3A_1321 : i32 to index
        %parallel_loop3A_1327 = arith.constant 0 : index
        %parallel_loop3A_1328 = tpu.vector_load %arg15[%parallel_loop3A_1326, %parallel_loop3A_1327] {strides = array<i32>} : memref<128x128xf32, #tpu.memory_space<vmem>>, vector<1x16xf32>,
        %parallel_loop3A_1329 = vector.shape_cast %parallel_loop3A_1328 : vector<1x16xf32> to vector<16xf32>
        %parallel_loop3A_1330 = arith.mulf %parallel_loop3A_1329, %parallel_loop3A_1325 : vector<16xf32>
        %parallel_loop3A_1331 = arith.index_cast %parallel_loop3A_1321 : i32 to index
        %parallel_loop3A_1332 = arith.constant 0 : index
        %parallel_loop3A_1333 = tpu.vector_load %arg15[%parallel_loop3A_1331, %parallel_loop3A_1332] {strides = array<i32>} : memref<128x128xf32, #tpu.memory_space<vmem>>, vector<1x16xf32>,
        %parallel_loop3A_1334 = vector.shape_cast %parallel_loop3A_1333 : vector<1x16xf32> to vector<16xf32>
        %parallel_loop3A_1335 = vector.shape_cast %parallel_loop3A_1330 : vector<16xf32> to vector<1x16xf32>
        tpu.vector_store %arg15[%parallel_loop3A_1331, %parallel_loop3A_1332], %parallel_loop3A_1335 {strides = array<i32>} : memref<128x128xf32, #tpu.memory_space<vmem>>, vector<1x16xf32>,
        %parallel_loop3A_1336 = arith.index_cast %parallel_loop3A_1321 : i32 to index
        %parallel_loop3A_1337 = arith.constant 16 : index
        %parallel_loop3A_1338 = tpu.vector_load %arg15[%parallel_loop3A_1336, %parallel_loop3A_1337] {strides = array<i32>} : memref<128x128xf32, #tpu.memory_space<vmem>>, vector<1x16xf32>,
        %parallel_loop3A_1339 = vector.shape_cast %parallel_loop3A_1338 : vector<1x16xf32> to vector<16xf32>
        %parallel_loop3A_1340 = arith.mulf %parallel_loop3A_1339, %parallel_loop3A_1325 : vector<16xf32>
        %parallel_loop3A_1341 = arith.index_cast %parallel_loop3A_1321 : i32 to index
        %parallel_loop3A_1342 = arith.constant 16 : index
        %parallel_loop3A_1343 = tpu.vector_load %arg15[%parallel_loop3A_1341, %parallel_loop3A_1342] {strides = array<i32>} : memref<128x128xf32, #tpu.memory_space<vmem>>, vector<1x16xf32>,
        %parallel_loop3A_1344 = vector.shape_cast %parallel_loop3A_1343 : vector<1x16xf32> to vector<16xf32>
        %parallel_loop3A_1345 = vector.shape_cast %parallel_loop3A_1340 : vector<16xf32> to vector<1x16xf32>
        tpu.vector_store %arg15[%parallel_loop3A_1341, %parallel_loop3A_1342], %parallel_loop3A_1345 {strides = array<i32>} : memref<128x128xf32, #tpu.memory_space<vmem>>, vector<1x16xf32>,
        %parallel_loop3A_1346 = arith.index_cast %parallel_loop3A_1321 : i32 to index
        %parallel_loop3A_1347 = arith.constant 32 : index
        %parallel_loop3A_1348 = tpu.vector_load %arg15[%parallel_loop3A_1346, %parallel_loop3A_1347] {strides = array<i32>} : memref<128x128xf32, #tpu.memory_space<vmem>>, vector<1x16xf32>,
        %parallel_loop3A_1349 = vector.shape_cast %parallel_loop3A_1348 : vector<1x16xf32> to vector<16xf32>
        %parallel_loop3A_1350 = arith.mulf %parallel_loop3A_1349, %parallel_loop3A_1325 : vector<16xf32>
        %parallel_loop3A_1351 = arith.index_cast %parallel_loop3A_1321 : i32 to index
        %parallel_loop3A_1352 = arith.constant 32 : index
        %parallel_loop3A_1353 = tpu.vector_load %arg15[%parallel_loop3A_1351, %parallel_loop3A_1352] {strides = array<i32>} : memref<128x128xf32, #tpu.memory_space<vmem>>, vector<1x16xf32>,
        %parallel_loop3A_1354 = vector.shape_cast %parallel_loop3A_1353 : vector<1x16xf32> to vector<16xf32>
        %parallel_loop3A_1355 = vector.shape_cast %parallel_loop3A_1350 : vector<16xf32> to vector<1x16xf32>
        tpu.vector_store %arg15[%parallel_loop3A_1351, %parallel_loop3A_1352], %parallel_loop3A_1355 {strides = array<i32>} : memref<128x128xf32, #tpu.memory_space<vmem>>, vector<1x16xf32>,
        %parallel_loop3A_1356 = arith.index_cast %parallel_loop3A_1321 : i32 to index
        %parallel_loop3A_1357 = arith.constant 48 : index
        %parallel_loop3A_1358 = tpu.vector_load %arg15[%parallel_loop3A_1356, %parallel_loop3A_1357] {strides = array<i32>} : memref<128x128xf32, #tpu.memory_space<vmem>>, vector<1x16xf32>,
        %parallel_loop3A_1359 = vector.shape_cast %parallel_loop3A_1358 : vector<1x16xf32> to vector<16xf32>
        %parallel_loop3A_1360 = arith.mulf %parallel_loop3A_1359, %parallel_loop3A_1325 : vector<16xf32>
        %parallel_loop3A_1361 = arith.index_cast %parallel_loop3A_1321 : i32 to index
        %parallel_loop3A_1362 = arith.constant 48 : index
        %parallel_loop3A_1363 = tpu.vector_load %arg15[%parallel_loop3A_1361, %parallel_loop3A_1362] {strides = array<i32>} : memref<128x128xf32, #tpu.memory_space<vmem>>, vector<1x16xf32>,
        %parallel_loop3A_1364 = vector.shape_cast %parallel_loop3A_1363 : vector<1x16xf32> to vector<16xf32>
        %parallel_loop3A_1365 = vector.shape_cast %parallel_loop3A_1360 : vector<16xf32> to vector<1x16xf32>
        tpu.vector_store %arg15[%parallel_loop3A_1361, %parallel_loop3A_1362], %parallel_loop3A_1365 {strides = array<i32>} : memref<128x128xf32, #tpu.memory_space<vmem>>, vector<1x16xf32>,
        %parallel_loop3A_1366 = arith.index_cast %parallel_loop3A_1321 : i32 to index
        %parallel_loop3A_1367 = arith.constant 64 : index
        %parallel_loop3A_1368 = tpu.vector_load %arg15[%parallel_loop3A_1366, %parallel_loop3A_1367] {strides = array<i32>} : memref<128x128xf32, #tpu.memory_space<vmem>>, vector<1x16xf32>,
        %parallel_loop3A_1369 = vector.shape_cast %parallel_loop3A_1368 : vector<1x16xf32> to vector<16xf32>
        %parallel_loop3A_1370 = arith.mulf %parallel_loop3A_1369, %parallel_loop3A_1325 : vector<16xf32>
        %parallel_loop3A_1371 = arith.index_cast %parallel_loop3A_1321 : i32 to index
        %parallel_loop3A_1372 = arith.constant 64 : index
        %parallel_loop3A_1373 = tpu.vector_load %arg15[%parallel_loop3A_1371, %parallel_loop3A_1372] {strides = array<i32>} : memref<128x128xf32, #tpu.memory_space<vmem>>, vector<1x16xf32>,
        %parallel_loop3A_1374 = vector.shape_cast %parallel_loop3A_1373 : vector<1x16xf32> to vector<16xf32>
        %parallel_loop3A_1375 = vector.shape_cast %parallel_loop3A_1370 : vector<16xf32> to vector<1x16xf32>
        tpu.vector_store %arg15[%parallel_loop3A_1371, %parallel_loop3A_1372], %parallel_loop3A_1375 {strides = array<i32>} : memref<128x128xf32, #tpu.memory_space<vmem>>, vector<1x16xf32>,
        %parallel_loop3A_1376 = arith.index_cast %parallel_loop3A_1321 : i32 to index
        %parallel_loop3A_1377 = arith.constant 80 : index
        %parallel_loop3A_1378 = tpu.vector_load %arg15[%parallel_loop3A_1376, %parallel_loop3A_1377] {strides = array<i32>} : memref<128x128xf32, #tpu.memory_space<vmem>>, vector<1x16xf32>,
        %parallel_loop3A_1379 = vector.shape_cast %parallel_loop3A_1378 : vector<1x16xf32> to vector<16xf32>
        %parallel_loop3A_1380 = arith.mulf %parallel_loop3A_1379, %parallel_loop3A_1325 : vector<16xf32>
        %parallel_loop3A_1381 = arith.index_cast %parallel_loop3A_1321 : i32 to index
        %parallel_loop3A_1382 = arith.constant 80 : index
        %parallel_loop3A_1383 = tpu.vector_load %arg15[%parallel_loop3A_1381, %parallel_loop3A_1382] {strides = array<i32>} : memref<128x128xf32, #tpu.memory_space<vmem>>, vector<1x16xf32>,
        %parallel_loop3A_1384 = vector.shape_cast %parallel_loop3A_1383 : vector<1x16xf32> to vector<16xf32>
        %parallel_loop3A_1385 = vector.shape_cast %parallel_loop3A_1380 : vector<16xf32> to vector<1x16xf32>
        tpu.vector_store %arg15[%parallel_loop3A_1381, %parallel_loop3A_1382], %parallel_loop3A_1385 {strides = array<i32>} : memref<128x128xf32, #tpu.memory_space<vmem>>, vector<1x16xf32>,
        %parallel_loop3A_1386 = arith.index_cast %parallel_loop3A_1321 : i32 to index
        %parallel_loop3A_1387 = arith.constant 96 : index
        %parallel_loop3A_1388 = tpu.vector_load %arg15[%parallel_loop3A_1386, %parallel_loop3A_1387] {strides = array<i32>} : memref<128x128xf32, #tpu.memory_space<vmem>>, vector<1x16xf32>,
        %parallel_loop3A_1389 = vector.shape_cast %parallel_loop3A_1388 : vector<1x16xf32> to vector<16xf32>
        %parallel_loop3A_1390 = arith.mulf %parallel_loop3A_1389, %parallel_loop3A_1325 : vector<16xf32>
        %parallel_loop3A_1391 = arith.index_cast %parallel_loop3A_1321 : i32 to index
        %parallel_loop3A_1392 = arith.constant 96 : index
        %parallel_loop3A_1393 = tpu.vector_load %arg15[%parallel_loop3A_1391, %parallel_loop3A_1392] {strides = array<i32>} : memref<128x128xf32, #tpu.memory_space<vmem>>, vector<1x16xf32>,
        %parallel_loop3A_1394 = vector.shape_cast %parallel_loop3A_1393 : vector<1x16xf32> to vector<16xf32>
        %parallel_loop3A_1395 = vector.shape_cast %parallel_loop3A_1390 : vector<16xf32> to vector<1x16xf32>
        tpu.vector_store %arg15[%parallel_loop3A_1391, %parallel_loop3A_1392], %parallel_loop3A_1395 {strides = array<i32>} : memref<128x128xf32, #tpu.memory_space<vmem>>, vector<1x16xf32>,
        %parallel_loop3A_1396 = arith.index_cast %parallel_loop3A_1321 : i32 to index
        %parallel_loop3A_1397 = arith.constant 112 : index
        %parallel_loop3A_1398 = tpu.vector_load %arg15[%parallel_loop3A_1396, %parallel_loop3A_1397] {strides = array<i32>} : memref<128x128xf32, #tpu.memory_space<vmem>>, vector<1x16xf32>,
        %parallel_loop3A_1399 = vector.shape_cast %parallel_loop3A_1398 : vector<1x16xf32> to vector<16xf32>
        %parallel_loop3A_1400 = arith.mulf %parallel_loop3A_1399, %parallel_loop3A_1325 : vector<16xf32>
        %parallel_loop3A_1401 = arith.index_cast %parallel_loop3A_1321 : i32 to index
        %parallel_loop3A_1402 = arith.constant 112 : index
        %parallel_loop3A_1403 = tpu.vector_load %arg15[%parallel_loop3A_1401, %parallel_loop3A_1402] {strides = array<i32>} : memref<128x128xf32, #tpu.memory_space<vmem>>, vector<1x16xf32>,
        %parallel_loop3A_1404 = vector.shape_cast %parallel_loop3A_1403 : vector<1x16xf32> to vector<16xf32>
        %parallel_loop3A_1405 = vector.shape_cast %parallel_loop3A_1400 : vector<16xf32> to vector<1x16xf32>
        tpu.vector_store %arg15[%parallel_loop3A_1401, %parallel_loop3A_1402], %parallel_loop3A_1405 {strides = array<i32>} : memref<128x128xf32, #tpu.memory_space<vmem>>, vector<1x16xf32>,
        %parallel_loop3A_1406 = arith.constant 16 : i32
        %parallel_loop3A_1407 = arith.muli %parallel_loop3A_168, %parallel_loop3A_1406 : i32
        %parallel_loop3A_1408 = arith.constant 14 : i32
        %parallel_loop3A_1409 = arith.addi %parallel_loop3A_1407, %parallel_loop3A_1408 : i32
        %parallel_loop3A_1410 = arith.constant 14 : i32
        %parallel_loop3A_1411 = vector.broadcast %parallel_loop3A_1410 : i32 to vector<16x1xi32>
        %parallel_loop3A_1412 = vector.shape_cast %parallel_loop3A_1411 : vector<16x1xi32> to vector<16xi32>
        %parallel_loop3A_1413 = tpu.dynamic_gather %parallel_loop3A_173[%parallel_loop3A_1412] in [0] : vector<16xf32>, vector<16xi32> -> vector<16xf32>
        %parallel_loop3A_1414 = arith.index_cast %parallel_loop3A_1409 : i32 to index
        %parallel_loop3A_1415 = arith.constant 0 : index
        %parallel_loop3A_1416 = tpu.vector_load %arg15[%parallel_loop3A_1414, %parallel_loop3A_1415] {strides = array<i32>} : memref<128x128xf32, #tpu.memory_space<vmem>>, vector<1x16xf32>,
        %parallel_loop3A_1417 = vector.shape_cast %parallel_loop3A_1416 : vector<1x16xf32> to vector<16xf32>
        %parallel_loop3A_1418 = arith.mulf %parallel_loop3A_1417, %parallel_loop3A_1413 : vector<16xf32>
        %parallel_loop3A_1419 = arith.index_cast %parallel_loop3A_1409 : i32 to index
        %parallel_loop3A_1420 = arith.constant 0 : index
        %parallel_loop3A_1421 = tpu.vector_load %arg15[%parallel_loop3A_1419, %parallel_loop3A_1420] {strides = array<i32>} : memref<128x128xf32, #tpu.memory_space<vmem>>, vector<1x16xf32>,
        %parallel_loop3A_1422 = vector.shape_cast %parallel_loop3A_1421 : vector<1x16xf32> to vector<16xf32>
        %parallel_loop3A_1423 = vector.shape_cast %parallel_loop3A_1418 : vector<16xf32> to vector<1x16xf32>
        tpu.vector_store %arg15[%parallel_loop3A_1419, %parallel_loop3A_1420], %parallel_loop3A_1423 {strides = array<i32>} : memref<128x128xf32, #tpu.memory_space<vmem>>, vector<1x16xf32>,
        %parallel_loop3A_1424 = arith.index_cast %parallel_loop3A_1409 : i32 to index
        %parallel_loop3A_1425 = arith.constant 16 : index
        %parallel_loop3A_1426 = tpu.vector_load %arg15[%parallel_loop3A_1424, %parallel_loop3A_1425] {strides = array<i32>} : memref<128x128xf32, #tpu.memory_space<vmem>>, vector<1x16xf32>,
        %parallel_loop3A_1427 = vector.shape_cast %parallel_loop3A_1426 : vector<1x16xf32> to vector<16xf32>
        %parallel_loop3A_1428 = arith.mulf %parallel_loop3A_1427, %parallel_loop3A_1413 : vector<16xf32>
        %parallel_loop3A_1429 = arith.index_cast %parallel_loop3A_1409 : i32 to index
        %parallel_loop3A_1430 = arith.constant 16 : index
        %parallel_loop3A_1431 = tpu.vector_load %arg15[%parallel_loop3A_1429, %parallel_loop3A_1430] {strides = array<i32>} : memref<128x128xf32, #tpu.memory_space<vmem>>, vector<1x16xf32>,
        %parallel_loop3A_1432 = vector.shape_cast %parallel_loop3A_1431 : vector<1x16xf32> to vector<16xf32>
        %parallel_loop3A_1433 = vector.shape_cast %parallel_loop3A_1428 : vector<16xf32> to vector<1x16xf32>
        tpu.vector_store %arg15[%parallel_loop3A_1429, %parallel_loop3A_1430], %parallel_loop3A_1433 {strides = array<i32>} : memref<128x128xf32, #tpu.memory_space<vmem>>, vector<1x16xf32>,
        %parallel_loop3A_1434 = arith.index_cast %parallel_loop3A_1409 : i32 to index
        %parallel_loop3A_1435 = arith.constant 32 : index
        %parallel_loop3A_1436 = tpu.vector_load %arg15[%parallel_loop3A_1434, %parallel_loop3A_1435] {strides = array<i32>} : memref<128x128xf32, #tpu.memory_space<vmem>>, vector<1x16xf32>,
        %parallel_loop3A_1437 = vector.shape_cast %parallel_loop3A_1436 : vector<1x16xf32> to vector<16xf32>
        %parallel_loop3A_1438 = arith.mulf %parallel_loop3A_1437, %parallel_loop3A_1413 : vector<16xf32>
        %parallel_loop3A_1439 = arith.index_cast %parallel_loop3A_1409 : i32 to index
        %parallel_loop3A_1440 = arith.constant 32 : index
        %parallel_loop3A_1441 = tpu.vector_load %arg15[%parallel_loop3A_1439, %parallel_loop3A_1440] {strides = array<i32>} : memref<128x128xf32, #tpu.memory_space<vmem>>, vector<1x16xf32>,
        %parallel_loop3A_1442 = vector.shape_cast %parallel_loop3A_1441 : vector<1x16xf32> to vector<16xf32>
        %parallel_loop3A_1443 = vector.shape_cast %parallel_loop3A_1438 : vector<16xf32> to vector<1x16xf32>
        tpu.vector_store %arg15[%parallel_loop3A_1439, %parallel_loop3A_1440], %parallel_loop3A_1443 {strides = array<i32>} : memref<128x128xf32, #tpu.memory_space<vmem>>, vector<1x16xf32>,
        %parallel_loop3A_1444 = arith.index_cast %parallel_loop3A_1409 : i32 to index
        %parallel_loop3A_1445 = arith.constant 48 : index
        %parallel_loop3A_1446 = tpu.vector_load %arg15[%parallel_loop3A_1444, %parallel_loop3A_1445] {strides = array<i32>} : memref<128x128xf32, #tpu.memory_space<vmem>>, vector<1x16xf32>,
        %parallel_loop3A_1447 = vector.shape_cast %parallel_loop3A_1446 : vector<1x16xf32> to vector<16xf32>
        %parallel_loop3A_1448 = arith.mulf %parallel_loop3A_1447, %parallel_loop3A_1413 : vector<16xf32>
        %parallel_loop3A_1449 = arith.index_cast %parallel_loop3A_1409 : i32 to index
        %parallel_loop3A_1450 = arith.constant 48 : index
        %parallel_loop3A_1451 = tpu.vector_load %arg15[%parallel_loop3A_1449, %parallel_loop3A_1450] {strides = array<i32>} : memref<128x128xf32, #tpu.memory_space<vmem>>, vector<1x16xf32>,
        %parallel_loop3A_1452 = vector.shape_cast %parallel_loop3A_1451 : vector<1x16xf32> to vector<16xf32>
        %parallel_loop3A_1453 = vector.shape_cast %parallel_loop3A_1448 : vector<16xf32> to vector<1x16xf32>
        tpu.vector_store %arg15[%parallel_loop3A_1449, %parallel_loop3A_1450], %parallel_loop3A_1453 {strides = array<i32>} : memref<128x128xf32, #tpu.memory_space<vmem>>, vector<1x16xf32>,
        %parallel_loop3A_1454 = arith.index_cast %parallel_loop3A_1409 : i32 to index
        %parallel_loop3A_1455 = arith.constant 64 : index
        %parallel_loop3A_1456 = tpu.vector_load %arg15[%parallel_loop3A_1454, %parallel_loop3A_1455] {strides = array<i32>} : memref<128x128xf32, #tpu.memory_space<vmem>>, vector<1x16xf32>,
        %parallel_loop3A_1457 = vector.shape_cast %parallel_loop3A_1456 : vector<1x16xf32> to vector<16xf32>
        %parallel_loop3A_1458 = arith.mulf %parallel_loop3A_1457, %parallel_loop3A_1413 : vector<16xf32>
        %parallel_loop3A_1459 = arith.index_cast %parallel_loop3A_1409 : i32 to index
        %parallel_loop3A_1460 = arith.constant 64 : index
        %parallel_loop3A_1461 = tpu.vector_load %arg15[%parallel_loop3A_1459, %parallel_loop3A_1460] {strides = array<i32>} : memref<128x128xf32, #tpu.memory_space<vmem>>, vector<1x16xf32>,
        %parallel_loop3A_1462 = vector.shape_cast %parallel_loop3A_1461 : vector<1x16xf32> to vector<16xf32>
        %parallel_loop3A_1463 = vector.shape_cast %parallel_loop3A_1458 : vector<16xf32> to vector<1x16xf32>
        tpu.vector_store %arg15[%parallel_loop3A_1459, %parallel_loop3A_1460], %parallel_loop3A_1463 {strides = array<i32>} : memref<128x128xf32, #tpu.memory_space<vmem>>, vector<1x16xf32>,
        %parallel_loop3A_1464 = arith.index_cast %parallel_loop3A_1409 : i32 to index
        %parallel_loop3A_1465 = arith.constant 80 : index
        %parallel_loop3A_1466 = tpu.vector_load %arg15[%parallel_loop3A_1464, %parallel_loop3A_1465] {strides = array<i32>} : memref<128x128xf32, #tpu.memory_space<vmem>>, vector<1x16xf32>,
        %parallel_loop3A_1467 = vector.shape_cast %parallel_loop3A_1466 : vector<1x16xf32> to vector<16xf32>
        %parallel_loop3A_1468 = arith.mulf %parallel_loop3A_1467, %parallel_loop3A_1413 : vector<16xf32>
        %parallel_loop3A_1469 = arith.index_cast %parallel_loop3A_1409 : i32 to index
        %parallel_loop3A_1470 = arith.constant 80 : index
        %parallel_loop3A_1471 = tpu.vector_load %arg15[%parallel_loop3A_1469, %parallel_loop3A_1470] {strides = array<i32>} : memref<128x128xf32, #tpu.memory_space<vmem>>, vector<1x16xf32>,
        %parallel_loop3A_1472 = vector.shape_cast %parallel_loop3A_1471 : vector<1x16xf32> to vector<16xf32>
        %parallel_loop3A_1473 = vector.shape_cast %parallel_loop3A_1468 : vector<16xf32> to vector<1x16xf32>
        tpu.vector_store %arg15[%parallel_loop3A_1469, %parallel_loop3A_1470], %parallel_loop3A_1473 {strides = array<i32>} : memref<128x128xf32, #tpu.memory_space<vmem>>, vector<1x16xf32>,
        %parallel_loop3A_1474 = arith.index_cast %parallel_loop3A_1409 : i32 to index
        %parallel_loop3A_1475 = arith.constant 96 : index
        %parallel_loop3A_1476 = tpu.vector_load %arg15[%parallel_loop3A_1474, %parallel_loop3A_1475] {strides = array<i32>} : memref<128x128xf32, #tpu.memory_space<vmem>>, vector<1x16xf32>,
        %parallel_loop3A_1477 = vector.shape_cast %parallel_loop3A_1476 : vector<1x16xf32> to vector<16xf32>
        %parallel_loop3A_1478 = arith.mulf %parallel_loop3A_1477, %parallel_loop3A_1413 : vector<16xf32>
        %parallel_loop3A_1479 = arith.index_cast %parallel_loop3A_1409 : i32 to index
        %parallel_loop3A_1480 = arith.constant 96 : index
        %parallel_loop3A_1481 = tpu.vector_load %arg15[%parallel_loop3A_1479, %parallel_loop3A_1480] {strides = array<i32>} : memref<128x128xf32, #tpu.memory_space<vmem>>, vector<1x16xf32>,
        %parallel_loop3A_1482 = vector.shape_cast %parallel_loop3A_1481 : vector<1x16xf32> to vector<16xf32>
        %parallel_loop3A_1483 = vector.shape_cast %parallel_loop3A_1478 : vector<16xf32> to vector<1x16xf32>
        tpu.vector_store %arg15[%parallel_loop3A_1479, %parallel_loop3A_1480], %parallel_loop3A_1483 {strides = array<i32>} : memref<128x128xf32, #tpu.memory_space<vmem>>, vector<1x16xf32>,
        %parallel_loop3A_1484 = arith.index_cast %parallel_loop3A_1409 : i32 to index
        %parallel_loop3A_1485 = arith.constant 112 : index
        %parallel_loop3A_1486 = tpu.vector_load %arg15[%parallel_loop3A_1484, %parallel_loop3A_1485] {strides = array<i32>} : memref<128x128xf32, #tpu.memory_space<vmem>>, vector<1x16xf32>,
        %parallel_loop3A_1487 = vector.shape_cast %parallel_loop3A_1486 : vector<1x16xf32> to vector<16xf32>
        %parallel_loop3A_1488 = arith.mulf %parallel_loop3A_1487, %parallel_loop3A_1413 : vector<16xf32>
        %parallel_loop3A_1489 = arith.index_cast %parallel_loop3A_1409 : i32 to index
        %parallel_loop3A_1490 = arith.constant 112 : index
        %parallel_loop3A_1491 = tpu.vector_load %arg15[%parallel_loop3A_1489, %parallel_loop3A_1490] {strides = array<i32>} : memref<128x128xf32, #tpu.memory_space<vmem>>, vector<1x16xf32>,
        %parallel_loop3A_1492 = vector.shape_cast %parallel_loop3A_1491 : vector<1x16xf32> to vector<16xf32>
        %parallel_loop3A_1493 = vector.shape_cast %parallel_loop3A_1488 : vector<16xf32> to vector<1x16xf32>
        tpu.vector_store %arg15[%parallel_loop3A_1489, %parallel_loop3A_1490], %parallel_loop3A_1493 {strides = array<i32>} : memref<128x128xf32, #tpu.memory_space<vmem>>, vector<1x16xf32>,
        %parallel_loop3A_1494 = arith.constant 16 : i32
        %parallel_loop3A_1495 = arith.muli %parallel_loop3A_168, %parallel_loop3A_1494 : i32
        %parallel_loop3A_1496 = arith.constant 15 : i32
        %parallel_loop3A_1497 = arith.addi %parallel_loop3A_1495, %parallel_loop3A_1496 : i32
        %parallel_loop3A_1498 = arith.constant 15 : i32
        %parallel_loop3A_1499 = vector.broadcast %parallel_loop3A_1498 : i32 to vector<16x1xi32>
        %parallel_loop3A_1500 = vector.shape_cast %parallel_loop3A_1499 : vector<16x1xi32> to vector<16xi32>
        %parallel_loop3A_1501 = tpu.dynamic_gather %parallel_loop3A_173[%parallel_loop3A_1500] in [0] : vector<16xf32>, vector<16xi32> -> vector<16xf32>
        %parallel_loop3A_1502 = arith.index_cast %parallel_loop3A_1497 : i32 to index
        %parallel_loop3A_1503 = arith.constant 0 : index
        %parallel_loop3A_1504 = tpu.vector_load %arg15[%parallel_loop3A_1502, %parallel_loop3A_1503] {strides = array<i32>} : memref<128x128xf32, #tpu.memory_space<vmem>>, vector<1x16xf32>,
        %parallel_loop3A_1505 = vector.shape_cast %parallel_loop3A_1504 : vector<1x16xf32> to vector<16xf32>
        %parallel_loop3A_1506 = arith.mulf %parallel_loop3A_1505, %parallel_loop3A_1501 : vector<16xf32>
        %parallel_loop3A_1507 = arith.index_cast %parallel_loop3A_1497 : i32 to index
        %parallel_loop3A_1508 = arith.constant 0 : index
        %parallel_loop3A_1509 = tpu.vector_load %arg15[%parallel_loop3A_1507, %parallel_loop3A_1508] {strides = array<i32>} : memref<128x128xf32, #tpu.memory_space<vmem>>, vector<1x16xf32>,
        %parallel_loop3A_1510 = vector.shape_cast %parallel_loop3A_1509 : vector<1x16xf32> to vector<16xf32>
        %parallel_loop3A_1511 = vector.shape_cast %parallel_loop3A_1506 : vector<16xf32> to vector<1x16xf32>
        tpu.vector_store %arg15[%parallel_loop3A_1507, %parallel_loop3A_1508], %parallel_loop3A_1511 {strides = array<i32>} : memref<128x128xf32, #tpu.memory_space<vmem>>, vector<1x16xf32>,
        %parallel_loop3A_1512 = arith.index_cast %parallel_loop3A_1497 : i32 to index
        %parallel_loop3A_1513 = arith.constant 16 : index
        %parallel_loop3A_1514 = tpu.vector_load %arg15[%parallel_loop3A_1512, %parallel_loop3A_1513] {strides = array<i32>} : memref<128x128xf32, #tpu.memory_space<vmem>>, vector<1x16xf32>,
        %parallel_loop3A_1515 = vector.shape_cast %parallel_loop3A_1514 : vector<1x16xf32> to vector<16xf32>
        %parallel_loop3A_1516 = arith.mulf %parallel_loop3A_1515, %parallel_loop3A_1501 : vector<16xf32>
        %parallel_loop3A_1517 = arith.index_cast %parallel_loop3A_1497 : i32 to index
        %parallel_loop3A_1518 = arith.constant 16 : index
        %parallel_loop3A_1519 = tpu.vector_load %arg15[%parallel_loop3A_1517, %parallel_loop3A_1518] {strides = array<i32>} : memref<128x128xf32, #tpu.memory_space<vmem>>, vector<1x16xf32>,
        %parallel_loop3A_1520 = vector.shape_cast %parallel_loop3A_1519 : vector<1x16xf32> to vector<16xf32>
        %parallel_loop3A_1521 = vector.shape_cast %parallel_loop3A_1516 : vector<16xf32> to vector<1x16xf32>
        tpu.vector_store %arg15[%parallel_loop3A_1517, %parallel_loop3A_1518], %parallel_loop3A_1521 {strides = array<i32>} : memref<128x128xf32, #tpu.memory_space<vmem>>, vector<1x16xf32>,
        %parallel_loop3A_1522 = arith.index_cast %parallel_loop3A_1497 : i32 to index
        %parallel_loop3A_1523 = arith.constant 32 : index
        %parallel_loop3A_1524 = tpu.vector_load %arg15[%parallel_loop3A_1522, %parallel_loop3A_1523] {strides = array<i32>} : memref<128x128xf32, #tpu.memory_space<vmem>>, vector<1x16xf32>,
        %parallel_loop3A_1525 = vector.shape_cast %parallel_loop3A_1524 : vector<1x16xf32> to vector<16xf32>
        %parallel_loop3A_1526 = arith.mulf %parallel_loop3A_1525, %parallel_loop3A_1501 : vector<16xf32>
        %parallel_loop3A_1527 = arith.index_cast %parallel_loop3A_1497 : i32 to index
        %parallel_loop3A_1528 = arith.constant 32 : index
        %parallel_loop3A_1529 = tpu.vector_load %arg15[%parallel_loop3A_1527, %parallel_loop3A_1528] {strides = array<i32>} : memref<128x128xf32, #tpu.memory_space<vmem>>, vector<1x16xf32>,
        %parallel_loop3A_1530 = vector.shape_cast %parallel_loop3A_1529 : vector<1x16xf32> to vector<16xf32>
        %parallel_loop3A_1531 = vector.shape_cast %parallel_loop3A_1526 : vector<16xf32> to vector<1x16xf32>
        tpu.vector_store %arg15[%parallel_loop3A_1527, %parallel_loop3A_1528], %parallel_loop3A_1531 {strides = array<i32>} : memref<128x128xf32, #tpu.memory_space<vmem>>, vector<1x16xf32>,
        %parallel_loop3A_1532 = arith.index_cast %parallel_loop3A_1497 : i32 to index
        %parallel_loop3A_1533 = arith.constant 48 : index
        %parallel_loop3A_1534 = tpu.vector_load %arg15[%parallel_loop3A_1532, %parallel_loop3A_1533] {strides = array<i32>} : memref<128x128xf32, #tpu.memory_space<vmem>>, vector<1x16xf32>,
        %parallel_loop3A_1535 = vector.shape_cast %parallel_loop3A_1534 : vector<1x16xf32> to vector<16xf32>
        %parallel_loop3A_1536 = arith.mulf %parallel_loop3A_1535, %parallel_loop3A_1501 : vector<16xf32>
        %parallel_loop3A_1537 = arith.index_cast %parallel_loop3A_1497 : i32 to index
        %parallel_loop3A_1538 = arith.constant 48 : index
        %parallel_loop3A_1539 = tpu.vector_load %arg15[%parallel_loop3A_1537, %parallel_loop3A_1538] {strides = array<i32>} : memref<128x128xf32, #tpu.memory_space<vmem>>, vector<1x16xf32>,
        %parallel_loop3A_1540 = vector.shape_cast %parallel_loop3A_1539 : vector<1x16xf32> to vector<16xf32>
        %parallel_loop3A_1541 = vector.shape_cast %parallel_loop3A_1536 : vector<16xf32> to vector<1x16xf32>
        tpu.vector_store %arg15[%parallel_loop3A_1537, %parallel_loop3A_1538], %parallel_loop3A_1541 {strides = array<i32>} : memref<128x128xf32, #tpu.memory_space<vmem>>, vector<1x16xf32>,
        %parallel_loop3A_1542 = arith.index_cast %parallel_loop3A_1497 : i32 to index
        %parallel_loop3A_1543 = arith.constant 64 : index
        %parallel_loop3A_1544 = tpu.vector_load %arg15[%parallel_loop3A_1542, %parallel_loop3A_1543] {strides = array<i32>} : memref<128x128xf32, #tpu.memory_space<vmem>>, vector<1x16xf32>,
        %parallel_loop3A_1545 = vector.shape_cast %parallel_loop3A_1544 : vector<1x16xf32> to vector<16xf32>
        %parallel_loop3A_1546 = arith.mulf %parallel_loop3A_1545, %parallel_loop3A_1501 : vector<16xf32>
        %parallel_loop3A_1547 = arith.index_cast %parallel_loop3A_1497 : i32 to index
        %parallel_loop3A_1548 = arith.constant 64 : index
        %parallel_loop3A_1549 = tpu.vector_load %arg15[%parallel_loop3A_1547, %parallel_loop3A_1548] {strides = array<i32>} : memref<128x128xf32, #tpu.memory_space<vmem>>, vector<1x16xf32>,
        %parallel_loop3A_1550 = vector.shape_cast %parallel_loop3A_1549 : vector<1x16xf32> to vector<16xf32>
        %parallel_loop3A_1551 = vector.shape_cast %parallel_loop3A_1546 : vector<16xf32> to vector<1x16xf32>
        tpu.vector_store %arg15[%parallel_loop3A_1547, %parallel_loop3A_1548], %parallel_loop3A_1551 {strides = array<i32>} : memref<128x128xf32, #tpu.memory_space<vmem>>, vector<1x16xf32>,
        %parallel_loop3A_1552 = arith.index_cast %parallel_loop3A_1497 : i32 to index
        %parallel_loop3A_1553 = arith.constant 80 : index
        %parallel_loop3A_1554 = tpu.vector_load %arg15[%parallel_loop3A_1552, %parallel_loop3A_1553] {strides = array<i32>} : memref<128x128xf32, #tpu.memory_space<vmem>>, vector<1x16xf32>,
        %parallel_loop3A_1555 = vector.shape_cast %parallel_loop3A_1554 : vector<1x16xf32> to vector<16xf32>
        %parallel_loop3A_1556 = arith.mulf %parallel_loop3A_1555, %parallel_loop3A_1501 : vector<16xf32>
        %parallel_loop3A_1557 = arith.index_cast %parallel_loop3A_1497 : i32 to index
        %parallel_loop3A_1558 = arith.constant 80 : index
        %parallel_loop3A_1559 = tpu.vector_load %arg15[%parallel_loop3A_1557, %parallel_loop3A_1558] {strides = array<i32>} : memref<128x128xf32, #tpu.memory_space<vmem>>, vector<1x16xf32>,
        %parallel_loop3A_1560 = vector.shape_cast %parallel_loop3A_1559 : vector<1x16xf32> to vector<16xf32>
        %parallel_loop3A_1561 = vector.shape_cast %parallel_loop3A_1556 : vector<16xf32> to vector<1x16xf32>
        tpu.vector_store %arg15[%parallel_loop3A_1557, %parallel_loop3A_1558], %parallel_loop3A_1561 {strides = array<i32>} : memref<128x128xf32, #tpu.memory_space<vmem>>, vector<1x16xf32>,
        %parallel_loop3A_1562 = arith.index_cast %parallel_loop3A_1497 : i32 to index
        %parallel_loop3A_1563 = arith.constant 96 : index
        %parallel_loop3A_1564 = tpu.vector_load %arg15[%parallel_loop3A_1562, %parallel_loop3A_1563] {strides = array<i32>} : memref<128x128xf32, #tpu.memory_space<vmem>>, vector<1x16xf32>,
        %parallel_loop3A_1565 = vector.shape_cast %parallel_loop3A_1564 : vector<1x16xf32> to vector<16xf32>
        %parallel_loop3A_1566 = arith.mulf %parallel_loop3A_1565, %parallel_loop3A_1501 : vector<16xf32>
        %parallel_loop3A_1567 = arith.index_cast %parallel_loop3A_1497 : i32 to index
        %parallel_loop3A_1568 = arith.constant 96 : index
        %parallel_loop3A_1569 = tpu.vector_load %arg15[%parallel_loop3A_1567, %parallel_loop3A_1568] {strides = array<i32>} : memref<128x128xf32, #tpu.memory_space<vmem>>, vector<1x16xf32>,
        %parallel_loop3A_1570 = vector.shape_cast %parallel_loop3A_1569 : vector<1x16xf32> to vector<16xf32>
        %parallel_loop3A_1571 = vector.shape_cast %parallel_loop3A_1566 : vector<16xf32> to vector<1x16xf32>
        tpu.vector_store %arg15[%parallel_loop3A_1567, %parallel_loop3A_1568], %parallel_loop3A_1571 {strides = array<i32>} : memref<128x128xf32, #tpu.memory_space<vmem>>, vector<1x16xf32>,
        %parallel_loop3A_1572 = arith.index_cast %parallel_loop3A_1497 : i32 to index
        %parallel_loop3A_1573 = arith.constant 112 : index
        %parallel_loop3A_1574 = tpu.vector_load %arg15[%parallel_loop3A_1572, %parallel_loop3A_1573] {strides = array<i32>} : memref<128x128xf32, #tpu.memory_space<vmem>>, vector<1x16xf32>,
        %parallel_loop3A_1575 = vector.shape_cast %parallel_loop3A_1574 : vector<1x16xf32> to vector<16xf32>
        %parallel_loop3A_1576 = arith.mulf %parallel_loop3A_1575, %parallel_loop3A_1501 : vector<16xf32>
        %parallel_loop3A_1577 = arith.index_cast %parallel_loop3A_1497 : i32 to index
        %parallel_loop3A_1578 = arith.constant 112 : index
        %parallel_loop3A_1579 = tpu.vector_load %arg15[%parallel_loop3A_1577, %parallel_loop3A_1578] {strides = array<i32>} : memref<128x128xf32, #tpu.memory_space<vmem>>, vector<1x16xf32>,
        %parallel_loop3A_1580 = vector.shape_cast %parallel_loop3A_1579 : vector<1x16xf32> to vector<16xf32>
        %parallel_loop3A_1581 = vector.shape_cast %parallel_loop3A_1576 : vector<16xf32> to vector<1x16xf32>
        tpu.vector_store %arg15[%parallel_loop3A_1577, %parallel_loop3A_1578], %parallel_loop3A_1581 {strides = array<i32>} : memref<128x128xf32, #tpu.memory_space<vmem>>, vector<1x16xf32>,
      } {sc.loop_unroll_factor = 2 : i64, sc.parallel_access}
      %get3A = arith.constant 0 : index
      %get3A_104 = tpu.vector_load %arg11[%get3A] {strides = array<i32>} : memref<128xi32, #tpu.memory_space<vmem>>, vector<16xi32>,
      %get3A_105 = vector.shape_cast %get3A_104 : vector<16xi32> to vector<16xi32>
      %swap3A = arith.constant 0 : index
      %swap3A_106 = tpu.vector_load %arg13[%swap3A] {strides = array<i32>} : memref<128xi32, #tpu.memory_space<vmem>>, vector<16xi32>,
      %swap3A_107 = vector.shape_cast %swap3A_106 : vector<16xi32> to vector<16xi32>
      %swap3A_108 = vector.shape_cast %get3A_105 : vector<16xi32> to vector<16xi32>
      tpu.vector_store %arg13[%swap3A], %swap3A_108 {strides = array<i32>} : memref<128xi32, #tpu.memory_space<vmem>>, vector<16xi32>,
      %get3A_109 = arith.constant 16 : index
      %get3A_110 = tpu.vector_load %arg11[%get3A_109] {strides = array<i32>} : memref<128xi32, #tpu.memory_space<vmem>>, vector<16xi32>,
      %get3A_111 = vector.shape_cast %get3A_110 : vector<16xi32> to vector<16xi32>
      %swap3A_112 = arith.constant 16 : index
      %swap3A_113 = tpu.vector_load %arg13[%swap3A_112] {strides = array<i32>} : memref<128xi32, #tpu.memory_space<vmem>>, vector<16xi32>,
      %swap3A_114 = vector.shape_cast %swap3A_113 : vector<16xi32> to vector<16xi32>
      %swap3A_115 = vector.shape_cast %get3A_111 : vector<16xi32> to vector<16xi32>
      tpu.vector_store %arg13[%swap3A_112], %swap3A_115 {strides = array<i32>} : memref<128xi32, #tpu.memory_space<vmem>>, vector<16xi32>,
      %get3A_116 = arith.constant 32 : index
      %get3A_117 = tpu.vector_load %arg11[%get3A_116] {strides = array<i32>} : memref<128xi32, #tpu.memory_space<vmem>>, vector<16xi32>,
      %get3A_118 = vector.shape_cast %get3A_117 : vector<16xi32> to vector<16xi32>
      %swap3A_119 = arith.constant 32 : index
      %swap3A_120 = tpu.vector_load %arg13[%swap3A_119] {strides = array<i32>} : memref<128xi32, #tpu.memory_space<vmem>>, vector<16xi32>,
      %swap3A_121 = vector.shape_cast %swap3A_120 : vector<16xi32> to vector<16xi32>
      %swap3A_122 = vector.shape_cast %get3A_118 : vector<16xi32> to vector<16xi32>
      tpu.vector_store %arg13[%swap3A_119], %swap3A_122 {strides = array<i32>} : memref<128xi32, #tpu.memory_space<vmem>>, vector<16xi32>,
      %get3A_123 = arith.constant 48 : index
      %get3A_124 = tpu.vector_load %arg11[%get3A_123] {strides = array<i32>} : memref<128xi32, #tpu.memory_space<vmem>>, vector<16xi32>,
      %get3A_125 = vector.shape_cast %get3A_124 : vector<16xi32> to vector<16xi32>
      %swap3A_126 = arith.constant 48 : index
      %swap3A_127 = tpu.vector_load %arg13[%swap3A_126] {strides = array<i32>} : memref<128xi32, #tpu.memory_space<vmem>>, vector<16xi32>,
      %swap3A_128 = vector.shape_cast %swap3A_127 : vector<16xi32> to vector<16xi32>
      %swap3A_129 = vector.shape_cast %get3A_125 : vector<16xi32> to vector<16xi32>
      tpu.vector_store %arg13[%swap3A_126], %swap3A_129 {strides = array<i32>} : memref<128xi32, #tpu.memory_space<vmem>>, vector<16xi32>,
      %get3A_130 = arith.constant 64 : index
      %get3A_131 = tpu.vector_load %arg11[%get3A_130] {strides = array<i32>} : memref<128xi32, #tpu.memory_space<vmem>>, vector<16xi32>,
      %get3A_132 = vector.shape_cast %get3A_131 : vector<16xi32> to vector<16xi32>
      %swap3A_133 = arith.constant 64 : index
      %swap3A_134 = tpu.vector_load %arg13[%swap3A_133] {strides = array<i32>} : memref<128xi32, #tpu.memory_space<vmem>>, vector<16xi32>,
      %swap3A_135 = vector.shape_cast %swap3A_134 : vector<16xi32> to vector<16xi32>
      %swap3A_136 = vector.shape_cast %get3A_132 : vector<16xi32> to vector<16xi32>
      tpu.vector_store %arg13[%swap3A_133], %swap3A_136 {strides = array<i32>} : memref<128xi32, #tpu.memory_space<vmem>>, vector<16xi32>,
      %get3A_137 = arith.constant 80 : index
      %get3A_138 = tpu.vector_load %arg11[%get3A_137] {strides = array<i32>} : memref<128xi32, #tpu.memory_space<vmem>>, vector<16xi32>,
      %get3A_139 = vector.shape_cast %get3A_138 : vector<16xi32> to vector<16xi32>
      %swap3A_140 = arith.constant 80 : index
      %swap3A_141 = tpu.vector_load %arg13[%swap3A_140] {strides = array<i32>} : memref<128xi32, #tpu.memory_space<vmem>>, vector<16xi32>,
      %swap3A_142 = vector.shape_cast %swap3A_141 : vector<16xi32> to vector<16xi32>
      %swap3A_143 = vector.shape_cast %get3A_139 : vector<16xi32> to vector<16xi32>
      tpu.vector_store %arg13[%swap3A_140], %swap3A_143 {strides = array<i32>} : memref<128xi32, #tpu.memory_space<vmem>>, vector<16xi32>,
      %get3A_144 = arith.constant 96 : index
      %get3A_145 = tpu.vector_load %arg11[%get3A_144] {strides = array<i32>} : memref<128xi32, #tpu.memory_space<vmem>>, vector<16xi32>,
      %get3A_146 = vector.shape_cast %get3A_145 : vector<16xi32> to vector<16xi32>
      %swap3A_147 = arith.constant 96 : index
      %swap3A_148 = tpu.vector_load %arg13[%swap3A_147] {strides = array<i32>} : memref<128xi32, #tpu.memory_space<vmem>>, vector<16xi32>,
      %swap3A_149 = vector.shape_cast %swap3A_148 : vector<16xi32> to vector<16xi32>
      %swap3A_150 = vector.shape_cast %get3A_146 : vector<16xi32> to vector<16xi32>
      tpu.vector_store %arg13[%swap3A_147], %swap3A_150 {strides = array<i32>} : memref<128xi32, #tpu.memory_space<vmem>>, vector<16xi32>,
      %get3A_151 = arith.constant 112 : index
      %get3A_152 = tpu.vector_load %arg11[%get3A_151] {strides = array<i32>} : memref<128xi32, #tpu.memory_space<vmem>>, vector<16xi32>,
      %get3A_153 = vector.shape_cast %get3A_152 : vector<16xi32> to vector<16xi32>
      %swap3A_154 = arith.constant 112 : index
      %swap3A_155 = tpu.vector_load %arg13[%swap3A_154] {strides = array<i32>} : memref<128xi32, #tpu.memory_space<vmem>>, vector<16xi32>,
      %swap3A_156 = vector.shape_cast %swap3A_155 : vector<16xi32> to vector<16xi32>
      %swap3A_157 = vector.shape_cast %get3A_153 : vector<16xi32> to vector<16xi32>
      tpu.vector_store %arg13[%swap3A_154], %swap3A_157 {strides = array<i32>} : memref<128xi32, #tpu.memory_space<vmem>>, vector<16xi32>,
      %dma_start3A_158 = arith.constant 0 : i32
      %dma_start3A_159 = arith.constant 0 : i32
      %dma_start3A_160 = tpu.memref_slice %arg16[%dma_start3A_158, %dma_start3A_159] : memref<10000x128xf32, #tpu.memory_space<vmem_shared>> -> memref<10000x128xf32, #tpu.memory_space<vmem_shared>>
      tpu.enqueue_indirect_dma source(%arg15 : memref<128x128xf32, #tpu.memory_space<vmem>>) target(%dma_start3A_160 : memref<10000x128xf32, #tpu.memory_space<vmem_shared>>) offsets(%arg13 : memref<128xi32, #tpu.memory_space<vmem>>) semaphore(%arg22 : memref<!tpu.dma_semaphore, #tpu.memory_space<semaphore_mem>>) {add = true}
      %dma_wait3A_161 = arith.constant 0 : i32
      %dma_wait3A_162 = arith.constant 0 : i32
      %dma_wait3A_163 = tpu.memref_slice %arg16[%dma_wait3A_161, %dma_wait3A_162] : memref<10000x128xf32, #tpu.memory_space<vmem_shared>> -> memref<10000x128xf32, #tpu.memory_space<vmem_shared>>
      tpu.wait_indirect_dma semaphore(%arg21 : memref<!tpu.dma_semaphore, #tpu.memory_space<semaphore_mem>>) src(%arg14 : memref<128x128xf32, #tpu.memory_space<vmem>>) dst(%dma_wait3A_163 : memref<10000x128xf32, #tpu.memory_space<vmem_shared>>)
      %lt3A = arith.constant 39 : i32
      %lt3A_164 = arith.cmpi slt, %scan3A_64, %lt3A : i32
      %convert_element_type3A_165 = arith.extui %lt3A_164 : i1 to i32
      %cond3A_166 = arith.constant 0 : i32
      %cond3A_167 = arith.cmpi ne, %convert_element_type3A_165, %cond3A_166 : i32
      scf.if %cond3A_167 {
        %add3A_168 = arith.constant 2 : i32
        %add3A_169 = arith.addi %mul3A_66, %add3A_168 : i32
        %mul3A_170 = arith.constant 128 : i32
        %mul3A_171 = arith.muli %add3A_169, %mul3A_170 : i32
        %add3A_172 = arith.addi %mul3A_4, %mul3A_171 : i32
        %dma_start3A_173 = tpu.memref_slice %arg4[%add3A_172] : memref<327680xi32, #tpu.memory_space<hbm>> -> memref<128xi32, #tpu.memory_space<hbm>>
        %dma_start3A_174 = tpu.memref_slice %arg4[%add3A_172] : memref<327680xi32, #tpu.memory_space<hbm>> -> memref<128xi32, #tpu.memory_space<hbm>>
        tpu.enqueue_dma source(%dma_start3A_174 : memref<128xi32, #tpu.memory_space<hbm>>) target(%arg7 : memref<128xi32, #tpu.memory_space<vmem>>) target_semaphore(%arg17 : memref<!tpu.dma_semaphore, #tpu.memory_space<semaphore_mem>>)
        %dma_start3A_175 = tpu.memref_slice %arg3[%add3A_172] : memref<327680xi32, #tpu.memory_space<hbm>> -> memref<128xi32, #tpu.memory_space<hbm>>
        %dma_start3A_176 = tpu.memref_slice %arg3[%add3A_172] : memref<327680xi32, #tpu.memory_space<hbm>> -> memref<128xi32, #tpu.memory_space<hbm>>
        tpu.enqueue_dma source(%dma_start3A_176 : memref<128xi32, #tpu.memory_space<hbm>>) target(%arg8 : memref<128xi32, #tpu.memory_space<vmem>>) target_semaphore(%arg17 : memref<!tpu.dma_semaphore, #tpu.memory_space<semaphore_mem>>)
        %dma_start3A_177 = tpu.memref_slice %arg5[%add3A_172] : memref<327680xf32, #tpu.memory_space<hbm>> -> memref<128xf32, #tpu.memory_space<hbm>>
        %dma_start3A_178 = tpu.memref_slice %arg5[%add3A_172] : memref<327680xf32, #tpu.memory_space<hbm>> -> memref<128xf32, #tpu.memory_space<hbm>>
        tpu.enqueue_dma source(%dma_start3A_178 : memref<128xf32, #tpu.memory_space<hbm>>) target(%arg9 : memref<128xf32, #tpu.memory_space<vmem>>) target_semaphore(%arg17 : memref<!tpu.dma_semaphore, #tpu.memory_space<semaphore_mem>>)
        %dma_wait3A_179 = arith.constant 0 : i32
        %dma_wait3A_180 = tpu.memref_slice %arg4[%dma_wait3A_179] : memref<327680xi32, #tpu.memory_space<hbm>> -> memref<128xi32, #tpu.memory_space<hbm>>
        %dma_wait3A_181 = arith.constant 0 : i32
        %dma_wait3A_182 = tpu.memref_slice %arg4[%dma_wait3A_181] : memref<327680xi32, #tpu.memory_space<hbm>> -> memref<128xi32, #tpu.memory_space<hbm>>
        tpu.wait_dma2 semaphore(%arg17 : memref<!tpu.dma_semaphore, #tpu.memory_space<semaphore_mem>>) src(%dma_wait3A_182 : memref<128xi32, #tpu.memory_space<hbm>>) dst(%arg7 : memref<128xi32, #tpu.memory_space<vmem>>)
        %dma_wait3A_183 = arith.constant 0 : i32
        %dma_wait3A_184 = tpu.memref_slice %arg3[%dma_wait3A_183] : memref<327680xi32, #tpu.memory_space<hbm>> -> memref<128xi32, #tpu.memory_space<hbm>>
        %dma_wait3A_185 = arith.constant 0 : i32
        %dma_wait3A_186 = tpu.memref_slice %arg3[%dma_wait3A_185] : memref<327680xi32, #tpu.memory_space<hbm>> -> memref<128xi32, #tpu.memory_space<hbm>>
        tpu.wait_dma2 semaphore(%arg17 : memref<!tpu.dma_semaphore, #tpu.memory_space<semaphore_mem>>) src(%dma_wait3A_186 : memref<128xi32, #tpu.memory_space<hbm>>) dst(%arg8 : memref<128xi32, #tpu.memory_space<vmem>>)
        %dma_wait3A_187 = arith.constant 0 : i32
        %dma_wait3A_188 = tpu.memref_slice %arg5[%dma_wait3A_187] : memref<327680xf32, #tpu.memory_space<hbm>> -> memref<128xf32, #tpu.memory_space<hbm>>
        %dma_wait3A_189 = arith.constant 0 : i32
        %dma_wait3A_190 = tpu.memref_slice %arg5[%dma_wait3A_189] : memref<327680xf32, #tpu.memory_space<hbm>> -> memref<128xf32, #tpu.memory_space<hbm>>
        tpu.wait_dma2 semaphore(%arg17 : memref<!tpu.dma_semaphore, #tpu.memory_space<semaphore_mem>>) src(%dma_wait3A_190 : memref<128xf32, #tpu.memory_space<hbm>>) dst(%arg9 : memref<128xf32, #tpu.memory_space<vmem>>)
        %dma_start3A_191 = arith.constant 0 : i32
        %dma_start3A_192 = arith.constant 0 : i32
        %dma_start3A_193 = tpu.memref_slice %arg2[%dma_start3A_191, %dma_start3A_192] : memref<10000x128xf32, #tpu.memory_space<hbm>> -> memref<10000x128xf32, #tpu.memory_space<hbm>>
        tpu.enqueue_indirect_dma source(%dma_start3A_193 : memref<10000x128xf32, #tpu.memory_space<hbm>>) target(%arg14 : memref<128x128xf32, #tpu.memory_space<vmem>>) offsets(%arg7 : memref<128xi32, #tpu.memory_space<vmem>>) semaphore(%arg19 : memref<!tpu.dma_semaphore, #tpu.memory_space<semaphore_mem>>)
        %add3A_194 = arith.constant 3 : i32
        %add3A_195 = arith.addi %mul3A_66, %add3A_194 : i32
        %mul3A_196 = arith.constant 128 : i32
        %mul3A_197 = arith.muli %add3A_195, %mul3A_196 : i32
        %add3A_198 = arith.addi %mul3A_4, %mul3A_197 : i32
        %dma_start3A_199 = tpu.memref_slice %arg4[%add3A_198] : memref<327680xi32, #tpu.memory_space<hbm>> -> memref<128xi32, #tpu.memory_space<hbm>>
        %dma_start3A_200 = tpu.memref_slice %arg4[%add3A_198] : memref<327680xi32, #tpu.memory_space<hbm>> -> memref<128xi32, #tpu.memory_space<hbm>>
        tpu.enqueue_dma source(%dma_start3A_200 : memref<128xi32, #tpu.memory_space<hbm>>) target(%arg10 : memref<128xi32, #tpu.memory_space<vmem>>) target_semaphore(%arg18 : memref<!tpu.dma_semaphore, #tpu.memory_space<semaphore_mem>>)
        %dma_start3A_201 = tpu.memref_slice %arg3[%add3A_198] : memref<327680xi32, #tpu.memory_space<hbm>> -> memref<128xi32, #tpu.memory_space<hbm>>
        %dma_start3A_202 = tpu.memref_slice %arg3[%add3A_198] : memref<327680xi32, #tpu.memory_space<hbm>> -> memref<128xi32, #tpu.memory_space<hbm>>
        tpu.enqueue_dma source(%dma_start3A_202 : memref<128xi32, #tpu.memory_space<hbm>>) target(%arg11 : memref<128xi32, #tpu.memory_space<vmem>>) target_semaphore(%arg18 : memref<!tpu.dma_semaphore, #tpu.memory_space<semaphore_mem>>)
        %dma_start3A_203 = tpu.memref_slice %arg5[%add3A_198] : memref<327680xf32, #tpu.memory_space<hbm>> -> memref<128xf32, #tpu.memory_space<hbm>>
        %dma_start3A_204 = tpu.memref_slice %arg5[%add3A_198] : memref<327680xf32, #tpu.memory_space<hbm>> -> memref<128xf32, #tpu.memory_space<hbm>>
        tpu.enqueue_dma source(%dma_start3A_204 : memref<128xf32, #tpu.memory_space<hbm>>) target(%arg12 : memref<128xf32, #tpu.memory_space<vmem>>) target_semaphore(%arg18 : memref<!tpu.dma_semaphore, #tpu.memory_space<semaphore_mem>>)
      } else {
      }
    }
    %scan3A_56 = arith.constant 40 : i32
    %dma_wait3A_57 = arith.constant 0 : i32
    %dma_wait3A_58 = arith.constant 0 : i32
    %dma_wait3A_59 = tpu.memref_slice %arg16[%dma_wait3A_57, %dma_wait3A_58] : memref<10000x128xf32, #tpu.memory_space<vmem_shared>> -> memref<128x128xf32, #tpu.memory_space<vmem_shared>>
    %dma_wait3A_60 = arith.constant 0 : i32
    %dma_wait3A_61 = arith.constant 0 : i32
    %dma_wait3A_62 = tpu.memref_slice %arg16[%dma_wait3A_60, %dma_wait3A_61] : memref<10000x128xf32, #tpu.memory_space<vmem_shared>> -> memref<128x128xf32, #tpu.memory_space<vmem_shared>>
    tpu.wait_dma2 semaphore(%arg22 : memref<!tpu.dma_semaphore, #tpu.memory_space<semaphore_mem>>) src(%arg15 : memref<128x128xf32, #tpu.memory_space<vmem>>) dst(%dma_wait3A_62 : memref<128x128xf32, #tpu.memory_space<vmem_shared>>)
    %barrier3A_63 = arith.constant 0 : index
    tpu.barrier barrier_id(%barrier3A_63)
    "tpu.region"() ({
      %run_scoped3A = tpu.sem_alloc : memref<!tpu.dma_semaphore, #tpu.memory_space<semaphore_mem>>
      %dma_start3A_64 = arith.constant 0 : i32
      %dma_start3A_65 = tpu.memref_slice %arg6[%arg0, %mul3A_11, %dma_start3A_64] : memref<2x10000x128xf32, #tpu.memory_space<hbm>> -> memref<1x640x128xf32, #tpu.memory_space<hbm>>
      %dma_start3A_66 = tpu.memref_squeeze %dma_start3A_65 : memref<1x640x128xf32, #tpu.memory_space<hbm>> -> memref<640x128xf32, #tpu.memory_space<hbm>>
      %dma_start3A_67 = arith.constant 0 : i32
      %dma_start3A_68 = tpu.memref_slice %arg16[%mul3A_11, %dma_start3A_67] : memref<10000x128xf32, #tpu.memory_space<vmem_shared>> -> memref<640x128xf32, #tpu.memory_space<vmem_shared>>
      tpu.enqueue_dma source(%dma_start3A_68 : memref<640x128xf32, #tpu.memory_space<vmem_shared>>) target(%dma_start3A_66 : memref<640x128xf32, #tpu.memory_space<hbm>>) target_semaphore(%run_scoped3A : memref<!tpu.dma_semaphore, #tpu.memory_space<semaphore_mem>>)
      %dma_wait3A_69 = arith.constant 0 : i32
      %dma_wait3A_70 = tpu.memref_slice %arg6[%arg0, %mul3A_11, %dma_wait3A_69] : memref<2x10000x128xf32, #tpu.memory_space<hbm>> -> memref<1x640x128xf32, #tpu.memory_space<hbm>>
      %dma_wait3A_71 = tpu.memref_squeeze %dma_wait3A_70 : memref<1x640x128xf32, #tpu.memory_space<hbm>> -> memref<640x128xf32, #tpu.memory_space<hbm>>
      %dma_wait3A_72 = arith.constant 0 : i32
      %dma_wait3A_73 = tpu.memref_slice %arg16[%mul3A_11, %dma_wait3A_72] : memref<10000x128xf32, #tpu.memory_space<vmem_shared>> -> memref<640x128xf32, #tpu.memory_space<vmem_shared>>
      tpu.wait_dma2 semaphore(%run_scoped3A : memref<!tpu.dma_semaphore, #tpu.memory_space<semaphore_mem>>) src(%dma_wait3A_73 : memref<640x128xf32, #tpu.memory_space<vmem_shared>>) dst(%dma_wait3A_71 : memref<640x128xf32, #tpu.memory_space<hbm>>)
      tpu.yield
    }) : () -> ()
    return
  }
}

module attributes {stable_mosaic.version = 14 : i64} {
  func.func @_passA_body(%arg0: i32, %arg1: memref<1000x128xf32, #tpu.memory_space<vmem>>, %arg2: memref<1000x128xf32, #tpu.memory_space<vmem>>, %arg3: memref<1000x128xf32, #tpu.memory_space<vmem>>, %arg4: memref<128x128xf32, #tpu.memory_space<vmem>>, %arg5: memref<1x128xf32, #tpu.memory_space<vmem>>, %arg6: memref<128x128xf32, #tpu.memory_space<vmem>>, %arg7: memref<1x128xf32, #tpu.memory_space<vmem>>, %arg8: memref<1x128xf32, #tpu.memory_space<vmem>>, %arg9: memref<64x128xf32, #tpu.memory_space<vmem>>, %arg10: memref<1x64xf32, #tpu.memory_space<vmem>>, %arg11: memref<1000x64xf32, #tpu.memory_space<vmem>>, %arg12: memref<64x128xf32, #tpu.memory_space<vmem>>, %arg13: memref<1x64xf32, #tpu.memory_space<vmem>>) attributes {dimension_semantics = [#tpu.dimension_semantics<arbitrary>], iteration_bounds = array<i64: 10>, scalar_prefetch = 0 : i64, scratch_operands = 0 : i64, tpu.core_type = #tpu.core_type<tc>, window_params = [{transform_indices = @transform_0, window_bounds = array<i64: 1000, 128>}, {transform_indices = @transform_1, window_bounds = array<i64: 1000, 128>}, {transform_indices = @transform_2, window_bounds = array<i64: 1000, 128>}, {pipeline_mode = #tpu.pipeline_mode<synchronous>, transform_indices = @transform_3, window_bounds = array<i64: 128, 128>}, {pipeline_mode = #tpu.pipeline_mode<synchronous>, transform_indices = @transform_4, window_bounds = array<i64: 1, 128>}, {pipeline_mode = #tpu.pipeline_mode<synchronous>, transform_indices = @transform_5, window_bounds = array<i64: 128, 128>}, {pipeline_mode = #tpu.pipeline_mode<synchronous>, transform_indices = @transform_6, window_bounds = array<i64: 1, 128>}, {pipeline_mode = #tpu.pipeline_mode<synchronous>, transform_indices = @transform_7, window_bounds = array<i64: 1, 128>}, {pipeline_mode = #tpu.pipeline_mode<synchronous>, transform_indices = @transform_8, window_bounds = array<i64: 64, 128>}, {pipeline_mode = #tpu.pipeline_mode<synchronous>, transform_indices = @transform_9, window_bounds = array<i64: 1, 64>}, {transform_indices = @transform_10, window_bounds = array<i64: 1000, 64>}, {pipeline_mode = #tpu.pipeline_mode<synchronous>, transform_indices = @transform_11, window_bounds = array<i64: 64, 128>}, {pipeline_mode = #tpu.pipeline_mode<synchronous>, transform_indices = @transform_12, window_bounds = array<i64: 1, 64>}]} {
    %get3A = arith.constant 0 : index
    %get3A_0 = arith.constant 0 : index
    %get3A_1 = vector.load %arg1[%get3A, %get3A_0] : memref<1000x128xf32, #tpu.memory_space<vmem>>, vector<1000x128xf32>
    %get3A_2 = arith.constant 0 : index
    %get3A_3 = arith.constant 0 : index
    %get3A_4 = vector.load %arg2[%get3A_2, %get3A_3] : memref<1000x128xf32, #tpu.memory_space<vmem>>, vector<1000x128xf32>
    %get3A_5 = arith.constant 0 : index
    %get3A_6 = arith.constant 0 : index
    %get3A_7 = vector.load %arg3[%get3A_5, %get3A_6] : memref<1000x128xf32, #tpu.memory_space<vmem>>, vector<1000x128xf32>
    %add3A = arith.addf %get3A_4, %get3A_7 : vector<1000x128xf32>
    %get3A_8 = arith.constant 0 : index
    %get3A_9 = arith.constant 0 : index
    %get3A_10 = vector.load %arg4[%get3A_8, %get3A_9] : memref<128x128xf32, #tpu.memory_space<vmem>>, vector<128x128xf32>
    %dot_general3A = arith.constant dense<0.000000e+00> : vector<1000x128xf32>
    %dot_general3A_11 = tpu.matmul %get3A_1, %get3A_10, %dot_general3A {dimension_numbers = #tpu.dot_dimension_numbers<[1], [1], [0], [0], [0, 0, 1, 0], [], []>, transpose_lhs_hint = false} : vector<1000x128xf32>, vector<128x128xf32>, vector<1000x128xf32> -> vector<1000x128xf32>
    %get3A_12 = arith.constant 0 : index
    %get3A_13 = arith.constant 0 : index
    %get3A_14 = vector.load %arg6[%get3A_12, %get3A_13] : memref<128x128xf32, #tpu.memory_space<vmem>>, vector<128x128xf32>
    %dot_general3A_15 = arith.constant dense<0.000000e+00> : vector<1000x128xf32>
    %dot_general3A_16 = tpu.matmul %add3A, %get3A_14, %dot_general3A_15 {dimension_numbers = #tpu.dot_dimension_numbers<[1], [1], [0], [0], [0, 0, 1, 0], [], []>, transpose_lhs_hint = false} : vector<1000x128xf32>, vector<128x128xf32>, vector<1000x128xf32> -> vector<1000x128xf32>
    %add3A_17 = arith.addf %dot_general3A_11, %dot_general3A_16 : vector<1000x128xf32>
    %get3A_18 = arith.constant 0 : index
    %get3A_19 = arith.constant 0 : index
    %get3A_20 = vector.load %arg5[%get3A_18, %get3A_19] : memref<1x128xf32, #tpu.memory_space<vmem>>, vector<1x128xf32>
    %add3A_21 = vector.broadcast %get3A_20 : vector<1x128xf32> to vector<1000x128xf32>
    %add3A_22 = arith.addf %add3A_17, %add3A_21 : vector<1000x128xf32>
    %reduce_sum3A = arith.constant dense<0.000000e+00> : vector<1000xf32>
    %reduce_sum3A_23 = vector.multi_reduction <add>, %add3A_22, %reduce_sum3A [1] : vector<1000x128xf32> to vector<1000xf32>
    %broadcast_in_dim3A = vector.shape_cast %reduce_sum3A_23 : vector<1000xf32> to vector<1000x1xf32>
    %div3A = arith.constant 1.280000e+02 : f32
    %div3A_24 = vector.broadcast %div3A : f32 to vector<1000x1xf32>
    %div3A_25 = arith.divf %broadcast_in_dim3A, %div3A_24 : vector<1000x1xf32>
    %sub3A = vector.broadcast %div3A_25 : vector<1000x1xf32> to vector<1000x128xf32>
    %sub3A_26 = arith.subf %add3A_22, %sub3A : vector<1000x128xf32>
    %mul3A = arith.mulf %sub3A_26, %sub3A_26 : vector<1000x128xf32>
    %reduce_sum3A_27 = arith.constant dense<0.000000e+00> : vector<1000xf32>
    %reduce_sum3A_28 = vector.multi_reduction <add>, %mul3A, %reduce_sum3A_27 [1] : vector<1000x128xf32> to vector<1000xf32>
    %broadcast_in_dim3A_29 = vector.shape_cast %reduce_sum3A_28 : vector<1000xf32> to vector<1000x1xf32>
    %div3A_30 = arith.constant 1.280000e+02 : f32
    %div3A_31 = vector.broadcast %div3A_30 : f32 to vector<1000x1xf32>
    %div3A_32 = arith.divf %broadcast_in_dim3A_29, %div3A_31 : vector<1000x1xf32>
    %add3A_33 = arith.constant 9.99999974E-6 : f32
    %add3A_34 = vector.broadcast %add3A_33 : f32 to vector<1000x1xf32>
    %add3A_35 = arith.addf %div3A_32, %add3A_34 : vector<1000x1xf32>
    %rsqrt3A = math.rsqrt %add3A_35 : vector<1000x1xf32>
    %mul3A_36 = vector.broadcast %rsqrt3A : vector<1000x1xf32> to vector<1000x128xf32>
    %mul3A_37 = arith.mulf %sub3A_26, %mul3A_36 : vector<1000x128xf32>
    %get3A_38 = arith.constant 0 : index
    %get3A_39 = arith.constant 0 : index
    %get3A_40 = vector.load %arg7[%get3A_38, %get3A_39] : memref<1x128xf32, #tpu.memory_space<vmem>>, vector<1x128xf32>
    %mul3A_41 = vector.broadcast %get3A_40 : vector<1x128xf32> to vector<1000x128xf32>
    %mul3A_42 = arith.mulf %mul3A_37, %mul3A_41 : vector<1000x128xf32>
    %get3A_43 = arith.constant 0 : index
    %get3A_44 = arith.constant 0 : index
    %get3A_45 = vector.load %arg8[%get3A_43, %get3A_44] : memref<1x128xf32, #tpu.memory_space<vmem>>, vector<1x128xf32>
    %add3A_46 = vector.broadcast %get3A_45 : vector<1x128xf32> to vector<1000x128xf32>
    %add3A_47 = arith.addf %mul3A_42, %add3A_46 : vector<1000x128xf32>
    %mul3A_48 = arith.constant 5.000000e-01 : f32
    %mul3A_49 = vector.broadcast %mul3A_48 : f32 to vector<1000x128xf32>
    %mul3A_50 = arith.mulf %mul3A_49, %add3A_47 : vector<1000x128xf32>
    %mul3A_51 = arith.constant 0.707106769 : f32
    %mul3A_52 = vector.broadcast %mul3A_51 : f32 to vector<1000x128xf32>
    %mul3A_53 = arith.mulf %add3A_47, %mul3A_52 : vector<1000x128xf32>
    %erf3A = math.erf %mul3A_53 : vector<1000x128xf32>
    %add3A_54 = arith.constant 1.000000e+00 : f32
    %add3A_55 = vector.broadcast %add3A_54 : f32 to vector<1000x128xf32>
    %add3A_56 = arith.addf %add3A_55, %erf3A : vector<1000x128xf32>
    %mul3A_57 = arith.mulf %mul3A_50, %add3A_56 : vector<1000x128xf32>
    %get3A_58 = arith.constant 0 : index
    %get3A_59 = arith.constant 0 : index
    %get3A_60 = vector.load %arg9[%get3A_58, %get3A_59] : memref<64x128xf32, #tpu.memory_space<vmem>>, vector<64x128xf32>
    %dot_general3A_61 = arith.constant dense<0.000000e+00> : vector<1000x64xf32>
    %dot_general3A_62 = tpu.matmul %mul3A_57, %get3A_60, %dot_general3A_61 {dimension_numbers = #tpu.dot_dimension_numbers<[1], [1], [0], [0], [0, 0, 1, 0], [], []>, transpose_lhs_hint = false} : vector<1000x128xf32>, vector<64x128xf32>, vector<1000x64xf32> -> vector<1000x64xf32>
    %get3A_63 = arith.constant 0 : index
    %get3A_64 = arith.constant 0 : index
    %get3A_65 = vector.load %arg10[%get3A_63, %get3A_64] : memref<1x64xf32, #tpu.memory_space<vmem>>, vector<1x64xf32>
    %add3A_66 = vector.broadcast %get3A_65 : vector<1x64xf32> to vector<1000x64xf32>
    %add3A_67 = arith.addf %dot_general3A_62, %add3A_66 : vector<1000x64xf32>
    %reduce_max3A = arith.constant dense<0xFF800000> : vector<1000xf32>
    %reduce_max3A_68 = vector.multi_reduction <maximumf>, %add3A_67, %reduce_max3A [1] : vector<1000x64xf32> to vector<1000xf32>
    %broadcast_in_dim3A_69 = vector.shape_cast %reduce_max3A_68 : vector<1000xf32> to vector<1000x1xf32>
    %sub3A_70 = vector.broadcast %broadcast_in_dim3A_69 : vector<1000x1xf32> to vector<1000x64xf32>
    %sub3A_71 = arith.subf %add3A_67, %sub3A_70 : vector<1000x64xf32>
    %exp3A = math.exp %sub3A_71 : vector<1000x64xf32>
    %reduce_sum3A_72 = arith.constant dense<0.000000e+00> : vector<1000xf32>
    %reduce_sum3A_73 = vector.multi_reduction <add>, %exp3A, %reduce_sum3A_72 [1] : vector<1000x64xf32> to vector<1000xf32>
    %broadcast_in_dim3A_74 = vector.shape_cast %reduce_sum3A_73 : vector<1000xf32> to vector<1000x1xf32>
    %div3A_75 = vector.broadcast %broadcast_in_dim3A_74 : vector<1000x1xf32> to vector<1000x64xf32>
    %div3A_76 = arith.divf %exp3A, %div3A_75 : vector<1000x64xf32>
    %swap3A = arith.constant 0 : index
    %swap3A_77 = arith.constant 0 : index
    %swap3A_78 = vector.load %arg11[%swap3A, %swap3A_77] : memref<1000x64xf32, #tpu.memory_space<vmem>>, vector<1000x64xf32>
    tpu.vector_store %arg11[%swap3A, %swap3A_77], %div3A_76 {strides = array<i32>} : memref<1000x64xf32, #tpu.memory_space<vmem>>, vector<1000x64xf32>,
    %eq3A = arith.constant 0 : i32
    %eq3A_79 = arith.cmpi eq, %arg0, %eq3A : i32
    %convert_element_type3A = arith.extui %eq3A_79 : i1 to i32
    %cond3A = arith.constant 0 : i32
    %cond3A_80 = arith.cmpi ne, %convert_element_type3A, %cond3A : i32
    scf.if %cond3A_80 {
      %broadcast_in_dim3A_100 = arith.constant 0.000000e+00 : f32
      %broadcast_in_dim3A_101 = vector.broadcast %broadcast_in_dim3A_100 : f32 to vector<64x128xf32>
      %swap3A_102 = arith.constant 0 : index
      %swap3A_103 = arith.constant 0 : index
      %swap3A_104 = vector.load %arg12[%swap3A_102, %swap3A_103] : memref<64x128xf32, #tpu.memory_space<vmem>>, vector<64x128xf32>
      tpu.vector_store %arg12[%swap3A_102, %swap3A_103], %broadcast_in_dim3A_101 {strides = array<i32>} : memref<64x128xf32, #tpu.memory_space<vmem>>, vector<64x128xf32>,
      %broadcast_in_dim3A_105 = arith.constant 0.000000e+00 : f32
      %broadcast_in_dim3A_106 = vector.broadcast %broadcast_in_dim3A_105 : f32 to vector<1x64xf32>
      %swap3A_107 = arith.constant 0 : index
      %swap3A_108 = arith.constant 0 : index
      %swap3A_109 = vector.load %arg13[%swap3A_107, %swap3A_108] : memref<1x64xf32, #tpu.memory_space<vmem>>, vector<1x64xf32>
      tpu.vector_store %arg13[%swap3A_107, %swap3A_108], %broadcast_in_dim3A_106 {strides = array<i32>} : memref<1x64xf32, #tpu.memory_space<vmem>>, vector<1x64xf32>,
    } else {
    }
    %get3A_81 = arith.constant 0 : index
    %get3A_82 = arith.constant 0 : index
    %get3A_83 = vector.load %arg12[%get3A_81, %get3A_82] : memref<64x128xf32, #tpu.memory_space<vmem>>, vector<64x128xf32>
    %dot_general3A_84 = arith.constant dense<0.000000e+00> : vector<64x128xf32>
    %dot_general3A_85 = tpu.matmul %div3A_76, %get3A_1, %dot_general3A_84 {dimension_numbers = #tpu.dot_dimension_numbers<[0], [0], [1], [1], [0, 1, 1, 1], [], []>, transpose_lhs_hint = false} : vector<1000x64xf32>, vector<1000x128xf32>, vector<64x128xf32> -> vector<64x128xf32>
    %add3A_86 = arith.addf %get3A_83, %dot_general3A_85 : vector<64x128xf32>
    %swap3A_87 = arith.constant 0 : index
    %swap3A_88 = arith.constant 0 : index
    %swap3A_89 = vector.load %arg12[%swap3A_87, %swap3A_88] : memref<64x128xf32, #tpu.memory_space<vmem>>, vector<64x128xf32>
    tpu.vector_store %arg12[%swap3A_87, %swap3A_88], %add3A_86 {strides = array<i32>} : memref<64x128xf32, #tpu.memory_space<vmem>>, vector<64x128xf32>,
    %get3A_90 = arith.constant 0 : index
    %get3A_91 = arith.constant 0 : index
    %get3A_92 = vector.load %arg13[%get3A_90, %get3A_91] : memref<1x64xf32, #tpu.memory_space<vmem>>, vector<1x64xf32>
    %reduce_sum3A_93 = arith.constant dense<0.000000e+00> : vector<64xf32>
    %reduce_sum3A_94 = vector.multi_reduction <add>, %div3A_76, %reduce_sum3A_93 [0] : vector<1000x64xf32> to vector<64xf32>
    %broadcast_in_dim3A_95 = vector.shape_cast %reduce_sum3A_94 : vector<64xf32> to vector<1x64xf32>
    %add3A_96 = arith.addf %get3A_92, %broadcast_in_dim3A_95 : vector<1x64xf32>
    %swap3A_97 = arith.constant 0 : index
    %swap3A_98 = arith.constant 0 : index
    %swap3A_99 = vector.load %arg13[%swap3A_97, %swap3A_98] : memref<1x64xf32, #tpu.memory_space<vmem>>, vector<1x64xf32>
    tpu.vector_store %arg13[%swap3A_97, %swap3A_98], %add3A_96 {strides = array<i32>} : memref<1x64xf32, #tpu.memory_space<vmem>>, vector<1x64xf32>,
    return
  }
  func.func @transform_0(%arg0: i32) -> (i32, i32) {
    %c0_i32 = arith.constant 0 : i32
    %c0_i32_0 = arith.constant 0 : i32
    return %arg0, %c0_i32 : i32, i32
  }
  func.func @transform_1(%arg0: i32) -> (i32, i32) {
    %c0_i32 = arith.constant 0 : i32
    %c0_i32_0 = arith.constant 0 : i32
    return %arg0, %c0_i32 : i32, i32
  }
  func.func @transform_2(%arg0: i32) -> (i32, i32) {
    %c0_i32 = arith.constant 0 : i32
    %c0_i32_0 = arith.constant 0 : i32
    return %arg0, %c0_i32 : i32, i32
  }
  func.func @transform_3(%arg0: i32) -> (i32, i32) {
    %c0_i32 = arith.constant 0 : i32
    %c0_i32_0 = arith.constant 0 : i32
    %c0_i32_1 = arith.constant 0 : i32
    return %c0_i32, %c0_i32_0 : i32, i32
  }
  func.func @transform_4(%arg0: i32) -> (i32, i32) {
    %c0_i32 = arith.constant 0 : i32
    %c0_i32_0 = arith.constant 0 : i32
    %c0_i32_1 = arith.constant 0 : i32
    return %c0_i32, %c0_i32_0 : i32, i32
  }
  func.func @transform_5(%arg0: i32) -> (i32, i32) {
    %c0_i32 = arith.constant 0 : i32
    %c0_i32_0 = arith.constant 0 : i32
    %c0_i32_1 = arith.constant 0 : i32
    return %c0_i32, %c0_i32_0 : i32, i32
  }
  func.func @transform_6(%arg0: i32) -> (i32, i32) {
    %c0_i32 = arith.constant 0 : i32
    %c0_i32_0 = arith.constant 0 : i32
    %c0_i32_1 = arith.constant 0 : i32
    return %c0_i32, %c0_i32_0 : i32, i32
  }
  func.func @transform_7(%arg0: i32) -> (i32, i32) {
    %c0_i32 = arith.constant 0 : i32
    %c0_i32_0 = arith.constant 0 : i32
    %c0_i32_1 = arith.constant 0 : i32
    return %c0_i32, %c0_i32_0 : i32, i32
  }
  func.func @transform_8(%arg0: i32) -> (i32, i32) {
    %c0_i32 = arith.constant 0 : i32
    %c0_i32_0 = arith.constant 0 : i32
    %c0_i32_1 = arith.constant 0 : i32
    return %c0_i32, %c0_i32_0 : i32, i32
  }
  func.func @transform_9(%arg0: i32) -> (i32, i32) {
    %c0_i32 = arith.constant 0 : i32
    %c0_i32_0 = arith.constant 0 : i32
    %c0_i32_1 = arith.constant 0 : i32
    return %c0_i32, %c0_i32_0 : i32, i32
  }
  func.func @transform_10(%arg0: i32) -> (i32, i32) {
    %c0_i32 = arith.constant 0 : i32
    %c0_i32_0 = arith.constant 0 : i32
    return %arg0, %c0_i32 : i32, i32
  }
  func.func @transform_11(%arg0: i32) -> (i32, i32) {
    %c0_i32 = arith.constant 0 : i32
    %c0_i32_0 = arith.constant 0 : i32
    %c0_i32_1 = arith.constant 0 : i32
    return %c0_i32, %c0_i32_0 : i32, i32
  }
  func.func @transform_12(%arg0: i32) -> (i32, i32) {
    %c0_i32 = arith.constant 0 : i32
    %c0_i32_0 = arith.constant 0 : i32
    %c0_i32_1 = arith.constant 0 : i32
    return %c0_i32, %c0_i32_0 : i32, i32
  }
}

module attributes {stable_mosaic.version = 14 : i64} {
  func.func @_passB_body(%arg0: memref<64x128xf32, #tpu.memory_space<vmem>>, %arg1: memref<64x1xf32, #tpu.memory_space<vmem>>, %arg2: memref<128x128xf32, #tpu.memory_space<vmem>>, %arg3: memref<128x128xf32, #tpu.memory_space<vmem>>, %arg4: memref<128x128xf32, #tpu.memory_space<vmem>>, %arg5: memref<1x128xf32, #tpu.memory_space<vmem>>, %arg6: memref<1x128xf32, #tpu.memory_space<vmem>>, %arg7: memref<1x128xf32, #tpu.memory_space<vmem>>, %arg8: memref<128x128xf32, #tpu.memory_space<vmem>>, %arg9: memref<1x128xf32, #tpu.memory_space<vmem>>, %arg10: memref<64x128xf32, #tpu.memory_space<vmem>>) attributes {dimension_semantics = [], scalar_prefetch = 0 : i64, scratch_operands = 0 : i64, tpu.core_type = #tpu.core_type<tc>} {
    %get3A = arith.constant 0 : index
    %get3A_0 = arith.constant 0 : index
    %get3A_1 = vector.load %arg1[%get3A, %get3A_0] : memref<64x1xf32, #tpu.memory_space<vmem>>, vector<64x1xf32>
    %max3A = arith.constant 9.99999993E-9 : f32
    %max3A_2 = vector.broadcast %max3A : f32 to vector<64x1xf32>
    %max3A_3 = arith.maximumf %get3A_1, %max3A_2 : vector<64x1xf32>
    %get3A_4 = arith.constant 0 : index
    %get3A_5 = arith.constant 0 : index
    %get3A_6 = vector.load %arg0[%get3A_4, %get3A_5] : memref<64x128xf32, #tpu.memory_space<vmem>>, vector<64x128xf32>
    %div3A = arith.constant 1.000000e+00 : f32
    %div3A_7 = vector.broadcast %div3A : f32 to vector<64x1xf32>
    %div3A_8 = arith.divf %div3A_7, %max3A_3 : vector<64x1xf32>
    %mul3A = vector.broadcast %div3A_8 : vector<64x1xf32> to vector<64x128xf32>
    %mul3A_9 = arith.mulf %get3A_6, %mul3A : vector<64x128xf32>
    %get3A_10 = arith.constant 0 : index
    %get3A_11 = arith.constant 0 : index
    %get3A_12 = vector.load %arg2[%get3A_10, %get3A_11] : memref<128x128xf32, #tpu.memory_space<vmem>>, vector<128x128xf32>
    %dot_general3A = arith.constant dense<0.000000e+00> : vector<64x128xf32>
    %dot_general3A_13 = tpu.matmul %mul3A_9, %get3A_12, %dot_general3A {dimension_numbers = #tpu.dot_dimension_numbers<[1], [1], [0], [0], [0, 0, 1, 0], [], []>, transpose_lhs_hint = false} : vector<64x128xf32>, vector<128x128xf32>, vector<64x128xf32> -> vector<64x128xf32>
    %get3A_14 = arith.constant 0 : index
    %get3A_15 = arith.constant 0 : index
    %get3A_16 = vector.load %arg5[%get3A_14, %get3A_15] : memref<1x128xf32, #tpu.memory_space<vmem>>, vector<1x128xf32>
    %add3A = vector.broadcast %get3A_16 : vector<1x128xf32> to vector<64x128xf32>
    %add3A_17 = arith.addf %dot_general3A_13, %add3A : vector<64x128xf32>
    %get3A_18 = arith.constant 0 : index
    %get3A_19 = arith.constant 0 : index
    %get3A_20 = vector.load %arg3[%get3A_18, %get3A_19] : memref<128x128xf32, #tpu.memory_space<vmem>>, vector<128x128xf32>
    %dot_general3A_21 = arith.constant dense<0.000000e+00> : vector<64x128xf32>
    %dot_general3A_22 = tpu.matmul %mul3A_9, %get3A_20, %dot_general3A_21 {dimension_numbers = #tpu.dot_dimension_numbers<[1], [1], [0], [0], [0, 0, 1, 0], [], []>, transpose_lhs_hint = false} : vector<64x128xf32>, vector<128x128xf32>, vector<64x128xf32> -> vector<64x128xf32>
    %get3A_23 = arith.constant 0 : index
    %get3A_24 = arith.constant 0 : index
    %get3A_25 = vector.load %arg6[%get3A_23, %get3A_24] : memref<1x128xf32, #tpu.memory_space<vmem>>, vector<1x128xf32>
    %add3A_26 = vector.broadcast %get3A_25 : vector<1x128xf32> to vector<64x128xf32>
    %add3A_27 = arith.addf %dot_general3A_22, %add3A_26 : vector<64x128xf32>
    %get3A_28 = arith.constant 0 : index
    %get3A_29 = arith.constant 0 : index
    %get3A_30 = vector.load %arg4[%get3A_28, %get3A_29] : memref<128x128xf32, #tpu.memory_space<vmem>>, vector<128x128xf32>
    %dot_general3A_31 = arith.constant dense<0.000000e+00> : vector<64x128xf32>
    %dot_general3A_32 = tpu.matmul %mul3A_9, %get3A_30, %dot_general3A_31 {dimension_numbers = #tpu.dot_dimension_numbers<[1], [1], [0], [0], [0, 0, 1, 0], [], []>, transpose_lhs_hint = false} : vector<64x128xf32>, vector<128x128xf32>, vector<64x128xf32> -> vector<64x128xf32>
    %get3A_33 = arith.constant 0 : index
    %get3A_34 = arith.constant 0 : index
    %get3A_35 = vector.load %arg7[%get3A_33, %get3A_34] : memref<1x128xf32, #tpu.memory_space<vmem>>, vector<1x128xf32>
    %add3A_36 = vector.broadcast %get3A_35 : vector<1x128xf32> to vector<64x128xf32>
    %add3A_37 = arith.addf %dot_general3A_32, %add3A_36 : vector<64x128xf32>
    %iota3A = tpu.iota {dimensions = array<i32: 1>} : vector<1x128xi32>
    %jit3A = arith.constant 8 : i32
    %div3A_38 = vector.broadcast %jit3A : i32 to vector<1x128xi32>
    %div3A_39 = arith.divsi %iota3A, %div3A_38 : vector<1x128xi32>
    %sign3A = arith.constant 0 : i32
    %sign3A_40 = vector.broadcast %sign3A : i32 to vector<1x128xi32>
    %sign3A_41 = arith.cmpi sgt, %iota3A, %sign3A_40 : vector<1x128xi32>
    %sign3A_42 = arith.extui %sign3A_41 : vector<1x128xi1> to vector<1x128xi32>
    %sign3A_43 = arith.constant 0 : i32
    %sign3A_44 = vector.broadcast %sign3A_43 : i32 to vector<1x128xi32>
    %sign3A_45 = arith.cmpi slt, %iota3A, %sign3A_44 : vector<1x128xi32>
    %sign3A_46 = arith.extui %sign3A_45 : vector<1x128xi1> to vector<1x128xi32>
    %sign3A_47 = arith.subi %sign3A_42, %sign3A_46 : vector<1x128xi32>
    %sign3A_48 = arith.constant 0 : i32
    %sign3A_49 = arith.cmpi sgt, %jit3A, %sign3A_48 : i32
    %sign3A_50 = arith.extui %sign3A_49 : i1 to i32
    %sign3A_51 = arith.constant 0 : i32
    %sign3A_52 = arith.cmpi slt, %jit3A, %sign3A_51 : i32
    %sign3A_53 = arith.extui %sign3A_52 : i1 to i32
    %sign3A_54 = arith.subi %sign3A_50, %sign3A_53 : i32
    %ne3A = vector.broadcast %sign3A_54 : i32 to vector<1x128xi32>
    %ne3A_55 = arith.cmpi ne, %sign3A_47, %ne3A : vector<1x128xi32>
    %rem3A = vector.broadcast %jit3A : i32 to vector<1x128xi32>
    %rem3A_56 = arith.remsi %iota3A, %rem3A : vector<1x128xi32>
    %ne3A_57 = arith.constant 0 : i32
    %ne3A_58 = vector.broadcast %ne3A_57 : i32 to vector<1x128xi32>
    %ne3A_59 = arith.cmpi ne, %rem3A_56, %ne3A_58 : vector<1x128xi32>
    %and3A = arith.andi %ne3A_55, %ne3A_59 : vector<1x128xi1>
    %sub3A = arith.constant 1 : i32
    %sub3A_60 = vector.broadcast %sub3A : i32 to vector<1x128xi32>
    %sub3A_61 = arith.subi %div3A_39, %sub3A_60 : vector<1x128xi32>
    %select_n3A = arith.select %and3A, %sub3A_61, %div3A_39 : vector<1x128xi1>, vector<1x128xi32>
    %broadcast_in_dim3A = arith.constant 0.000000e+00 : f32
    %broadcast_in_dim3A_62 = vector.broadcast %broadcast_in_dim3A : f32 to vector<64x128xf32>
    %eq3A = arith.constant 0 : i32
    %eq3A_63 = vector.broadcast %eq3A : i32 to vector<1x128xi32>
    %eq3A_64 = arith.cmpi eq, %select_n3A, %eq3A_63 : vector<1x128xi32>
    %convert_element_type3A = arith.extui %eq3A_64 : vector<1x128xi1> to vector<1x128xi32>
    %convert_element_type3A_65 = arith.sitofp %convert_element_type3A : vector<1x128xi32> to vector<1x128xf32>
    %mul3A_66 = vector.broadcast %convert_element_type3A_65 : vector<1x128xf32> to vector<64x128xf32>
    %mul3A_67 = arith.mulf %add3A_17, %mul3A_66 : vector<64x128xf32>
    %dot_general3A_68 = arith.constant dense<0.000000e+00> : vector<64x64xf32>
    %dot_general3A_69 = tpu.matmul %mul3A_67, %add3A_27, %dot_general3A_68 {dimension_numbers = #tpu.dot_dimension_numbers<[1], [1], [0], [0], [0, 0, 1, 0], [], []>, transpose_lhs_hint = false} : vector<64x128xf32>, vector<64x128xf32>, vector<64x64xf32> -> vector<64x64xf32>
    %mul3A_70 = arith.constant 0.353553385 : f32
    %mul3A_71 = vector.broadcast %mul3A_70 : f32 to vector<64x64xf32>
    %mul3A_72 = arith.mulf %dot_general3A_69, %mul3A_71 : vector<64x64xf32>
    %reduce_max3A = arith.constant dense<0xFF800000> : vector<64xf32>
    %reduce_max3A_73 = vector.multi_reduction <maximumf>, %mul3A_72, %reduce_max3A [1] : vector<64x64xf32> to vector<64xf32>
    %broadcast_in_dim3A_74 = vector.shape_cast %reduce_max3A_73 : vector<64xf32> to vector<64x1xf32>
    %sub3A_75 = vector.broadcast %broadcast_in_dim3A_74 : vector<64x1xf32> to vector<64x64xf32>
    %sub3A_76 = arith.subf %mul3A_72, %sub3A_75 : vector<64x64xf32>
    %exp3A = math.exp %sub3A_76 : vector<64x64xf32>
    %reduce_sum3A = arith.constant dense<0.000000e+00> : vector<64xf32>
    %reduce_sum3A_77 = vector.multi_reduction <add>, %exp3A, %reduce_sum3A [1] : vector<64x64xf32> to vector<64xf32>
    %broadcast_in_dim3A_78 = vector.shape_cast %reduce_sum3A_77 : vector<64xf32> to vector<64x1xf32>
    %div3A_79 = vector.broadcast %broadcast_in_dim3A_78 : vector<64x1xf32> to vector<64x64xf32>
    %div3A_80 = arith.divf %exp3A, %div3A_79 : vector<64x64xf32>
    %mul3A_81 = vector.broadcast %convert_element_type3A_65 : vector<1x128xf32> to vector<64x128xf32>
    %mul3A_82 = arith.mulf %add3A_37, %mul3A_81 : vector<64x128xf32>
    %dot_general3A_83 = arith.constant dense<0.000000e+00> : vector<64x128xf32>
    %dot_general3A_84 = tpu.matmul %div3A_80, %mul3A_82, %dot_general3A_83 {dimension_numbers = #tpu.dot_dimension_numbers<[1], [0], [0], [1], [0, 0, 1, 1], [], []>, transpose_lhs_hint = false} : vector<64x64xf32>, vector<64x128xf32>, vector<64x128xf32> -> vector<64x128xf32>
    %add3A_85 = arith.addf %broadcast_in_dim3A_62, %dot_general3A_84 : vector<64x128xf32>
    %eq3A_86 = arith.constant 1 : i32
    %eq3A_87 = vector.broadcast %eq3A_86 : i32 to vector<1x128xi32>
    %eq3A_88 = arith.cmpi eq, %select_n3A, %eq3A_87 : vector<1x128xi32>
    %convert_element_type3A_89 = arith.extui %eq3A_88 : vector<1x128xi1> to vector<1x128xi32>
    %convert_element_type3A_90 = arith.sitofp %convert_element_type3A_89 : vector<1x128xi32> to vector<1x128xf32>
    %mul3A_91 = vector.broadcast %convert_element_type3A_90 : vector<1x128xf32> to vector<64x128xf32>
    %mul3A_92 = arith.mulf %add3A_17, %mul3A_91 : vector<64x128xf32>
    %dot_general3A_93 = arith.constant dense<0.000000e+00> : vector<64x64xf32>
    %dot_general3A_94 = tpu.matmul %mul3A_92, %add3A_27, %dot_general3A_93 {dimension_numbers = #tpu.dot_dimension_numbers<[1], [1], [0], [0], [0, 0, 1, 0], [], []>, transpose_lhs_hint = false} : vector<64x128xf32>, vector<64x128xf32>, vector<64x64xf32> -> vector<64x64xf32>
    %mul3A_95 = arith.constant 0.353553385 : f32
    %mul3A_96 = vector.broadcast %mul3A_95 : f32 to vector<64x64xf32>
    %mul3A_97 = arith.mulf %dot_general3A_94, %mul3A_96 : vector<64x64xf32>
    %reduce_max3A_98 = arith.constant dense<0xFF800000> : vector<64xf32>
    %reduce_max3A_99 = vector.multi_reduction <maximumf>, %mul3A_97, %reduce_max3A_98 [1] : vector<64x64xf32> to vector<64xf32>
    %broadcast_in_dim3A_100 = vector.shape_cast %reduce_max3A_99 : vector<64xf32> to vector<64x1xf32>
    %sub3A_101 = vector.broadcast %broadcast_in_dim3A_100 : vector<64x1xf32> to vector<64x64xf32>
    %sub3A_102 = arith.subf %mul3A_97, %sub3A_101 : vector<64x64xf32>
    %exp3A_103 = math.exp %sub3A_102 : vector<64x64xf32>
    %reduce_sum3A_104 = arith.constant dense<0.000000e+00> : vector<64xf32>
    %reduce_sum3A_105 = vector.multi_reduction <add>, %exp3A_103, %reduce_sum3A_104 [1] : vector<64x64xf32> to vector<64xf32>
    %broadcast_in_dim3A_106 = vector.shape_cast %reduce_sum3A_105 : vector<64xf32> to vector<64x1xf32>
    %div3A_107 = vector.broadcast %broadcast_in_dim3A_106 : vector<64x1xf32> to vector<64x64xf32>
    %div3A_108 = arith.divf %exp3A_103, %div3A_107 : vector<64x64xf32>
    %mul3A_109 = vector.broadcast %convert_element_type3A_90 : vector<1x128xf32> to vector<64x128xf32>
    %mul3A_110 = arith.mulf %add3A_37, %mul3A_109 : vector<64x128xf32>
    %dot_general3A_111 = arith.constant dense<0.000000e+00> : vector<64x128xf32>
    %dot_general3A_112 = tpu.matmul %div3A_108, %mul3A_110, %dot_general3A_111 {dimension_numbers = #tpu.dot_dimension_numbers<[1], [0], [0], [1], [0, 0, 1, 1], [], []>, transpose_lhs_hint = false} : vector<64x64xf32>, vector<64x128xf32>, vector<64x128xf32> -> vector<64x128xf32>
    %add3A_113 = arith.addf %add3A_85, %dot_general3A_112 : vector<64x128xf32>
    %eq3A_114 = arith.constant 2 : i32
    %eq3A_115 = vector.broadcast %eq3A_114 : i32 to vector<1x128xi32>
    %eq3A_116 = arith.cmpi eq, %select_n3A, %eq3A_115 : vector<1x128xi32>
    %convert_element_type3A_117 = arith.extui %eq3A_116 : vector<1x128xi1> to vector<1x128xi32>
    %convert_element_type3A_118 = arith.sitofp %convert_element_type3A_117 : vector<1x128xi32> to vector<1x128xf32>
    %mul3A_119 = vector.broadcast %convert_element_type3A_118 : vector<1x128xf32> to vector<64x128xf32>
    %mul3A_120 = arith.mulf %add3A_17, %mul3A_119 : vector<64x128xf32>
    %dot_general3A_121 = arith.constant dense<0.000000e+00> : vector<64x64xf32>
    %dot_general3A_122 = tpu.matmul %mul3A_120, %add3A_27, %dot_general3A_121 {dimension_numbers = #tpu.dot_dimension_numbers<[1], [1], [0], [0], [0, 0, 1, 0], [], []>, transpose_lhs_hint = false} : vector<64x128xf32>, vector<64x128xf32>, vector<64x64xf32> -> vector<64x64xf32>
    %mul3A_123 = arith.constant 0.353553385 : f32
    %mul3A_124 = vector.broadcast %mul3A_123 : f32 to vector<64x64xf32>
    %mul3A_125 = arith.mulf %dot_general3A_122, %mul3A_124 : vector<64x64xf32>
    %reduce_max3A_126 = arith.constant dense<0xFF800000> : vector<64xf32>
    %reduce_max3A_127 = vector.multi_reduction <maximumf>, %mul3A_125, %reduce_max3A_126 [1] : vector<64x64xf32> to vector<64xf32>
    %broadcast_in_dim3A_128 = vector.shape_cast %reduce_max3A_127 : vector<64xf32> to vector<64x1xf32>
    %sub3A_129 = vector.broadcast %broadcast_in_dim3A_128 : vector<64x1xf32> to vector<64x64xf32>
    %sub3A_130 = arith.subf %mul3A_125, %sub3A_129 : vector<64x64xf32>
    %exp3A_131 = math.exp %sub3A_130 : vector<64x64xf32>
    %reduce_sum3A_132 = arith.constant dense<0.000000e+00> : vector<64xf32>
    %reduce_sum3A_133 = vector.multi_reduction <add>, %exp3A_131, %reduce_sum3A_132 [1] : vector<64x64xf32> to vector<64xf32>
    %broadcast_in_dim3A_134 = vector.shape_cast %reduce_sum3A_133 : vector<64xf32> to vector<64x1xf32>
    %div3A_135 = vector.broadcast %broadcast_in_dim3A_134 : vector<64x1xf32> to vector<64x64xf32>
    %div3A_136 = arith.divf %exp3A_131, %div3A_135 : vector<64x64xf32>
    %mul3A_137 = vector.broadcast %convert_element_type3A_118 : vector<1x128xf32> to vector<64x128xf32>
    %mul3A_138 = arith.mulf %add3A_37, %mul3A_137 : vector<64x128xf32>
    %dot_general3A_139 = arith.constant dense<0.000000e+00> : vector<64x128xf32>
    %dot_general3A_140 = tpu.matmul %div3A_136, %mul3A_138, %dot_general3A_139 {dimension_numbers = #tpu.dot_dimension_numbers<[1], [0], [0], [1], [0, 0, 1, 1], [], []>, transpose_lhs_hint = false} : vector<64x64xf32>, vector<64x128xf32>, vector<64x128xf32> -> vector<64x128xf32>
    %add3A_141 = arith.addf %add3A_113, %dot_general3A_140 : vector<64x128xf32>
    %eq3A_142 = arith.constant 3 : i32
    %eq3A_143 = vector.broadcast %eq3A_142 : i32 to vector<1x128xi32>
    %eq3A_144 = arith.cmpi eq, %select_n3A, %eq3A_143 : vector<1x128xi32>
    %convert_element_type3A_145 = arith.extui %eq3A_144 : vector<1x128xi1> to vector<1x128xi32>
    %convert_element_type3A_146 = arith.sitofp %convert_element_type3A_145 : vector<1x128xi32> to vector<1x128xf32>
    %mul3A_147 = vector.broadcast %convert_element_type3A_146 : vector<1x128xf32> to vector<64x128xf32>
    %mul3A_148 = arith.mulf %add3A_17, %mul3A_147 : vector<64x128xf32>
    %dot_general3A_149 = arith.constant dense<0.000000e+00> : vector<64x64xf32>
    %dot_general3A_150 = tpu.matmul %mul3A_148, %add3A_27, %dot_general3A_149 {dimension_numbers = #tpu.dot_dimension_numbers<[1], [1], [0], [0], [0, 0, 1, 0], [], []>, transpose_lhs_hint = false} : vector<64x128xf32>, vector<64x128xf32>, vector<64x64xf32> -> vector<64x64xf32>
    %mul3A_151 = arith.constant 0.353553385 : f32
    %mul3A_152 = vector.broadcast %mul3A_151 : f32 to vector<64x64xf32>
    %mul3A_153 = arith.mulf %dot_general3A_150, %mul3A_152 : vector<64x64xf32>
    %reduce_max3A_154 = arith.constant dense<0xFF800000> : vector<64xf32>
    %reduce_max3A_155 = vector.multi_reduction <maximumf>, %mul3A_153, %reduce_max3A_154 [1] : vector<64x64xf32> to vector<64xf32>
    %broadcast_in_dim3A_156 = vector.shape_cast %reduce_max3A_155 : vector<64xf32> to vector<64x1xf32>
    %sub3A_157 = vector.broadcast %broadcast_in_dim3A_156 : vector<64x1xf32> to vector<64x64xf32>
    %sub3A_158 = arith.subf %mul3A_153, %sub3A_157 : vector<64x64xf32>
    %exp3A_159 = math.exp %sub3A_158 : vector<64x64xf32>
    %reduce_sum3A_160 = arith.constant dense<0.000000e+00> : vector<64xf32>
    %reduce_sum3A_161 = vector.multi_reduction <add>, %exp3A_159, %reduce_sum3A_160 [1] : vector<64x64xf32> to vector<64xf32>
    %broadcast_in_dim3A_162 = vector.shape_cast %reduce_sum3A_161 : vector<64xf32> to vector<64x1xf32>
    %div3A_163 = vector.broadcast %broadcast_in_dim3A_162 : vector<64x1xf32> to vector<64x64xf32>
    %div3A_164 = arith.divf %exp3A_159, %div3A_163 : vector<64x64xf32>
    %mul3A_165 = vector.broadcast %convert_element_type3A_146 : vector<1x128xf32> to vector<64x128xf32>
    %mul3A_166 = arith.mulf %add3A_37, %mul3A_165 : vector<64x128xf32>
    %dot_general3A_167 = arith.constant dense<0.000000e+00> : vector<64x128xf32>
    %dot_general3A_168 = tpu.matmul %div3A_164, %mul3A_166, %dot_general3A_167 {dimension_numbers = #tpu.dot_dimension_numbers<[1], [0], [0], [1], [0, 0, 1, 1], [], []>, transpose_lhs_hint = false} : vector<64x64xf32>, vector<64x128xf32>, vector<64x128xf32> -> vector<64x128xf32>
    %add3A_169 = arith.addf %add3A_141, %dot_general3A_168 : vector<64x128xf32>
    %eq3A_170 = arith.constant 4 : i32
    %eq3A_171 = vector.broadcast %eq3A_170 : i32 to vector<1x128xi32>
    %eq3A_172 = arith.cmpi eq, %select_n3A, %eq3A_171 : vector<1x128xi32>
    %convert_element_type3A_173 = arith.extui %eq3A_172 : vector<1x128xi1> to vector<1x128xi32>
    %convert_element_type3A_174 = arith.sitofp %convert_element_type3A_173 : vector<1x128xi32> to vector<1x128xf32>
    %mul3A_175 = vector.broadcast %convert_element_type3A_174 : vector<1x128xf32> to vector<64x128xf32>
    %mul3A_176 = arith.mulf %add3A_17, %mul3A_175 : vector<64x128xf32>
    %dot_general3A_177 = arith.constant dense<0.000000e+00> : vector<64x64xf32>
    %dot_general3A_178 = tpu.matmul %mul3A_176, %add3A_27, %dot_general3A_177 {dimension_numbers = #tpu.dot_dimension_numbers<[1], [1], [0], [0], [0, 0, 1, 0], [], []>, transpose_lhs_hint = false} : vector<64x128xf32>, vector<64x128xf32>, vector<64x64xf32> -> vector<64x64xf32>
    %mul3A_179 = arith.constant 0.353553385 : f32
    %mul3A_180 = vector.broadcast %mul3A_179 : f32 to vector<64x64xf32>
    %mul3A_181 = arith.mulf %dot_general3A_178, %mul3A_180 : vector<64x64xf32>
    %reduce_max3A_182 = arith.constant dense<0xFF800000> : vector<64xf32>
    %reduce_max3A_183 = vector.multi_reduction <maximumf>, %mul3A_181, %reduce_max3A_182 [1] : vector<64x64xf32> to vector<64xf32>
    %broadcast_in_dim3A_184 = vector.shape_cast %reduce_max3A_183 : vector<64xf32> to vector<64x1xf32>
    %sub3A_185 = vector.broadcast %broadcast_in_dim3A_184 : vector<64x1xf32> to vector<64x64xf32>
    %sub3A_186 = arith.subf %mul3A_181, %sub3A_185 : vector<64x64xf32>
    %exp3A_187 = math.exp %sub3A_186 : vector<64x64xf32>
    %reduce_sum3A_188 = arith.constant dense<0.000000e+00> : vector<64xf32>
    %reduce_sum3A_189 = vector.multi_reduction <add>, %exp3A_187, %reduce_sum3A_188 [1] : vector<64x64xf32> to vector<64xf32>
    %broadcast_in_dim3A_190 = vector.shape_cast %reduce_sum3A_189 : vector<64xf32> to vector<64x1xf32>
    %div3A_191 = vector.broadcast %broadcast_in_dim3A_190 : vector<64x1xf32> to vector<64x64xf32>
    %div3A_192 = arith.divf %exp3A_187, %div3A_191 : vector<64x64xf32>
    %mul3A_193 = vector.broadcast %convert_element_type3A_174 : vector<1x128xf32> to vector<64x128xf32>
    %mul3A_194 = arith.mulf %add3A_37, %mul3A_193 : vector<64x128xf32>
    %dot_general3A_195 = arith.constant dense<0.000000e+00> : vector<64x128xf32>
    %dot_general3A_196 = tpu.matmul %div3A_192, %mul3A_194, %dot_general3A_195 {dimension_numbers = #tpu.dot_dimension_numbers<[1], [0], [0], [1], [0, 0, 1, 1], [], []>, transpose_lhs_hint = false} : vector<64x64xf32>, vector<64x128xf32>, vector<64x128xf32> -> vector<64x128xf32>
    %add3A_197 = arith.addf %add3A_169, %dot_general3A_196 : vector<64x128xf32>
    %eq3A_198 = arith.constant 5 : i32
    %eq3A_199 = vector.broadcast %eq3A_198 : i32 to vector<1x128xi32>
    %eq3A_200 = arith.cmpi eq, %select_n3A, %eq3A_199 : vector<1x128xi32>
    %convert_element_type3A_201 = arith.extui %eq3A_200 : vector<1x128xi1> to vector<1x128xi32>
    %convert_element_type3A_202 = arith.sitofp %convert_element_type3A_201 : vector<1x128xi32> to vector<1x128xf32>
    %mul3A_203 = vector.broadcast %convert_element_type3A_202 : vector<1x128xf32> to vector<64x128xf32>
    %mul3A_204 = arith.mulf %add3A_17, %mul3A_203 : vector<64x128xf32>
    %dot_general3A_205 = arith.constant dense<0.000000e+00> : vector<64x64xf32>
    %dot_general3A_206 = tpu.matmul %mul3A_204, %add3A_27, %dot_general3A_205 {dimension_numbers = #tpu.dot_dimension_numbers<[1], [1], [0], [0], [0, 0, 1, 0], [], []>, transpose_lhs_hint = false} : vector<64x128xf32>, vector<64x128xf32>, vector<64x64xf32> -> vector<64x64xf32>
    %mul3A_207 = arith.constant 0.353553385 : f32
    %mul3A_208 = vector.broadcast %mul3A_207 : f32 to vector<64x64xf32>
    %mul3A_209 = arith.mulf %dot_general3A_206, %mul3A_208 : vector<64x64xf32>
    %reduce_max3A_210 = arith.constant dense<0xFF800000> : vector<64xf32>
    %reduce_max3A_211 = vector.multi_reduction <maximumf>, %mul3A_209, %reduce_max3A_210 [1] : vector<64x64xf32> to vector<64xf32>
    %broadcast_in_dim3A_212 = vector.shape_cast %reduce_max3A_211 : vector<64xf32> to vector<64x1xf32>
    %sub3A_213 = vector.broadcast %broadcast_in_dim3A_212 : vector<64x1xf32> to vector<64x64xf32>
    %sub3A_214 = arith.subf %mul3A_209, %sub3A_213 : vector<64x64xf32>
    %exp3A_215 = math.exp %sub3A_214 : vector<64x64xf32>
    %reduce_sum3A_216 = arith.constant dense<0.000000e+00> : vector<64xf32>
    %reduce_sum3A_217 = vector.multi_reduction <add>, %exp3A_215, %reduce_sum3A_216 [1] : vector<64x64xf32> to vector<64xf32>
    %broadcast_in_dim3A_218 = vector.shape_cast %reduce_sum3A_217 : vector<64xf32> to vector<64x1xf32>
    %div3A_219 = vector.broadcast %broadcast_in_dim3A_218 : vector<64x1xf32> to vector<64x64xf32>
    %div3A_220 = arith.divf %exp3A_215, %div3A_219 : vector<64x64xf32>
    %mul3A_221 = vector.broadcast %convert_element_type3A_202 : vector<1x128xf32> to vector<64x128xf32>
    %mul3A_222 = arith.mulf %add3A_37, %mul3A_221 : vector<64x128xf32>
    %dot_general3A_223 = arith.constant dense<0.000000e+00> : vector<64x128xf32>
    %dot_general3A_224 = tpu.matmul %div3A_220, %mul3A_222, %dot_general3A_223 {dimension_numbers = #tpu.dot_dimension_numbers<[1], [0], [0], [1], [0, 0, 1, 1], [], []>, transpose_lhs_hint = false} : vector<64x64xf32>, vector<64x128xf32>, vector<64x128xf32> -> vector<64x128xf32>
    %add3A_225 = arith.addf %add3A_197, %dot_general3A_224 : vector<64x128xf32>
    %eq3A_226 = arith.constant 6 : i32
    %eq3A_227 = vector.broadcast %eq3A_226 : i32 to vector<1x128xi32>
    %eq3A_228 = arith.cmpi eq, %select_n3A, %eq3A_227 : vector<1x128xi32>
    %convert_element_type3A_229 = arith.extui %eq3A_228 : vector<1x128xi1> to vector<1x128xi32>
    %convert_element_type3A_230 = arith.sitofp %convert_element_type3A_229 : vector<1x128xi32> to vector<1x128xf32>
    %mul3A_231 = vector.broadcast %convert_element_type3A_230 : vector<1x128xf32> to vector<64x128xf32>
    %mul3A_232 = arith.mulf %add3A_17, %mul3A_231 : vector<64x128xf32>
    %dot_general3A_233 = arith.constant dense<0.000000e+00> : vector<64x64xf32>
    %dot_general3A_234 = tpu.matmul %mul3A_232, %add3A_27, %dot_general3A_233 {dimension_numbers = #tpu.dot_dimension_numbers<[1], [1], [0], [0], [0, 0, 1, 0], [], []>, transpose_lhs_hint = false} : vector<64x128xf32>, vector<64x128xf32>, vector<64x64xf32> -> vector<64x64xf32>
    %mul3A_235 = arith.constant 0.353553385 : f32
    %mul3A_236 = vector.broadcast %mul3A_235 : f32 to vector<64x64xf32>
    %mul3A_237 = arith.mulf %dot_general3A_234, %mul3A_236 : vector<64x64xf32>
    %reduce_max3A_238 = arith.constant dense<0xFF800000> : vector<64xf32>
    %reduce_max3A_239 = vector.multi_reduction <maximumf>, %mul3A_237, %reduce_max3A_238 [1] : vector<64x64xf32> to vector<64xf32>
    %broadcast_in_dim3A_240 = vector.shape_cast %reduce_max3A_239 : vector<64xf32> to vector<64x1xf32>
    %sub3A_241 = vector.broadcast %broadcast_in_dim3A_240 : vector<64x1xf32> to vector<64x64xf32>
    %sub3A_242 = arith.subf %mul3A_237, %sub3A_241 : vector<64x64xf32>
    %exp3A_243 = math.exp %sub3A_242 : vector<64x64xf32>
    %reduce_sum3A_244 = arith.constant dense<0.000000e+00> : vector<64xf32>
    %reduce_sum3A_245 = vector.multi_reduction <add>, %exp3A_243, %reduce_sum3A_244 [1] : vector<64x64xf32> to vector<64xf32>
    %broadcast_in_dim3A_246 = vector.shape_cast %reduce_sum3A_245 : vector<64xf32> to vector<64x1xf32>
    %div3A_247 = vector.broadcast %broadcast_in_dim3A_246 : vector<64x1xf32> to vector<64x64xf32>
    %div3A_248 = arith.divf %exp3A_243, %div3A_247 : vector<64x64xf32>
    %mul3A_249 = vector.broadcast %convert_element_type3A_230 : vector<1x128xf32> to vector<64x128xf32>
    %mul3A_250 = arith.mulf %add3A_37, %mul3A_249 : vector<64x128xf32>
    %dot_general3A_251 = arith.constant dense<0.000000e+00> : vector<64x128xf32>
    %dot_general3A_252 = tpu.matmul %div3A_248, %mul3A_250, %dot_general3A_251 {dimension_numbers = #tpu.dot_dimension_numbers<[1], [0], [0], [1], [0, 0, 1, 1], [], []>, transpose_lhs_hint = false} : vector<64x64xf32>, vector<64x128xf32>, vector<64x128xf32> -> vector<64x128xf32>
    %add3A_253 = arith.addf %add3A_225, %dot_general3A_252 : vector<64x128xf32>
    %eq3A_254 = arith.constant 7 : i32
    %eq3A_255 = vector.broadcast %eq3A_254 : i32 to vector<1x128xi32>
    %eq3A_256 = arith.cmpi eq, %select_n3A, %eq3A_255 : vector<1x128xi32>
    %convert_element_type3A_257 = arith.extui %eq3A_256 : vector<1x128xi1> to vector<1x128xi32>
    %convert_element_type3A_258 = arith.sitofp %convert_element_type3A_257 : vector<1x128xi32> to vector<1x128xf32>
    %mul3A_259 = vector.broadcast %convert_element_type3A_258 : vector<1x128xf32> to vector<64x128xf32>
    %mul3A_260 = arith.mulf %add3A_17, %mul3A_259 : vector<64x128xf32>
    %dot_general3A_261 = arith.constant dense<0.000000e+00> : vector<64x64xf32>
    %dot_general3A_262 = tpu.matmul %mul3A_260, %add3A_27, %dot_general3A_261 {dimension_numbers = #tpu.dot_dimension_numbers<[1], [1], [0], [0], [0, 0, 1, 0], [], []>, transpose_lhs_hint = false} : vector<64x128xf32>, vector<64x128xf32>, vector<64x64xf32> -> vector<64x64xf32>
    %mul3A_263 = arith.constant 0.353553385 : f32
    %mul3A_264 = vector.broadcast %mul3A_263 : f32 to vector<64x64xf32>
    %mul3A_265 = arith.mulf %dot_general3A_262, %mul3A_264 : vector<64x64xf32>
    %reduce_max3A_266 = arith.constant dense<0xFF800000> : vector<64xf32>
    %reduce_max3A_267 = vector.multi_reduction <maximumf>, %mul3A_265, %reduce_max3A_266 [1] : vector<64x64xf32> to vector<64xf32>
    %broadcast_in_dim3A_268 = vector.shape_cast %reduce_max3A_267 : vector<64xf32> to vector<64x1xf32>
    %sub3A_269 = vector.broadcast %broadcast_in_dim3A_268 : vector<64x1xf32> to vector<64x64xf32>
    %sub3A_270 = arith.subf %mul3A_265, %sub3A_269 : vector<64x64xf32>
    %exp3A_271 = math.exp %sub3A_270 : vector<64x64xf32>
    %reduce_sum3A_272 = arith.constant dense<0.000000e+00> : vector<64xf32>
    %reduce_sum3A_273 = vector.multi_reduction <add>, %exp3A_271, %reduce_sum3A_272 [1] : vector<64x64xf32> to vector<64xf32>
    %broadcast_in_dim3A_274 = vector.shape_cast %reduce_sum3A_273 : vector<64xf32> to vector<64x1xf32>
    %div3A_275 = vector.broadcast %broadcast_in_dim3A_274 : vector<64x1xf32> to vector<64x64xf32>
    %div3A_276 = arith.divf %exp3A_271, %div3A_275 : vector<64x64xf32>
    %mul3A_277 = vector.broadcast %convert_element_type3A_258 : vector<1x128xf32> to vector<64x128xf32>
    %mul3A_278 = arith.mulf %add3A_37, %mul3A_277 : vector<64x128xf32>
    %dot_general3A_279 = arith.constant dense<0.000000e+00> : vector<64x128xf32>
    %dot_general3A_280 = tpu.matmul %div3A_276, %mul3A_278, %dot_general3A_279 {dimension_numbers = #tpu.dot_dimension_numbers<[1], [0], [0], [1], [0, 0, 1, 1], [], []>, transpose_lhs_hint = false} : vector<64x64xf32>, vector<64x128xf32>, vector<64x128xf32> -> vector<64x128xf32>
    %add3A_281 = arith.addf %add3A_253, %dot_general3A_280 : vector<64x128xf32>
    %eq3A_282 = arith.constant 8 : i32
    %eq3A_283 = vector.broadcast %eq3A_282 : i32 to vector<1x128xi32>
    %eq3A_284 = arith.cmpi eq, %select_n3A, %eq3A_283 : vector<1x128xi32>
    %convert_element_type3A_285 = arith.extui %eq3A_284 : vector<1x128xi1> to vector<1x128xi32>
    %convert_element_type3A_286 = arith.sitofp %convert_element_type3A_285 : vector<1x128xi32> to vector<1x128xf32>
    %mul3A_287 = vector.broadcast %convert_element_type3A_286 : vector<1x128xf32> to vector<64x128xf32>
    %mul3A_288 = arith.mulf %add3A_17, %mul3A_287 : vector<64x128xf32>
    %dot_general3A_289 = arith.constant dense<0.000000e+00> : vector<64x64xf32>
    %dot_general3A_290 = tpu.matmul %mul3A_288, %add3A_27, %dot_general3A_289 {dimension_numbers = #tpu.dot_dimension_numbers<[1], [1], [0], [0], [0, 0, 1, 0], [], []>, transpose_lhs_hint = false} : vector<64x128xf32>, vector<64x128xf32>, vector<64x64xf32> -> vector<64x64xf32>
    %mul3A_291 = arith.constant 0.353553385 : f32
    %mul3A_292 = vector.broadcast %mul3A_291 : f32 to vector<64x64xf32>
    %mul3A_293 = arith.mulf %dot_general3A_290, %mul3A_292 : vector<64x64xf32>
    %reduce_max3A_294 = arith.constant dense<0xFF800000> : vector<64xf32>
    %reduce_max3A_295 = vector.multi_reduction <maximumf>, %mul3A_293, %reduce_max3A_294 [1] : vector<64x64xf32> to vector<64xf32>
    %broadcast_in_dim3A_296 = vector.shape_cast %reduce_max3A_295 : vector<64xf32> to vector<64x1xf32>
    %sub3A_297 = vector.broadcast %broadcast_in_dim3A_296 : vector<64x1xf32> to vector<64x64xf32>
    %sub3A_298 = arith.subf %mul3A_293, %sub3A_297 : vector<64x64xf32>
    %exp3A_299 = math.exp %sub3A_298 : vector<64x64xf32>
    %reduce_sum3A_300 = arith.constant dense<0.000000e+00> : vector<64xf32>
    %reduce_sum3A_301 = vector.multi_reduction <add>, %exp3A_299, %reduce_sum3A_300 [1] : vector<64x64xf32> to vector<64xf32>
    %broadcast_in_dim3A_302 = vector.shape_cast %reduce_sum3A_301 : vector<64xf32> to vector<64x1xf32>
    %div3A_303 = vector.broadcast %broadcast_in_dim3A_302 : vector<64x1xf32> to vector<64x64xf32>
    %div3A_304 = arith.divf %exp3A_299, %div3A_303 : vector<64x64xf32>
    %mul3A_305 = vector.broadcast %convert_element_type3A_286 : vector<1x128xf32> to vector<64x128xf32>
    %mul3A_306 = arith.mulf %add3A_37, %mul3A_305 : vector<64x128xf32>
    %dot_general3A_307 = arith.constant dense<0.000000e+00> : vector<64x128xf32>
    %dot_general3A_308 = tpu.matmul %div3A_304, %mul3A_306, %dot_general3A_307 {dimension_numbers = #tpu.dot_dimension_numbers<[1], [0], [0], [1], [0, 0, 1, 1], [], []>, transpose_lhs_hint = false} : vector<64x64xf32>, vector<64x128xf32>, vector<64x128xf32> -> vector<64x128xf32>
    %add3A_309 = arith.addf %add3A_281, %dot_general3A_308 : vector<64x128xf32>
    %eq3A_310 = arith.constant 9 : i32
    %eq3A_311 = vector.broadcast %eq3A_310 : i32 to vector<1x128xi32>
    %eq3A_312 = arith.cmpi eq, %select_n3A, %eq3A_311 : vector<1x128xi32>
    %convert_element_type3A_313 = arith.extui %eq3A_312 : vector<1x128xi1> to vector<1x128xi32>
    %convert_element_type3A_314 = arith.sitofp %convert_element_type3A_313 : vector<1x128xi32> to vector<1x128xf32>
    %mul3A_315 = vector.broadcast %convert_element_type3A_314 : vector<1x128xf32> to vector<64x128xf32>
    %mul3A_316 = arith.mulf %add3A_17, %mul3A_315 : vector<64x128xf32>
    %dot_general3A_317 = arith.constant dense<0.000000e+00> : vector<64x64xf32>
    %dot_general3A_318 = tpu.matmul %mul3A_316, %add3A_27, %dot_general3A_317 {dimension_numbers = #tpu.dot_dimension_numbers<[1], [1], [0], [0], [0, 0, 1, 0], [], []>, transpose_lhs_hint = false} : vector<64x128xf32>, vector<64x128xf32>, vector<64x64xf32> -> vector<64x64xf32>
    %mul3A_319 = arith.constant 0.353553385 : f32
    %mul3A_320 = vector.broadcast %mul3A_319 : f32 to vector<64x64xf32>
    %mul3A_321 = arith.mulf %dot_general3A_318, %mul3A_320 : vector<64x64xf32>
    %reduce_max3A_322 = arith.constant dense<0xFF800000> : vector<64xf32>
    %reduce_max3A_323 = vector.multi_reduction <maximumf>, %mul3A_321, %reduce_max3A_322 [1] : vector<64x64xf32> to vector<64xf32>
    %broadcast_in_dim3A_324 = vector.shape_cast %reduce_max3A_323 : vector<64xf32> to vector<64x1xf32>
    %sub3A_325 = vector.broadcast %broadcast_in_dim3A_324 : vector<64x1xf32> to vector<64x64xf32>
    %sub3A_326 = arith.subf %mul3A_321, %sub3A_325 : vector<64x64xf32>
    %exp3A_327 = math.exp %sub3A_326 : vector<64x64xf32>
    %reduce_sum3A_328 = arith.constant dense<0.000000e+00> : vector<64xf32>
    %reduce_sum3A_329 = vector.multi_reduction <add>, %exp3A_327, %reduce_sum3A_328 [1] : vector<64x64xf32> to vector<64xf32>
    %broadcast_in_dim3A_330 = vector.shape_cast %reduce_sum3A_329 : vector<64xf32> to vector<64x1xf32>
    %div3A_331 = vector.broadcast %broadcast_in_dim3A_330 : vector<64x1xf32> to vector<64x64xf32>
    %div3A_332 = arith.divf %exp3A_327, %div3A_331 : vector<64x64xf32>
    %mul3A_333 = vector.broadcast %convert_element_type3A_314 : vector<1x128xf32> to vector<64x128xf32>
    %mul3A_334 = arith.mulf %add3A_37, %mul3A_333 : vector<64x128xf32>
    %dot_general3A_335 = arith.constant dense<0.000000e+00> : vector<64x128xf32>
    %dot_general3A_336 = tpu.matmul %div3A_332, %mul3A_334, %dot_general3A_335 {dimension_numbers = #tpu.dot_dimension_numbers<[1], [0], [0], [1], [0, 0, 1, 1], [], []>, transpose_lhs_hint = false} : vector<64x64xf32>, vector<64x128xf32>, vector<64x128xf32> -> vector<64x128xf32>
    %add3A_337 = arith.addf %add3A_309, %dot_general3A_336 : vector<64x128xf32>
    %eq3A_338 = arith.constant 10 : i32
    %eq3A_339 = vector.broadcast %eq3A_338 : i32 to vector<1x128xi32>
    %eq3A_340 = arith.cmpi eq, %select_n3A, %eq3A_339 : vector<1x128xi32>
    %convert_element_type3A_341 = arith.extui %eq3A_340 : vector<1x128xi1> to vector<1x128xi32>
    %convert_element_type3A_342 = arith.sitofp %convert_element_type3A_341 : vector<1x128xi32> to vector<1x128xf32>
    %mul3A_343 = vector.broadcast %convert_element_type3A_342 : vector<1x128xf32> to vector<64x128xf32>
    %mul3A_344 = arith.mulf %add3A_17, %mul3A_343 : vector<64x128xf32>
    %dot_general3A_345 = arith.constant dense<0.000000e+00> : vector<64x64xf32>
    %dot_general3A_346 = tpu.matmul %mul3A_344, %add3A_27, %dot_general3A_345 {dimension_numbers = #tpu.dot_dimension_numbers<[1], [1], [0], [0], [0, 0, 1, 0], [], []>, transpose_lhs_hint = false} : vector<64x128xf32>, vector<64x128xf32>, vector<64x64xf32> -> vector<64x64xf32>
    %mul3A_347 = arith.constant 0.353553385 : f32
    %mul3A_348 = vector.broadcast %mul3A_347 : f32 to vector<64x64xf32>
    %mul3A_349 = arith.mulf %dot_general3A_346, %mul3A_348 : vector<64x64xf32>
    %reduce_max3A_350 = arith.constant dense<0xFF800000> : vector<64xf32>
    %reduce_max3A_351 = vector.multi_reduction <maximumf>, %mul3A_349, %reduce_max3A_350 [1] : vector<64x64xf32> to vector<64xf32>
    %broadcast_in_dim3A_352 = vector.shape_cast %reduce_max3A_351 : vector<64xf32> to vector<64x1xf32>
    %sub3A_353 = vector.broadcast %broadcast_in_dim3A_352 : vector<64x1xf32> to vector<64x64xf32>
    %sub3A_354 = arith.subf %mul3A_349, %sub3A_353 : vector<64x64xf32>
    %exp3A_355 = math.exp %sub3A_354 : vector<64x64xf32>
    %reduce_sum3A_356 = arith.constant dense<0.000000e+00> : vector<64xf32>
    %reduce_sum3A_357 = vector.multi_reduction <add>, %exp3A_355, %reduce_sum3A_356 [1] : vector<64x64xf32> to vector<64xf32>
    %broadcast_in_dim3A_358 = vector.shape_cast %reduce_sum3A_357 : vector<64xf32> to vector<64x1xf32>
    %div3A_359 = vector.broadcast %broadcast_in_dim3A_358 : vector<64x1xf32> to vector<64x64xf32>
    %div3A_360 = arith.divf %exp3A_355, %div3A_359 : vector<64x64xf32>
    %mul3A_361 = vector.broadcast %convert_element_type3A_342 : vector<1x128xf32> to vector<64x128xf32>
    %mul3A_362 = arith.mulf %add3A_37, %mul3A_361 : vector<64x128xf32>
    %dot_general3A_363 = arith.constant dense<0.000000e+00> : vector<64x128xf32>
    %dot_general3A_364 = tpu.matmul %div3A_360, %mul3A_362, %dot_general3A_363 {dimension_numbers = #tpu.dot_dimension_numbers<[1], [0], [0], [1], [0, 0, 1, 1], [], []>, transpose_lhs_hint = false} : vector<64x64xf32>, vector<64x128xf32>, vector<64x128xf32> -> vector<64x128xf32>
    %add3A_365 = arith.addf %add3A_337, %dot_general3A_364 : vector<64x128xf32>
    %eq3A_366 = arith.constant 11 : i32
    %eq3A_367 = vector.broadcast %eq3A_366 : i32 to vector<1x128xi32>
    %eq3A_368 = arith.cmpi eq, %select_n3A, %eq3A_367 : vector<1x128xi32>
    %convert_element_type3A_369 = arith.extui %eq3A_368 : vector<1x128xi1> to vector<1x128xi32>
    %convert_element_type3A_370 = arith.sitofp %convert_element_type3A_369 : vector<1x128xi32> to vector<1x128xf32>
    %mul3A_371 = vector.broadcast %convert_element_type3A_370 : vector<1x128xf32> to vector<64x128xf32>
    %mul3A_372 = arith.mulf %add3A_17, %mul3A_371 : vector<64x128xf32>
    %dot_general3A_373 = arith.constant dense<0.000000e+00> : vector<64x64xf32>
    %dot_general3A_374 = tpu.matmul %mul3A_372, %add3A_27, %dot_general3A_373 {dimension_numbers = #tpu.dot_dimension_numbers<[1], [1], [0], [0], [0, 0, 1, 0], [], []>, transpose_lhs_hint = false} : vector<64x128xf32>, vector<64x128xf32>, vector<64x64xf32> -> vector<64x64xf32>
    %mul3A_375 = arith.constant 0.353553385 : f32
    %mul3A_376 = vector.broadcast %mul3A_375 : f32 to vector<64x64xf32>
    %mul3A_377 = arith.mulf %dot_general3A_374, %mul3A_376 : vector<64x64xf32>
    %reduce_max3A_378 = arith.constant dense<0xFF800000> : vector<64xf32>
    %reduce_max3A_379 = vector.multi_reduction <maximumf>, %mul3A_377, %reduce_max3A_378 [1] : vector<64x64xf32> to vector<64xf32>
    %broadcast_in_dim3A_380 = vector.shape_cast %reduce_max3A_379 : vector<64xf32> to vector<64x1xf32>
    %sub3A_381 = vector.broadcast %broadcast_in_dim3A_380 : vector<64x1xf32> to vector<64x64xf32>
    %sub3A_382 = arith.subf %mul3A_377, %sub3A_381 : vector<64x64xf32>
    %exp3A_383 = math.exp %sub3A_382 : vector<64x64xf32>
    %reduce_sum3A_384 = arith.constant dense<0.000000e+00> : vector<64xf32>
    %reduce_sum3A_385 = vector.multi_reduction <add>, %exp3A_383, %reduce_sum3A_384 [1] : vector<64x64xf32> to vector<64xf32>
    %broadcast_in_dim3A_386 = vector.shape_cast %reduce_sum3A_385 : vector<64xf32> to vector<64x1xf32>
    %div3A_387 = vector.broadcast %broadcast_in_dim3A_386 : vector<64x1xf32> to vector<64x64xf32>
    %div3A_388 = arith.divf %exp3A_383, %div3A_387 : vector<64x64xf32>
    %mul3A_389 = vector.broadcast %convert_element_type3A_370 : vector<1x128xf32> to vector<64x128xf32>
    %mul3A_390 = arith.mulf %add3A_37, %mul3A_389 : vector<64x128xf32>
    %dot_general3A_391 = arith.constant dense<0.000000e+00> : vector<64x128xf32>
    %dot_general3A_392 = tpu.matmul %div3A_388, %mul3A_390, %dot_general3A_391 {dimension_numbers = #tpu.dot_dimension_numbers<[1], [0], [0], [1], [0, 0, 1, 1], [], []>, transpose_lhs_hint = false} : vector<64x64xf32>, vector<64x128xf32>, vector<64x128xf32> -> vector<64x128xf32>
    %add3A_393 = arith.addf %add3A_365, %dot_general3A_392 : vector<64x128xf32>
    %eq3A_394 = arith.constant 12 : i32
    %eq3A_395 = vector.broadcast %eq3A_394 : i32 to vector<1x128xi32>
    %eq3A_396 = arith.cmpi eq, %select_n3A, %eq3A_395 : vector<1x128xi32>
    %convert_element_type3A_397 = arith.extui %eq3A_396 : vector<1x128xi1> to vector<1x128xi32>
    %convert_element_type3A_398 = arith.sitofp %convert_element_type3A_397 : vector<1x128xi32> to vector<1x128xf32>
    %mul3A_399 = vector.broadcast %convert_element_type3A_398 : vector<1x128xf32> to vector<64x128xf32>
    %mul3A_400 = arith.mulf %add3A_17, %mul3A_399 : vector<64x128xf32>
    %dot_general3A_401 = arith.constant dense<0.000000e+00> : vector<64x64xf32>
    %dot_general3A_402 = tpu.matmul %mul3A_400, %add3A_27, %dot_general3A_401 {dimension_numbers = #tpu.dot_dimension_numbers<[1], [1], [0], [0], [0, 0, 1, 0], [], []>, transpose_lhs_hint = false} : vector<64x128xf32>, vector<64x128xf32>, vector<64x64xf32> -> vector<64x64xf32>
    %mul3A_403 = arith.constant 0.353553385 : f32
    %mul3A_404 = vector.broadcast %mul3A_403 : f32 to vector<64x64xf32>
    %mul3A_405 = arith.mulf %dot_general3A_402, %mul3A_404 : vector<64x64xf32>
    %reduce_max3A_406 = arith.constant dense<0xFF800000> : vector<64xf32>
    %reduce_max3A_407 = vector.multi_reduction <maximumf>, %mul3A_405, %reduce_max3A_406 [1] : vector<64x64xf32> to vector<64xf32>
    %broadcast_in_dim3A_408 = vector.shape_cast %reduce_max3A_407 : vector<64xf32> to vector<64x1xf32>
    %sub3A_409 = vector.broadcast %broadcast_in_dim3A_408 : vector<64x1xf32> to vector<64x64xf32>
    %sub3A_410 = arith.subf %mul3A_405, %sub3A_409 : vector<64x64xf32>
    %exp3A_411 = math.exp %sub3A_410 : vector<64x64xf32>
    %reduce_sum3A_412 = arith.constant dense<0.000000e+00> : vector<64xf32>
    %reduce_sum3A_413 = vector.multi_reduction <add>, %exp3A_411, %reduce_sum3A_412 [1] : vector<64x64xf32> to vector<64xf32>
    %broadcast_in_dim3A_414 = vector.shape_cast %reduce_sum3A_413 : vector<64xf32> to vector<64x1xf32>
    %div3A_415 = vector.broadcast %broadcast_in_dim3A_414 : vector<64x1xf32> to vector<64x64xf32>
    %div3A_416 = arith.divf %exp3A_411, %div3A_415 : vector<64x64xf32>
    %mul3A_417 = vector.broadcast %convert_element_type3A_398 : vector<1x128xf32> to vector<64x128xf32>
    %mul3A_418 = arith.mulf %add3A_37, %mul3A_417 : vector<64x128xf32>
    %dot_general3A_419 = arith.constant dense<0.000000e+00> : vector<64x128xf32>
    %dot_general3A_420 = tpu.matmul %div3A_416, %mul3A_418, %dot_general3A_419 {dimension_numbers = #tpu.dot_dimension_numbers<[1], [0], [0], [1], [0, 0, 1, 1], [], []>, transpose_lhs_hint = false} : vector<64x64xf32>, vector<64x128xf32>, vector<64x128xf32> -> vector<64x128xf32>
    %add3A_421 = arith.addf %add3A_393, %dot_general3A_420 : vector<64x128xf32>
    %eq3A_422 = arith.constant 13 : i32
    %eq3A_423 = vector.broadcast %eq3A_422 : i32 to vector<1x128xi32>
    %eq3A_424 = arith.cmpi eq, %select_n3A, %eq3A_423 : vector<1x128xi32>
    %convert_element_type3A_425 = arith.extui %eq3A_424 : vector<1x128xi1> to vector<1x128xi32>
    %convert_element_type3A_426 = arith.sitofp %convert_element_type3A_425 : vector<1x128xi32> to vector<1x128xf32>
    %mul3A_427 = vector.broadcast %convert_element_type3A_426 : vector<1x128xf32> to vector<64x128xf32>
    %mul3A_428 = arith.mulf %add3A_17, %mul3A_427 : vector<64x128xf32>
    %dot_general3A_429 = arith.constant dense<0.000000e+00> : vector<64x64xf32>
    %dot_general3A_430 = tpu.matmul %mul3A_428, %add3A_27, %dot_general3A_429 {dimension_numbers = #tpu.dot_dimension_numbers<[1], [1], [0], [0], [0, 0, 1, 0], [], []>, transpose_lhs_hint = false} : vector<64x128xf32>, vector<64x128xf32>, vector<64x64xf32> -> vector<64x64xf32>
    %mul3A_431 = arith.constant 0.353553385 : f32
    %mul3A_432 = vector.broadcast %mul3A_431 : f32 to vector<64x64xf32>
    %mul3A_433 = arith.mulf %dot_general3A_430, %mul3A_432 : vector<64x64xf32>
    %reduce_max3A_434 = arith.constant dense<0xFF800000> : vector<64xf32>
    %reduce_max3A_435 = vector.multi_reduction <maximumf>, %mul3A_433, %reduce_max3A_434 [1] : vector<64x64xf32> to vector<64xf32>
    %broadcast_in_dim3A_436 = vector.shape_cast %reduce_max3A_435 : vector<64xf32> to vector<64x1xf32>
    %sub3A_437 = vector.broadcast %broadcast_in_dim3A_436 : vector<64x1xf32> to vector<64x64xf32>
    %sub3A_438 = arith.subf %mul3A_433, %sub3A_437 : vector<64x64xf32>
    %exp3A_439 = math.exp %sub3A_438 : vector<64x64xf32>
    %reduce_sum3A_440 = arith.constant dense<0.000000e+00> : vector<64xf32>
    %reduce_sum3A_441 = vector.multi_reduction <add>, %exp3A_439, %reduce_sum3A_440 [1] : vector<64x64xf32> to vector<64xf32>
    %broadcast_in_dim3A_442 = vector.shape_cast %reduce_sum3A_441 : vector<64xf32> to vector<64x1xf32>
    %div3A_443 = vector.broadcast %broadcast_in_dim3A_442 : vector<64x1xf32> to vector<64x64xf32>
    %div3A_444 = arith.divf %exp3A_439, %div3A_443 : vector<64x64xf32>
    %mul3A_445 = vector.broadcast %convert_element_type3A_426 : vector<1x128xf32> to vector<64x128xf32>
    %mul3A_446 = arith.mulf %add3A_37, %mul3A_445 : vector<64x128xf32>
    %dot_general3A_447 = arith.constant dense<0.000000e+00> : vector<64x128xf32>
    %dot_general3A_448 = tpu.matmul %div3A_444, %mul3A_446, %dot_general3A_447 {dimension_numbers = #tpu.dot_dimension_numbers<[1], [0], [0], [1], [0, 0, 1, 1], [], []>, transpose_lhs_hint = false} : vector<64x64xf32>, vector<64x128xf32>, vector<64x128xf32> -> vector<64x128xf32>
    %add3A_449 = arith.addf %add3A_421, %dot_general3A_448 : vector<64x128xf32>
    %eq3A_450 = arith.constant 14 : i32
    %eq3A_451 = vector.broadcast %eq3A_450 : i32 to vector<1x128xi32>
    %eq3A_452 = arith.cmpi eq, %select_n3A, %eq3A_451 : vector<1x128xi32>
    %convert_element_type3A_453 = arith.extui %eq3A_452 : vector<1x128xi1> to vector<1x128xi32>
    %convert_element_type3A_454 = arith.sitofp %convert_element_type3A_453 : vector<1x128xi32> to vector<1x128xf32>
    %mul3A_455 = vector.broadcast %convert_element_type3A_454 : vector<1x128xf32> to vector<64x128xf32>
    %mul3A_456 = arith.mulf %add3A_17, %mul3A_455 : vector<64x128xf32>
    %dot_general3A_457 = arith.constant dense<0.000000e+00> : vector<64x64xf32>
    %dot_general3A_458 = tpu.matmul %mul3A_456, %add3A_27, %dot_general3A_457 {dimension_numbers = #tpu.dot_dimension_numbers<[1], [1], [0], [0], [0, 0, 1, 0], [], []>, transpose_lhs_hint = false} : vector<64x128xf32>, vector<64x128xf32>, vector<64x64xf32> -> vector<64x64xf32>
    %mul3A_459 = arith.constant 0.353553385 : f32
    %mul3A_460 = vector.broadcast %mul3A_459 : f32 to vector<64x64xf32>
    %mul3A_461 = arith.mulf %dot_general3A_458, %mul3A_460 : vector<64x64xf32>
    %reduce_max3A_462 = arith.constant dense<0xFF800000> : vector<64xf32>
    %reduce_max3A_463 = vector.multi_reduction <maximumf>, %mul3A_461, %reduce_max3A_462 [1] : vector<64x64xf32> to vector<64xf32>
    %broadcast_in_dim3A_464 = vector.shape_cast %reduce_max3A_463 : vector<64xf32> to vector<64x1xf32>
    %sub3A_465 = vector.broadcast %broadcast_in_dim3A_464 : vector<64x1xf32> to vector<64x64xf32>
    %sub3A_466 = arith.subf %mul3A_461, %sub3A_465 : vector<64x64xf32>
    %exp3A_467 = math.exp %sub3A_466 : vector<64x64xf32>
    %reduce_sum3A_468 = arith.constant dense<0.000000e+00> : vector<64xf32>
    %reduce_sum3A_469 = vector.multi_reduction <add>, %exp3A_467, %reduce_sum3A_468 [1] : vector<64x64xf32> to vector<64xf32>
    %broadcast_in_dim3A_470 = vector.shape_cast %reduce_sum3A_469 : vector<64xf32> to vector<64x1xf32>
    %div3A_471 = vector.broadcast %broadcast_in_dim3A_470 : vector<64x1xf32> to vector<64x64xf32>
    %div3A_472 = arith.divf %exp3A_467, %div3A_471 : vector<64x64xf32>
    %mul3A_473 = vector.broadcast %convert_element_type3A_454 : vector<1x128xf32> to vector<64x128xf32>
    %mul3A_474 = arith.mulf %add3A_37, %mul3A_473 : vector<64x128xf32>
    %dot_general3A_475 = arith.constant dense<0.000000e+00> : vector<64x128xf32>
    %dot_general3A_476 = tpu.matmul %div3A_472, %mul3A_474, %dot_general3A_475 {dimension_numbers = #tpu.dot_dimension_numbers<[1], [0], [0], [1], [0, 0, 1, 1], [], []>, transpose_lhs_hint = false} : vector<64x64xf32>, vector<64x128xf32>, vector<64x128xf32> -> vector<64x128xf32>
    %add3A_477 = arith.addf %add3A_449, %dot_general3A_476 : vector<64x128xf32>
    %eq3A_478 = arith.constant 15 : i32
    %eq3A_479 = vector.broadcast %eq3A_478 : i32 to vector<1x128xi32>
    %eq3A_480 = arith.cmpi eq, %select_n3A, %eq3A_479 : vector<1x128xi32>
    %convert_element_type3A_481 = arith.extui %eq3A_480 : vector<1x128xi1> to vector<1x128xi32>
    %convert_element_type3A_482 = arith.sitofp %convert_element_type3A_481 : vector<1x128xi32> to vector<1x128xf32>
    %mul3A_483 = vector.broadcast %convert_element_type3A_482 : vector<1x128xf32> to vector<64x128xf32>
    %mul3A_484 = arith.mulf %add3A_17, %mul3A_483 : vector<64x128xf32>
    %dot_general3A_485 = arith.constant dense<0.000000e+00> : vector<64x64xf32>
    %dot_general3A_486 = tpu.matmul %mul3A_484, %add3A_27, %dot_general3A_485 {dimension_numbers = #tpu.dot_dimension_numbers<[1], [1], [0], [0], [0, 0, 1, 0], [], []>, transpose_lhs_hint = false} : vector<64x128xf32>, vector<64x128xf32>, vector<64x64xf32> -> vector<64x64xf32>
    %mul3A_487 = arith.constant 0.353553385 : f32
    %mul3A_488 = vector.broadcast %mul3A_487 : f32 to vector<64x64xf32>
    %mul3A_489 = arith.mulf %dot_general3A_486, %mul3A_488 : vector<64x64xf32>
    %reduce_max3A_490 = arith.constant dense<0xFF800000> : vector<64xf32>
    %reduce_max3A_491 = vector.multi_reduction <maximumf>, %mul3A_489, %reduce_max3A_490 [1] : vector<64x64xf32> to vector<64xf32>
    %broadcast_in_dim3A_492 = vector.shape_cast %reduce_max3A_491 : vector<64xf32> to vector<64x1xf32>
    %sub3A_493 = vector.broadcast %broadcast_in_dim3A_492 : vector<64x1xf32> to vector<64x64xf32>
    %sub3A_494 = arith.subf %mul3A_489, %sub3A_493 : vector<64x64xf32>
    %exp3A_495 = math.exp %sub3A_494 : vector<64x64xf32>
    %reduce_sum3A_496 = arith.constant dense<0.000000e+00> : vector<64xf32>
    %reduce_sum3A_497 = vector.multi_reduction <add>, %exp3A_495, %reduce_sum3A_496 [1] : vector<64x64xf32> to vector<64xf32>
    %broadcast_in_dim3A_498 = vector.shape_cast %reduce_sum3A_497 : vector<64xf32> to vector<64x1xf32>
    %div3A_499 = vector.broadcast %broadcast_in_dim3A_498 : vector<64x1xf32> to vector<64x64xf32>
    %div3A_500 = arith.divf %exp3A_495, %div3A_499 : vector<64x64xf32>
    %mul3A_501 = vector.broadcast %convert_element_type3A_482 : vector<1x128xf32> to vector<64x128xf32>
    %mul3A_502 = arith.mulf %add3A_37, %mul3A_501 : vector<64x128xf32>
    %dot_general3A_503 = arith.constant dense<0.000000e+00> : vector<64x128xf32>
    %dot_general3A_504 = tpu.matmul %div3A_500, %mul3A_502, %dot_general3A_503 {dimension_numbers = #tpu.dot_dimension_numbers<[1], [0], [0], [1], [0, 0, 1, 1], [], []>, transpose_lhs_hint = false} : vector<64x64xf32>, vector<64x128xf32>, vector<64x128xf32> -> vector<64x128xf32>
    %add3A_505 = arith.addf %add3A_477, %dot_general3A_504 : vector<64x128xf32>
    %get3A_506 = arith.constant 0 : index
    %get3A_507 = arith.constant 0 : index
    %get3A_508 = vector.load %arg8[%get3A_506, %get3A_507] : memref<128x128xf32, #tpu.memory_space<vmem>>, vector<128x128xf32>
    %dot_general3A_509 = arith.constant dense<0.000000e+00> : vector<64x128xf32>
    %dot_general3A_510 = tpu.matmul %add3A_505, %get3A_508, %dot_general3A_509 {dimension_numbers = #tpu.dot_dimension_numbers<[1], [1], [0], [0], [0, 0, 1, 0], [], []>, transpose_lhs_hint = false} : vector<64x128xf32>, vector<128x128xf32>, vector<64x128xf32> -> vector<64x128xf32>
    %get3A_511 = arith.constant 0 : index
    %get3A_512 = arith.constant 0 : index
    %get3A_513 = vector.load %arg9[%get3A_511, %get3A_512] : memref<1x128xf32, #tpu.memory_space<vmem>>, vector<1x128xf32>
    %add3A_514 = vector.broadcast %get3A_513 : vector<1x128xf32> to vector<64x128xf32>
    %add3A_515 = arith.addf %dot_general3A_510, %add3A_514 : vector<64x128xf32>
    %swap3A = arith.constant 0 : index
    %swap3A_516 = arith.constant 0 : index
    %swap3A_517 = vector.load %arg10[%swap3A, %swap3A_516] : memref<64x128xf32, #tpu.memory_space<vmem>>, vector<64x128xf32>
    tpu.vector_store %arg10[%swap3A, %swap3A_516], %add3A_515 {strides = array<i32>} : memref<64x128xf32, #tpu.memory_space<vmem>>, vector<64x128xf32>,
    return
  }
}

module attributes {stable_mosaic.version = 14 : i64} {
  func.func @_passC_body(%arg0: i32, %arg1: memref<1000x64xf32, #tpu.memory_space<vmem>>, %arg2: memref<64x128xf32, #tpu.memory_space<vmem>>, %arg3: memref<1000x128xf32, #tpu.memory_space<vmem>>) attributes {dimension_semantics = [#tpu.dimension_semantics<arbitrary>], iteration_bounds = array<i64: 10>, scalar_prefetch = 0 : i64, scratch_operands = 0 : i64, tpu.core_type = #tpu.core_type<tc>, window_params = [{transform_indices = @transform_0, window_bounds = array<i64: 1000, 64>}, {pipeline_mode = #tpu.pipeline_mode<synchronous>, transform_indices = @transform_1, window_bounds = array<i64: 64, 128>}, {transform_indices = @transform_2, window_bounds = array<i64: 1000, 128>}]} {
    %get3A = arith.constant 0 : index
    %get3A_0 = arith.constant 0 : index
    %get3A_1 = vector.load %arg1[%get3A, %get3A_0] : memref<1000x64xf32, #tpu.memory_space<vmem>>, vector<1000x64xf32>
    %get3A_2 = arith.constant 0 : index
    %get3A_3 = arith.constant 0 : index
    %get3A_4 = vector.load %arg2[%get3A_2, %get3A_3] : memref<64x128xf32, #tpu.memory_space<vmem>>, vector<64x128xf32>
    %dot_general3A = arith.constant dense<0.000000e+00> : vector<1000x128xf32>
    %dot_general3A_5 = tpu.matmul %get3A_1, %get3A_4, %dot_general3A {dimension_numbers = #tpu.dot_dimension_numbers<[1], [0], [0], [1], [0, 0, 1, 1], [], []>, transpose_lhs_hint = false} : vector<1000x64xf32>, vector<64x128xf32>, vector<1000x128xf32> -> vector<1000x128xf32>
    %swap3A = arith.constant 0 : index
    %swap3A_6 = arith.constant 0 : index
    %swap3A_7 = vector.load %arg3[%swap3A, %swap3A_6] : memref<1000x128xf32, #tpu.memory_space<vmem>>, vector<1000x128xf32>
    tpu.vector_store %arg3[%swap3A, %swap3A_6], %dot_general3A_5 {strides = array<i32>} : memref<1000x128xf32, #tpu.memory_space<vmem>>, vector<1000x128xf32>,
    return
  }
  func.func @transform_0(%arg0: i32) -> (i32, i32) {
    %c0_i32 = arith.constant 0 : i32
    %c0_i32_0 = arith.constant 0 : i32
    return %arg0, %c0_i32 : i32, i32
  }
  func.func @transform_1(%arg0: i32) -> (i32, i32) {
    %c0_i32 = arith.constant 0 : i32
    %c0_i32_0 = arith.constant 0 : i32
    %c0_i32_1 = arith.constant 0 : i32
    return %c0_i32, %c0_i32_0 : i32, i32
  }
  func.func @transform_2(%arg0: i32) -> (i32, i32) {
    %c0_i32 = arith.constant 0 : i32
    %c0_i32_0 = arith.constant 0 : i32
    return %arg0, %c0_i32 : i32, i32
  }
}

</mosaic_0001>

<sc_bundles>
// kernel: kernel.6.cloned.1.call-start
scs
__scs_entry_jumppad:
0x0: {  	(pc) =	sbr.rel $0x88, $3  }
0x1: {  	(tag) =	ssettag $0x0;
	lr =	simm.s32 $0x1  }
0x2: {  	[smem:$0x3F93] =	sst lr;
	_ =	strace $0xD0000000  }
0x3: {  	_ = 	snop  }
0x4: {  	_ = 	snop  }
0x5: {  	_ = 	snop  }
0x6: {  	_ = 	snop  }
0x7: {  	_ = 	snop  }
__scs_overlays_trampoline_lowered:
0x8: {  	[smem:$0x3FA2] =	sst s0  }
0x9: {  	[smem:$0x3FA3] =	sst s1  }
0xa: {  	[smem:$0x3FA4] =	sst s2  }
0xb: {  	[smem:$0x3FA5] =	sst s3  }
0xc: {  	[smem:$0x3FA6] =	sst s4  }
0xd: {  	[smem:$0x3FA7] =	sst s5  }
0xe: {  	[smem:$0x3FA8] =	sst s6  }
0xf: {  	[smem:$0x3FA9] =	sst s7  }
0x10: {  	[smem:$0x3FAA] =	sst s8  }
0x11: {  	[smem:$0x3FAB] =	sst s9;
	s0 =	simm.s32 @!p0 $0x0  }
0x12: {  	s1 =	sld [smem:$0x3F91];
	s0 =	simm.s32 @p0 $0x1  }
0x13: {  	[smem:$0x3FAC] =	sst s0;
	s0 =	simm.s32 @!p1 $0x0  }
0x14: {  	s2 =	sld [smem:$0x3F90];
	s0 =	simm.s32 @p1 $0x1  }
0x15: {  	[smem:$0x3FAD] =	sst s0;
	s0 =	simm.s32 @!p2 $0x0  }
0x16: {  	s3 =	sld [smem:$0x3FDB];
	s0 =	simm.s32 @p2 $0x1  }
0x17: {  	s4 =	simm.s32 $0x1BF5;
	[smem:$0x3FAF] =	sst s0  }
0x18: {  	s0 =	sld [smem:$0x3F92];
	_ =	swait.ge [sflag:s4], $0x0  }
0x19: {  	s7 =	sld [smem:$0x3F93]  }
0x1a: {  	s8 =	sadd.s32 $0xFFFFE003, lr  }
0x1b: {  	s9 =	sadd.s32 $0xFFFFFEF7, lr;
	s5 =	simm.s32 $0xFFFFFFFF;
	p2 =	slt.u32 s8, $0xFFFFF086  }
0x1c: {  	p1 =	slt.u32 s9, $0xF7A;
	s5 =	simm.s32 @!p2 $0x0  }
0x1d: {  	s5 =	simm.s32 @p1 $0x1;
	p0 =	seq.s32 s7, s2  }
0x1e: {  	s7 =	smul.u32 @!p0 $0xF7A, s2;
	p2 =	seq.s32 @!p0 s5, $0x0  }
0x1f: {  	s9 =	smul.u32 $0xF7A, s1;
	s8 =	simm.s32 @!p0 $0x1BF5;
	p2 =	por !p2, p0  }
0x20: {  	[sflag:s8] =	ssyncset.s32 @!p0 $0xFFFFF086;
	s6 =	sadd.s32 @!p0 s3, s7;
	s7 =	simm.s32 @!p0 $0x108  }
0x21: {  	s3 =	sadd.s32 s3, s9;
	s6 =	sadd.s32 @!p0 $0x88, s6;
	s7 =	simm.s32 @p2 $0x1082  }
0x22: {  	[simem:s7], [sflag:s8] =	dma.local @!p0 [hbm:s6], $0xF7A  }
0x23: {  	s9 =	sor.u32 $0xD0000000, s2;
	s6 =	simm.s32 $0x108;
	_ =	swait.ge @!p0 [sflag:s8], $0x0  }
0x24: {  	s3 =	sadd.s32 $0x88, s3;
	s6 =	simm.s32 @!p1 $0x1082;
	[sflag:s4] =	ssyncset.s32 $0xFFFFF086  }
0x25: {  	[simem:s6], [sflag:s4] =	dma.local [hbm:s3], $0xF7A  }
0x26: {  	[smem:$0x3F93] =	sst s1;
	(tag) =	ssettag s2;
	_ =	strace s9  }
0x27: {  	s1 =	sld [smem:$0x3FA3]  }
0x28: {  	s2 =	sld [smem:$0x3FA4]  }
0x29: {  	s4 =	sld [smem:$0x3FA6]  }
0x2a: {  	p0 =	seq.s32 s5, $0x0;
	s5 =	sld [smem:$0x3FA7]  }
0x2b: {  	s6 =	sld [smem:$0x3FA8]  }
0x2c: {  	s7 =	sld [smem:$0x3FA9]  }
0x2d: {  	s3 =	simm.s32 $0x108;
	s8 =	sld [smem:$0x3FAA]  }
0x2e: {  	s3 =	simm.s32 @!p0 $0x1082;
	s9 =	sld [smem:$0x3FAB]  }
0x2f: {  	lr =	sadd.s32 s0, s3;
	s0 =	sld [smem:$0x3FA2]  }
0x30: {  	s3 =	sld [smem:$0x3FA5]  }
0x31: {  	[smem:$0x3FAE] =	sst s10  }
0x32: {  	s10 =	sld [smem:$0x3FAC];
	_ =	sdelay $0x3  }
0x33: {  	p0 =	seq.s32 s10, $0x1;
	s10 =	sld [smem:$0x3FAE];
	_ =	sdelay $0x3  }
0x34: {  	[smem:$0x3FAE] =	sst s10  }
0x35: {  	s10 =	sld [smem:$0x3FAD];
	_ =	sdelay $0x3  }
0x36: {  	p1 =	seq.s32 s10, $0x1;
	s10 =	sld [smem:$0x3FAE];
	_ =	sdelay $0x3  }
0x37: {  	[smem:$0x3FAE] =	sst s10  }
0x38: {  	s10 =	sld [smem:$0x3FAF]  }
0x39: {  	_ = 	snop;
	(pc) =	sbr.ind lr, $3  }
0x3a: {  	_ = 	snop  }
0x3b: {  	_ = 	snop  }
0x3c: {  	p2 =	seq.s32 s10, $0x1;
	s10 =	sld [smem:$0x3FAE]  }
0x3d: {  	_ =	shalt  }
0x3e: {  	_ =	shalt  }
0x3f: {  	_ =	shalt  }
0x40: {  	_ =	shalt  }
0x41: {  	_ =	shalt  }
0x42: {  	_ =	shalt  }
0x43: {  	_ =	shalt  }
0x44: {  	_ =	shalt  }
0x45: {  	_ =	shalt  }
0x46: {  	_ =	shalt  }
0x47: {  	_ =	shalt  }
0x48: {  	_ =	shalt  }
0x49: {  	_ =	shalt  }
0x4a: {  	_ =	shalt  }
0x4b: {  	_ =	shalt  }
0x4c: {  	_ =	shalt  }
0x4d: {  	_ =	shalt  }
0x4e: {  	_ =	shalt  }
0x4f: {  	_ =	shalt  }
0x50: {  	_ =	shalt  }
0x51: {  	_ =	shalt  }
0x52: {  	_ =	shalt  }
0x53: {  	_ =	shalt  }
0x54: {  	_ =	shalt  }
0x55: {  	_ =	shalt  }
0x56: {  	_ =	shalt  }
0x57: {  	_ =	shalt  }
0x58: {  	_ =	shalt  }
0x59: {  	_ =	shalt  }
0x5a: {  	_ =	shalt  }
0x5b: {  	_ =	shalt  }
0x5c: {  	_ =	shalt  }
0x5d: {  	_ =	shalt  }
0x5e: {  	_ =	shalt  }
0x5f: {  	_ =	shalt  }
0x60: {  	_ =	shalt  }
0x61: {  	_ =	shalt  }
0x62: {  	_ =	shalt  }
0x63: {  	_ =	shalt  }
0x64: {  	_ =	shalt  }
0x65: {  	_ =	shalt  }
0x66: {  	_ =	shalt  }
0x67: {  	_ =	shalt  }
0x68: {  	_ =	shalt  }
0x69: {  	_ =	shalt  }
0x6a: {  	_ =	shalt  }
0x6b: {  	_ =	shalt  }
0x6c: {  	_ =	shalt  }
0x6d: {  	_ =	shalt  }
0x6e: {  	_ =	shalt  }
0x6f: {  	_ =	shalt  }
0x70: {  	_ =	shalt  }
0x71: {  	_ =	shalt  }
0x72: {  	_ =	shalt  }
0x73: {  	_ =	shalt  }
0x74: {  	_ =	shalt  }
0x75: {  	_ =	shalt  }
0x76: {  	_ =	shalt  }
0x77: {  	_ =	shalt  }
0x78: {  	_ =	shalt  }
0x79: {  	_ =	shalt  }
0x7a: {  	_ =	shalt  }
0x7b: {  	_ =	shalt  }
0x7c: {  	_ =	shalt  }
0x7d: {  	_ =	shalt  }
0x7e: {  	_ =	shalt  }
0x7f: {  	_ =	shalt  }
0x80: {  	_ =	shalt  }
0x81: {  	_ =	shalt  }
0x82: {  	_ =	shalt  }
0x83: {  	_ =	shalt  }
0x84: {  	_ =	shalt  }
0x85: {  	_ =	shalt  }
0x86: {  	_ =	shalt  }
0x87: {  	_ =	shalt  }
.Lfunc_end0:
.L_simem_size_0:
called_computation_lowered:
.L_overlay_start_0:
0x88: {  	s2 =	sld [smem:$0x3FD9]  }
0x89: {  	s3 =	sld [smem:$0x3FFE];
	_ =	sdelay $0x1  }
0x8a: {  	s1 =	srdreg.scid  }
0x8b: {  	s0 =	sand.u32 $0x1, s1  }
0x8c: {  	s17 =	sshll.u32 s0, $0xA;
	s2 =	sadd.s32 s3, s2  }
0x8d: {  	s2 =	sadd.s32 s2, s17  }
0x8e: {  	[smem:$0x3FBA] =	sst s2  }
0x8f: {  	_ = 	snop  }
0x90: {  	s2 =	sld [smem:$0x3FC9]  }
0x91: {  	s18 =	sld [smem:$0x3FD0];
	(tm) =	ssettm $0x1  }
0x92: {  	s4 =	sld [smem:$0x3FFB];
	_ =	sdelay $0x3  }
0x93: {  	_ =	strace s4  }
0x94: {  	s4 =	sld [smem:$0x3FFC];
	_ =	sdelay $0x3  }
0x95: {  	_ =	strace s4  }
0x96: {  	s4 =	sld [smem:$0x3FFD];
	_ =	sdelay $0x3  }
0x97: {  	_ =	strace s4  }
0x98: {  	_ =	strace $0x8FFFFFFF  }
0x99: {  	s19 =	sld [smem:$0x3FDB];
	_ =	sdelay $0x1  }
0x9a: {  	s5 =	simm.s32 $_scs_section_size  }
0x9b: {  	s6 =	simm.s32 $_size__tile_overlayer_lowered;
	s7 =	simm.s32 $_tile_overlayer_lowered  }
0x9c: {  	s22 =	simm.s32 $0x1BFF;
	s21 =	sshll.u32 s7, $0x1;
	s4 =	sadd.s32 s5, s19  }
0x9d: {  	s8 =	simm.s32 $0x0;
	s20 =	sshll.u32 s6, $0x1;
	s6 =	sadd.s32 s21, s4  }
0x9e: {  	[timem:s8], [sflag:s22] =	dma.local [hbm:s6], s20  }
0x9f: {  	_ =	swait.ge [sflag:s22], s20  }
0xa0: {  	s5 =	ssub.s32 $0x0, s20;
	[sflag:s22] =	ssyncset.done $0x0  }
0xa1: {  	[sflag:s22] =	ssyncadd.s32 s5;
	_ =	sdelay $0x1  }
0xa2: {  	s23 =	simm.s32 $0x1B8B  }
0xa3: {  	_ =	swait.ge [sflag:s23], $0x1  }
0xa4: {  	[sflag:s23] =	ssyncset.done $0x0  }
0xa5: {  	s25 =	simm.s32 $0x1B8E;
	s24 =	sld [smem:$0x3FFE];
	[sflag:s23] =	ssyncadd.s32 $0xFFFFFFFF  }
0xa6: {  	s26 =	simm.s32 $execute0_lowered;
	[smem:$0x3FD2] =	sst s25  }
0xa7: {  	s6 =	sshll.u32 s26, $0x1;
	_ =	strace $0x80000046;
	[dreg:$0x1] =	wrdreg $0xFFFFFFFF  }
0xa8: {  	s28 =	simm.s32 $_size_execute0_lowered;
	s4 =	sadd.s32 s4, s6;
	[dreg:$0x0] =	wrdreg $0x0  }
0xa9: {  	s6 =	sshll.u32 s28, $0x1;
	[dreg:$0x2] =	wrdreg s4  }
0xaa: {  	[dreg:$0x3] =	wrdreg s6  }
0xab: {  	[dreg:$0x4] =	wrdreg $0xC0  }
0xac: {  	_ =	task [dreg:s8], $0x5FFFF  }
0xad: {  	[dreg:$0x1] =	wrdreg $0xFFFFFFFF  }
0xae: {  	[dreg:$0x0] =	wrdreg $0x60  }
0xaf: {  	[dreg:$0x2] =	wrdreg s2  }
0xb0: {  	[dreg:$0x3] =	wrdreg s24  }
0xb1: {  	[dreg:$0x4] =	wrdreg s18  }
0xb2: {  	[dreg:$0x5] =	wrdreg $0x83800  }
0xb3: {  	[dreg:$0x6] =	wrdreg $0x9  }
0xb4: {  	_ =	task.clear_ibuf [dreg:s8], $0x7FFFF;
	_ =	strace $0x90000046  }
0xb5: {  	s29 =	simm.s32 $0x9;
	_ =	strace $0x80000048  }
0xb6: {  	_ =	swait.ge [sflag:s29], $0x1  }
0xb7: {  	[sflag:s29] =	ssyncadd.s32 $0xFFFFFFFF  }
0xb8: {  	_ =	strace $0x90000048  }
0xb9: {  	_ =	sfence  }
0xba: {  	s30 =	sld [smem:$0x0];
	_ =	sdelay $0x2  }
0xbb: {  	s31 =	sshll.u32 s1, $0xD;
	s1 =	sshrl.u32 s1, $0x2  }
0xbc: {  	s3 =	sand.u32 $0x4000, s31;
	s1 =	sadd.s32 s1, s30  }
0xbd: {  	s0 =	sor.u32 s3, s0;
	s1 =	sshll.u32 s1, $0x11  }
0xbe: {  	s0 =	sor.u32 s1, s0  }
0xbf: {  	s0 =	sadd.s32 $0x8F2B, s0  }
0xc0: {  	[sflag:s0] =	ssyncadd.remote.s32 $0x1  }
0xc1: {  	_ =	sfence.sel $0xFFFF  }
0xc2: {  	[dreg:$0x0] =	wrdreg $0xFFFFFFFF;
	(pc) =	sbr.abs _section_cstart, $3  }
0xc3: {  	[dreg:$0x1] =	wrdreg $0xFFFFFFFF  }
0xc4: {  	_ =	task.clear_ibuf [dreg:s8], $0x2FFFF;
	_ =	strace $0x9FFFFFFF  }
0xc5: {  	(tm) =	ssettm $0x7FFFFFFF  }
tec
execute0_lowered:
.L_overlay_start_1:
0x0: {  	(tag) =	ssettag $0x1  }
0x1: {  	s0 =	rddreg [dreg:$0x0]  }
0x2: {  	s1 =	rddreg [dreg:$0x1]  }
0x3: {  	s3 =	rddreg [dreg:$0x2]  }
0x4: {  	s2 =	srdreg.scid;
	s4 =	rddreg [dreg:$0x3]  }
0x5: {  	s10 =	stileid.u32;
	s5 =	simm.s32 $0x0;
	s28 =	simm.s32 $0x180  }
0x6: {  	s29 =	simm.s32 $0x200;
	s30 =	simm.s32 $0x280;
	s31 =	simm.s32 $0x1  }
0x7: {  	s12 =	simm.s32 $0x5;
	s13 =	simm.s32 $0x6;
	s7 =	smul.u32 $0x13800, s10  }
0x8: {  	s2 =	sand.u32 $0x1, s2;
	[smem:$0x7FF] =	sst s5;
	s9 =	smul.u32 $0x4E000, s10  }
0x9: {  	s6 =	smul.u32 $0x138800, s2;
	s14 =	sshll.u32 s2, $0x4;
	s2 =	ssub.s32 $0x2, s2  }
0xa: {  	_ =	strace $0x80000047;
	s9 =	sshrl.u32 s9, $0x2;
	s15 =	sshrl.u32 s2, $0x1  }
0xb: {  	s7 =	sadd.s32 s7, s6;
	s6 =	sadd.s32 $0xC600, s1;
	s2 =	ssub.s32 s2, s15  }
0xc: {  	s8 =	sshrl.u32 s7, $0x3;
	s7 =	sadd.s32 $0x2600, s1;
	s26 =	smax.u32 s2, $0x1  }
0xd: {  	s1 =	sadd.s32 s8, s1;
	s8 =	sor.u32 s10, s14;
	[dreg:$0x10] =	wrdreg s26  }
0xe: {  	s11 =	smul.u32 $0x2800, s8;
	s8 =	sadd.s32 s9, s4;
	s1 =	sadd.s32 $0x16600, s1  }
0xf: {  	s2 =	simm.s32 $0x4380;
	s9 =	sadd.s32 $0x4000, s8;
	[dreg:$0xf] =	wrdreg s1  }
0x10: {  	s26 =	simm.s32 $0x100;
	s16 =	sadd.s32 $0x8000, s8;
	[dreg:$0x5] =	wrdreg s9  }
0x11: {  	s10 =	simm.s32 $0x4;
	s17 =	sadd.s32 $0xC000, s8;
	[dreg:$0x6] =	wrdreg s16  }
0x12: {  	s18 =	sadd.s32 $0x10000, s8;
	[dreg:$0x7] =	wrdreg s17;
	s19 =	sshrl.u32 s11, $0x3  }
0x13: {  	s14 =	simm.s32 $0x0;
	[dreg:$0x8] =	wrdreg s18;
	s20 =	sadd.s32 s3, s19  }
0x14: {  	s1 =	simm.s32 $0x2;
	s21 =	sadd.s32 s6, s19;
	[dreg:$0x9] =	wrdreg s20  }
0x15: {  	v0 =	vimm.f32 $0.0e+00;
	v1 =	vimm.s32 $0x0;
	s22 =	sor.u32 $0x10, s19;
	s9 =	sadd.s32 s7, s19;
	[dreg:$0xa] =	wrdreg s21  }
.Ltmp0:
0x16: {  	v2 =	vimm.s32 $0x1;
	v3 =	vimm.s32 $0x2;
	v4 =	vimm.s32 $0x3;
	[dreg:$0xb] =	wrdreg s9;
	s23 =	sadd.s32 s3, s22;
	(pc) =	sbr.rel .LBB2_1-.Ltmp0, $4  }
0x17: {  	v5 =	vimm.s32 $0x4;
	v6 =	vimm.s32 $0x5;
	v7 =	vimm.s32 $0x6;
	s19 =	sor.u32 $0x100, s11;
	s24 =	sadd.s32 s6, s22;
	[dreg:$0xc] =	wrdreg s23  }
0x18: {  	v8 =	vimm.s32 $0x7;
	v9 =	vimm.s32 $0x8;
	v10 =	vimm.s32 $0x9;
	s25 =	sadd.s32 s7, s22;
	s20 =	sor.u32 $0x180, s11;
	[dreg:$0xd] =	wrdreg s24  }
0x19: {  	v11 =	vimm.s32 $0xA;
	v12 =	vimm.s32 $0xB;
	v13 =	vimm.s32 $0xC;
	s9 =	simm.s32 $0x3;
	s11 =	simm.s32 $0x300;
	[dreg:$0xe] =	wrdreg s25  }
0x1a: {  	v14 =	vimm.s32 $0xD;
	v15 =	vimm.s32 $0xE;
	v16 =	vimm.s32 $0xF;
	s23 =	simm.s32 $0x380;
	s24 =	simm.s32 $0x7;
	s25 =	simm.s32 $0x80  }
.LBB2_10:
0x1b: {  	_ =	swait.ge [sflag:s13], $0x4000  }
0x1c: {  	[sflag:s13] =	ssyncset.done $0x0  }
0x1d: {  	s15 =	stileid.u32;
	[sflag:s13] =	ssyncadd.s32 $0xFFFFC000  }
0x1e: {  	s15 =	sshll.u32 s15, $0x6;
	[bflag:$0x0] =	sbarrier.arrive $0xFFFF  }
0x1f: {  	s16 =	sshrl.u32 s8, $0x3;
	s15 =	sor.u32 $0x1C07, s15;
	s17 =	rddreg [dreg:$0xf]  }
0x20: {  	[hbm:s17], [sflag:s15] =	dma.local [spmem:s16], $0x2800  }
0x21: {  	_ =	swait.ge [sflag:s24], $0x2800  }
0x22: {  	s14 =	sadd.s32 $0x1, s14;
	s22 =	rddreg [dreg:$0x10]  }
0x23: {  	p0 =	sne.s32 s14, s22  }
.Ltmp1:
0x24: {  	_ = 	snop;
	(pc) =	sbr.rel @!p0 .LBB2_11-.Ltmp1, $3  }
0x25: {  	_ =	sdelay $0x1  }
0x26: {  	[sflag:s24] =	ssyncset.done $0x0  }
0x27: {  	[sflag:s24] =	ssyncadd.s32 $0xFFFFD800  }
.LBB2_1:
0x28: {  	s15 =	simm.s32 $0x0;
	s16 =	simm.s32 $0x200  }
.LBB2_2:
0x29: {  	p0 =	sne.s32 s16, $0xFE00;
	[tilespmem:s15+$0x3F0] =	vst v0  }
0x2a: {  	[tilespmem:s15+$0x380] =	vst v0  }
0x2b: {  	[tilespmem:s15+$0x390] =	vst v0  }
.Ltmp2:
0x2c: {  	[tilespmem:s15+$0x3A0] =	vst v0;
	(pc) =	sbr.rel @p0 .LBB2_2-.Ltmp2, $4  }
0x2d: {  	[tilespmem:s15+$0x3B0] =	vst v0  }
0x2e: {  	[tilespmem:s15+$0x3C0] =	vst v0  }
0x2f: {  	[tilespmem:s15+$0x3D0] =	vst v0  }
0x30: {  	[tilespmem:s15+$0x3E0] =	vst v0;
	s15 =	sshra.s32 s16, $0x2;
	s16 =	sadd.s32 $0x200, s16  }
0x31: {  	[tilespmem:s15+$0x3F0] =	vst v0  }
0x32: {  	[tilespmem:s15+$0x380] =	vst v0  }
0x33: {  	[tilespmem:s15+$0x390] =	vst v0  }
0x34: {  	[tilespmem:s15+$0x3A0] =	vst v0  }
0x35: {  	[tilespmem:s15+$0x3B0] =	vst v0  }
0x36: {  	[tilespmem:s15+$0x3C0] =	vst v0  }
0x37: {  	[tilespmem:s15+$0x3D0] =	vst v0  }
0x38: {  	[tilespmem:s15+$0x3E0] =	vst v0  }
0x39: {  	[spmem:s8] =	stream.linear.scatter [tilespmem:s23], [sflag:$0x7], $0x4000, $0x38;
	[tilespmem:$0x1BC00] =	vst v63  }
0x3a: {  	_ =	swait.ge [sflag:s24], $0x4000  }
0x3b: {  	[sflag:s24] =	ssyncset.done $0x0  }
0x3c: {  	s16 =	rddreg [dreg:$0x5];
	[sflag:s24] =	ssyncadd.s32 $0xFFFFC000  }
0x3d: {  	[spmem:s16] =	stream.linear.scatter [tilespmem:s23], [sflag:$0x7], $0x4000, $0x38;
	[tilespmem:$0x1BC00] =	vst v63  }
0x3e: {  	_ =	swait.ge [sflag:s24], $0x4000  }
0x3f: {  	[sflag:s24] =	ssyncset.done $0x0  }
0x40: {  	s17 =	rddreg [dreg:$0x6];
	[sflag:s24] =	ssyncadd.s32 $0xFFFFC000  }
0x41: {  	[spmem:s17] =	stream.linear.scatter [tilespmem:s23], [sflag:$0x7], $0x4000, $0x38;
	[tilespmem:$0x1BC00] =	vst v63  }
0x42: {  	_ =	swait.ge [sflag:s24], $0x4000  }
0x43: {  	[sflag:s24] =	ssyncset.done $0x0  }
0x44: {  	s18 =	rddreg [dreg:$0x7];
	[sflag:s24] =	ssyncadd.s32 $0xFFFFC000  }
0x45: {  	[spmem:s18] =	stream.linear.scatter [tilespmem:s23], [sflag:$0x7], $0x4000, $0x38;
	[tilespmem:$0x1BC00] =	vst v63  }
0x46: {  	_ =	swait.ge [sflag:s24], $0x4000  }
0x47: {  	[sflag:s24] =	ssyncset.done $0x0  }
0x48: {  	s21 =	rddreg [dreg:$0x8];
	[sflag:s24] =	ssyncadd.s32 $0xFFFFC000  }
0x49: {  	[spmem:s21] =	stream.linear.scatter [tilespmem:s23], [sflag:$0x7], $0x4000, $0x38;
	[tilespmem:$0x1BC00] =	vst v63  }
0x4a: {  	_ =	swait.ge [sflag:s24], $0x4000  }
0x4b: {  	[sflag:s24] =	ssyncset.done $0x0  }
0x4c: {  	[sflag:s24] =	ssyncadd.s32 $0xFFFFC000  }
0x4d: {  	[bflag:$0x0] =	sbarrier.arrive $0xFFFF  }
0x4e: {  	s15 =	simm.s32 $0x0;
	s16 =	rddreg [dreg:$0x9]  }
0x4f: {  	[tilespmem:s15], [sflag:$0x1] =	stream.linear.gather [hbm4b:s16+s15], $0x80, $0x38;
	[tilespmem:$0x1BC00] =	vst v63  }
0x50: {  	s22 =	rddreg [dreg:$0xa]  }
0x51: {  	[tilespmem:s25], [sflag:$0x1] =	stream.linear.gather [hbm4b:s22+s15], $0x80, $0x38;
	[tilespmem:$0x1BC00] =	vst v63  }
0x52: {  	s17 =	rddreg [dreg:$0xb]  }
0x53: {  	[tilespmem:s26], [sflag:$0x1] =	stream.linear.gather [hbm4b:s17+s15], $0x80, $0x38;
	[tilespmem:$0x1BC00] =	vst v63  }
0x54: {  	s18 =	rddreg [dreg:$0xc]  }
0x55: {  	[tilespmem:s28], [sflag:$0x2] =	stream.linear.gather [hbm4b:s18+s15], $0x80, $0x38;
	[tilespmem:$0x1BC00] =	vst v63  }
0x56: {  	s21 =	rddreg [dreg:$0xd]  }
0x57: {  	[tilespmem:s29], [sflag:$0x2] =	stream.linear.gather [hbm4b:s21+s15], $0x80, $0x38;
	[tilespmem:$0x1BC00] =	vst v63  }
0x58: {  	s22 =	rddreg [dreg:$0xe]  }
0x59: {  	[tilespmem:s30], [sflag:$0x2] =	stream.linear.gather [hbm4b:s22+s15], $0x80, $0x38;
	[tilespmem:$0x1BC00] =	vst v63  }
0x5a: {  	_ =	swait.ge [sflag:s31], $0x80  }
0x5b: {  	[sflag:s31] =	ssyncset.done $0x0  }
0x5c: {  	[sflag:s31] =	ssyncadd.s32 $0xFFFFFF80  }
0x5d: {  	_ =	swait.ge [sflag:s31], $0x80  }
0x5e: {  	[sflag:s31] =	ssyncset.done $0x0  }
0x5f: {  	[sflag:s31] =	ssyncadd.s32 $0xFFFFFF80  }
0x60: {  	_ =	swait.ge [sflag:s31], $0x80  }
0x61: {  	[sflag:s31] =	ssyncset.done $0x0  }
0x62: {  	[sflag:s31] =	ssyncadd.s32 $0xFFFFFF80  }
0x63: {  	[tilespmem:s23], [sflag:$0x3] =	stream.indirect.gather [hbm4b:s0+s25], $0x80, s15, s25, $0xb8;
	[tilespmem:$0x1BC00] =	vst v63  }
.LBB2_4:
0x64: {  	_ =	swait.ge [sflag:s1], $0x80  }
0x65: {  	[sflag:s1] =	ssyncset.done $0x0  }
0x66: {  	[sflag:s1] =	ssyncadd.s32 $0xFFFFFF80  }
0x67: {  	_ =	swait.ge [sflag:s1], $0x80  }
0x68: {  	[sflag:s1] =	ssyncset.done $0x0  }
0x69: {  	[sflag:s1] =	ssyncadd.s32 $0xFFFFFF80  }
0x6a: {  	_ =	swait.ge [sflag:s1], $0x80  }
0x6b: {  	p0 =	seq.s32 s15, $0x0;
	[sflag:s1] =	ssyncset.done $0x0  }
0x6c: {  	s16 =	simm.s32 @!p0 $0x6;
	[sflag:s1] =	ssyncadd.s32 $0xFFFFFF80  }
0x6d: {  	_ =	swait.ge @!p0 [sflag:s16], $0x4000  }
0x6e: {  	[sflag:s16] =	ssyncset.done @!p0 $0x0  }
0x6f: {  	[sflag:s16] =	ssyncadd.s32 @!p0 $0xFFFFC000  }
0x70: {  	[tilespmem:s2], [sflag:$0x4] =	stream.indirect.gather [hbm4b:s0+s25], $0x80, s28, s25, $0xb8;
	[tilespmem:$0x1BC00] =	vst v63  }
0x71: {  	_ =	swait.ge [sflag:s9], $0x4000  }
0x72: {  	[sflag:s9] =	ssyncset.done $0x0  }
0x73: {  	s17 =	simm.s32 $0x0;
	s16 =	sshll.u32 s15, $0x8;
	[sflag:s9] =	ssyncadd.s32 $0xFFFFC000  }
.LBB2_5:
0x74: {  	s21 =	sshll.u32 s17, $0x4  }
0x75: {  	s18 =	sand.u32 $0x3FFFFFF0, s21  }
0x76: {  	s22 =	sshll.u32 s17, $0xB;
	v18 =	vld [tilespmem:s18+$0x100]  }
0x77: {  	s18 =	sand.u32 $0x3FFFF800, s22  }
0x78: {  	v17 =	vld [tilespmem:s18+$0x380]  }
0x79: {  	v19 =	vld [tilespmem:s18+$0x390]  }
0x7a: {  	v20 =	vld [tilespmem:s18+$0x3A0]  }
0x7b: {  	v22 =	vld [tilespmem:s18+$0x3B0];
	v21 =	vperm.xlane v18, v1  }
0x7c: {  	v23 =	vld [tilespmem:s18+$0x3C0]  }
0x7d: {  	v24 =	vld [tilespmem:s18+$0x3D0];
	v17 =	vmul.f32 v17, v21  }
0x7e: {  	v25 =	vld [tilespmem:s18+$0x3E0];
	v19 =	vmul.f32 v19, v21  }
0x7f: {  	[tilespmem:s18+$0x380] =	vst v17;
	v17 =	vmul.f32 v20, v21  }
0x80: {  	[tilespmem:s18+$0x390] =	vst v19;
	v19 =	vmul.f32 v22, v21  }
0x81: {  	[tilespmem:s18+$0x3A0] =	vst v17;
	v17 =	vmul.f32 v23, v21  }
0x82: {  	[tilespmem:s18+$0x3B0] =	vst v19;
	v19 =	vmul.f32 v24, v21  }
0x83: {  	[tilespmem:s18+$0x3C0] =	vst v17;
	v17 =	vmul.f32 v25, v21  }
0x84: {  	[tilespmem:s18+$0x3D0] =	vst v19  }
0x85: {  	[tilespmem:s18+$0x3E0] =	vst v17  }
0x86: {  	v17 =	vld [tilespmem:s18+$0x3F0]  }
0x87: {  	v19 =	vld [tilespmem:s18+$0x400]  }
0x88: {  	v34 =	vld [tilespmem:s18+$0x410]  }
0x89: {  	v35 =	vld [tilespmem:s18+$0x420]  }
0x8a: {  	v36 =	vld [tilespmem:s18+$0x430]  }
0x8b: {  	v37 =	vperm.xlane v18, v2;
	v38 =	vld [tilespmem:s18+$0x440]  }
0x8c: {  	v39 =	vld [tilespmem:s18+$0x450];
	v17 =	vmul.f32 v17, v21  }
0x8d: {  	v26 =	vld [tilespmem:s18+$0x460];
	v19 =	vmul.f32 v19, v37  }
0x8e: {  	v40 =	vld [tilespmem:s18+$0x470];
	[tilespmem:s18+$0x3F0] =	vst v17;
	v17 =	vmul.f32 v34, v37  }
0x8f: {  	v41 =	vld [tilespmem:s18+$0x480];
	[tilespmem:s18+$0x400] =	vst v19;
	v19 =	vmul.f32 v35, v37  }
0x90: {  	v42 =	vld [tilespmem:s18+$0x490];
	[tilespmem:s18+$0x410] =	vst v17;
	v17 =	vmul.f32 v36, v37  }
0x91: {  	v43 =	vld [tilespmem:s18+$0x4A0];
	[tilespmem:s18+$0x420] =	vst v19;
	v19 =	vmul.f32 v38, v37  }
0x92: {  	v44 =	vld [tilespmem:s18+$0x4B0];
	[tilespmem:s18+$0x430] =	vst v17;
	v17 =	vmul.f32 v39, v37  }
0x93: {  	v45 =	vperm.xlane v18, v3;
	v27 =	vld [tilespmem:s18+$0x4C0];
	[tilespmem:s18+$0x440] =	vst v19;
	v19 =	vmul.f32 v26, v37  }
0x94: {  	v46 =	vld [tilespmem:s18+$0x4D0];
	[tilespmem:s18+$0x450] =	vst v17;
	v17 =	vmul.f32 v40, v37  }
0x95: {  	v47 =	vld [tilespmem:s18+$0x4E0];
	[tilespmem:s18+$0x460] =	vst v19;
	v19 =	vmul.f32 v41, v45  }
0x96: {  	v48 =	vld [tilespmem:s18+$0x4F0];
	[tilespmem:s18+$0x470] =	vst v17;
	v17 =	vmul.f32 v42, v45  }
0x97: {  	v49 =	vld [tilespmem:s18+$0x500];
	[tilespmem:s18+$0x480] =	vst v19;
	v19 =	vmul.f32 v43, v45  }
0x98: {  	v50 =	vld [tilespmem:s18+$0x510];
	[tilespmem:s18+$0x490] =	vst v17;
	v17 =	vmul.f32 v44, v45  }
0x99: {  	v51 =	vld [tilespmem:s18+$0x520];
	[tilespmem:s18+$0x4A0] =	vst v19;
	v19 =	vmul.f32 v27, v45  }
0x9a: {  	v52 =	vld [tilespmem:s18+$0x530];
	[tilespmem:s18+$0x4B0] =	vst v17;
	v17 =	vmul.f32 v46, v45  }
0x9b: {  	v53 =	vperm.xlane v18, v4;
	v54 =	vld [tilespmem:s18+$0x540];
	[tilespmem:s18+$0x4C0] =	vst v19;
	v19 =	vmul.f32 v47, v45  }
0x9c: {  	v55 =	vld [tilespmem:s18+$0x550];
	[tilespmem:s18+$0x4D0] =	vst v17;
	v17 =	vmul.f32 v48, v45  }
0x9d: {  	v56 =	vld [tilespmem:s18+$0x560];
	[tilespmem:s18+$0x4E0] =	vst v19;
	v19 =	vmul.f32 v49, v53  }
0x9e: {  	v57 =	vld [tilespmem:s18+$0x570];
	[tilespmem:s18+$0x4F0] =	vst v17;
	v17 =	vmul.f32 v50, v53  }
0x9f: {  	v58 =	vld [tilespmem:s18+$0x580];
	[tilespmem:s18+$0x500] =	vst v19;
	v19 =	vmul.f32 v51, v53  }
0xa0: {  	v59 =	vld [tilespmem:s18+$0x590];
	[tilespmem:s18+$0x510] =	vst v17;
	v17 =	vmul.f32 v52, v53  }
0xa1: {  	v60 =	vld [tilespmem:s18+$0x5A0];
	[tilespmem:s18+$0x520] =	vst v19;
	v19 =	vmul.f32 v54, v53  }
0xa2: {  	v61 =	vld [tilespmem:s18+$0x5B0];
	[tilespmem:s18+$0x530] =	vst v17;
	v17 =	vmul.f32 v55, v53  }
0xa3: {  	v62 =	vperm.xlane v18, v5;
	v63 =	vld [tilespmem:s18+$0x5C0];
	[tilespmem:s18+$0x540] =	vst v19;
	v19 =	vmul.f32 v56, v53  }
0xa4: {  	v28 =	vld [tilespmem:s18+$0x5D0];
	[tilespmem:s18+$0x550] =	vst v17;
	v17 =	vmul.f32 v57, v53  }
0xa5: {  	v29 =	vld [tilespmem:s18+$0x5E0];
	[tilespmem:s18+$0x560] =	vst v19;
	v19 =	vmul.f32 v58, v62  }
0xa6: {  	v30 =	vld [tilespmem:s18+$0x5F0];
	[tilespmem:s18+$0x570] =	vst v17;
	v17 =	vmul.f32 v59, v62  }
0xa7: {  	v31 =	vld [tilespmem:s18+$0x600];
	[tilespmem:s18+$0x580] =	vst v19;
	v19 =	vmul.f32 v60, v62  }
0xa8: {  	v32 =	vld [tilespmem:s18+$0x610];
	[tilespmem:s18+$0x590] =	vst v17;
	v17 =	vmul.f32 v61, v62  }
0xa9: {  	v33 =	vld [tilespmem:s18+$0x620];
	[tilespmem:s18+$0x5A0] =	vst v19;
	v19 =	vmul.f32 v63, v62  }
0xaa: {  	v34 =	vld [tilespmem:s18+$0x630];
	[tilespmem:s18+$0x5B0] =	vst v17;
	v17 =	vmul.f32 v28, v62  }
0xab: {  	v35 =	vperm.xlane v18, v6;
	v36 =	vld [tilespmem:s18+$0x640];
	[tilespmem:s18+$0x5C0] =	vst v19;
	v19 =	vmul.f32 v29, v62  }
0xac: {  	v38 =	vld [tilespmem:s18+$0x660];
	[tilespmem:s18+$0x5D0] =	vst v17;
	v17 =	vmul.f32 v30, v62  }
0xad: {  	v37 =	vld [tilespmem:s18+$0x650];
	[tilespmem:s18+$0x5E0] =	vst v19;
	v19 =	vmul.f32 v31, v35  }
0xae: {  	v39 =	vld [tilespmem:s18+$0x670];
	[tilespmem:s18+$0x5F0] =	vst v17;
	v17 =	vmul.f32 v32, v35  }
0xaf: {  	v40 =	vld [tilespmem:s18+$0x680];
	[tilespmem:s18+$0x600] =	vst v19;
	v19 =	vmul.f32 v33, v35  }
0xb0: {  	v41 =	vld [tilespmem:s18+$0x690];
	[tilespmem:s18+$0x610] =	vst v17;
	v17 =	vmul.f32 v34, v35  }
0xb1: {  	v42 =	vld [tilespmem:s18+$0x6A0];
	[tilespmem:s18+$0x620] =	vst v19;
	v19 =	vmul.f32 v36, v35  }
0xb2: {  	v43 =	vld [tilespmem:s18+$0x6B0];
	[tilespmem:s18+$0x630] =	vst v17;
	v17 =	vmul.f32 v37, v35  }
0xb3: {  	v44 =	vperm.xlane v18, v7;
	v46 =	vld [tilespmem:s18+$0x6D0];
	[tilespmem:s18+$0x640] =	vst v19;
	v19 =	vmul.f32 v38, v35  }
0xb4: {  	v45 =	vld [tilespmem:s18+$0x6C0];
	[tilespmem:s18+$0x650] =	vst v17;
	v17 =	vmul.f32 v39, v35  }
0xb5: {  	v47 =	vld [tilespmem:s18+$0x6E0];
	[tilespmem:s18+$0x660] =	vst v19;
	v19 =	vmul.f32 v40, v44  }
0xb6: {  	v48 =	vld [tilespmem:s18+$0x6F0];
	[tilespmem:s18+$0x670] =	vst v17;
	v17 =	vmul.f32 v41, v44  }
0xb7: {  	v49 =	vld [tilespmem:s18+$0x700];
	[tilespmem:s18+$0x680] =	vst v19;
	v19 =	vmul.f32 v42, v44  }
0xb8: {  	v50 =	vld [tilespmem:s18+$0x710];
	[tilespmem:s18+$0x690] =	vst v17;
	v17 =	vmul.f32 v43, v44  }
0xb9: {  	v51 =	vld [tilespmem:s18+$0x720];
	[tilespmem:s18+$0x6A0] =	vst v19;
	v19 =	vmul.f32 v45, v44  }
0xba: {  	v52 =	vld [tilespmem:s18+$0x730];
	[tilespmem:s18+$0x6B0] =	vst v17;
	v17 =	vmul.f32 v46, v44  }
0xbb: {  	v54 =	vld [tilespmem:s18+$0x740];
	v53 =	vperm.xlane v18, v8;
	[tilespmem:s18+$0x6C0] =	vst v19;
	v19 =	vmul.f32 v47, v44  }
0xbc: {  	v55 =	vld [tilespmem:s18+$0x750];
	[tilespmem:s18+$0x6D0] =	vst v17;
	v17 =	vmul.f32 v48, v44  }
0xbd: {  	v56 =	vld [tilespmem:s18+$0x760];
	[tilespmem:s18+$0x6E0] =	vst v19;
	v19 =	vmul.f32 v49, v53  }
0xbe: {  	v57 =	vld [tilespmem:s18+$0x770];
	[tilespmem:s18+$0x6F0] =	vst v17;
	v17 =	vmul.f32 v50, v53  }
0xbf: {  	v58 =	vld [tilespmem:s18+$0x780];
	[tilespmem:s18+$0x700] =	vst v19;
	v19 =	vmul.f32 v51, v53  }
0xc0: {  	v59 =	vld [tilespmem:s18+$0x790];
	[tilespmem:s18+$0x710] =	vst v17;
	v17 =	vmul.f32 v52, v53  }
0xc1: {  	v60 =	vld [tilespmem:s18+$0x7A0];
	[tilespmem:s18+$0x720] =	vst v19;
	v19 =	vmul.f32 v54, v53  }
0xc2: {  	v61 =	vld [tilespmem:s18+$0x7B0];
	[tilespmem:s18+$0x730] =	vst v17;
	v17 =	vmul.f32 v55, v53  }
0xc3: {  	v63 =	vld [tilespmem:s18+$0x7C0];
	v62 =	vperm.xlane v18, v9;
	[tilespmem:s18+$0x740] =	vst v19;
	v19 =	vmul.f32 v56, v53  }
0xc4: {  	v30 =	vld [tilespmem:s18+$0x7D0];
	[tilespmem:s18+$0x750] =	vst v17;
	v17 =	vmul.f32 v57, v53  }
0xc5: {  	v31 =	vld [tilespmem:s18+$0x7E0];
	[tilespmem:s18+$0x760] =	vst v19;
	v19 =	vmul.f32 v58, v62  }
0xc6: {  	v32 =	vld [tilespmem:s18+$0x7F0];
	[tilespmem:s18+$0x770] =	vst v17;
	v17 =	vmul.f32 v59, v62  }
0xc7: {  	v33 =	vld [tilespmem:s18+$0x800];
	[tilespmem:s18+$0x780] =	vst v19;
	v19 =	vmul.f32 v60, v62  }
0xc8: {  	v34 =	vld [tilespmem:s18+$0x810];
	[tilespmem:s18+$0x790] =	vst v17;
	v17 =	vmul.f32 v61, v62  }
0xc9: {  	v36 =	vld [tilespmem:s18+$0x830];
	[tilespmem:s18+$0x7A0] =	vst v19;
	v19 =	vmul.f32 v63, v62  }
0xca: {  	v35 =	vld [tilespmem:s18+$0x820];
	[tilespmem:s18+$0x7B0] =	vst v17;
	v17 =	vmul.f32 v30, v62  }
0xcb: {  	v37 =	vperm.xlane v18, v10;
	v38 =	vld [tilespmem:s18+$0x840];
	[tilespmem:s18+$0x7C0] =	vst v19;
	v19 =	vmul.f32 v31, v62  }
0xcc: {  	v39 =	vld [tilespmem:s18+$0x850];
	[tilespmem:s18+$0x7D0] =	vst v17;
	v17 =	vmul.f32 v32, v62  }
0xcd: {  	v40 =	vld [tilespmem:s18+$0x860];
	[tilespmem:s18+$0x7E0] =	vst v19;
	v19 =	vmul.f32 v33, v37  }
0xce: {  	v41 =	vld [tilespmem:s18+$0x870];
	[tilespmem:s18+$0x7F0] =	vst v17;
	v17 =	vmul.f32 v34, v37  }
0xcf: {  	v42 =	vld [tilespmem:s18+$0x880];
	[tilespmem:s18+$0x800] =	vst v19;
	v19 =	vmul.f32 v35, v37  }
0xd0: {  	v43 =	vld [tilespmem:s18+$0x890];
	[tilespmem:s18+$0x810] =	vst v17;
	v17 =	vmul.f32 v36, v37  }
0xd1: {  	v45 =	vld [tilespmem:s18+$0x8B0];
	[tilespmem:s18+$0x820] =	vst v19;
	v19 =	vmul.f32 v38, v37  }
0xd2: {  	v44 =	vld [tilespmem:s18+$0x8A0];
	[tilespmem:s18+$0x830] =	vst v17;
	v17 =	vmul.f32 v39, v37  }
0xd3: {  	v46 =	vperm.xlane v18, v11;
	v47 =	vld [tilespmem:s18+$0x8C0];
	[tilespmem:s18+$0x840] =	vst v19;
	v19 =	vmul.f32 v40, v37  }
0xd4: {  	v48 =	vld [tilespmem:s18+$0x8D0];
	[tilespmem:s18+$0x850] =	vst v17;
	v17 =	vmul.f32 v41, v37  }
0xd5: {  	v49 =	vld [tilespmem:s18+$0x8E0];
	[tilespmem:s18+$0x860] =	vst v19;
	v19 =	vmul.f32 v42, v46  }
0xd6: {  	v50 =	vld [tilespmem:s18+$0x8F0];
	[tilespmem:s18+$0x870] =	vst v17;
	v17 =	vmul.f32 v43, v46  }
0xd7: {  	v51 =	vld [tilespmem:s18+$0x900];
	[tilespmem:s18+$0x880] =	vst v19;
	v19 =	vmul.f32 v44, v46  }
0xd8: {  	v52 =	vld [tilespmem:s18+$0x910];
	[tilespmem:s18+$0x890] =	vst v17;
	v17 =	vmul.f32 v45, v46  }
0xd9: {  	v54 =	vld [tilespmem:s18+$0x930];
	[tilespmem:s18+$0x8A0] =	vst v19;
	v19 =	vmul.f32 v47, v46  }
0xda: {  	v53 =	vld [tilespmem:s18+$0x920];
	[tilespmem:s18+$0x8B0] =	vst v17;
	v17 =	vmul.f32 v48, v46  }
0xdb: {  	v55 =	vperm.xlane v18, v12;
	v56 =	vld [tilespmem:s18+$0x940];
	[tilespmem:s18+$0x8C0] =	vst v19;
	v19 =	vmul.f32 v49, v46  }
0xdc: {  	v57 =	vld [tilespmem:s18+$0x950];
	[tilespmem:s18+$0x8D0] =	vst v17;
	v17 =	vmul.f32 v50, v46  }
0xdd: {  	v58 =	vld [tilespmem:s18+$0x960];
	[tilespmem:s18+$0x8E0] =	vst v19;
	v19 =	vmul.f32 v51, v55  }
0xde: {  	v59 =	vld [tilespmem:s18+$0x970];
	[tilespmem:s18+$0x8F0] =	vst v17;
	v17 =	vmul.f32 v52, v55  }
0xdf: {  	v60 =	vld [tilespmem:s18+$0x980];
	[tilespmem:s18+$0x900] =	vst v19;
	v19 =	vmul.f32 v53, v55  }
0xe0: {  	v61 =	vld [tilespmem:s18+$0x990];
	[tilespmem:s18+$0x910] =	vst v17;
	v17 =	vmul.f32 v54, v55  }
0xe1: {  	v63 =	vld [tilespmem:s18+$0x9B0];
	[tilespmem:s18+$0x920] =	vst v19;
	v19 =	vmul.f32 v56, v55  }
0xe2: {  	v62 =	vld [tilespmem:s18+$0x9A0];
	[tilespmem:s18+$0x930] =	vst v17;
	v17 =	vmul.f32 v57, v55  }
0xe3: {  	v30 =	vperm.xlane v18, v13;
	v31 =	vld [tilespmem:s18+$0x9C0];
	[tilespmem:s18+$0x940] =	vst v19;
	v19 =	vmul.f32 v58, v55  }
0xe4: {  	v32 =	vld [tilespmem:s18+$0x9D0];
	[tilespmem:s18+$0x950] =	vst v17;
	v17 =	vmul.f32 v59, v55  }
0xe5: {  	v33 =	vld [tilespmem:s18+$0x9E0];
	[tilespmem:s18+$0x960] =	vst v19;
	v19 =	vmul.f32 v60, v30  }
0xe6: {  	v34 =	vld [tilespmem:s18+$0x9F0];
	[tilespmem:s18+$0x970] =	vst v17;
	v17 =	vmul.f32 v61, v30  }
0xe7: {  	v35 =	vld [tilespmem:s18+$0xA00];
	[tilespmem:s18+$0x980] =	vst v19;
	v19 =	vmul.f32 v62, v30  }
0xe8: {  	v36 =	vld [tilespmem:s18+$0xA10];
	[tilespmem:s18+$0x990] =	vst v17;
	v17 =	vmul.f32 v63, v30  }
0xe9: {  	v38 =	vld [tilespmem:s18+$0xA30];
	[tilespmem:s18+$0x9A0] =	vst v19;
	v19 =	vmul.f32 v31, v30  }
0xea: {  	v37 =	vld [tilespmem:s18+$0xA20];
	[tilespmem:s18+$0x9B0] =	vst v17;
	v17 =	vmul.f32 v32, v30  }
0xeb: {  	v39 =	vperm.xlane v18, v14;
	v40 =	vld [tilespmem:s18+$0xA40];
	[tilespmem:s18+$0x9C0] =	vst v19;
	v19 =	vmul.f32 v33, v30  }
0xec: {  	v41 =	vld [tilespmem:s18+$0xA50];
	[tilespmem:s18+$0x9D0] =	vst v17;
	v17 =	vmul.f32 v34, v30  }
0xed: {  	v42 =	vld [tilespmem:s18+$0xA60];
	[tilespmem:s18+$0x9E0] =	vst v19;
	v19 =	vmul.f32 v35, v39  }
0xee: {  	v43 =	vld [tilespmem:s18+$0xA70];
	[tilespmem:s18+$0x9F0] =	vst v17;
	v17 =	vmul.f32 v36, v39  }
0xef: {  	v44 =	vld [tilespmem:s18+$0xA80];
	[tilespmem:s18+$0xA00] =	vst v19;
	v19 =	vmul.f32 v37, v39  }
0xf0: {  	v45 =	vld [tilespmem:s18+$0xA90];
	[tilespmem:s18+$0xA10] =	vst v17;
	v17 =	vmul.f32 v38, v39  }
0xf1: {  	v47 =	vld [tilespmem:s18+$0xAB0];
	[tilespmem:s18+$0xA20] =	vst v19;
	v19 =	vmul.f32 v40, v39  }
0xf2: {  	v46 =	vld [tilespmem:s18+$0xAA0];
	[tilespmem:s18+$0xA30] =	vst v17;
	v17 =	vmul.f32 v41, v39  }
0xf3: {  	v48 =	vperm.xlane v18, v15;
	v49 =	vld [tilespmem:s18+$0xAC0];
	[tilespmem:s18+$0xA40] =	vst v19;
	v19 =	vmul.f32 v42, v39  }
0xf4: {  	v50 =	vld [tilespmem:s18+$0xAD0];
	[tilespmem:s18+$0xA50] =	vst v17;
	v17 =	vmul.f32 v43, v39  }
0xf5: {  	v51 =	vld [tilespmem:s18+$0xAE0];
	[tilespmem:s18+$0xA60] =	vst v19;
	v19 =	vmul.f32 v44, v48  }
0xf6: {  	v22 =	vmul.f32 v45, v48;
	v52 =	vld [tilespmem:s18+$0xAF0];
	[tilespmem:s18+$0xA70] =	vst v17  }
0xf7: {  	s22 =	sor.u32 $0x800, s22;
	[tilespmem:s18+$0xA80] =	vst v19;
	v19 =	vmul.f32 v46, v48;
	v17 =	vld [tilespmem:s21+$0x110]  }
0xf8: {  	v21 =	vmul.f32 v47, v48;
	v53 =	vld [tilespmem:s18+$0xB00];
	[tilespmem:s18+$0xA90] =	vst v22;
	s21 =	sand.u32 $0x3FFFF800, s22  }
0xf9: {  	v54 =	vld [tilespmem:s21+$0x380];
	[tilespmem:s18+$0xAA0] =	vst v19;
	v19 =	vmul.f32 v49, v48  }
0xfa: {  	[tilespmem:s18+$0xAB0] =	vst v21;
	v20 =	vmul.f32 v50, v48;
	v55 =	vld [tilespmem:s21+$0x390]  }
0xfb: {  	v18 =	vperm.xlane v18, v16;
	v56 =	vld [tilespmem:s21+$0x3A0];
	[tilespmem:s18+$0xAC0] =	vst v19;
	v19 =	vmul.f32 v51, v48  }
0xfc: {  	[tilespmem:s18+$0xAD0] =	vst v20;
	v57 =	vmul.f32 v52, v48;
	v59 =	vld [tilespmem:s21+$0x3B0];
	v58 =	vperm.xlane v17, v1  }
0xfd: {  	v60 =	vld [tilespmem:s21+$0x3C0];
	[tilespmem:s18+$0xAE0] =	vst v19;
	v19 =	vmul.f32 v53, v18  }
0xfe: {  	[tilespmem:s18+$0xAF0] =	vst v57;
	v62 =	vld [tilespmem:s21+$0x3D0];
	v61 =	vmul.f32 v54, v58  }
0xff: {  	v63 =	vld [tilespmem:s21+$0x3E0];
	[tilespmem:s18+$0xB00] =	vst v19;
	v19 =	vmul.f32 v55, v58  }
0x100: {  	v29 =	vld [tilespmem:s21+$0x3F0];
	v28 =	vmul.f32 v56, v58;
	[tilespmem:s21+$0x380] =	vst v61  }
0x101: {  	v25 =	vmul.f32 v59, v58;
	[tilespmem:s21+$0x390] =	vst v19;
	v19 =	vld [tilespmem:s18+$0xB10]  }
0x102: {  	v32 =	vld [tilespmem:s18+$0xB40];
	v22 =	vmul.f32 v60, v58;
	[tilespmem:s21+$0x3A0] =	vst v28  }
0x103: {  	v31 =	vld [tilespmem:s18+$0xB30];
	v26 =	vmul.f32 v62, v58;
	[tilespmem:s21+$0x3B0] =	vst v25  }
0x104: {  	v30 =	vld [tilespmem:s18+$0xB20];
	v21 =	vmul.f32 v63, v58;
	[tilespmem:s21+$0x3C0] =	vst v22  }
0x105: {  	v33 =	vld [tilespmem:s18+$0xB50];
	v23 =	vmul.f32 v29, v58;
	[tilespmem:s21+$0x3D0] =	vst v26  }
0x106: {  	v34 =	vld [tilespmem:s18+$0xB60];
	[tilespmem:s21+$0x3E0] =	vst v21;
	v19 =	vmul.f32 v19, v18  }
0x107: {  	v35 =	vld [tilespmem:s18+$0xB70];
	v36 =	vmul.f32 v32, v18;
	[tilespmem:s21+$0x3F0] =	vst v23  }
0x108: {  	v23 =	vld [tilespmem:s18+$0xC00];
	[tilespmem:s18+$0xB10] =	vst v19;
	v19 =	vmul.f32 v31, v18  }
0x109: {  	v20 =	vmul.f32 v30, v18;
	[tilespmem:s18+$0xB40] =	vst v36;
	v37 =	vld [tilespmem:s18+$0xC10]  }
0x10a: {  	v38 =	vld [tilespmem:s18+$0xC20];
	[tilespmem:s18+$0xB30] =	vst v19;
	v19 =	vmul.f32 v33, v18  }
0x10b: {  	[tilespmem:s18+$0xB20] =	vst v20;
	v39 =	vmul.f32 v34, v18;
	v40 =	vperm.xlane v17, v2;
	v41 =	vld [tilespmem:s18+$0xC30]  }
0x10c: {  	v18 =	vmul.f32 v35, v18;
	[tilespmem:s18+$0xB50] =	vst v19;
	v19 =	vld [tilespmem:s18+$0xC40]  }
0x10d: {  	[tilespmem:s18+$0xB60] =	vst v39;
	v43 =	vld [tilespmem:s18+$0xC50];
	v42 =	vmul.f32 v23, v40  }
0x10e: {  	v44 =	vld [tilespmem:s18+$0xC60];
	[tilespmem:s18+$0xB70] =	vst v18;
	v18 =	vmul.f32 v37, v40  }
0x10f: {  	v46 =	vld [tilespmem:s18+$0xC70];
	v45 =	vmul.f32 v38, v40;
	[tilespmem:s18+$0xC00] =	vst v42  }
0x110: {  	v47 =	vld [tilespmem:s18+$0xC80];
	[tilespmem:s18+$0xC10] =	vst v18;
	v18 =	vmul.f32 v41, v40  }
0x111: {  	v48 =	vld [tilespmem:s18+$0xC90];
	[tilespmem:s18+$0xC20] =	vst v45;
	v19 =	vmul.f32 v19, v40  }
0x112: {  	v49 =	vld [tilespmem:s18+$0xCA0];
	[tilespmem:s18+$0xC30] =	vst v18;
	v18 =	vmul.f32 v43, v40  }
0x113: {  	v50 =	vperm.xlane v17, v3;
	v51 =	vld [tilespmem:s18+$0xCB0];
	[tilespmem:s18+$0xC40] =	vst v19;
	v19 =	vmul.f32 v44, v40  }
0x114: {  	v52 =	vld [tilespmem:s18+$0xCC0];
	[tilespmem:s18+$0xC50] =	vst v18;
	v18 =	vmul.f32 v46, v40  }
0x115: {  	v53 =	vld [tilespmem:s18+$0xCD0];
	[tilespmem:s18+$0xC60] =	vst v19;
	v19 =	vmul.f32 v47, v50  }
0x116: {  	v54 =	vld [tilespmem:s18+$0xCE0];
	[tilespmem:s18+$0xC70] =	vst v18;
	v18 =	vmul.f32 v48, v50  }
0x117: {  	v55 =	vld [tilespmem:s18+$0xCF0];
	[tilespmem:s18+$0xC80] =	vst v19;
	v19 =	vmul.f32 v49, v50  }
0x118: {  	v56 =	vld [tilespmem:s18+$0xD00];
	[tilespmem:s18+$0xC90] =	vst v18;
	v18 =	vmul.f32 v51, v50  }
0x119: {  	v57 =	vld [tilespmem:s18+$0xD10];
	[tilespmem:s18+$0xCA0] =	vst v19;
	v19 =	vmul.f32 v52, v50  }
0x11a: {  	v58 =	vld [tilespmem:s18+$0xD20];
	[tilespmem:s18+$0xCB0] =	vst v18;
	v18 =	vmul.f32 v53, v50  }
0x11b: {  	v59 =	vperm.xlane v17, v4;
	v60 =	vld [tilespmem:s18+$0xD30];
	[tilespmem:s18+$0xCC0] =	vst v19;
	v19 =	vmul.f32 v54, v50  }
0x11c: {  	v61 =	vld [tilespmem:s18+$0xD40];
	[tilespmem:s18+$0xCD0] =	vst v18;
	v18 =	vmul.f32 v55, v50  }
0x11d: {  	v62 =	vld [tilespmem:s18+$0xD50];
	[tilespmem:s18+$0xCE0] =	vst v19;
	v19 =	vmul.f32 v56, v59  }
0x11e: {  	v63 =	vld [tilespmem:s18+$0xD60];
	[tilespmem:s18+$0xCF0] =	vst v18;
	v18 =	vmul.f32 v57, v59  }
0x11f: {  	v28 =	vld [tilespmem:s18+$0xD70];
	[tilespmem:s18+$0xD00] =	vst v19;
	v19 =	vmul.f32 v58, v59  }
0x120: {  	v29 =	vld [tilespmem:s18+$0xD80];
	[tilespmem:s18+$0xD10] =	vst v18;
	v18 =	vmul.f32 v60, v59  }
0x121: {  	v30 =	vld [tilespmem:s18+$0xD90];
	[tilespmem:s18+$0xD20] =	vst v19;
	v19 =	vmul.f32 v61, v59  }
0x122: {  	v31 =	vld [tilespmem:s18+$0xDA0];
	[tilespmem:s18+$0xD30] =	vst v18;
	v18 =	vmul.f32 v62, v59  }
0x123: {  	v32 =	vperm.xlane v17, v5;
	v33 =	vld [tilespmem:s18+$0xDB0];
	[tilespmem:s18+$0xD40] =	vst v19;
	v19 =	vmul.f32 v63, v59  }
0x124: {  	v34 =	vld [tilespmem:s18+$0xDC0];
	[tilespmem:s18+$0xD50] =	vst v18;
	v18 =	vmul.f32 v28, v59  }
0x125: {  	v35 =	vld [tilespmem:s18+$0xDD0];
	[tilespmem:s18+$0xD60] =	vst v19;
	v19 =	vmul.f32 v29, v32  }
0x126: {  	v36 =	vld [tilespmem:s18+$0xDE0];
	[tilespmem:s18+$0xD70] =	vst v18;
	v18 =	vmul.f32 v30, v32  }
0x127: {  	v37 =	vld [tilespmem:s18+$0xDF0];
	[tilespmem:s18+$0xD80] =	vst v19;
	v19 =	vmul.f32 v31, v32  }
0x128: {  	v38 =	vld [tilespmem:s18+$0xE00];
	[tilespmem:s18+$0xD90] =	vst v18;
	v18 =	vmul.f32 v33, v32  }
0x129: {  	v39 =	vld [tilespmem:s18+$0xE10];
	[tilespmem:s18+$0xDA0] =	vst v19;
	v19 =	vmul.f32 v34, v32  }
0x12a: {  	v40 =	vld [tilespmem:s18+$0xE20];
	[tilespmem:s18+$0xDB0] =	vst v18;
	v18 =	vmul.f32 v35, v32  }
0x12b: {  	v42 =	vld [tilespmem:s18+$0xE30];
	v41 =	vperm.xlane v17, v6;
	[tilespmem:s18+$0xDC0] =	vst v19;
	v19 =	vmul.f32 v36, v32  }
0x12c: {  	v43 =	vld [tilespmem:s18+$0xE40];
	[tilespmem:s18+$0xDD0] =	vst v18;
	v18 =	vmul.f32 v37, v32  }
0x12d: {  	v44 =	vld [tilespmem:s18+$0xE50];
	[tilespmem:s18+$0xDE0] =	vst v19;
	v19 =	vmul.f32 v38, v41  }
0x12e: {  	v45 =	vld [tilespmem:s18+$0xE60];
	[tilespmem:s18+$0xDF0] =	vst v18;
	v18 =	vmul.f32 v39, v41  }
0x12f: {  	v46 =	vld [tilespmem:s18+$0xE70];
	[tilespmem:s18+$0xE00] =	vst v19;
	v19 =	vmul.f32 v40, v41  }
0x130: {  	v47 =	vld [tilespmem:s18+$0xE80];
	[tilespmem:s18+$0xE10] =	vst v18;
	v18 =	vmul.f32 v42, v41  }
0x131: {  	v48 =	vld [tilespmem:s18+$0xE90];
	[tilespmem:s18+$0xE20] =	vst v19;
	v19 =	vmul.f32 v43, v41  }
0x132: {  	v49 =	vld [tilespmem:s18+$0xEA0];
	[tilespmem:s18+$0xE30] =	vst v18;
	v18 =	vmul.f32 v44, v41  }
0x133: {  	v51 =	vld [tilespmem:s18+$0xEB0];
	v50 =	vperm.xlane v17, v7;
	[tilespmem:s18+$0xE40] =	vst v19;
	v19 =	vmul.f32 v45, v41  }
0x134: {  	v52 =	vld [tilespmem:s18+$0xEC0];
	[tilespmem:s18+$0xE50] =	vst v18;
	v18 =	vmul.f32 v46, v41  }
0x135: {  	v53 =	vld [tilespmem:s18+$0xED0];
	[tilespmem:s18+$0xE60] =	vst v19;
	v19 =	vmul.f32 v47, v50  }
0x136: {  	v54 =	vld [tilespmem:s18+$0xEE0];
	[tilespmem:s18+$0xE70] =	vst v18;
	v18 =	vmul.f32 v48, v50  }
0x137: {  	v55 =	vld [tilespmem:s18+$0xEF0];
	[tilespmem:s18+$0xE80] =	vst v19;
	v19 =	vmul.f32 v49, v50  }
0x138: {  	v56 =	vld [tilespmem:s18+$0xF00];
	[tilespmem:s18+$0xE90] =	vst v18;
	v18 =	vmul.f32 v51, v50  }
0x139: {  	v57 =	vld [tilespmem:s18+$0xF10];
	[tilespmem:s18+$0xEA0] =	vst v19;
	v19 =	vmul.f32 v52, v50  }
0x13a: {  	v58 =	vld [tilespmem:s18+$0xF20];
	[tilespmem:s18+$0xEB0] =	vst v18;
	v18 =	vmul.f32 v53, v50  }
0x13b: {  	v60 =	vld [tilespmem:s18+$0xF30];
	v59 =	vperm.xlane v17, v8;
	[tilespmem:s18+$0xEC0] =	vst v19;
	v19 =	vmul.f32 v54, v50  }
0x13c: {  	v61 =	vld [tilespmem:s18+$0xF40];
	[tilespmem:s18+$0xED0] =	vst v18;
	v18 =	vmul.f32 v55, v50  }
0x13d: {  	v62 =	vld [tilespmem:s18+$0xF50];
	[tilespmem:s18+$0xEE0] =	vst v19;
	v19 =	vmul.f32 v56, v59  }
0x13e: {  	v63 =	vld [tilespmem:s18+$0xF60];
	[tilespmem:s18+$0xEF0] =	vst v18;
	v18 =	vmul.f32 v57, v59  }
0x13f: {  	v28 =	vld [tilespmem:s18+$0xF70];
	[tilespmem:s18+$0xF00] =	vst v19;
	v19 =	vmul.f32 v58, v59  }
0x140: {  	v29 =	vld [tilespmem:s18+$0xF80];
	[tilespmem:s18+$0xF10] =	vst v18;
	v18 =	vmul.f32 v60, v59  }
0x141: {  	v30 =	vld [tilespmem:s18+$0xF90];
	[tilespmem:s18+$0xF20] =	vst v19;
	v19 =	vmul.f32 v61, v59  }
0x142: {  	v31 =	vld [tilespmem:s18+$0xFA0];
	[tilespmem:s18+$0xF30] =	vst v18;
	v18 =	vmul.f32 v62, v59  }
0x143: {  	v33 =	vld [tilespmem:s18+$0xFB0];
	v32 =	vperm.xlane v17, v9;
	[tilespmem:s18+$0xF40] =	vst v19;
	v19 =	vmul.f32 v63, v59  }
0x144: {  	v34 =	vld [tilespmem:s18+$0xFC0];
	[tilespmem:s18+$0xF50] =	vst v18;
	v18 =	vmul.f32 v28, v59  }
0x145: {  	v35 =	vld [tilespmem:s18+$0xFD0];
	[tilespmem:s18+$0xF60] =	vst v19;
	v19 =	vmul.f32 v29, v32  }
0x146: {  	v36 =	vld [tilespmem:s18+$0xFE0];
	[tilespmem:s18+$0xF70] =	vst v18;
	v18 =	vmul.f32 v30, v32  }
0x147: {  	v37 =	vld [tilespmem:s18+$0xFF0];
	[tilespmem:s18+$0xF80] =	vst v19;
	v19 =	vmul.f32 v31, v32  }
0x148: {  	v38 =	vld [tilespmem:s18+$0x1000];
	[tilespmem:s18+$0xF90] =	vst v18;
	v18 =	vmul.f32 v33, v32  }
0x149: {  	v39 =	vld [tilespmem:s18+$0x1010];
	[tilespmem:s18+$0xFA0] =	vst v19;
	v19 =	vmul.f32 v34, v32  }
0x14a: {  	v40 =	vld [tilespmem:s18+$0x1020];
	[tilespmem:s18+$0xFB0] =	vst v18;
	v18 =	vmul.f32 v35, v32  }
0x14b: {  	v42 =	vld [tilespmem:s18+$0x1030];
	v41 =	vperm.xlane v17, v10;
	[tilespmem:s18+$0xFC0] =	vst v19;
	v19 =	vmul.f32 v36, v32  }
0x14c: {  	v43 =	vld [tilespmem:s18+$0x1040];
	[tilespmem:s18+$0xFD0] =	vst v18;
	v18 =	vmul.f32 v37, v32  }
0x14d: {  	v44 =	vld [tilespmem:s18+$0x1050];
	[tilespmem:s18+$0xFE0] =	vst v19;
	v19 =	vmul.f32 v38, v41  }
0x14e: {  	v45 =	vld [tilespmem:s18+$0x1060];
	[tilespmem:s18+$0xFF0] =	vst v18;
	v18 =	vmul.f32 v39, v41  }
0x14f: {  	v46 =	vld [tilespmem:s18+$0x1070];
	[tilespmem:s18+$0x1000] =	vst v19;
	v19 =	vmul.f32 v40, v41  }
0x150: {  	v47 =	vld [tilespmem:s18+$0x1080];
	[tilespmem:s18+$0x1010] =	vst v18;
	v18 =	vmul.f32 v42, v41  }
0x151: {  	v48 =	vld [tilespmem:s18+$0x1090];
	[tilespmem:s18+$0x1020] =	vst v19;
	v19 =	vmul.f32 v43, v41  }
0x152: {  	v49 =	vld [tilespmem:s18+$0x10A0];
	[tilespmem:s18+$0x1030] =	vst v18;
	v18 =	vmul.f32 v44, v41  }
0x153: {  	v51 =	vld [tilespmem:s18+$0x10B0];
	v50 =	vperm.xlane v17, v11;
	[tilespmem:s18+$0x1040] =	vst v19;
	v19 =	vmul.f32 v45, v41  }
0x154: {  	v52 =	vld [tilespmem:s18+$0x10C0];
	[tilespmem:s18+$0x1050] =	vst v18;
	v18 =	vmul.f32 v46, v41  }
0x155: {  	v53 =	vld [tilespmem:s18+$0x10D0];
	[tilespmem:s18+$0x1060] =	vst v19;
	v19 =	vmul.f32 v47, v50  }
0x156: {  	v54 =	vld [tilespmem:s18+$0x10E0];
	[tilespmem:s18+$0x1070] =	vst v18;
	v18 =	vmul.f32 v48, v50  }
0x157: {  	v55 =	vld [tilespmem:s18+$0x10F0];
	[tilespmem:s18+$0x1080] =	vst v19;
	v19 =	vmul.f32 v49, v50  }
0x158: {  	v56 =	vld [tilespmem:s18+$0x1100];
	[tilespmem:s18+$0x1090] =	vst v18;
	v18 =	vmul.f32 v51, v50  }
0x159: {  	v57 =	vld [tilespmem:s18+$0x1110];
	[tilespmem:s18+$0x10A0] =	vst v19;
	v19 =	vmul.f32 v52, v50  }
0x15a: {  	v58 =	vld [tilespmem:s18+$0x1120];
	[tilespmem:s18+$0x10B0] =	vst v18;
	v18 =	vmul.f32 v53, v50  }
0x15b: {  	v60 =	vld [tilespmem:s18+$0x1130];
	v59 =	vperm.xlane v17, v12;
	[tilespmem:s18+$0x10C0] =	vst v19;
	v19 =	vmul.f32 v54, v50  }
0x15c: {  	v61 =	vld [tilespmem:s18+$0x1140];
	[tilespmem:s18+$0x10D0] =	vst v18;
	v18 =	vmul.f32 v55, v50  }
0x15d: {  	v62 =	vld [tilespmem:s18+$0x1150];
	[tilespmem:s18+$0x10E0] =	vst v19;
	v19 =	vmul.f32 v56, v59  }
0x15e: {  	v63 =	vld [tilespmem:s18+$0x1160];
	[tilespmem:s18+$0x10F0] =	vst v18;
	v18 =	vmul.f32 v57, v59  }
0x15f: {  	v28 =	vld [tilespmem:s18+$0x1170];
	[tilespmem:s18+$0x1100] =	vst v19;
	v19 =	vmul.f32 v58, v59  }
0x160: {  	v29 =	vld [tilespmem:s18+$0x1180];
	[tilespmem:s18+$0x1110] =	vst v18;
	v18 =	vmul.f32 v60, v59  }
0x161: {  	v30 =	vld [tilespmem:s18+$0x1190];
	[tilespmem:s18+$0x1120] =	vst v19;
	v19 =	vmul.f32 v61, v59  }
0x162: {  	v31 =	vld [tilespmem:s18+$0x11A0];
	[tilespmem:s18+$0x1130] =	vst v18;
	v18 =	vmul.f32 v62, v59  }
0x163: {  	v33 =	vld [tilespmem:s18+$0x11B0];
	v32 =	vperm.xlane v17, v13;
	[tilespmem:s18+$0x1140] =	vst v19;
	v19 =	vmul.f32 v63, v59  }
0x164: {  	v34 =	vld [tilespmem:s18+$0x11C0];
	[tilespmem:s18+$0x1150] =	vst v18;
	v18 =	vmul.f32 v28, v59  }
0x165: {  	v35 =	vld [tilespmem:s18+$0x11D0];
	[tilespmem:s18+$0x1160] =	vst v19;
	v19 =	vmul.f32 v29, v32  }
0x166: {  	v36 =	vld [tilespmem:s18+$0x11E0];
	[tilespmem:s18+$0x1170] =	vst v18;
	v18 =	vmul.f32 v30, v32  }
0x167: {  	v37 =	vld [tilespmem:s18+$0x11F0];
	[tilespmem:s18+$0x1180] =	vst v19;
	v19 =	vmul.f32 v31, v32  }
0x168: {  	v38 =	vld [tilespmem:s18+$0x1200];
	[tilespmem:s18+$0x1190] =	vst v18;
	v18 =	vmul.f32 v33, v32  }
0x169: {  	v39 =	vld [tilespmem:s18+$0x1210];
	[tilespmem:s18+$0x11A0] =	vst v19;
	v19 =	vmul.f32 v34, v32  }
0x16a: {  	v40 =	vld [tilespmem:s18+$0x1220];
	[tilespmem:s18+$0x11B0] =	vst v18;
	v18 =	vmul.f32 v35, v32  }
0x16b: {  	v42 =	vld [tilespmem:s18+$0x1230];
	v41 =	vperm.xlane v17, v14;
	[tilespmem:s18+$0x11C0] =	vst v19;
	v19 =	vmul.f32 v36, v32  }
0x16c: {  	v43 =	vld [tilespmem:s18+$0x1240];
	[tilespmem:s18+$0x11D0] =	vst v18;
	v18 =	vmul.f32 v37, v32  }
0x16d: {  	v44 =	vld [tilespmem:s18+$0x1250];
	[tilespmem:s18+$0x11E0] =	vst v19;
	v19 =	vmul.f32 v38, v41  }
0x16e: {  	v45 =	vld [tilespmem:s18+$0x1260];
	[tilespmem:s18+$0x11F0] =	vst v18;
	v18 =	vmul.f32 v39, v41  }
0x16f: {  	v46 =	vld [tilespmem:s18+$0x1270];
	[tilespmem:s18+$0x1200] =	vst v19;
	v19 =	vmul.f32 v40, v41  }
0x170: {  	v47 =	vld [tilespmem:s18+$0x1280];
	[tilespmem:s18+$0x1210] =	vst v18;
	v18 =	vmul.f32 v42, v41  }
0x171: {  	v48 =	vld [tilespmem:s18+$0x1290];
	[tilespmem:s18+$0x1220] =	vst v19;
	v19 =	vmul.f32 v43, v41  }
0x172: {  	v49 =	vld [tilespmem:s18+$0x12A0];
	[tilespmem:s18+$0x1230] =	vst v18;
	v18 =	vmul.f32 v44, v41  }
0x173: {  	v51 =	vld [tilespmem:s18+$0x12B0];
	v50 =	vperm.xlane v17, v15;
	[tilespmem:s18+$0x1240] =	vst v19;
	v19 =	vmul.f32 v45, v41  }
0x174: {  	v52 =	vld [tilespmem:s18+$0x12C0];
	[tilespmem:s18+$0x1250] =	vst v18;
	v18 =	vmul.f32 v46, v41  }
0x175: {  	v53 =	vld [tilespmem:s18+$0x12D0];
	[tilespmem:s18+$0x1260] =	vst v19;
	v19 =	vmul.f32 v47, v50  }
0x176: {  	v54 =	vld [tilespmem:s18+$0x12E0];
	[tilespmem:s18+$0x1270] =	vst v18;
	v18 =	vmul.f32 v48, v50  }
0x177: {  	v55 =	vld [tilespmem:s18+$0x12F0];
	[tilespmem:s18+$0x1280] =	vst v19;
	v19 =	vmul.f32 v49, v50  }
0x178: {  	v56 =	vld [tilespmem:s18+$0x1300];
	[tilespmem:s18+$0x1290] =	vst v18;
	v18 =	vmul.f32 v51, v50  }
0x179: {  	v57 =	vld [tilespmem:s18+$0x1310];
	[tilespmem:s18+$0x12A0] =	vst v19;
	v19 =	vmul.f32 v52, v50  }
0x17a: {  	v58 =	vld [tilespmem:s18+$0x1320];
	[tilespmem:s18+$0x12B0] =	vst v18;
	v18 =	vmul.f32 v53, v50  }
0x17b: {  	v17 =	vperm.xlane v17, v16;
	v59 =	vld [tilespmem:s18+$0x1330];
	[tilespmem:s18+$0x12C0] =	vst v19;
	v19 =	vmul.f32 v54, v50  }
0x17c: {  	v60 =	vld [tilespmem:s18+$0x1340];
	[tilespmem:s18+$0x12D0] =	vst v18;
	v18 =	vmul.f32 v55, v50  }
0x17d: {  	v61 =	vld [tilespmem:s18+$0x1350];
	[tilespmem:s18+$0x12E0] =	vst v19;
	v19 =	vmul.f32 v56, v17  }
0x17e: {  	v62 =	vld [tilespmem:s18+$0x1360];
	[tilespmem:s18+$0x12F0] =	vst v18;
	v18 =	vmul.f32 v57, v17  }
0x17f: {  	v63 =	vld [tilespmem:s18+$0x1370];
	[tilespmem:s18+$0x1300] =	vst v19;
	v19 =	vmul.f32 v58, v17  }
0x180: {  	[tilespmem:s18+$0x1310] =	vst v18;
	v18 =	vmul.f32 v59, v17  }
0x181: {  	p0 =	slt.u32 s17, $0x6;
	[tilespmem:s18+$0x1320] =	vst v19;
	v19 =	vmul.f32 v60, v17  }
.Ltmp3:
0x182: {  	[tilespmem:s18+$0x1330] =	vst v18;
	v18 =	vmul.f32 v61, v17;
	(pc) =	sbr.rel @p0 .LBB2_5-.Ltmp3, $4  }
0x183: {  	[tilespmem:s18+$0x1340] =	vst v19;
	v19 =	vmul.f32 v62, v17  }
0x184: {  	[tilespmem:s18+$0x1350] =	vst v18;
	v17 =	vmul.f32 v63, v17  }
0x185: {  	s22 =	sadd.s32 $0x2, s17;
	[tilespmem:s18+$0x1360] =	vst v19  }
0x186: {  	s17 =	smov.u32 s22;
	[tilespmem:s18+$0x1370] =	vst v17  }
0x187: {  	[spmem:s4] =	stream.indirect.scatter.add.f32 [tilespmem:s23], [sflag:$0x5], $0x80, s25, s25, $0xb8;
	[tilespmem:$0x1BC00] =	vst v63  }
0x188: {  	_ =	swait.ge [sflag:s10], $0x4000  }
0x189: {  	[sflag:s10] =	ssyncset.done $0x0  }
0x18a: {  	s17 =	simm.s32 $0x0;
	[sflag:s10] =	ssyncadd.s32 $0xFFFFC000  }
.LBB2_7:
0x18b: {  	s21 =	sshll.u32 s17, $0x4  }
0x18c: {  	s18 =	sand.u32 $0x3FFFFFF0, s21  }
0x18d: {  	s22 =	sshll.u32 s17, $0xB;
	v18 =	vld [tilespmem:s18+$0x280]  }
0x18e: {  	s18 =	sand.u32 $0x3FFFF800, s22  }
0x18f: {  	v17 =	vld [tilespmem:s18+$0x4380]  }
0x190: {  	v19 =	vld [tilespmem:s18+$0x4390]  }
0x191: {  	v20 =	vld [tilespmem:s18+$0x43A0]  }
0x192: {  	v22 =	vld [tilespmem:s18+$0x43B0];
	v21 =	vperm.xlane v18, v1  }
0x193: {  	v23 =	vld [tilespmem:s18+$0x43C0]  }
0x194: {  	v24 =	vld [tilespmem:s18+$0x43D0];
	v17 =	vmul.f32 v17, v21  }
0x195: {  	v25 =	vld [tilespmem:s18+$0x43E0];
	v19 =	vmul.f32 v19, v21  }
0x196: {  	[tilespmem:s18+$0x4380] =	vst v17;
	v17 =	vmul.f32 v20, v21  }
0x197: {  	[tilespmem:s18+$0x4390] =	vst v19;
	v19 =	vmul.f32 v22, v21  }
0x198: {  	[tilespmem:s18+$0x43A0] =	vst v17;
	v17 =	vmul.f32 v23, v21  }
0x199: {  	[tilespmem:s18+$0x43B0] =	vst v19;
	v19 =	vmul.f32 v24, v21  }
0x19a: {  	[tilespmem:s18+$0x43C0] =	vst v17;
	v17 =	vmul.f32 v25, v21  }
0x19b: {  	[tilespmem:s18+$0x43D0] =	vst v19  }
0x19c: {  	[tilespmem:s18+$0x43E0] =	vst v17  }
0x19d: {  	v17 =	vld [tilespmem:s18+$0x43F0]  }
0x19e: {  	v19 =	vld [tilespmem:s18+$0x4400]  }
0x19f: {  	v34 =	vld [tilespmem:s18+$0x4410]  }
0x1a0: {  	v35 =	vld [tilespmem:s18+$0x4420]  }
0x1a1: {  	v36 =	vld [tilespmem:s18+$0x4430]  }
0x1a2: {  	v37 =	vperm.xlane v18, v2;
	v38 =	vld [tilespmem:s18+$0x4440]  }
0x1a3: {  	v39 =	vld [tilespmem:s18+$0x4450];
	v17 =	vmul.f32 v17, v21  }
0x1a4: {  	v26 =	vld [tilespmem:s18+$0x4460];
	v19 =	vmul.f32 v19, v37  }
0x1a5: {  	v40 =	vld [tilespmem:s18+$0x4470];
	[tilespmem:s18+$0x43F0] =	vst v17;
	v17 =	vmul.f32 v34, v37  }
0x1a6: {  	v41 =	vld [tilespmem:s18+$0x4480];
	[tilespmem:s18+$0x4400] =	vst v19;
	v19 =	vmul.f32 v35, v37  }
0x1a7: {  	v42 =	vld [tilespmem:s18+$0x4490];
	[tilespmem:s18+$0x4410] =	vst v17;
	v17 =	vmul.f32 v36, v37  }
0x1a8: {  	v43 =	vld [tilespmem:s18+$0x44A0];
	[tilespmem:s18+$0x4420] =	vst v19;
	v19 =	vmul.f32 v38, v37  }
0x1a9: {  	v44 =	vld [tilespmem:s18+$0x44B0];
	[tilespmem:s18+$0x4430] =	vst v17;
	v17 =	vmul.f32 v39, v37  }
0x1aa: {  	v45 =	vperm.xlane v18, v3;
	v27 =	vld [tilespmem:s18+$0x44C0];
	[tilespmem:s18+$0x4440] =	vst v19;
	v19 =	vmul.f32 v26, v37  }
0x1ab: {  	v46 =	vld [tilespmem:s18+$0x44D0];
	[tilespmem:s18+$0x4450] =	vst v17;
	v17 =	vmul.f32 v40, v37  }
0x1ac: {  	v47 =	vld [tilespmem:s18+$0x44E0];
	[tilespmem:s18+$0x4460] =	vst v19;
	v19 =	vmul.f32 v41, v45  }
0x1ad: {  	v48 =	vld [tilespmem:s18+$0x44F0];
	[tilespmem:s18+$0x4470] =	vst v17;
	v17 =	vmul.f32 v42, v45  }
0x1ae: {  	v49 =	vld [tilespmem:s18+$0x4500];
	[tilespmem:s18+$0x4480] =	vst v19;
	v19 =	vmul.f32 v43, v45  }
0x1af: {  	v50 =	vld [tilespmem:s18+$0x4510];
	[tilespmem:s18+$0x4490] =	vst v17;
	v17 =	vmul.f32 v44, v45  }
0x1b0: {  	v51 =	vld [tilespmem:s18+$0x4520];
	[tilespmem:s18+$0x44A0] =	vst v19;
	v19 =	vmul.f32 v27, v45  }
0x1b1: {  	v52 =	vld [tilespmem:s18+$0x4530];
	[tilespmem:s18+$0x44B0] =	vst v17;
	v17 =	vmul.f32 v46, v45  }
0x1b2: {  	v53 =	vperm.xlane v18, v4;
	v54 =	vld [tilespmem:s18+$0x4540];
	[tilespmem:s18+$0x44C0] =	vst v19;
	v19 =	vmul.f32 v47, v45  }
0x1b3: {  	v55 =	vld [tilespmem:s18+$0x4550];
	[tilespmem:s18+$0x44D0] =	vst v17;
	v17 =	vmul.f32 v48, v45  }
0x1b4: {  	v56 =	vld [tilespmem:s18+$0x4560];
	[tilespmem:s18+$0x44E0] =	vst v19;
	v19 =	vmul.f32 v49, v53  }
0x1b5: {  	v57 =	vld [tilespmem:s18+$0x4570];
	[tilespmem:s18+$0x44F0] =	vst v17;
	v17 =	vmul.f32 v50, v53  }
0x1b6: {  	v58 =	vld [tilespmem:s18+$0x4580];
	[tilespmem:s18+$0x4500] =	vst v19;
	v19 =	vmul.f32 v51, v53  }
0x1b7: {  	v59 =	vld [tilespmem:s18+$0x4590];
	[tilespmem:s18+$0x4510] =	vst v17;
	v17 =	vmul.f32 v52, v53  }
0x1b8: {  	v60 =	vld [tilespmem:s18+$0x45A0];
	[tilespmem:s18+$0x4520] =	vst v19;
	v19 =	vmul.f32 v54, v53  }
0x1b9: {  	v61 =	vld [tilespmem:s18+$0x45B0];
	[tilespmem:s18+$0x4530] =	vst v17;
	v17 =	vmul.f32 v55, v53  }
0x1ba: {  	v62 =	vperm.xlane v18, v5;
	v63 =	vld [tilespmem:s18+$0x45C0];
	[tilespmem:s18+$0x4540] =	vst v19;
	v19 =	vmul.f32 v56, v53  }
0x1bb: {  	v28 =	vld [tilespmem:s18+$0x45D0];
	[tilespmem:s18+$0x4550] =	vst v17;
	v17 =	vmul.f32 v57, v53  }
0x1bc: {  	v29 =	vld [tilespmem:s18+$0x45E0];
	[tilespmem:s18+$0x4560] =	vst v19;
	v19 =	vmul.f32 v58, v62  }
0x1bd: {  	v30 =	vld [tilespmem:s18+$0x45F0];
	[tilespmem:s18+$0x4570] =	vst v17;
	v17 =	vmul.f32 v59, v62  }
0x1be: {  	v31 =	vld [tilespmem:s18+$0x4600];
	[tilespmem:s18+$0x4580] =	vst v19;
	v19 =	vmul.f32 v60, v62  }
0x1bf: {  	v32 =	vld [tilespmem:s18+$0x4610];
	[tilespmem:s18+$0x4590] =	vst v17;
	v17 =	vmul.f32 v61, v62  }
0x1c0: {  	v33 =	vld [tilespmem:s18+$0x4620];
	[tilespmem:s18+$0x45A0] =	vst v19;
	v19 =	vmul.f32 v63, v62  }
0x1c1: {  	v34 =	vld [tilespmem:s18+$0x4630];
	[tilespmem:s18+$0x45B0] =	vst v17;
	v17 =	vmul.f32 v28, v62  }
0x1c2: {  	v35 =	vperm.xlane v18, v6;
	v36 =	vld [tilespmem:s18+$0x4640];
	[tilespmem:s18+$0x45C0] =	vst v19;
	v19 =	vmul.f32 v29, v62  }
0x1c3: {  	v38 =	vld [tilespmem:s18+$0x4660];
	[tilespmem:s18+$0x45D0] =	vst v17;
	v17 =	vmul.f32 v30, v62  }
0x1c4: {  	v37 =	vld [tilespmem:s18+$0x4650];
	[tilespmem:s18+$0x45E0] =	vst v19;
	v19 =	vmul.f32 v31, v35  }
0x1c5: {  	v39 =	vld [tilespmem:s18+$0x4670];
	[tilespmem:s18+$0x45F0] =	vst v17;
	v17 =	vmul.f32 v32, v35  }
0x1c6: {  	v40 =	vld [tilespmem:s18+$0x4680];
	[tilespmem:s18+$0x4600] =	vst v19;
	v19 =	vmul.f32 v33, v35  }
0x1c7: {  	v41 =	vld [tilespmem:s18+$0x4690];
	[tilespmem:s18+$0x4610] =	vst v17;
	v17 =	vmul.f32 v34, v35  }
0x1c8: {  	v42 =	vld [tilespmem:s18+$0x46A0];
	[tilespmem:s18+$0x4620] =	vst v19;
	v19 =	vmul.f32 v36, v35  }
0x1c9: {  	v43 =	vld [tilespmem:s18+$0x46B0];
	[tilespmem:s18+$0x4630] =	vst v17;
	v17 =	vmul.f32 v37, v35  }
0x1ca: {  	v44 =	vperm.xlane v18, v7;
	v46 =	vld [tilespmem:s18+$0x46D0];
	[tilespmem:s18+$0x4640] =	vst v19;
	v19 =	vmul.f32 v38, v35  }
0x1cb: {  	v45 =	vld [tilespmem:s18+$0x46C0];
	[tilespmem:s18+$0x4650] =	vst v17;
	v17 =	vmul.f32 v39, v35  }
0x1cc: {  	v47 =	vld [tilespmem:s18+$0x46E0];
	[tilespmem:s18+$0x4660] =	vst v19;
	v19 =	vmul.f32 v40, v44  }
0x1cd: {  	v48 =	vld [tilespmem:s18+$0x46F0];
	[tilespmem:s18+$0x4670] =	vst v17;
	v17 =	vmul.f32 v41, v44  }
0x1ce: {  	v49 =	vld [tilespmem:s18+$0x4700];
	[tilespmem:s18+$0x4680] =	vst v19;
	v19 =	vmul.f32 v42, v44  }
0x1cf: {  	v50 =	vld [tilespmem:s18+$0x4710];
	[tilespmem:s18+$0x4690] =	vst v17;
	v17 =	vmul.f32 v43, v44  }
0x1d0: {  	v51 =	vld [tilespmem:s18+$0x4720];
	[tilespmem:s18+$0x46A0] =	vst v19;
	v19 =	vmul.f32 v45, v44  }
0x1d1: {  	v52 =	vld [tilespmem:s18+$0x4730];
	[tilespmem:s18+$0x46B0] =	vst v17;
	v17 =	vmul.f32 v46, v44  }
0x1d2: {  	v54 =	vld [tilespmem:s18+$0x4740];
	v53 =	vperm.xlane v18, v8;
	[tilespmem:s18+$0x46C0] =	vst v19;
	v19 =	vmul.f32 v47, v44  }
0x1d3: {  	v55 =	vld [tilespmem:s18+$0x4750];
	[tilespmem:s18+$0x46D0] =	vst v17;
	v17 =	vmul.f32 v48, v44  }
0x1d4: {  	v56 =	vld [tilespmem:s18+$0x4760];
	[tilespmem:s18+$0x46E0] =	vst v19;
	v19 =	vmul.f32 v49, v53  }
0x1d5: {  	v57 =	vld [tilespmem:s18+$0x4770];
	[tilespmem:s18+$0x46F0] =	vst v17;
	v17 =	vmul.f32 v50, v53  }
0x1d6: {  	v58 =	vld [tilespmem:s18+$0x4780];
	[tilespmem:s18+$0x4700] =	vst v19;
	v19 =	vmul.f32 v51, v53  }
0x1d7: {  	v59 =	vld [tilespmem:s18+$0x4790];
	[tilespmem:s18+$0x4710] =	vst v17;
	v17 =	vmul.f32 v52, v53  }
0x1d8: {  	v60 =	vld [tilespmem:s18+$0x47A0];
	[tilespmem:s18+$0x4720] =	vst v19;
	v19 =	vmul.f32 v54, v53  }
0x1d9: {  	v61 =	vld [tilespmem:s18+$0x47B0];
	[tilespmem:s18+$0x4730] =	vst v17;
	v17 =	vmul.f32 v55, v53  }
0x1da: {  	v63 =	vld [tilespmem:s18+$0x47C0];
	v62 =	vperm.xlane v18, v9;
	[tilespmem:s18+$0x4740] =	vst v19;
	v19 =	vmul.f32 v56, v53  }
0x1db: {  	v30 =	vld [tilespmem:s18+$0x47D0];
	[tilespmem:s18+$0x4750] =	vst v17;
	v17 =	vmul.f32 v57, v53  }
0x1dc: {  	v31 =	vld [tilespmem:s18+$0x47E0];
	[tilespmem:s18+$0x4760] =	vst v19;
	v19 =	vmul.f32 v58, v62  }
0x1dd: {  	v32 =	vld [tilespmem:s18+$0x47F0];
	[tilespmem:s18+$0x4770] =	vst v17;
	v17 =	vmul.f32 v59, v62  }
0x1de: {  	v33 =	vld [tilespmem:s18+$0x4800];
	[tilespmem:s18+$0x4780] =	vst v19;
	v19 =	vmul.f32 v60, v62  }
0x1df: {  	v34 =	vld [tilespmem:s18+$0x4810];
	[tilespmem:s18+$0x4790] =	vst v17;
	v17 =	vmul.f32 v61, v62  }
0x1e0: {  	v36 =	vld [tilespmem:s18+$0x4830];
	[tilespmem:s18+$0x47A0] =	vst v19;
	v19 =	vmul.f32 v63, v62  }
0x1e1: {  	v35 =	vld [tilespmem:s18+$0x4820];
	[tilespmem:s18+$0x47B0] =	vst v17;
	v17 =	vmul.f32 v30, v62  }
0x1e2: {  	v37 =	vperm.xlane v18, v10;
	v38 =	vld [tilespmem:s18+$0x4840];
	[tilespmem:s18+$0x47C0] =	vst v19;
	v19 =	vmul.f32 v31, v62  }
0x1e3: {  	v39 =	vld [tilespmem:s18+$0x4850];
	[tilespmem:s18+$0x47D0] =	vst v17;
	v17 =	vmul.f32 v32, v62  }
0x1e4: {  	v40 =	vld [tilespmem:s18+$0x4860];
	[tilespmem:s18+$0x47E0] =	vst v19;
	v19 =	vmul.f32 v33, v37  }
0x1e5: {  	v41 =	vld [tilespmem:s18+$0x4870];
	[tilespmem:s18+$0x47F0] =	vst v17;
	v17 =	vmul.f32 v34, v37  }
0x1e6: {  	v42 =	vld [tilespmem:s18+$0x4880];
	[tilespmem:s18+$0x4800] =	vst v19;
	v19 =	vmul.f32 v35, v37  }
0x1e7: {  	v43 =	vld [tilespmem:s18+$0x4890];
	[tilespmem:s18+$0x4810] =	vst v17;
	v17 =	vmul.f32 v36, v37  }
0x1e8: {  	v45 =	vld [tilespmem:s18+$0x48B0];
	[tilespmem:s18+$0x4820] =	vst v19;
	v19 =	vmul.f32 v38, v37  }
0x1e9: {  	v44 =	vld [tilespmem:s18+$0x48A0];
	[tilespmem:s18+$0x4830] =	vst v17;
	v17 =	vmul.f32 v39, v37  }
0x1ea: {  	v46 =	vperm.xlane v18, v11;
	v47 =	vld [tilespmem:s18+$0x48C0];
	[tilespmem:s18+$0x4840] =	vst v19;
	v19 =	vmul.f32 v40, v37  }
0x1eb: {  	v48 =	vld [tilespmem:s18+$0x48D0];
	[tilespmem:s18+$0x4850] =	vst v17;
	v17 =	vmul.f32 v41, v37  }
0x1ec: {  	v49 =	vld [tilespmem:s18+$0x48E0];
	[tilespmem:s18+$0x4860] =	vst v19;
	v19 =	vmul.f32 v42, v46  }
0x1ed: {  	v50 =	vld [tilespmem:s18+$0x48F0];
	[tilespmem:s18+$0x4870] =	vst v17;
	v17 =	vmul.f32 v43, v46  }
0x1ee: {  	v51 =	vld [tilespmem:s18+$0x4900];
	[tilespmem:s18+$0x4880] =	vst v19;
	v19 =	vmul.f32 v44, v46  }
0x1ef: {  	v52 =	vld [tilespmem:s18+$0x4910];
	[tilespmem:s18+$0x4890] =	vst v17;
	v17 =	vmul.f32 v45, v46  }
0x1f0: {  	v54 =	vld [tilespmem:s18+$0x4930];
	[tilespmem:s18+$0x48A0] =	vst v19;
	v19 =	vmul.f32 v47, v46  }
0x1f1: {  	v53 =	vld [tilespmem:s18+$0x4920];
	[tilespmem:s18+$0x48B0] =	vst v17;
	v17 =	vmul.f32 v48, v46  }
0x1f2: {  	v55 =	vperm.xlane v18, v12;
	v56 =	vld [tilespmem:s18+$0x4940];
	[tilespmem:s18+$0x48C0] =	vst v19;
	v19 =	vmul.f32 v49, v46  }
0x1f3: {  	v57 =	vld [tilespmem:s18+$0x4950];
	[tilespmem:s18+$0x48D0] =	vst v17;
	v17 =	vmul.f32 v50, v46  }
0x1f4: {  	v58 =	vld [tilespmem:s18+$0x4960];
	[tilespmem:s18+$0x48E0] =	vst v19;
	v19 =	vmul.f32 v51, v55  }
0x1f5: {  	v59 =	vld [tilespmem:s18+$0x4970];
	[tilespmem:s18+$0x48F0] =	vst v17;
	v17 =	vmul.f32 v52, v55  }
0x1f6: {  	v60 =	vld [tilespmem:s18+$0x4980];
	[tilespmem:s18+$0x4900] =	vst v19;
	v19 =	vmul.f32 v53, v55  }
0x1f7: {  	v61 =	vld [tilespmem:s18+$0x4990];
	[tilespmem:s18+$0x4910] =	vst v17;
	v17 =	vmul.f32 v54, v55  }
0x1f8: {  	v63 =	vld [tilespmem:s18+$0x49B0];
	[tilespmem:s18+$0x4920] =	vst v19;
	v19 =	vmul.f32 v56, v55  }
0x1f9: {  	v62 =	vld [tilespmem:s18+$0x49A0];
	[tilespmem:s18+$0x4930] =	vst v17;
	v17 =	vmul.f32 v57, v55  }
0x1fa: {  	v30 =	vperm.xlane v18, v13;
	v31 =	vld [tilespmem:s18+$0x49C0];
	[tilespmem:s18+$0x4940] =	vst v19;
	v19 =	vmul.f32 v58, v55  }
0x1fb: {  	v32 =	vld [tilespmem:s18+$0x49D0];
	[tilespmem:s18+$0x4950] =	vst v17;
	v17 =	vmul.f32 v59, v55  }
0x1fc: {  	v33 =	vld [tilespmem:s18+$0x49E0];
	[tilespmem:s18+$0x4960] =	vst v19;
	v19 =	vmul.f32 v60, v30  }
0x1fd: {  	v34 =	vld [tilespmem:s18+$0x49F0];
	[tilespmem:s18+$0x4970] =	vst v17;
	v17 =	vmul.f32 v61, v30  }
0x1fe: {  	v35 =	vld [tilespmem:s18+$0x4A00];
	[tilespmem:s18+$0x4980] =	vst v19;
	v19 =	vmul.f32 v62, v30  }
0x1ff: {  	v36 =	vld [tilespmem:s18+$0x4A10];
	[tilespmem:s18+$0x4990] =	vst v17;
	v17 =	vmul.f32 v63, v30  }
0x200: {  	v38 =	vld [tilespmem:s18+$0x4A30];
	[tilespmem:s18+$0x49A0] =	vst v19;
	v19 =	vmul.f32 v31, v30  }
0x201: {  	v37 =	vld [tilespmem:s18+$0x4A20];
	[tilespmem:s18+$0x49B0] =	vst v17;
	v17 =	vmul.f32 v32, v30  }
0x202: {  	v39 =	vperm.xlane v18, v14;
	v40 =	vld [tilespmem:s18+$0x4A40];
	[tilespmem:s18+$0x49C0] =	vst v19;
	v19 =	vmul.f32 v33, v30  }
0x203: {  	v41 =	vld [tilespmem:s18+$0x4A50];
	[tilespmem:s18+$0x49D0] =	vst v17;
	v17 =	vmul.f32 v34, v30  }
0x204: {  	v42 =	vld [tilespmem:s18+$0x4A60];
	[tilespmem:s18+$0x49E0] =	vst v19;
	v19 =	vmul.f32 v35, v39  }
0x205: {  	v43 =	vld [tilespmem:s18+$0x4A70];
	[tilespmem:s18+$0x49F0] =	vst v17;
	v17 =	vmul.f32 v36, v39  }
0x206: {  	v44 =	vld [tilespmem:s18+$0x4A80];
	[tilespmem:s18+$0x4A00] =	vst v19;
	v19 =	vmul.f32 v37, v39  }
0x207: {  	v45 =	vld [tilespmem:s18+$0x4A90];
	[tilespmem:s18+$0x4A10] =	vst v17;
	v17 =	vmul.f32 v38, v39  }
0x208: {  	v47 =	vld [tilespmem:s18+$0x4AB0];
	[tilespmem:s18+$0x4A20] =	vst v19;
	v19 =	vmul.f32 v40, v39  }
0x209: {  	v46 =	vld [tilespmem:s18+$0x4AA0];
	[tilespmem:s18+$0x4A30] =	vst v17;
	v17 =	vmul.f32 v41, v39  }
0x20a: {  	v48 =	vperm.xlane v18, v15;
	v49 =	vld [tilespmem:s18+$0x4AC0];
	[tilespmem:s18+$0x4A40] =	vst v19;
	v19 =	vmul.f32 v42, v39  }
0x20b: {  	v50 =	vld [tilespmem:s18+$0x4AD0];
	[tilespmem:s18+$0x4A50] =	vst v17;
	v17 =	vmul.f32 v43, v39  }
0x20c: {  	v51 =	vld [tilespmem:s18+$0x4AE0];
	[tilespmem:s18+$0x4A60] =	vst v19;
	v19 =	vmul.f32 v44, v48  }
0x20d: {  	v22 =	vmul.f32 v45, v48;
	v52 =	vld [tilespmem:s18+$0x4AF0];
	[tilespmem:s18+$0x4A70] =	vst v17  }
0x20e: {  	s22 =	sor.u32 $0x800, s22;
	[tilespmem:s18+$0x4A80] =	vst v19;
	v19 =	vmul.f32 v46, v48;
	v17 =	vld [tilespmem:s21+$0x290]  }
0x20f: {  	v21 =	vmul.f32 v47, v48;
	v53 =	vld [tilespmem:s18+$0x4B00];
	[tilespmem:s18+$0x4A90] =	vst v22;
	s21 =	sand.u32 $0x3FFFF800, s22  }
0x210: {  	v54 =	vld [tilespmem:s21+$0x4380];
	[tilespmem:s18+$0x4AA0] =	vst v19;
	v19 =	vmul.f32 v49, v48  }
0x211: {  	[tilespmem:s18+$0x4AB0] =	vst v21;
	v20 =	vmul.f32 v50, v48;
	v55 =	vld [tilespmem:s21+$0x4390]  }
0x212: {  	v18 =	vperm.xlane v18, v16;
	v56 =	vld [tilespmem:s21+$0x43A0];
	[tilespmem:s18+$0x4AC0] =	vst v19;
	v19 =	vmul.f32 v51, v48  }
0x213: {  	[tilespmem:s18+$0x4AD0] =	vst v20;
	v57 =	vmul.f32 v52, v48;
	v59 =	vld [tilespmem:s21+$0x43B0];
	v58 =	vperm.xlane v17, v1  }
0x214: {  	v60 =	vld [tilespmem:s21+$0x43C0];
	[tilespmem:s18+$0x4AE0] =	vst v19;
	v19 =	vmul.f32 v53, v18  }
0x215: {  	[tilespmem:s18+$0x4AF0] =	vst v57;
	v62 =	vld [tilespmem:s21+$0x43D0];
	v61 =	vmul.f32 v54, v58  }
0x216: {  	v63 =	vld [tilespmem:s21+$0x43E0];
	[tilespmem:s18+$0x4B00] =	vst v19;
	v19 =	vmul.f32 v55, v58  }
0x217: {  	v29 =	vld [tilespmem:s21+$0x43F0];
	v28 =	vmul.f32 v56, v58;
	[tilespmem:s21+$0x4380] =	vst v61  }
0x218: {  	v25 =	vmul.f32 v59, v58;
	[tilespmem:s21+$0x4390] =	vst v19;
	v19 =	vld [tilespmem:s18+$0x4B10]  }
0x219: {  	v32 =	vld [tilespmem:s18+$0x4B40];
	v22 =	vmul.f32 v60, v58;
	[tilespmem:s21+$0x43A0] =	vst v28  }
0x21a: {  	v31 =	vld [tilespmem:s18+$0x4B30];
	v26 =	vmul.f32 v62, v58;
	[tilespmem:s21+$0x43B0] =	vst v25  }
0x21b: {  	v30 =	vld [tilespmem:s18+$0x4B20];
	v21 =	vmul.f32 v63, v58;
	[tilespmem:s21+$0x43C0] =	vst v22  }
0x21c: {  	v33 =	vld [tilespmem:s18+$0x4B50];
	v23 =	vmul.f32 v29, v58;
	[tilespmem:s21+$0x43D0] =	vst v26  }
0x21d: {  	v34 =	vld [tilespmem:s18+$0x4B60];
	[tilespmem:s21+$0x43E0] =	vst v21;
	v19 =	vmul.f32 v19, v18  }
0x21e: {  	v35 =	vld [tilespmem:s18+$0x4B70];
	v36 =	vmul.f32 v32, v18;
	[tilespmem:s21+$0x43F0] =	vst v23  }
0x21f: {  	v23 =	vld [tilespmem:s18+$0x4C00];
	[tilespmem:s18+$0x4B10] =	vst v19;
	v19 =	vmul.f32 v31, v18  }
0x220: {  	v20 =	vmul.f32 v30, v18;
	[tilespmem:s18+$0x4B40] =	vst v36;
	v37 =	vld [tilespmem:s18+$0x4C10]  }
0x221: {  	v38 =	vld [tilespmem:s18+$0x4C20];
	[tilespmem:s18+$0x4B30] =	vst v19;
	v19 =	vmul.f32 v33, v18  }
0x222: {  	[tilespmem:s18+$0x4B20] =	vst v20;
	v39 =	vmul.f32 v34, v18;
	v40 =	vperm.xlane v17, v2;
	v41 =	vld [tilespmem:s18+$0x4C30]  }
0x223: {  	v18 =	vmul.f32 v35, v18;
	[tilespmem:s18+$0x4B50] =	vst v19;
	v19 =	vld [tilespmem:s18+$0x4C40]  }
0x224: {  	[tilespmem:s18+$0x4B60] =	vst v39;
	v43 =	vld [tilespmem:s18+$0x4C50];
	v42 =	vmul.f32 v23, v40  }
0x225: {  	v44 =	vld [tilespmem:s18+$0x4C60];
	[tilespmem:s18+$0x4B70] =	vst v18;
	v18 =	vmul.f32 v37, v40  }
0x226: {  	v46 =	vld [tilespmem:s18+$0x4C70];
	v45 =	vmul.f32 v38, v40;
	[tilespmem:s18+$0x4C00] =	vst v42  }
0x227: {  	v47 =	vld [tilespmem:s18+$0x4C80];
	[tilespmem:s18+$0x4C10] =	vst v18;
	v18 =	vmul.f32 v41, v40  }
0x228: {  	v48 =	vld [tilespmem:s18+$0x4C90];
	[tilespmem:s18+$0x4C20] =	vst v45;
	v19 =	vmul.f32 v19, v40  }
0x229: {  	v49 =	vld [tilespmem:s18+$0x4CA0];
	[tilespmem:s18+$0x4C30] =	vst v18;
	v18 =	vmul.f32 v43, v40  }
0x22a: {  	v50 =	vperm.xlane v17, v3;
	v51 =	vld [tilespmem:s18+$0x4CB0];
	[tilespmem:s18+$0x4C40] =	vst v19;
	v19 =	vmul.f32 v44, v40  }
0x22b: {  	v52 =	vld [tilespmem:s18+$0x4CC0];
	[tilespmem:s18+$0x4C50] =	vst v18;
	v18 =	vmul.f32 v46, v40  }
0x22c: {  	v53 =	vld [tilespmem:s18+$0x4CD0];
	[tilespmem:s18+$0x4C60] =	vst v19;
	v19 =	vmul.f32 v47, v50  }
0x22d: {  	v54 =	vld [tilespmem:s18+$0x4CE0];
	[tilespmem:s18+$0x4C70] =	vst v18;
	v18 =	vmul.f32 v48, v50  }
0x22e: {  	v55 =	vld [tilespmem:s18+$0x4CF0];
	[tilespmem:s18+$0x4C80] =	vst v19;
	v19 =	vmul.f32 v49, v50  }
0x22f: {  	v56 =	vld [tilespmem:s18+$0x4D00];
	[tilespmem:s18+$0x4C90] =	vst v18;
	v18 =	vmul.f32 v51, v50  }
0x230: {  	v57 =	vld [tilespmem:s18+$0x4D10];
	[tilespmem:s18+$0x4CA0] =	vst v19;
	v19 =	vmul.f32 v52, v50  }
0x231: {  	v58 =	vld [tilespmem:s18+$0x4D20];
	[tilespmem:s18+$0x4CB0] =	vst v18;
	v18 =	vmul.f32 v53, v50  }
0x232: {  	v59 =	vperm.xlane v17, v4;
	v60 =	vld [tilespmem:s18+$0x4D30];
	[tilespmem:s18+$0x4CC0] =	vst v19;
	v19 =	vmul.f32 v54, v50  }
0x233: {  	v61 =	vld [tilespmem:s18+$0x4D40];
	[tilespmem:s18+$0x4CD0] =	vst v18;
	v18 =	vmul.f32 v55, v50  }
0x234: {  	v62 =	vld [tilespmem:s18+$0x4D50];
	[tilespmem:s18+$0x4CE0] =	vst v19;
	v19 =	vmul.f32 v56, v59  }
0x235: {  	v63 =	vld [tilespmem:s18+$0x4D60];
	[tilespmem:s18+$0x4CF0] =	vst v18;
	v18 =	vmul.f32 v57, v59  }
0x236: {  	v28 =	vld [tilespmem:s18+$0x4D70];
	[tilespmem:s18+$0x4D00] =	vst v19;
	v19 =	vmul.f32 v58, v59  }
0x237: {  	v29 =	vld [tilespmem:s18+$0x4D80];
	[tilespmem:s18+$0x4D10] =	vst v18;
	v18 =	vmul.f32 v60, v59  }
0x238: {  	v30 =	vld [tilespmem:s18+$0x4D90];
	[tilespmem:s18+$0x4D20] =	vst v19;
	v19 =	vmul.f32 v61, v59  }
0x239: {  	v31 =	vld [tilespmem:s18+$0x4DA0];
	[tilespmem:s18+$0x4D30] =	vst v18;
	v18 =	vmul.f32 v62, v59  }
0x23a: {  	v32 =	vperm.xlane v17, v5;
	v33 =	vld [tilespmem:s18+$0x4DB0];
	[tilespmem:s18+$0x4D40] =	vst v19;
	v19 =	vmul.f32 v63, v59  }
0x23b: {  	v34 =	vld [tilespmem:s18+$0x4DC0];
	[tilespmem:s18+$0x4D50] =	vst v18;
	v18 =	vmul.f32 v28, v59  }
0x23c: {  	v35 =	vld [tilespmem:s18+$0x4DD0];
	[tilespmem:s18+$0x4D60] =	vst v19;
	v19 =	vmul.f32 v29, v32  }
0x23d: {  	v36 =	vld [tilespmem:s18+$0x4DE0];
	[tilespmem:s18+$0x4D70] =	vst v18;
	v18 =	vmul.f32 v30, v32  }
0x23e: {  	v37 =	vld [tilespmem:s18+$0x4DF0];
	[tilespmem:s18+$0x4D80] =	vst v19;
	v19 =	vmul.f32 v31, v32  }
0x23f: {  	v38 =	vld [tilespmem:s18+$0x4E00];
	[tilespmem:s18+$0x4D90] =	vst v18;
	v18 =	vmul.f32 v33, v32  }
0x240: {  	v39 =	vld [tilespmem:s18+$0x4E10];
	[tilespmem:s18+$0x4DA0] =	vst v19;
	v19 =	vmul.f32 v34, v32  }
0x241: {  	v40 =	vld [tilespmem:s18+$0x4E20];
	[tilespmem:s18+$0x4DB0] =	vst v18;
	v18 =	vmul.f32 v35, v32  }
0x242: {  	v42 =	vld [tilespmem:s18+$0x4E30];
	v41 =	vperm.xlane v17, v6;
	[tilespmem:s18+$0x4DC0] =	vst v19;
	v19 =	vmul.f32 v36, v32  }
0x243: {  	v43 =	vld [tilespmem:s18+$0x4E40];
	[tilespmem:s18+$0x4DD0] =	vst v18;
	v18 =	vmul.f32 v37, v32  }
0x244: {  	v44 =	vld [tilespmem:s18+$0x4E50];
	[tilespmem:s18+$0x4DE0] =	vst v19;
	v19 =	vmul.f32 v38, v41  }
0x245: {  	v45 =	vld [tilespmem:s18+$0x4E60];
	[tilespmem:s18+$0x4DF0] =	vst v18;
	v18 =	vmul.f32 v39, v41  }
0x246: {  	v46 =	vld [tilespmem:s18+$0x4E70];
	[tilespmem:s18+$0x4E00] =	vst v19;
	v19 =	vmul.f32 v40, v41  }
0x247: {  	v47 =	vld [tilespmem:s18+$0x4E80];
	[tilespmem:s18+$0x4E10] =	vst v18;
	v18 =	vmul.f32 v42, v41  }
0x248: {  	v48 =	vld [tilespmem:s18+$0x4E90];
	[tilespmem:s18+$0x4E20] =	vst v19;
	v19 =	vmul.f32 v43, v41  }
0x249: {  	v49 =	vld [tilespmem:s18+$0x4EA0];
	[tilespmem:s18+$0x4E30] =	vst v18;
	v18 =	vmul.f32 v44, v41  }
0x24a: {  	v51 =	vld [tilespmem:s18+$0x4EB0];
	v50 =	vperm.xlane v17, v7;
	[tilespmem:s18+$0x4E40] =	vst v19;
	v19 =	vmul.f32 v45, v41  }
0x24b: {  	v52 =	vld [tilespmem:s18+$0x4EC0];
	[tilespmem:s18+$0x4E50] =	vst v18;
	v18 =	vmul.f32 v46, v41  }
0x24c: {  	v53 =	vld [tilespmem:s18+$0x4ED0];
	[tilespmem:s18+$0x4E60] =	vst v19;
	v19 =	vmul.f32 v47, v50  }
0x24d: {  	v54 =	vld [tilespmem:s18+$0x4EE0];
	[tilespmem:s18+$0x4E70] =	vst v18;
	v18 =	vmul.f32 v48, v50  }
0x24e: {  	v55 =	vld [tilespmem:s18+$0x4EF0];
	[tilespmem:s18+$0x4E80] =	vst v19;
	v19 =	vmul.f32 v49, v50  }
0x24f: {  	v56 =	vld [tilespmem:s18+$0x4F00];
	[tilespmem:s18+$0x4E90] =	vst v18;
	v18 =	vmul.f32 v51, v50  }
0x250: {  	v57 =	vld [tilespmem:s18+$0x4F10];
	[tilespmem:s18+$0x4EA0] =	vst v19;
	v19 =	vmul.f32 v52, v50  }
0x251: {  	v58 =	vld [tilespmem:s18+$0x4F20];
	[tilespmem:s18+$0x4EB0] =	vst v18;
	v18 =	vmul.f32 v53, v50  }
0x252: {  	v60 =	vld [tilespmem:s18+$0x4F30];
	v59 =	vperm.xlane v17, v8;
	[tilespmem:s18+$0x4EC0] =	vst v19;
	v19 =	vmul.f32 v54, v50  }
0x253: {  	v61 =	vld [tilespmem:s18+$0x4F40];
	[tilespmem:s18+$0x4ED0] =	vst v18;
	v18 =	vmul.f32 v55, v50  }
0x254: {  	v62 =	vld [tilespmem:s18+$0x4F50];
	[tilespmem:s18+$0x4EE0] =	vst v19;
	v19 =	vmul.f32 v56, v59  }
0x255: {  	v63 =	vld [tilespmem:s18+$0x4F60];
	[tilespmem:s18+$0x4EF0] =	vst v18;
	v18 =	vmul.f32 v57, v59  }
0x256: {  	v28 =	vld [tilespmem:s18+$0x4F70];
	[tilespmem:s18+$0x4F00] =	vst v19;
	v19 =	vmul.f32 v58, v59  }
0x257: {  	v29 =	vld [tilespmem:s18+$0x4F80];
	[tilespmem:s18+$0x4F10] =	vst v18;
	v18 =	vmul.f32 v60, v59  }
0x258: {  	v30 =	vld [tilespmem:s18+$0x4F90];
	[tilespmem:s18+$0x4F20] =	vst v19;
	v19 =	vmul.f32 v61, v59  }
0x259: {  	v31 =	vld [tilespmem:s18+$0x4FA0];
	[tilespmem:s18+$0x4F30] =	vst v18;
	v18 =	vmul.f32 v62, v59  }
0x25a: {  	v33 =	vld [tilespmem:s18+$0x4FB0];
	v32 =	vperm.xlane v17, v9;
	[tilespmem:s18+$0x4F40] =	vst v19;
	v19 =	vmul.f32 v63, v59  }
0x25b: {  	v34 =	vld [tilespmem:s18+$0x4FC0];
	[tilespmem:s18+$0x4F50] =	vst v18;
	v18 =	vmul.f32 v28, v59  }
0x25c: {  	v35 =	vld [tilespmem:s18+$0x4FD0];
	[tilespmem:s18+$0x4F60] =	vst v19;
	v19 =	vmul.f32 v29, v32  }
0x25d: {  	v36 =	vld [tilespmem:s18+$0x4FE0];
	[tilespmem:s18+$0x4F70] =	vst v18;
	v18 =	vmul.f32 v30, v32  }
0x25e: {  	v37 =	vld [tilespmem:s18+$0x4FF0];
	[tilespmem:s18+$0x4F80] =	vst v19;
	v19 =	vmul.f32 v31, v32  }
0x25f: {  	v38 =	vld [tilespmem:s18+$0x5000];
	[tilespmem:s18+$0x4F90] =	vst v18;
	v18 =	vmul.f32 v33, v32  }
0x260: {  	v39 =	vld [tilespmem:s18+$0x5010];
	[tilespmem:s18+$0x4FA0] =	vst v19;
	v19 =	vmul.f32 v34, v32  }
0x261: {  	v40 =	vld [tilespmem:s18+$0x5020];
	[tilespmem:s18+$0x4FB0] =	vst v18;
	v18 =	vmul.f32 v35, v32  }
0x262: {  	v42 =	vld [tilespmem:s18+$0x5030];
	v41 =	vperm.xlane v17, v10;
	[tilespmem:s18+$0x4FC0] =	vst v19;
	v19 =	vmul.f32 v36, v32  }
0x263: {  	v43 =	vld [tilespmem:s18+$0x5040];
	[tilespmem:s18+$0x4FD0] =	vst v18;
	v18 =	vmul.f32 v37, v32  }
0x264: {  	v44 =	vld [tilespmem:s18+$0x5050];
	[tilespmem:s18+$0x4FE0] =	vst v19;
	v19 =	vmul.f32 v38, v41  }
0x265: {  	v45 =	vld [tilespmem:s18+$0x5060];
	[tilespmem:s18+$0x4FF0] =	vst v18;
	v18 =	vmul.f32 v39, v41  }
0x266: {  	v46 =	vld [tilespmem:s18+$0x5070];
	[tilespmem:s18+$0x5000] =	vst v19;
	v19 =	vmul.f32 v40, v41  }
0x267: {  	v47 =	vld [tilespmem:s18+$0x5080];
	[tilespmem:s18+$0x5010] =	vst v18;
	v18 =	vmul.f32 v42, v41  }
0x268: {  	v48 =	vld [tilespmem:s18+$0x5090];
	[tilespmem:s18+$0x5020] =	vst v19;
	v19 =	vmul.f32 v43, v41  }
0x269: {  	v49 =	vld [tilespmem:s18+$0x50A0];
	[tilespmem:s18+$0x5030] =	vst v18;
	v18 =	vmul.f32 v44, v41  }
0x26a: {  	v51 =	vld [tilespmem:s18+$0x50B0];
	v50 =	vperm.xlane v17, v11;
	[tilespmem:s18+$0x5040] =	vst v19;
	v19 =	vmul.f32 v45, v41  }
0x26b: {  	v52 =	vld [tilespmem:s18+$0x50C0];
	[tilespmem:s18+$0x5050] =	vst v18;
	v18 =	vmul.f32 v46, v41  }
0x26c: {  	v53 =	vld [tilespmem:s18+$0x50D0];
	[tilespmem:s18+$0x5060] =	vst v19;
	v19 =	vmul.f32 v47, v50  }
0x26d: {  	v54 =	vld [tilespmem:s18+$0x50E0];
	[tilespmem:s18+$0x5070] =	vst v18;
	v18 =	vmul.f32 v48, v50  }
0x26e: {  	v55 =	vld [tilespmem:s18+$0x50F0];
	[tilespmem:s18+$0x5080] =	vst v19;
	v19 =	vmul.f32 v49, v50  }
0x26f: {  	v56 =	vld [tilespmem:s18+$0x5100];
	[tilespmem:s18+$0x5090] =	vst v18;
	v18 =	vmul.f32 v51, v50  }
0x270: {  	v57 =	vld [tilespmem:s18+$0x5110];
	[tilespmem:s18+$0x50A0] =	vst v19;
	v19 =	vmul.f32 v52, v50  }
0x271: {  	v58 =	vld [tilespmem:s18+$0x5120];
	[tilespmem:s18+$0x50B0] =	vst v18;
	v18 =	vmul.f32 v53, v50  }
0x272: {  	v60 =	vld [tilespmem:s18+$0x5130];
	v59 =	vperm.xlane v17, v12;
	[tilespmem:s18+$0x50C0] =	vst v19;
	v19 =	vmul.f32 v54, v50  }
0x273: {  	v61 =	vld [tilespmem:s18+$0x5140];
	[tilespmem:s18+$0x50D0] =	vst v18;
	v18 =	vmul.f32 v55, v50  }
0x274: {  	v62 =	vld [tilespmem:s18+$0x5150];
	[tilespmem:s18+$0x50E0] =	vst v19;
	v19 =	vmul.f32 v56, v59  }
0x275: {  	v63 =	vld [tilespmem:s18+$0x5160];
	[tilespmem:s18+$0x50F0] =	vst v18;
	v18 =	vmul.f32 v57, v59  }
0x276: {  	v28 =	vld [tilespmem:s18+$0x5170];
	[tilespmem:s18+$0x5100] =	vst v19;
	v19 =	vmul.f32 v58, v59  }
0x277: {  	v29 =	vld [tilespmem:s18+$0x5180];
	[tilespmem:s18+$0x5110] =	vst v18;
	v18 =	vmul.f32 v60, v59  }
0x278: {  	v30 =	vld [tilespmem:s18+$0x5190];
	[tilespmem:s18+$0x5120] =	vst v19;
	v19 =	vmul.f32 v61, v59  }
0x279: {  	v31 =	vld [tilespmem:s18+$0x51A0];
	[tilespmem:s18+$0x5130] =	vst v18;
	v18 =	vmul.f32 v62, v59  }
0x27a: {  	v33 =	vld [tilespmem:s18+$0x51B0];
	v32 =	vperm.xlane v17, v13;
	[tilespmem:s18+$0x5140] =	vst v19;
	v19 =	vmul.f32 v63, v59  }
0x27b: {  	v34 =	vld [tilespmem:s18+$0x51C0];
	[tilespmem:s18+$0x5150] =	vst v18;
	v18 =	vmul.f32 v28, v59  }
0x27c: {  	v35 =	vld [tilespmem:s18+$0x51D0];
	[tilespmem:s18+$0x5160] =	vst v19;
	v19 =	vmul.f32 v29, v32  }
0x27d: {  	v36 =	vld [tilespmem:s18+$0x51E0];
	[tilespmem:s18+$0x5170] =	vst v18;
	v18 =	vmul.f32 v30, v32  }
0x27e: {  	v37 =	vld [tilespmem:s18+$0x51F0];
	[tilespmem:s18+$0x5180] =	vst v19;
	v19 =	vmul.f32 v31, v32  }
0x27f: {  	v38 =	vld [tilespmem:s18+$0x5200];
	[tilespmem:s18+$0x5190] =	vst v18;
	v18 =	vmul.f32 v33, v32  }
0x280: {  	v39 =	vld [tilespmem:s18+$0x5210];
	[tilespmem:s18+$0x51A0] =	vst v19;
	v19 =	vmul.f32 v34, v32  }
0x281: {  	v40 =	vld [tilespmem:s18+$0x5220];
	[tilespmem:s18+$0x51B0] =	vst v18;
	v18 =	vmul.f32 v35, v32  }
0x282: {  	v42 =	vld [tilespmem:s18+$0x5230];
	v41 =	vperm.xlane v17, v14;
	[tilespmem:s18+$0x51C0] =	vst v19;
	v19 =	vmul.f32 v36, v32  }
0x283: {  	v43 =	vld [tilespmem:s18+$0x5240];
	[tilespmem:s18+$0x51D0] =	vst v18;
	v18 =	vmul.f32 v37, v32  }
0x284: {  	v44 =	vld [tilespmem:s18+$0x5250];
	[tilespmem:s18+$0x51E0] =	vst v19;
	v19 =	vmul.f32 v38, v41  }
0x285: {  	v45 =	vld [tilespmem:s18+$0x5260];
	[tilespmem:s18+$0x51F0] =	vst v18;
	v18 =	vmul.f32 v39, v41  }
0x286: {  	v46 =	vld [tilespmem:s18+$0x5270];
	[tilespmem:s18+$0x5200] =	vst v19;
	v19 =	vmul.f32 v40, v41  }
0x287: {  	v47 =	vld [tilespmem:s18+$0x5280];
	[tilespmem:s18+$0x5210] =	vst v18;
	v18 =	vmul.f32 v42, v41  }
0x288: {  	v48 =	vld [tilespmem:s18+$0x5290];
	[tilespmem:s18+$0x5220] =	vst v19;
	v19 =	vmul.f32 v43, v41  }
0x289: {  	v49 =	vld [tilespmem:s18+$0x52A0];
	[tilespmem:s18+$0x5230] =	vst v18;
	v18 =	vmul.f32 v44, v41  }
0x28a: {  	v51 =	vld [tilespmem:s18+$0x52B0];
	v50 =	vperm.xlane v17, v15;
	[tilespmem:s18+$0x5240] =	vst v19;
	v19 =	vmul.f32 v45, v41  }
0x28b: {  	v52 =	vld [tilespmem:s18+$0x52C0];
	[tilespmem:s18+$0x5250] =	vst v18;
	v18 =	vmul.f32 v46, v41  }
0x28c: {  	v53 =	vld [tilespmem:s18+$0x52D0];
	[tilespmem:s18+$0x5260] =	vst v19;
	v19 =	vmul.f32 v47, v50  }
0x28d: {  	v54 =	vld [tilespmem:s18+$0x52E0];
	[tilespmem:s18+$0x5270] =	vst v18;
	v18 =	vmul.f32 v48, v50  }
0x28e: {  	v55 =	vld [tilespmem:s18+$0x52F0];
	[tilespmem:s18+$0x5280] =	vst v19;
	v19 =	vmul.f32 v49, v50  }
0x28f: {  	v56 =	vld [tilespmem:s18+$0x5300];
	[tilespmem:s18+$0x5290] =	vst v18;
	v18 =	vmul.f32 v51, v50  }
0x290: {  	v57 =	vld [tilespmem:s18+$0x5310];
	[tilespmem:s18+$0x52A0] =	vst v19;
	v19 =	vmul.f32 v52, v50  }
0x291: {  	v58 =	vld [tilespmem:s18+$0x5320];
	[tilespmem:s18+$0x52B0] =	vst v18;
	v18 =	vmul.f32 v53, v50  }
0x292: {  	v17 =	vperm.xlane v17, v16;
	v59 =	vld [tilespmem:s18+$0x5330];
	[tilespmem:s18+$0x52C0] =	vst v19;
	v19 =	vmul.f32 v54, v50  }
0x293: {  	v60 =	vld [tilespmem:s18+$0x5340];
	[tilespmem:s18+$0x52D0] =	vst v18;
	v18 =	vmul.f32 v55, v50  }
0x294: {  	v61 =	vld [tilespmem:s18+$0x5350];
	[tilespmem:s18+$0x52E0] =	vst v19;
	v19 =	vmul.f32 v56, v17  }
0x295: {  	v62 =	vld [tilespmem:s18+$0x5360];
	[tilespmem:s18+$0x52F0] =	vst v18;
	v18 =	vmul.f32 v57, v17  }
0x296: {  	v63 =	vld [tilespmem:s18+$0x5370];
	[tilespmem:s18+$0x5300] =	vst v19;
	v19 =	vmul.f32 v58, v17  }
0x297: {  	[tilespmem:s18+$0x5310] =	vst v18;
	v18 =	vmul.f32 v59, v17  }
0x298: {  	p0 =	slt.u32 s17, $0x6;
	[tilespmem:s18+$0x5320] =	vst v19;
	v19 =	vmul.f32 v60, v17  }
.Ltmp4:
0x299: {  	[tilespmem:s18+$0x5330] =	vst v18;
	v18 =	vmul.f32 v61, v17;
	(pc) =	sbr.rel @p0 .LBB2_7-.Ltmp4, $4  }
0x29a: {  	[tilespmem:s18+$0x5340] =	vst v19;
	v19 =	vmul.f32 v62, v17  }
0x29b: {  	[tilespmem:s18+$0x5350] =	vst v18;
	v17 =	vmul.f32 v63, v17  }
0x29c: {  	s22 =	sadd.s32 $0x2, s17;
	[tilespmem:s18+$0x5360] =	vst v19  }
0x29d: {  	s17 =	smov.u32 s22;
	[tilespmem:s18+$0x5370] =	vst v17  }
0x29e: {  	v17 =	vld [tilespmem:$0x200]  }
0x29f: {  	v18 =	vld [tilespmem:$0x210]  }
0x2a0: {  	v19 =	vld [tilespmem:$0x220]  }
0x2a1: {  	v20 =	vld [tilespmem:$0x230]  }
0x2a2: {  	v21 =	vld [tilespmem:$0x240]  }
0x2a3: {  	[tilespmem:$0x300] =	vst v17;
	v17 =	vld [tilespmem:$0x250]  }
0x2a4: {  	[tilespmem:$0x310] =	vst v18;
	v18 =	vld [tilespmem:$0x260]  }
0x2a5: {  	[tilespmem:$0x320] =	vst v19;
	v19 =	vld [tilespmem:$0x270]  }
0x2a6: {  	[tilespmem:$0x330] =	vst v20  }
0x2a7: {  	[tilespmem:$0x340] =	vst v21  }
0x2a8: {  	[tilespmem:$0x350] =	vst v17  }
0x2a9: {  	p0 =	seq.s32 s15, $0x27;
	[tilespmem:$0x360] =	vst v18  }
.Ltmp5:
0x2aa: {  	[tilespmem:$0x370] =	vst v19;
	(pc) =	sbr.rel @p0 .LBB2_10-.Ltmp5, $4  }
0x2ab: {  	[spmem:s4] =	stream.indirect.scatter.add.f32 [tilespmem:s2], [sflag:$0x6], $0x80, s11, s25, $0xb8;
	[tilespmem:$0x1BC00] =	vst v63  }
0x2ac: {  	_ =	swait.ge [sflag:s12], $0x4000  }
0x2ad: {  	[sflag:s12] =	ssyncset.done $0x0  }
0x2ae: {  	[sflag:s12] =	ssyncadd.s32 $0xFFFFC000  }
0x2af: {  	s17 =	sadd.s32 s16, s19  }
0x2b0: {  	s17 =	sshrl.u32 s17, $0x3  }
0x2b1: {  	s18 =	sadd.s32 s3, s17  }
0x2b2: {  	[tilespmem:s5], [sflag:$0x1] =	stream.linear.gather [hbm4b:s18+s5], $0x80, $0x38;
	[tilespmem:$0x1BC00] =	vst v63  }
0x2b3: {  	s22 =	sadd.s32 s6, s17  }
0x2b4: {  	[tilespmem:s25], [sflag:$0x1] =	stream.linear.gather [hbm4b:s22+s5], $0x80, $0x38;
	[tilespmem:$0x1BC00] =	vst v63  }
0x2b5: {  	s17 =	sadd.s32 s7, s17  }
0x2b6: {  	[tilespmem:s26], [sflag:$0x1] =	stream.linear.gather [hbm4b:s17+s5], $0x80, $0x38;
	[tilespmem:$0x1BC00] =	vst v63  }
0x2b7: {  	_ =	swait.ge [sflag:s31], $0x80  }
0x2b8: {  	[sflag:s31] =	ssyncset.done $0x0  }
0x2b9: {  	[sflag:s31] =	ssyncadd.s32 $0xFFFFFF80  }
0x2ba: {  	_ =	swait.ge [sflag:s31], $0x80  }
0x2bb: {  	[sflag:s31] =	ssyncset.done $0x0  }
0x2bc: {  	[sflag:s31] =	ssyncadd.s32 $0xFFFFFF80  }
0x2bd: {  	_ =	swait.ge [sflag:s31], $0x80  }
0x2be: {  	s18 =	sadd.s32 s16, s20;
	[sflag:s31] =	ssyncset.done $0x0  }
0x2bf: {  	s16 =	sshrl.u32 s18, $0x3;
	[sflag:s31] =	ssyncadd.s32 $0xFFFFFF80  }
0x2c0: {  	[tilespmem:s23], [sflag:$0x3] =	stream.indirect.gather [hbm4b:s0+s25], $0x80, s5, s25, $0xb8;
	[tilespmem:$0x1BC00] =	vst v63  }
0x2c1: {  	s21 =	sadd.s32 s3, s16  }
0x2c2: {  	[tilespmem:s28], [sflag:$0x2] =	stream.linear.gather [hbm4b:s21+s5], $0x80, $0x38;
	[tilespmem:$0x1BC00] =	vst v63  }
.Ltmp6:
0x2c3: {  	_ = 	snop;
	(pc) =	sbr.rel .LBB2_4-.Ltmp6, $4  }
0x2c4: {  	s22 =	sadd.s32 s6, s16  }
0x2c5: {  	[tilespmem:s29], [sflag:$0x2] =	stream.linear.gather [hbm4b:s22+s5], $0x80, $0x38;
	[tilespmem:$0x1BC00] =	vst v63  }
0x2c6: {  	s15 =	sadd.s32 $0x1, s15;
	s16 =	sadd.s32 s7, s16  }
0x2c7: {  	[tilespmem:s30], [sflag:$0x2] =	stream.linear.gather [hbm4b:s16+s5], $0x80, $0x38;
	[tilespmem:$0x1BC00] =	vst v63  }
.LBB2_11:
0x2c8: {  	_ =	sfence.sel $0x180000  }
0x2c9: {  	[bflag:$0x0] =	sbarrier.arrive $0xFFFF  }
0x2ca: {  	_ =	strace $0x90000047  }
0x2cb: {  	s0 =	stileid.u32;
	[bflag:$0x2] =	sbarrier.arrive $0xFFFF  }
0x2cc: {  	p0 =	sne.s32 s0, $0x0;
	s0 =	rddreg [dreg:$0x4]  }
0x2cd: {  	s0 =	sadd.s32 @!p0 $0x100000, s0  }
0x2ce: {  	[sflag:s0] =	ssyncadd.tile.s32 @!p0 $0x1;
	_ =	shalt  }
.Lfunc_end2:
_tile_overlayer_lowered:
.L_overlay_start_2:
0x2cf: {  	(tag) =	ssettag $0x2  }
0x2d0: {  	s0 =	rddreg [dreg:$0x0];
	s2 =	stileid.u32  }
0x2d1: {  	s1 =	rddreg [dreg:$0x1];
	p0 =	sne.s32 s2, $0x0  }
0x2d2: {  	s3 =	rddreg [dreg:$0x2];
	[bflag:$0x3] =	sbarrier.arrive $0xFFFF;
	s2 =	simm.s32 @!p0 $0x1C07  }
0x2d3: {  	[timem:s3], [sflag:s2] =	dma.local @!p0 [hbm:s0], s1  }
0x2d4: {  	s0 =	simm.s32 @!p0 $0x7  }
0x2d5: {  	_ =	swait.ge @!p0 [sflag:s0], s1  }
0x2d6: {  	s1 =	ssub.s32 @!p0 $0x0, s1;
	[sflag:s0] =	ssyncset.done @!p0 $0x0  }
0x2d7: {  	[sflag:s0] =	ssyncadd.s32 @!p0 s1  }
0x2d8: {  	[bflag:$0x3] =	sbarrier.arrive $0xFFFF  }
0x2d9: {  	_ =	shalt  }

</sc_bundles>
